<compile_context>
chip_gen: v7x
topology: tpu7x:2x2x1
jax: 0.10.2.dev20260603
libtpu: 0.0.44.dev20260713+nightly
codegen_flags: <defaults>
</compile_context>

<pallas_src>
import functools

import jax
import jax.numpy as jnp
from jax import lax
from jax.experimental import pallas as pl
from jax.experimental.pallas import tpu as pltpu
from jax.experimental.pallas import tpu_sc as plsc

NUM_N = 10
IN_DIM = 784
L = 16
NVREG = IN_DIM // L

_mesh = plsc.VectorSubcoreMesh(core_axis_name="c", subcore_axis_name="s")


def _allsum(v):
    idx = lax.broadcasted_iota(jnp.int32, (L,), 0)
    for sh in (8, 4, 2, 1):
        v = v + v.at[idx ^ sh].get(mode="promise_in_bounds")
    return v


@functools.partial(
    pl.kernel,
    mesh=_mesh,
    out_type=jax.ShapeDtypeStruct((L,), jnp.int32),
    scratch_types=[
        pltpu.VMEM((IN_DIM,), jnp.float32),
        pltpu.VMEM((NUM_N * IN_DIM,), jnp.float32),
        pltpu.VMEM((L,), jnp.int32),
    ],
)
def _sc_kernel(img_hbm, syn_hbm, out_hbm, img_v, syn_v, res_v):
    cid = lax.axis_index("c")
    sid = lax.axis_index("s")

    @pl.when(jnp.logical_and(cid == 0, sid == 0))
    def _():
        pltpu.sync_copy(img_hbm, img_v)
        pltpu.sync_copy(syn_hbm, syn_v)
        accs = [jnp.zeros((L,), jnp.float32) for _ in range(NUM_N)]
        for i in range(NVREG):
            img_vec = img_v[pl.ds(i * L, L)]
            basal = jnp.where(img_vec > 0.5, 1.0, 0.0).astype(jnp.float32)
            for n in range(NUM_N):
                accs[n] = accs[n] + basal * syn_v[pl.ds(n * IN_DIM + i * L, L)]
        best_v = jnp.full((L,), -1.0, dtype=jnp.float32)
        best_i = jnp.zeros((L,), dtype=jnp.int32)
        for n in range(NUM_N):
            s = _allsum(accs[n])
            p = s > best_v
            best_v = jnp.where(p, s, best_v)
            best_i = jnp.where(p, jnp.full((L,), n, dtype=jnp.int32), best_i)
        res_v[...] = best_i
        pltpu.sync_copy(res_v, out_hbm)


def kernel(image, synapses):
    out = _sc_kernel(image, synapses.reshape(-1))
    return out[0]

# --- scband reference (transcript-rebuilt; emitter-appended) ---
"""Pipeline reference for scband-neurons-8358006358521 (READ-ONLY COPY).

The authoritative reference and input builder live on the scoring server;
editing this copy changes nothing except your own understanding.
"""

import jax, jax.numpy as jnp
import numpy as np

NUM_NEURONS = 10
BRANCHES = 28
BRANCH_SIZE = 28
IN_DIM = BRANCHES * BRANCH_SIZE  # 784


def setup_inputs(seed: int = 0) -> dict:
    key = jax.random.key(seed)
    k1, k2 = jax.random.split(key)
    # query image for inference_phase
    image = jax.random.uniform(k1, (IN_DIM,), dtype=jnp.float32)
    # Learned state: per-neuron synapse memory, built by the plasticity()
    # scatter-overwrite rule (branch_synapses[active_idx] = 1) applied to one
    # training image per neuron. We reproduce that scatter here to build the
    # parameter, since it is module state (not a forward arg) in the original.
    train_imgs = jax.random.uniform(k2, (NUM_NEURONS, IN_DIM), dtype=jnp.float32)
    bin_train = jnp.where(train_imgs > 0.5, 1.0, 0.0).reshape(NUM_NEURONS, BRANCHES, BRANCH_SIZE)
    synapses = jnp.zeros((NUM_NEURONS, BRANCHES, BRANCH_SIZE), dtype=jnp.float32)
    # scatter-overwrite: where sensory input active, set synapse to 1
    synapses = jnp.where(bin_train > 0, 1.0, synapses)
    return {"image": image, "synapses": synapses}


def reference(image, synapses):
    # Faithful translation of Neurons.inference_phase:
    #   basal_features = (image > 0.5).float()
    #   firing_rate_i = (basal_features * neuron_i.branches_synapses.flatten()).sum()
    #   return argmax over neurons
    basal = jnp.where(image > 0.5, 1.0, 0.0).astype(jnp.float32)
    flat_syn = synapses.reshape(synapses.shape[0], -1)  # [N, 784]
    firing = (basal[None, :] * flat_syn).sum(axis=1)     # [N]
    return jnp.argmax(firing)

if __name__ == "__main__":
    import jax
    _d = setup_inputs()
    print(jax.jit(kernel)(*tuple(_d.values())))

</pallas_src>

<mosaic_0001>
#map = affine_map<(d0, d1) -> (0)>
module attributes {stable_mosaic.version = 14 : i64} {
  func.func @_sc_kernel(%arg0: i32, %arg1: i32, %arg2: memref<784xf32, #tpu.memory_space<hbm>>, %arg3: memref<7840xf32, #tpu.memory_space<hbm>>, %arg4: memref<16xi32, #tpu.memory_space<hbm>>, %arg5: memref<784xf32, #tpu.memory_space<vmem>>, %arg6: memref<7840xf32, #tpu.memory_space<vmem>>, %arg7: memref<16xi32, #tpu.memory_space<vmem>>) attributes {dimension_semantics = [#tpu.dimension_semantics<core_parallel>, #tpu.dimension_semantics<subcore_parallel>], iteration_bounds = array<i64: 2, 16>, scalar_prefetch = 0 : i64, scratch_operands = 3 : i64, tpu.core_type = #tpu.core_type<sc_vector_subcore>, window_params = [{transform_indices = #map}, {transform_indices = #map}, {transform_indices = #map}]} {
    %eq3A = arith.constant 0 : i32
    %eq3A_0 = arith.cmpi eq, %arg0, %eq3A : i32
    %eq3A_1 = arith.constant 0 : i32
    %eq3A_2 = arith.cmpi eq, %arg1, %eq3A_1 : i32
    %and3A = arith.andi %eq3A_0, %eq3A_2 : i1
    %convert_element_type3A = arith.extui %and3A : i1 to i32
    %cond3A = arith.constant 0 : i32
    %cond3A_3 = arith.cmpi ne, %convert_element_type3A, %cond3A : i32
    scf.if %cond3A_3 {
      "tpu.region"() ({
        %run_scoped3A = tpu.sem_alloc : memref<!tpu.dma_semaphore, #tpu.memory_space<semaphore_mem>>
        tpu.enqueue_dma source(%arg2 : memref<784xf32, #tpu.memory_space<hbm>>) target(%arg5 : memref<784xf32, #tpu.memory_space<vmem>>) target_semaphore(%run_scoped3A : memref<!tpu.dma_semaphore, #tpu.memory_space<semaphore_mem>>)
        tpu.wait_dma2 semaphore(%run_scoped3A : memref<!tpu.dma_semaphore, #tpu.memory_space<semaphore_mem>>) src(%arg2 : memref<784xf32, #tpu.memory_space<hbm>>) dst(%arg5 : memref<784xf32, #tpu.memory_space<vmem>>)
        tpu.yield
      }) : () -> ()
      "tpu.region"() ({
        %run_scoped3A = tpu.sem_alloc : memref<!tpu.dma_semaphore, #tpu.memory_space<semaphore_mem>>
        tpu.enqueue_dma source(%arg3 : memref<7840xf32, #tpu.memory_space<hbm>>) target(%arg6 : memref<7840xf32, #tpu.memory_space<vmem>>) target_semaphore(%run_scoped3A : memref<!tpu.dma_semaphore, #tpu.memory_space<semaphore_mem>>)
        tpu.wait_dma2 semaphore(%run_scoped3A : memref<!tpu.dma_semaphore, #tpu.memory_space<semaphore_mem>>) src(%arg3 : memref<7840xf32, #tpu.memory_space<hbm>>) dst(%arg6 : memref<7840xf32, #tpu.memory_space<vmem>>)
        tpu.yield
      }) : () -> ()
      %broadcast_in_dim3A = arith.constant 0.000000e+00 : f32
      %broadcast_in_dim3A_4 = vector.broadcast %broadcast_in_dim3A : f32 to vector<16xf32>
      %broadcast_in_dim3A_5 = arith.constant 0.000000e+00 : f32
      %broadcast_in_dim3A_6 = vector.broadcast %broadcast_in_dim3A_5 : f32 to vector<16xf32>
      %broadcast_in_dim3A_7 = arith.constant 0.000000e+00 : f32
      %broadcast_in_dim3A_8 = vector.broadcast %broadcast_in_dim3A_7 : f32 to vector<16xf32>
      %broadcast_in_dim3A_9 = arith.constant 0.000000e+00 : f32
      %broadcast_in_dim3A_10 = vector.broadcast %broadcast_in_dim3A_9 : f32 to vector<16xf32>
      %broadcast_in_dim3A_11 = arith.constant 0.000000e+00 : f32
      %broadcast_in_dim3A_12 = vector.broadcast %broadcast_in_dim3A_11 : f32 to vector<16xf32>
      %broadcast_in_dim3A_13 = arith.constant 0.000000e+00 : f32
      %broadcast_in_dim3A_14 = vector.broadcast %broadcast_in_dim3A_13 : f32 to vector<16xf32>
      %broadcast_in_dim3A_15 = arith.constant 0.000000e+00 : f32
      %broadcast_in_dim3A_16 = vector.broadcast %broadcast_in_dim3A_15 : f32 to vector<16xf32>
      %broadcast_in_dim3A_17 = arith.constant 0.000000e+00 : f32
      %broadcast_in_dim3A_18 = vector.broadcast %broadcast_in_dim3A_17 : f32 to vector<16xf32>
      %broadcast_in_dim3A_19 = arith.constant 0.000000e+00 : f32
      %broadcast_in_dim3A_20 = vector.broadcast %broadcast_in_dim3A_19 : f32 to vector<16xf32>
      %broadcast_in_dim3A_21 = arith.constant 0.000000e+00 : f32
      %broadcast_in_dim3A_22 = vector.broadcast %broadcast_in_dim3A_21 : f32 to vector<16xf32>
      %get3A = arith.constant 0 : index
      %get3A_23 = tpu.vector_load %arg5[%get3A] {strides = array<i32>} : memref<784xf32, #tpu.memory_space<vmem>>, vector<16xf32>,
      %get3A_24 = vector.shape_cast %get3A_23 : vector<16xf32> to vector<16xf32>
      %gt3A = arith.constant 5.000000e-01 : f32
      %gt3A_25 = vector.broadcast %gt3A : f32 to vector<16xf32>
      %gt3A_26 = arith.cmpf ogt, %get3A_24, %gt3A_25 : vector<16xf32>
      %jit3A = arith.constant 1.000000e+00 : f32
      %jit3A_27 = arith.constant 0.000000e+00 : f32
      %broadcast_in_dim3A_28 = vector.broadcast %jit3A : f32 to vector<16xf32>
      %broadcast_in_dim3A_29 = vector.broadcast %jit3A_27 : f32 to vector<16xf32>
      %select_n3A = arith.select %gt3A_26, %broadcast_in_dim3A_28, %broadcast_in_dim3A_29 : vector<16xi1>, vector<16xf32>
      %get3A_30 = arith.constant 0 : index
      %get3A_31 = tpu.vector_load %arg6[%get3A_30] {strides = array<i32>} : memref<7840xf32, #tpu.memory_space<vmem>>, vector<16xf32>,
      %get3A_32 = vector.shape_cast %get3A_31 : vector<16xf32> to vector<16xf32>
      %mul3A = arith.mulf %select_n3A, %get3A_32 : vector<16xf32>
      %add3A = arith.addf %broadcast_in_dim3A_4, %mul3A : vector<16xf32>
      %get3A_33 = arith.constant 784 : index
      %get3A_34 = tpu.vector_load %arg6[%get3A_33] {strides = array<i32>} : memref<7840xf32, #tpu.memory_space<vmem>>, vector<16xf32>,
      %get3A_35 = vector.shape_cast %get3A_34 : vector<16xf32> to vector<16xf32>
      %mul3A_36 = arith.mulf %select_n3A, %get3A_35 : vector<16xf32>
      %add3A_37 = arith.addf %broadcast_in_dim3A_6, %mul3A_36 : vector<16xf32>
      %get3A_38 = arith.constant 1568 : index
      %get3A_39 = tpu.vector_load %arg6[%get3A_38] {strides = array<i32>} : memref<7840xf32, #tpu.memory_space<vmem>>, vector<16xf32>,
      %get3A_40 = vector.shape_cast %get3A_39 : vector<16xf32> to vector<16xf32>
      %mul3A_41 = arith.mulf %select_n3A, %get3A_40 : vector<16xf32>
      %add3A_42 = arith.addf %broadcast_in_dim3A_8, %mul3A_41 : vector<16xf32>
      %get3A_43 = arith.constant 2352 : index
      %get3A_44 = tpu.vector_load %arg6[%get3A_43] {strides = array<i32>} : memref<7840xf32, #tpu.memory_space<vmem>>, vector<16xf32>,
      %get3A_45 = vector.shape_cast %get3A_44 : vector<16xf32> to vector<16xf32>
      %mul3A_46 = arith.mulf %select_n3A, %get3A_45 : vector<16xf32>
      %add3A_47 = arith.addf %broadcast_in_dim3A_10, %mul3A_46 : vector<16xf32>
      %get3A_48 = arith.constant 3136 : index
      %get3A_49 = tpu.vector_load %arg6[%get3A_48] {strides = array<i32>} : memref<7840xf32, #tpu.memory_space<vmem>>, vector<16xf32>,
      %get3A_50 = vector.shape_cast %get3A_49 : vector<16xf32> to vector<16xf32>
      %mul3A_51 = arith.mulf %select_n3A, %get3A_50 : vector<16xf32>
      %add3A_52 = arith.addf %broadcast_in_dim3A_12, %mul3A_51 : vector<16xf32>
      %get3A_53 = arith.constant 3920 : index
      %get3A_54 = tpu.vector_load %arg6[%get3A_53] {strides = array<i32>} : memref<7840xf32, #tpu.memory_space<vmem>>, vector<16xf32>,
      %get3A_55 = vector.shape_cast %get3A_54 : vector<16xf32> to vector<16xf32>
      %mul3A_56 = arith.mulf %select_n3A, %get3A_55 : vector<16xf32>
      %add3A_57 = arith.addf %broadcast_in_dim3A_14, %mul3A_56 : vector<16xf32>
      %get3A_58 = arith.constant 4704 : index
      %get3A_59 = tpu.vector_load %arg6[%get3A_58] {strides = array<i32>} : memref<7840xf32, #tpu.memory_space<vmem>>, vector<16xf32>,
      %get3A_60 = vector.shape_cast %get3A_59 : vector<16xf32> to vector<16xf32>
      %mul3A_61 = arith.mulf %select_n3A, %get3A_60 : vector<16xf32>
      %add3A_62 = arith.addf %broadcast_in_dim3A_16, %mul3A_61 : vector<16xf32>
      %get3A_63 = arith.constant 5488 : index
      %get3A_64 = tpu.vector_load %arg6[%get3A_63] {strides = array<i32>} : memref<7840xf32, #tpu.memory_space<vmem>>, vector<16xf32>,
      %get3A_65 = vector.shape_cast %get3A_64 : vector<16xf32> to vector<16xf32>
      %mul3A_66 = arith.mulf %select_n3A, %get3A_65 : vector<16xf32>
      %add3A_67 = arith.addf %broadcast_in_dim3A_18, %mul3A_66 : vector<16xf32>
      %get3A_68 = arith.constant 6272 : index
      %get3A_69 = tpu.vector_load %arg6[%get3A_68] {strides = array<i32>} : memref<7840xf32, #tpu.memory_space<vmem>>, vector<16xf32>,
      %get3A_70 = vector.shape_cast %get3A_69 : vector<16xf32> to vector<16xf32>
      %mul3A_71 = arith.mulf %select_n3A, %get3A_70 : vector<16xf32>
      %add3A_72 = arith.addf %broadcast_in_dim3A_20, %mul3A_71 : vector<16xf32>
      %get3A_73 = arith.constant 7056 : index
      %get3A_74 = tpu.vector_load %arg6[%get3A_73] {strides = array<i32>} : memref<7840xf32, #tpu.memory_space<vmem>>, vector<16xf32>,
      %get3A_75 = vector.shape_cast %get3A_74 : vector<16xf32> to vector<16xf32>
      %mul3A_76 = arith.mulf %select_n3A, %get3A_75 : vector<16xf32>
      %add3A_77 = arith.addf %broadcast_in_dim3A_22, %mul3A_76 : vector<16xf32>
      %get3A_78 = arith.constant 16 : index
      %get3A_79 = tpu.vector_load %arg5[%get3A_78] {strides = array<i32>} : memref<784xf32, #tpu.memory_space<vmem>>, vector<16xf32>,
      %get3A_80 = vector.shape_cast %get3A_79 : vector<16xf32> to vector<16xf32>
      %gt3A_81 = arith.constant 5.000000e-01 : f32
      %gt3A_82 = vector.broadcast %gt3A_81 : f32 to vector<16xf32>
      %gt3A_83 = arith.cmpf ogt, %get3A_80, %gt3A_82 : vector<16xf32>
      %jit3A_84 = arith.constant 1.000000e+00 : f32
      %jit3A_85 = arith.constant 0.000000e+00 : f32
      %broadcast_in_dim3A_86 = vector.broadcast %jit3A_84 : f32 to vector<16xf32>
      %broadcast_in_dim3A_87 = vector.broadcast %jit3A_85 : f32 to vector<16xf32>
      %select_n3A_88 = arith.select %gt3A_83, %broadcast_in_dim3A_86, %broadcast_in_dim3A_87 : vector<16xi1>, vector<16xf32>
      %get3A_89 = arith.constant 16 : index
      %get3A_90 = tpu.vector_load %arg6[%get3A_89] {strides = array<i32>} : memref<7840xf32, #tpu.memory_space<vmem>>, vector<16xf32>,
      %get3A_91 = vector.shape_cast %get3A_90 : vector<16xf32> to vector<16xf32>
      %mul3A_92 = arith.mulf %select_n3A_88, %get3A_91 : vector<16xf32>
      %add3A_93 = arith.addf %add3A, %mul3A_92 : vector<16xf32>
      %get3A_94 = arith.constant 800 : index
      %get3A_95 = tpu.vector_load %arg6[%get3A_94] {strides = array<i32>} : memref<7840xf32, #tpu.memory_space<vmem>>, vector<16xf32>,
      %get3A_96 = vector.shape_cast %get3A_95 : vector<16xf32> to vector<16xf32>
      %mul3A_97 = arith.mulf %select_n3A_88, %get3A_96 : vector<16xf32>
      %add3A_98 = arith.addf %add3A_37, %mul3A_97 : vector<16xf32>
      %get3A_99 = arith.constant 1584 : index
      %get3A_100 = tpu.vector_load %arg6[%get3A_99] {strides = array<i32>} : memref<7840xf32, #tpu.memory_space<vmem>>, vector<16xf32>,
      %get3A_101 = vector.shape_cast %get3A_100 : vector<16xf32> to vector<16xf32>
      %mul3A_102 = arith.mulf %select_n3A_88, %get3A_101 : vector<16xf32>
      %add3A_103 = arith.addf %add3A_42, %mul3A_102 : vector<16xf32>
      %get3A_104 = arith.constant 2368 : index
      %get3A_105 = tpu.vector_load %arg6[%get3A_104] {strides = array<i32>} : memref<7840xf32, #tpu.memory_space<vmem>>, vector<16xf32>,
      %get3A_106 = vector.shape_cast %get3A_105 : vector<16xf32> to vector<16xf32>
      %mul3A_107 = arith.mulf %select_n3A_88, %get3A_106 : vector<16xf32>
      %add3A_108 = arith.addf %add3A_47, %mul3A_107 : vector<16xf32>
      %get3A_109 = arith.constant 3152 : index
      %get3A_110 = tpu.vector_load %arg6[%get3A_109] {strides = array<i32>} : memref<7840xf32, #tpu.memory_space<vmem>>, vector<16xf32>,
      %get3A_111 = vector.shape_cast %get3A_110 : vector<16xf32> to vector<16xf32>
      %mul3A_112 = arith.mulf %select_n3A_88, %get3A_111 : vector<16xf32>
      %add3A_113 = arith.addf %add3A_52, %mul3A_112 : vector<16xf32>
      %get3A_114 = arith.constant 3936 : index
      %get3A_115 = tpu.vector_load %arg6[%get3A_114] {strides = array<i32>} : memref<7840xf32, #tpu.memory_space<vmem>>, vector<16xf32>,
      %get3A_116 = vector.shape_cast %get3A_115 : vector<16xf32> to vector<16xf32>
      %mul3A_117 = arith.mulf %select_n3A_88, %get3A_116 : vector<16xf32>
      %add3A_118 = arith.addf %add3A_57, %mul3A_117 : vector<16xf32>
      %get3A_119 = arith.constant 4720 : index
      %get3A_120 = tpu.vector_load %arg6[%get3A_119] {strides = array<i32>} : memref<7840xf32, #tpu.memory_space<vmem>>, vector<16xf32>,
      %get3A_121 = vector.shape_cast %get3A_120 : vector<16xf32> to vector<16xf32>
      %mul3A_122 = arith.mulf %select_n3A_88, %get3A_121 : vector<16xf32>
      %add3A_123 = arith.addf %add3A_62, %mul3A_122 : vector<16xf32>
      %get3A_124 = arith.constant 5504 : index
      %get3A_125 = tpu.vector_load %arg6[%get3A_124] {strides = array<i32>} : memref<7840xf32, #tpu.memory_space<vmem>>, vector<16xf32>,
      %get3A_126 = vector.shape_cast %get3A_125 : vector<16xf32> to vector<16xf32>
      %mul3A_127 = arith.mulf %select_n3A_88, %get3A_126 : vector<16xf32>
      %add3A_128 = arith.addf %add3A_67, %mul3A_127 : vector<16xf32>
      %get3A_129 = arith.constant 6288 : index
      %get3A_130 = tpu.vector_load %arg6[%get3A_129] {strides = array<i32>} : memref<7840xf32, #tpu.memory_space<vmem>>, vector<16xf32>,
      %get3A_131 = vector.shape_cast %get3A_130 : vector<16xf32> to vector<16xf32>
      %mul3A_132 = arith.mulf %select_n3A_88, %get3A_131 : vector<16xf32>
      %add3A_133 = arith.addf %add3A_72, %mul3A_132 : vector<16xf32>
      %get3A_134 = arith.constant 7072 : index
      %get3A_135 = tpu.vector_load %arg6[%get3A_134] {strides = array<i32>} : memref<7840xf32, #tpu.memory_space<vmem>>, vector<16xf32>,
      %get3A_136 = vector.shape_cast %get3A_135 : vector<16xf32> to vector<16xf32>
      %mul3A_137 = arith.mulf %select_n3A_88, %get3A_136 : vector<16xf32>
      %add3A_138 = arith.addf %add3A_77, %mul3A_137 : vector<16xf32>
      %get3A_139 = arith.constant 32 : index
      %get3A_140 = tpu.vector_load %arg5[%get3A_139] {strides = array<i32>} : memref<784xf32, #tpu.memory_space<vmem>>, vector<16xf32>,
      %get3A_141 = vector.shape_cast %get3A_140 : vector<16xf32> to vector<16xf32>
      %gt3A_142 = arith.constant 5.000000e-01 : f32
      %gt3A_143 = vector.broadcast %gt3A_142 : f32 to vector<16xf32>
      %gt3A_144 = arith.cmpf ogt, %get3A_141, %gt3A_143 : vector<16xf32>
      %jit3A_145 = arith.constant 1.000000e+00 : f32
      %jit3A_146 = arith.constant 0.000000e+00 : f32
      %broadcast_in_dim3A_147 = vector.broadcast %jit3A_145 : f32 to vector<16xf32>
      %broadcast_in_dim3A_148 = vector.broadcast %jit3A_146 : f32 to vector<16xf32>
      %select_n3A_149 = arith.select %gt3A_144, %broadcast_in_dim3A_147, %broadcast_in_dim3A_148 : vector<16xi1>, vector<16xf32>
      %get3A_150 = arith.constant 32 : index
      %get3A_151 = tpu.vector_load %arg6[%get3A_150] {strides = array<i32>} : memref<7840xf32, #tpu.memory_space<vmem>>, vector<16xf32>,
      %get3A_152 = vector.shape_cast %get3A_151 : vector<16xf32> to vector<16xf32>
      %mul3A_153 = arith.mulf %select_n3A_149, %get3A_152 : vector<16xf32>
      %add3A_154 = arith.addf %add3A_93, %mul3A_153 : vector<16xf32>
      %get3A_155 = arith.constant 816 : index
      %get3A_156 = tpu.vector_load %arg6[%get3A_155] {strides = array<i32>} : memref<7840xf32, #tpu.memory_space<vmem>>, vector<16xf32>,
      %get3A_157 = vector.shape_cast %get3A_156 : vector<16xf32> to vector<16xf32>
      %mul3A_158 = arith.mulf %select_n3A_149, %get3A_157 : vector<16xf32>
      %add3A_159 = arith.addf %add3A_98, %mul3A_158 : vector<16xf32>
      %get3A_160 = arith.constant 1600 : index
      %get3A_161 = tpu.vector_load %arg6[%get3A_160] {strides = array<i32>} : memref<7840xf32, #tpu.memory_space<vmem>>, vector<16xf32>,
      %get3A_162 = vector.shape_cast %get3A_161 : vector<16xf32> to vector<16xf32>
      %mul3A_163 = arith.mulf %select_n3A_149, %get3A_162 : vector<16xf32>
      %add3A_164 = arith.addf %add3A_103, %mul3A_163 : vector<16xf32>
      %get3A_165 = arith.constant 2384 : index
      %get3A_166 = tpu.vector_load %arg6[%get3A_165] {strides = array<i32>} : memref<7840xf32, #tpu.memory_space<vmem>>, vector<16xf32>,
      %get3A_167 = vector.shape_cast %get3A_166 : vector<16xf32> to vector<16xf32>
      %mul3A_168 = arith.mulf %select_n3A_149, %get3A_167 : vector<16xf32>
      %add3A_169 = arith.addf %add3A_108, %mul3A_168 : vector<16xf32>
      %get3A_170 = arith.constant 3168 : index
      %get3A_171 = tpu.vector_load %arg6[%get3A_170] {strides = array<i32>} : memref<7840xf32, #tpu.memory_space<vmem>>, vector<16xf32>,
      %get3A_172 = vector.shape_cast %get3A_171 : vector<16xf32> to vector<16xf32>
      %mul3A_173 = arith.mulf %select_n3A_149, %get3A_172 : vector<16xf32>
      %add3A_174 = arith.addf %add3A_113, %mul3A_173 : vector<16xf32>
      %get3A_175 = arith.constant 3952 : index
      %get3A_176 = tpu.vector_load %arg6[%get3A_175] {strides = array<i32>} : memref<7840xf32, #tpu.memory_space<vmem>>, vector<16xf32>,
      %get3A_177 = vector.shape_cast %get3A_176 : vector<16xf32> to vector<16xf32>
      %mul3A_178 = arith.mulf %select_n3A_149, %get3A_177 : vector<16xf32>
      %add3A_179 = arith.addf %add3A_118, %mul3A_178 : vector<16xf32>
      %get3A_180 = arith.constant 4736 : index
      %get3A_181 = tpu.vector_load %arg6[%get3A_180] {strides = array<i32>} : memref<7840xf32, #tpu.memory_space<vmem>>, vector<16xf32>,
      %get3A_182 = vector.shape_cast %get3A_181 : vector<16xf32> to vector<16xf32>
      %mul3A_183 = arith.mulf %select_n3A_149, %get3A_182 : vector<16xf32>
      %add3A_184 = arith.addf %add3A_123, %mul3A_183 : vector<16xf32>
      %get3A_185 = arith.constant 5520 : index
      %get3A_186 = tpu.vector_load %arg6[%get3A_185] {strides = array<i32>} : memref<7840xf32, #tpu.memory_space<vmem>>, vector<16xf32>,
      %get3A_187 = vector.shape_cast %get3A_186 : vector<16xf32> to vector<16xf32>
      %mul3A_188 = arith.mulf %select_n3A_149, %get3A_187 : vector<16xf32>
      %add3A_189 = arith.addf %add3A_128, %mul3A_188 : vector<16xf32>
      %get3A_190 = arith.constant 6304 : index
      %get3A_191 = tpu.vector_load %arg6[%get3A_190] {strides = array<i32>} : memref<7840xf32, #tpu.memory_space<vmem>>, vector<16xf32>,
      %get3A_192 = vector.shape_cast %get3A_191 : vector<16xf32> to vector<16xf32>
      %mul3A_193 = arith.mulf %select_n3A_149, %get3A_192 : vector<16xf32>
      %add3A_194 = arith.addf %add3A_133, %mul3A_193 : vector<16xf32>
      %get3A_195 = arith.constant 7088 : index
      %get3A_196 = tpu.vector_load %arg6[%get3A_195] {strides = array<i32>} : memref<7840xf32, #tpu.memory_space<vmem>>, vector<16xf32>,
      %get3A_197 = vector.shape_cast %get3A_196 : vector<16xf32> to vector<16xf32>
      %mul3A_198 = arith.mulf %select_n3A_149, %get3A_197 : vector<16xf32>
      %add3A_199 = arith.addf %add3A_138, %mul3A_198 : vector<16xf32>
      %get3A_200 = arith.constant 48 : index
      %get3A_201 = tpu.vector_load %arg5[%get3A_200] {strides = array<i32>} : memref<784xf32, #tpu.memory_space<vmem>>, vector<16xf32>,
      %get3A_202 = vector.shape_cast %get3A_201 : vector<16xf32> to vector<16xf32>
      %gt3A_203 = arith.constant 5.000000e-01 : f32
      %gt3A_204 = vector.broadcast %gt3A_203 : f32 to vector<16xf32>
      %gt3A_205 = arith.cmpf ogt, %get3A_202, %gt3A_204 : vector<16xf32>
      %jit3A_206 = arith.constant 1.000000e+00 : f32
      %jit3A_207 = arith.constant 0.000000e+00 : f32
      %broadcast_in_dim3A_208 = vector.broadcast %jit3A_206 : f32 to vector<16xf32>
      %broadcast_in_dim3A_209 = vector.broadcast %jit3A_207 : f32 to vector<16xf32>
      %select_n3A_210 = arith.select %gt3A_205, %broadcast_in_dim3A_208, %broadcast_in_dim3A_209 : vector<16xi1>, vector<16xf32>
      %get3A_211 = arith.constant 48 : index
      %get3A_212 = tpu.vector_load %arg6[%get3A_211] {strides = array<i32>} : memref<7840xf32, #tpu.memory_space<vmem>>, vector<16xf32>,
      %get3A_213 = vector.shape_cast %get3A_212 : vector<16xf32> to vector<16xf32>
      %mul3A_214 = arith.mulf %select_n3A_210, %get3A_213 : vector<16xf32>
      %add3A_215 = arith.addf %add3A_154, %mul3A_214 : vector<16xf32>
      %get3A_216 = arith.constant 832 : index
      %get3A_217 = tpu.vector_load %arg6[%get3A_216] {strides = array<i32>} : memref<7840xf32, #tpu.memory_space<vmem>>, vector<16xf32>,
      %get3A_218 = vector.shape_cast %get3A_217 : vector<16xf32> to vector<16xf32>
      %mul3A_219 = arith.mulf %select_n3A_210, %get3A_218 : vector<16xf32>
      %add3A_220 = arith.addf %add3A_159, %mul3A_219 : vector<16xf32>
      %get3A_221 = arith.constant 1616 : index
      %get3A_222 = tpu.vector_load %arg6[%get3A_221] {strides = array<i32>} : memref<7840xf32, #tpu.memory_space<vmem>>, vector<16xf32>,
      %get3A_223 = vector.shape_cast %get3A_222 : vector<16xf32> to vector<16xf32>
      %mul3A_224 = arith.mulf %select_n3A_210, %get3A_223 : vector<16xf32>
      %add3A_225 = arith.addf %add3A_164, %mul3A_224 : vector<16xf32>
      %get3A_226 = arith.constant 2400 : index
      %get3A_227 = tpu.vector_load %arg6[%get3A_226] {strides = array<i32>} : memref<7840xf32, #tpu.memory_space<vmem>>, vector<16xf32>,
      %get3A_228 = vector.shape_cast %get3A_227 : vector<16xf32> to vector<16xf32>
      %mul3A_229 = arith.mulf %select_n3A_210, %get3A_228 : vector<16xf32>
      %add3A_230 = arith.addf %add3A_169, %mul3A_229 : vector<16xf32>
      %get3A_231 = arith.constant 3184 : index
      %get3A_232 = tpu.vector_load %arg6[%get3A_231] {strides = array<i32>} : memref<7840xf32, #tpu.memory_space<vmem>>, vector<16xf32>,
      %get3A_233 = vector.shape_cast %get3A_232 : vector<16xf32> to vector<16xf32>
      %mul3A_234 = arith.mulf %select_n3A_210, %get3A_233 : vector<16xf32>
      %add3A_235 = arith.addf %add3A_174, %mul3A_234 : vector<16xf32>
      %get3A_236 = arith.constant 3968 : index
      %get3A_237 = tpu.vector_load %arg6[%get3A_236] {strides = array<i32>} : memref<7840xf32, #tpu.memory_space<vmem>>, vector<16xf32>,
      %get3A_238 = vector.shape_cast %get3A_237 : vector<16xf32> to vector<16xf32>
      %mul3A_239 = arith.mulf %select_n3A_210, %get3A_238 : vector<16xf32>
      %add3A_240 = arith.addf %add3A_179, %mul3A_239 : vector<16xf32>
      %get3A_241 = arith.constant 4752 : index
      %get3A_242 = tpu.vector_load %arg6[%get3A_241] {strides = array<i32>} : memref<7840xf32, #tpu.memory_space<vmem>>, vector<16xf32>,
      %get3A_243 = vector.shape_cast %get3A_242 : vector<16xf32> to vector<16xf32>
      %mul3A_244 = arith.mulf %select_n3A_210, %get3A_243 : vector<16xf32>
      %add3A_245 = arith.addf %add3A_184, %mul3A_244 : vector<16xf32>
      %get3A_246 = arith.constant 5536 : index
      %get3A_247 = tpu.vector_load %arg6[%get3A_246] {strides = array<i32>} : memref<7840xf32, #tpu.memory_space<vmem>>, vector<16xf32>,
      %get3A_248 = vector.shape_cast %get3A_247 : vector<16xf32> to vector<16xf32>
      %mul3A_249 = arith.mulf %select_n3A_210, %get3A_248 : vector<16xf32>
      %add3A_250 = arith.addf %add3A_189, %mul3A_249 : vector<16xf32>
      %get3A_251 = arith.constant 6320 : index
      %get3A_252 = tpu.vector_load %arg6[%get3A_251] {strides = array<i32>} : memref<7840xf32, #tpu.memory_space<vmem>>, vector<16xf32>,
      %get3A_253 = vector.shape_cast %get3A_252 : vector<16xf32> to vector<16xf32>
      %mul3A_254 = arith.mulf %select_n3A_210, %get3A_253 : vector<16xf32>
      %add3A_255 = arith.addf %add3A_194, %mul3A_254 : vector<16xf32>
      %get3A_256 = arith.constant 7104 : index
      %get3A_257 = tpu.vector_load %arg6[%get3A_256] {strides = array<i32>} : memref<7840xf32, #tpu.memory_space<vmem>>, vector<16xf32>,
      %get3A_258 = vector.shape_cast %get3A_257 : vector<16xf32> to vector<16xf32>
      %mul3A_259 = arith.mulf %select_n3A_210, %get3A_258 : vector<16xf32>
      %add3A_260 = arith.addf %add3A_199, %mul3A_259 : vector<16xf32>
      %get3A_261 = arith.constant 64 : index
      %get3A_262 = tpu.vector_load %arg5[%get3A_261] {strides = array<i32>} : memref<784xf32, #tpu.memory_space<vmem>>, vector<16xf32>,
      %get3A_263 = vector.shape_cast %get3A_262 : vector<16xf32> to vector<16xf32>
      %gt3A_264 = arith.constant 5.000000e-01 : f32
      %gt3A_265 = vector.broadcast %gt3A_264 : f32 to vector<16xf32>
      %gt3A_266 = arith.cmpf ogt, %get3A_263, %gt3A_265 : vector<16xf32>
      %jit3A_267 = arith.constant 1.000000e+00 : f32
      %jit3A_268 = arith.constant 0.000000e+00 : f32
      %broadcast_in_dim3A_269 = vector.broadcast %jit3A_267 : f32 to vector<16xf32>
      %broadcast_in_dim3A_270 = vector.broadcast %jit3A_268 : f32 to vector<16xf32>
      %select_n3A_271 = arith.select %gt3A_266, %broadcast_in_dim3A_269, %broadcast_in_dim3A_270 : vector<16xi1>, vector<16xf32>
      %get3A_272 = arith.constant 64 : index
      %get3A_273 = tpu.vector_load %arg6[%get3A_272] {strides = array<i32>} : memref<7840xf32, #tpu.memory_space<vmem>>, vector<16xf32>,
      %get3A_274 = vector.shape_cast %get3A_273 : vector<16xf32> to vector<16xf32>
      %mul3A_275 = arith.mulf %select_n3A_271, %get3A_274 : vector<16xf32>
      %add3A_276 = arith.addf %add3A_215, %mul3A_275 : vector<16xf32>
      %get3A_277 = arith.constant 848 : index
      %get3A_278 = tpu.vector_load %arg6[%get3A_277] {strides = array<i32>} : memref<7840xf32, #tpu.memory_space<vmem>>, vector<16xf32>,
      %get3A_279 = vector.shape_cast %get3A_278 : vector<16xf32> to vector<16xf32>
      %mul3A_280 = arith.mulf %select_n3A_271, %get3A_279 : vector<16xf32>
      %add3A_281 = arith.addf %add3A_220, %mul3A_280 : vector<16xf32>
      %get3A_282 = arith.constant 1632 : index
      %get3A_283 = tpu.vector_load %arg6[%get3A_282] {strides = array<i32>} : memref<7840xf32, #tpu.memory_space<vmem>>, vector<16xf32>,
      %get3A_284 = vector.shape_cast %get3A_283 : vector<16xf32> to vector<16xf32>
      %mul3A_285 = arith.mulf %select_n3A_271, %get3A_284 : vector<16xf32>
      %add3A_286 = arith.addf %add3A_225, %mul3A_285 : vector<16xf32>
      %get3A_287 = arith.constant 2416 : index
      %get3A_288 = tpu.vector_load %arg6[%get3A_287] {strides = array<i32>} : memref<7840xf32, #tpu.memory_space<vmem>>, vector<16xf32>,
      %get3A_289 = vector.shape_cast %get3A_288 : vector<16xf32> to vector<16xf32>
      %mul3A_290 = arith.mulf %select_n3A_271, %get3A_289 : vector<16xf32>
      %add3A_291 = arith.addf %add3A_230, %mul3A_290 : vector<16xf32>
      %get3A_292 = arith.constant 3200 : index
      %get3A_293 = tpu.vector_load %arg6[%get3A_292] {strides = array<i32>} : memref<7840xf32, #tpu.memory_space<vmem>>, vector<16xf32>,
      %get3A_294 = vector.shape_cast %get3A_293 : vector<16xf32> to vector<16xf32>
      %mul3A_295 = arith.mulf %select_n3A_271, %get3A_294 : vector<16xf32>
      %add3A_296 = arith.addf %add3A_235, %mul3A_295 : vector<16xf32>
      %get3A_297 = arith.constant 3984 : index
      %get3A_298 = tpu.vector_load %arg6[%get3A_297] {strides = array<i32>} : memref<7840xf32, #tpu.memory_space<vmem>>, vector<16xf32>,
      %get3A_299 = vector.shape_cast %get3A_298 : vector<16xf32> to vector<16xf32>
      %mul3A_300 = arith.mulf %select_n3A_271, %get3A_299 : vector<16xf32>
      %add3A_301 = arith.addf %add3A_240, %mul3A_300 : vector<16xf32>
      %get3A_302 = arith.constant 4768 : index
      %get3A_303 = tpu.vector_load %arg6[%get3A_302] {strides = array<i32>} : memref<7840xf32, #tpu.memory_space<vmem>>, vector<16xf32>,
      %get3A_304 = vector.shape_cast %get3A_303 : vector<16xf32> to vector<16xf32>
      %mul3A_305 = arith.mulf %select_n3A_271, %get3A_304 : vector<16xf32>
      %add3A_306 = arith.addf %add3A_245, %mul3A_305 : vector<16xf32>
      %get3A_307 = arith.constant 5552 : index
      %get3A_308 = tpu.vector_load %arg6[%get3A_307] {strides = array<i32>} : memref<7840xf32, #tpu.memory_space<vmem>>, vector<16xf32>,
      %get3A_309 = vector.shape_cast %get3A_308 : vector<16xf32> to vector<16xf32>
      %mul3A_310 = arith.mulf %select_n3A_271, %get3A_309 : vector<16xf32>
      %add3A_311 = arith.addf %add3A_250, %mul3A_310 : vector<16xf32>
      %get3A_312 = arith.constant 6336 : index
      %get3A_313 = tpu.vector_load %arg6[%get3A_312] {strides = array<i32>} : memref<7840xf32, #tpu.memory_space<vmem>>, vector<16xf32>,
      %get3A_314 = vector.shape_cast %get3A_313 : vector<16xf32> to vector<16xf32>
      %mul3A_315 = arith.mulf %select_n3A_271, %get3A_314 : vector<16xf32>
      %add3A_316 = arith.addf %add3A_255, %mul3A_315 : vector<16xf32>
      %get3A_317 = arith.constant 7120 : index
      %get3A_318 = tpu.vector_load %arg6[%get3A_317] {strides = array<i32>} : memref<7840xf32, #tpu.memory_space<vmem>>, vector<16xf32>,
      %get3A_319 = vector.shape_cast %get3A_318 : vector<16xf32> to vector<16xf32>
      %mul3A_320 = arith.mulf %select_n3A_271, %get3A_319 : vector<16xf32>
      %add3A_321 = arith.addf %add3A_260, %mul3A_320 : vector<16xf32>
      %get3A_322 = arith.constant 80 : index
      %get3A_323 = tpu.vector_load %arg5[%get3A_322] {strides = array<i32>} : memref<784xf32, #tpu.memory_space<vmem>>, vector<16xf32>,
      %get3A_324 = vector.shape_cast %get3A_323 : vector<16xf32> to vector<16xf32>
      %gt3A_325 = arith.constant 5.000000e-01 : f32
      %gt3A_326 = vector.broadcast %gt3A_325 : f32 to vector<16xf32>
      %gt3A_327 = arith.cmpf ogt, %get3A_324, %gt3A_326 : vector<16xf32>
      %jit3A_328 = arith.constant 1.000000e+00 : f32
      %jit3A_329 = arith.constant 0.000000e+00 : f32
      %broadcast_in_dim3A_330 = vector.broadcast %jit3A_328 : f32 to vector<16xf32>
      %broadcast_in_dim3A_331 = vector.broadcast %jit3A_329 : f32 to vector<16xf32>
      %select_n3A_332 = arith.select %gt3A_327, %broadcast_in_dim3A_330, %broadcast_in_dim3A_331 : vector<16xi1>, vector<16xf32>
      %get3A_333 = arith.constant 80 : index
      %get3A_334 = tpu.vector_load %arg6[%get3A_333] {strides = array<i32>} : memref<7840xf32, #tpu.memory_space<vmem>>, vector<16xf32>,
      %get3A_335 = vector.shape_cast %get3A_334 : vector<16xf32> to vector<16xf32>
      %mul3A_336 = arith.mulf %select_n3A_332, %get3A_335 : vector<16xf32>
      %add3A_337 = arith.addf %add3A_276, %mul3A_336 : vector<16xf32>
      %get3A_338 = arith.constant 864 : index
      %get3A_339 = tpu.vector_load %arg6[%get3A_338] {strides = array<i32>} : memref<7840xf32, #tpu.memory_space<vmem>>, vector<16xf32>,
      %get3A_340 = vector.shape_cast %get3A_339 : vector<16xf32> to vector<16xf32>
      %mul3A_341 = arith.mulf %select_n3A_332, %get3A_340 : vector<16xf32>
      %add3A_342 = arith.addf %add3A_281, %mul3A_341 : vector<16xf32>
      %get3A_343 = arith.constant 1648 : index
      %get3A_344 = tpu.vector_load %arg6[%get3A_343] {strides = array<i32>} : memref<7840xf32, #tpu.memory_space<vmem>>, vector<16xf32>,
      %get3A_345 = vector.shape_cast %get3A_344 : vector<16xf32> to vector<16xf32>
      %mul3A_346 = arith.mulf %select_n3A_332, %get3A_345 : vector<16xf32>
      %add3A_347 = arith.addf %add3A_286, %mul3A_346 : vector<16xf32>
      %get3A_348 = arith.constant 2432 : index
      %get3A_349 = tpu.vector_load %arg6[%get3A_348] {strides = array<i32>} : memref<7840xf32, #tpu.memory_space<vmem>>, vector<16xf32>,
      %get3A_350 = vector.shape_cast %get3A_349 : vector<16xf32> to vector<16xf32>
      %mul3A_351 = arith.mulf %select_n3A_332, %get3A_350 : vector<16xf32>
      %add3A_352 = arith.addf %add3A_291, %mul3A_351 : vector<16xf32>
      %get3A_353 = arith.constant 3216 : index
      %get3A_354 = tpu.vector_load %arg6[%get3A_353] {strides = array<i32>} : memref<7840xf32, #tpu.memory_space<vmem>>, vector<16xf32>,
      %get3A_355 = vector.shape_cast %get3A_354 : vector<16xf32> to vector<16xf32>
      %mul3A_356 = arith.mulf %select_n3A_332, %get3A_355 : vector<16xf32>
      %add3A_357 = arith.addf %add3A_296, %mul3A_356 : vector<16xf32>
      %get3A_358 = arith.constant 4000 : index
      %get3A_359 = tpu.vector_load %arg6[%get3A_358] {strides = array<i32>} : memref<7840xf32, #tpu.memory_space<vmem>>, vector<16xf32>,
      %get3A_360 = vector.shape_cast %get3A_359 : vector<16xf32> to vector<16xf32>
      %mul3A_361 = arith.mulf %select_n3A_332, %get3A_360 : vector<16xf32>
      %add3A_362 = arith.addf %add3A_301, %mul3A_361 : vector<16xf32>
      %get3A_363 = arith.constant 4784 : index
      %get3A_364 = tpu.vector_load %arg6[%get3A_363] {strides = array<i32>} : memref<7840xf32, #tpu.memory_space<vmem>>, vector<16xf32>,
      %get3A_365 = vector.shape_cast %get3A_364 : vector<16xf32> to vector<16xf32>
      %mul3A_366 = arith.mulf %select_n3A_332, %get3A_365 : vector<16xf32>
      %add3A_367 = arith.addf %add3A_306, %mul3A_366 : vector<16xf32>
      %get3A_368 = arith.constant 5568 : index
      %get3A_369 = tpu.vector_load %arg6[%get3A_368] {strides = array<i32>} : memref<7840xf32, #tpu.memory_space<vmem>>, vector<16xf32>,
      %get3A_370 = vector.shape_cast %get3A_369 : vector<16xf32> to vector<16xf32>
      %mul3A_371 = arith.mulf %select_n3A_332, %get3A_370 : vector<16xf32>
      %add3A_372 = arith.addf %add3A_311, %mul3A_371 : vector<16xf32>
      %get3A_373 = arith.constant 6352 : index
      %get3A_374 = tpu.vector_load %arg6[%get3A_373] {strides = array<i32>} : memref<7840xf32, #tpu.memory_space<vmem>>, vector<16xf32>,
      %get3A_375 = vector.shape_cast %get3A_374 : vector<16xf32> to vector<16xf32>
      %mul3A_376 = arith.mulf %select_n3A_332, %get3A_375 : vector<16xf32>
      %add3A_377 = arith.addf %add3A_316, %mul3A_376 : vector<16xf32>
      %get3A_378 = arith.constant 7136 : index
      %get3A_379 = tpu.vector_load %arg6[%get3A_378] {strides = array<i32>} : memref<7840xf32, #tpu.memory_space<vmem>>, vector<16xf32>,
      %get3A_380 = vector.shape_cast %get3A_379 : vector<16xf32> to vector<16xf32>
      %mul3A_381 = arith.mulf %select_n3A_332, %get3A_380 : vector<16xf32>
      %add3A_382 = arith.addf %add3A_321, %mul3A_381 : vector<16xf32>
      %get3A_383 = arith.constant 96 : index
      %get3A_384 = tpu.vector_load %arg5[%get3A_383] {strides = array<i32>} : memref<784xf32, #tpu.memory_space<vmem>>, vector<16xf32>,
      %get3A_385 = vector.shape_cast %get3A_384 : vector<16xf32> to vector<16xf32>
      %gt3A_386 = arith.constant 5.000000e-01 : f32
      %gt3A_387 = vector.broadcast %gt3A_386 : f32 to vector<16xf32>
      %gt3A_388 = arith.cmpf ogt, %get3A_385, %gt3A_387 : vector<16xf32>
      %jit3A_389 = arith.constant 1.000000e+00 : f32
      %jit3A_390 = arith.constant 0.000000e+00 : f32
      %broadcast_in_dim3A_391 = vector.broadcast %jit3A_389 : f32 to vector<16xf32>
      %broadcast_in_dim3A_392 = vector.broadcast %jit3A_390 : f32 to vector<16xf32>
      %select_n3A_393 = arith.select %gt3A_388, %broadcast_in_dim3A_391, %broadcast_in_dim3A_392 : vector<16xi1>, vector<16xf32>
      %get3A_394 = arith.constant 96 : index
      %get3A_395 = tpu.vector_load %arg6[%get3A_394] {strides = array<i32>} : memref<7840xf32, #tpu.memory_space<vmem>>, vector<16xf32>,
      %get3A_396 = vector.shape_cast %get3A_395 : vector<16xf32> to vector<16xf32>
      %mul3A_397 = arith.mulf %select_n3A_393, %get3A_396 : vector<16xf32>
      %add3A_398 = arith.addf %add3A_337, %mul3A_397 : vector<16xf32>
      %get3A_399 = arith.constant 880 : index
      %get3A_400 = tpu.vector_load %arg6[%get3A_399] {strides = array<i32>} : memref<7840xf32, #tpu.memory_space<vmem>>, vector<16xf32>,
      %get3A_401 = vector.shape_cast %get3A_400 : vector<16xf32> to vector<16xf32>
      %mul3A_402 = arith.mulf %select_n3A_393, %get3A_401 : vector<16xf32>
      %add3A_403 = arith.addf %add3A_342, %mul3A_402 : vector<16xf32>
      %get3A_404 = arith.constant 1664 : index
      %get3A_405 = tpu.vector_load %arg6[%get3A_404] {strides = array<i32>} : memref<7840xf32, #tpu.memory_space<vmem>>, vector<16xf32>,
      %get3A_406 = vector.shape_cast %get3A_405 : vector<16xf32> to vector<16xf32>
      %mul3A_407 = arith.mulf %select_n3A_393, %get3A_406 : vector<16xf32>
      %add3A_408 = arith.addf %add3A_347, %mul3A_407 : vector<16xf32>
      %get3A_409 = arith.constant 2448 : index
      %get3A_410 = tpu.vector_load %arg6[%get3A_409] {strides = array<i32>} : memref<7840xf32, #tpu.memory_space<vmem>>, vector<16xf32>,
      %get3A_411 = vector.shape_cast %get3A_410 : vector<16xf32> to vector<16xf32>
      %mul3A_412 = arith.mulf %select_n3A_393, %get3A_411 : vector<16xf32>
      %add3A_413 = arith.addf %add3A_352, %mul3A_412 : vector<16xf32>
      %get3A_414 = arith.constant 3232 : index
      %get3A_415 = tpu.vector_load %arg6[%get3A_414] {strides = array<i32>} : memref<7840xf32, #tpu.memory_space<vmem>>, vector<16xf32>,
      %get3A_416 = vector.shape_cast %get3A_415 : vector<16xf32> to vector<16xf32>
      %mul3A_417 = arith.mulf %select_n3A_393, %get3A_416 : vector<16xf32>
      %add3A_418 = arith.addf %add3A_357, %mul3A_417 : vector<16xf32>
      %get3A_419 = arith.constant 4016 : index
      %get3A_420 = tpu.vector_load %arg6[%get3A_419] {strides = array<i32>} : memref<7840xf32, #tpu.memory_space<vmem>>, vector<16xf32>,
      %get3A_421 = vector.shape_cast %get3A_420 : vector<16xf32> to vector<16xf32>
      %mul3A_422 = arith.mulf %select_n3A_393, %get3A_421 : vector<16xf32>
      %add3A_423 = arith.addf %add3A_362, %mul3A_422 : vector<16xf32>
      %get3A_424 = arith.constant 4800 : index
      %get3A_425 = tpu.vector_load %arg6[%get3A_424] {strides = array<i32>} : memref<7840xf32, #tpu.memory_space<vmem>>, vector<16xf32>,
      %get3A_426 = vector.shape_cast %get3A_425 : vector<16xf32> to vector<16xf32>
      %mul3A_427 = arith.mulf %select_n3A_393, %get3A_426 : vector<16xf32>
      %add3A_428 = arith.addf %add3A_367, %mul3A_427 : vector<16xf32>
      %get3A_429 = arith.constant 5584 : index
      %get3A_430 = tpu.vector_load %arg6[%get3A_429] {strides = array<i32>} : memref<7840xf32, #tpu.memory_space<vmem>>, vector<16xf32>,
      %get3A_431 = vector.shape_cast %get3A_430 : vector<16xf32> to vector<16xf32>
      %mul3A_432 = arith.mulf %select_n3A_393, %get3A_431 : vector<16xf32>
      %add3A_433 = arith.addf %add3A_372, %mul3A_432 : vector<16xf32>
      %get3A_434 = arith.constant 6368 : index
      %get3A_435 = tpu.vector_load %arg6[%get3A_434] {strides = array<i32>} : memref<7840xf32, #tpu.memory_space<vmem>>, vector<16xf32>,
      %get3A_436 = vector.shape_cast %get3A_435 : vector<16xf32> to vector<16xf32>
      %mul3A_437 = arith.mulf %select_n3A_393, %get3A_436 : vector<16xf32>
      %add3A_438 = arith.addf %add3A_377, %mul3A_437 : vector<16xf32>
      %get3A_439 = arith.constant 7152 : index
      %get3A_440 = tpu.vector_load %arg6[%get3A_439] {strides = array<i32>} : memref<7840xf32, #tpu.memory_space<vmem>>, vector<16xf32>,
      %get3A_441 = vector.shape_cast %get3A_440 : vector<16xf32> to vector<16xf32>
      %mul3A_442 = arith.mulf %select_n3A_393, %get3A_441 : vector<16xf32>
      %add3A_443 = arith.addf %add3A_382, %mul3A_442 : vector<16xf32>
      %get3A_444 = arith.constant 112 : index
      %get3A_445 = tpu.vector_load %arg5[%get3A_444] {strides = array<i32>} : memref<784xf32, #tpu.memory_space<vmem>>, vector<16xf32>,
      %get3A_446 = vector.shape_cast %get3A_445 : vector<16xf32> to vector<16xf32>
      %gt3A_447 = arith.constant 5.000000e-01 : f32
      %gt3A_448 = vector.broadcast %gt3A_447 : f32 to vector<16xf32>
      %gt3A_449 = arith.cmpf ogt, %get3A_446, %gt3A_448 : vector<16xf32>
      %jit3A_450 = arith.constant 1.000000e+00 : f32
      %jit3A_451 = arith.constant 0.000000e+00 : f32
      %broadcast_in_dim3A_452 = vector.broadcast %jit3A_450 : f32 to vector<16xf32>
      %broadcast_in_dim3A_453 = vector.broadcast %jit3A_451 : f32 to vector<16xf32>
      %select_n3A_454 = arith.select %gt3A_449, %broadcast_in_dim3A_452, %broadcast_in_dim3A_453 : vector<16xi1>, vector<16xf32>
      %get3A_455 = arith.constant 112 : index
      %get3A_456 = tpu.vector_load %arg6[%get3A_455] {strides = array<i32>} : memref<7840xf32, #tpu.memory_space<vmem>>, vector<16xf32>,
      %get3A_457 = vector.shape_cast %get3A_456 : vector<16xf32> to vector<16xf32>
      %mul3A_458 = arith.mulf %select_n3A_454, %get3A_457 : vector<16xf32>
      %add3A_459 = arith.addf %add3A_398, %mul3A_458 : vector<16xf32>
      %get3A_460 = arith.constant 896 : index
      %get3A_461 = tpu.vector_load %arg6[%get3A_460] {strides = array<i32>} : memref<7840xf32, #tpu.memory_space<vmem>>, vector<16xf32>,
      %get3A_462 = vector.shape_cast %get3A_461 : vector<16xf32> to vector<16xf32>
      %mul3A_463 = arith.mulf %select_n3A_454, %get3A_462 : vector<16xf32>
      %add3A_464 = arith.addf %add3A_403, %mul3A_463 : vector<16xf32>
      %get3A_465 = arith.constant 1680 : index
      %get3A_466 = tpu.vector_load %arg6[%get3A_465] {strides = array<i32>} : memref<7840xf32, #tpu.memory_space<vmem>>, vector<16xf32>,
      %get3A_467 = vector.shape_cast %get3A_466 : vector<16xf32> to vector<16xf32>
      %mul3A_468 = arith.mulf %select_n3A_454, %get3A_467 : vector<16xf32>
      %add3A_469 = arith.addf %add3A_408, %mul3A_468 : vector<16xf32>
      %get3A_470 = arith.constant 2464 : index
      %get3A_471 = tpu.vector_load %arg6[%get3A_470] {strides = array<i32>} : memref<7840xf32, #tpu.memory_space<vmem>>, vector<16xf32>,
      %get3A_472 = vector.shape_cast %get3A_471 : vector<16xf32> to vector<16xf32>
      %mul3A_473 = arith.mulf %select_n3A_454, %get3A_472 : vector<16xf32>
      %add3A_474 = arith.addf %add3A_413, %mul3A_473 : vector<16xf32>
      %get3A_475 = arith.constant 3248 : index
      %get3A_476 = tpu.vector_load %arg6[%get3A_475] {strides = array<i32>} : memref<7840xf32, #tpu.memory_space<vmem>>, vector<16xf32>,
      %get3A_477 = vector.shape_cast %get3A_476 : vector<16xf32> to vector<16xf32>
      %mul3A_478 = arith.mulf %select_n3A_454, %get3A_477 : vector<16xf32>
      %add3A_479 = arith.addf %add3A_418, %mul3A_478 : vector<16xf32>
      %get3A_480 = arith.constant 4032 : index
      %get3A_481 = tpu.vector_load %arg6[%get3A_480] {strides = array<i32>} : memref<7840xf32, #tpu.memory_space<vmem>>, vector<16xf32>,
      %get3A_482 = vector.shape_cast %get3A_481 : vector<16xf32> to vector<16xf32>
      %mul3A_483 = arith.mulf %select_n3A_454, %get3A_482 : vector<16xf32>
      %add3A_484 = arith.addf %add3A_423, %mul3A_483 : vector<16xf32>
      %get3A_485 = arith.constant 4816 : index
      %get3A_486 = tpu.vector_load %arg6[%get3A_485] {strides = array<i32>} : memref<7840xf32, #tpu.memory_space<vmem>>, vector<16xf32>,
      %get3A_487 = vector.shape_cast %get3A_486 : vector<16xf32> to vector<16xf32>
      %mul3A_488 = arith.mulf %select_n3A_454, %get3A_487 : vector<16xf32>
      %add3A_489 = arith.addf %add3A_428, %mul3A_488 : vector<16xf32>
      %get3A_490 = arith.constant 5600 : index
      %get3A_491 = tpu.vector_load %arg6[%get3A_490] {strides = array<i32>} : memref<7840xf32, #tpu.memory_space<vmem>>, vector<16xf32>,
      %get3A_492 = vector.shape_cast %get3A_491 : vector<16xf32> to vector<16xf32>
      %mul3A_493 = arith.mulf %select_n3A_454, %get3A_492 : vector<16xf32>
      %add3A_494 = arith.addf %add3A_433, %mul3A_493 : vector<16xf32>
      %get3A_495 = arith.constant 6384 : index
      %get3A_496 = tpu.vector_load %arg6[%get3A_495] {strides = array<i32>} : memref<7840xf32, #tpu.memory_space<vmem>>, vector<16xf32>,
      %get3A_497 = vector.shape_cast %get3A_496 : vector<16xf32> to vector<16xf32>
      %mul3A_498 = arith.mulf %select_n3A_454, %get3A_497 : vector<16xf32>
      %add3A_499 = arith.addf %add3A_438, %mul3A_498 : vector<16xf32>
      %get3A_500 = arith.constant 7168 : index
      %get3A_501 = tpu.vector_load %arg6[%get3A_500] {strides = array<i32>} : memref<7840xf32, #tpu.memory_space<vmem>>, vector<16xf32>,
      %get3A_502 = vector.shape_cast %get3A_501 : vector<16xf32> to vector<16xf32>
      %mul3A_503 = arith.mulf %select_n3A_454, %get3A_502 : vector<16xf32>
      %add3A_504 = arith.addf %add3A_443, %mul3A_503 : vector<16xf32>
      %get3A_505 = arith.constant 128 : index
      %get3A_506 = tpu.vector_load %arg5[%get3A_505] {strides = array<i32>} : memref<784xf32, #tpu.memory_space<vmem>>, vector<16xf32>,
      %get3A_507 = vector.shape_cast %get3A_506 : vector<16xf32> to vector<16xf32>
      %gt3A_508 = arith.constant 5.000000e-01 : f32
      %gt3A_509 = vector.broadcast %gt3A_508 : f32 to vector<16xf32>
      %gt3A_510 = arith.cmpf ogt, %get3A_507, %gt3A_509 : vector<16xf32>
      %jit3A_511 = arith.constant 1.000000e+00 : f32
      %jit3A_512 = arith.constant 0.000000e+00 : f32
      %broadcast_in_dim3A_513 = vector.broadcast %jit3A_511 : f32 to vector<16xf32>
      %broadcast_in_dim3A_514 = vector.broadcast %jit3A_512 : f32 to vector<16xf32>
      %select_n3A_515 = arith.select %gt3A_510, %broadcast_in_dim3A_513, %broadcast_in_dim3A_514 : vector<16xi1>, vector<16xf32>
      %get3A_516 = arith.constant 128 : index
      %get3A_517 = tpu.vector_load %arg6[%get3A_516] {strides = array<i32>} : memref<7840xf32, #tpu.memory_space<vmem>>, vector<16xf32>,
      %get3A_518 = vector.shape_cast %get3A_517 : vector<16xf32> to vector<16xf32>
      %mul3A_519 = arith.mulf %select_n3A_515, %get3A_518 : vector<16xf32>
      %add3A_520 = arith.addf %add3A_459, %mul3A_519 : vector<16xf32>
      %get3A_521 = arith.constant 912 : index
      %get3A_522 = tpu.vector_load %arg6[%get3A_521] {strides = array<i32>} : memref<7840xf32, #tpu.memory_space<vmem>>, vector<16xf32>,
      %get3A_523 = vector.shape_cast %get3A_522 : vector<16xf32> to vector<16xf32>
      %mul3A_524 = arith.mulf %select_n3A_515, %get3A_523 : vector<16xf32>
      %add3A_525 = arith.addf %add3A_464, %mul3A_524 : vector<16xf32>
      %get3A_526 = arith.constant 1696 : index
      %get3A_527 = tpu.vector_load %arg6[%get3A_526] {strides = array<i32>} : memref<7840xf32, #tpu.memory_space<vmem>>, vector<16xf32>,
      %get3A_528 = vector.shape_cast %get3A_527 : vector<16xf32> to vector<16xf32>
      %mul3A_529 = arith.mulf %select_n3A_515, %get3A_528 : vector<16xf32>
      %add3A_530 = arith.addf %add3A_469, %mul3A_529 : vector<16xf32>
      %get3A_531 = arith.constant 2480 : index
      %get3A_532 = tpu.vector_load %arg6[%get3A_531] {strides = array<i32>} : memref<7840xf32, #tpu.memory_space<vmem>>, vector<16xf32>,
      %get3A_533 = vector.shape_cast %get3A_532 : vector<16xf32> to vector<16xf32>
      %mul3A_534 = arith.mulf %select_n3A_515, %get3A_533 : vector<16xf32>
      %add3A_535 = arith.addf %add3A_474, %mul3A_534 : vector<16xf32>
      %get3A_536 = arith.constant 3264 : index
      %get3A_537 = tpu.vector_load %arg6[%get3A_536] {strides = array<i32>} : memref<7840xf32, #tpu.memory_space<vmem>>, vector<16xf32>,
      %get3A_538 = vector.shape_cast %get3A_537 : vector<16xf32> to vector<16xf32>
      %mul3A_539 = arith.mulf %select_n3A_515, %get3A_538 : vector<16xf32>
      %add3A_540 = arith.addf %add3A_479, %mul3A_539 : vector<16xf32>
      %get3A_541 = arith.constant 4048 : index
      %get3A_542 = tpu.vector_load %arg6[%get3A_541] {strides = array<i32>} : memref<7840xf32, #tpu.memory_space<vmem>>, vector<16xf32>,
      %get3A_543 = vector.shape_cast %get3A_542 : vector<16xf32> to vector<16xf32>
      %mul3A_544 = arith.mulf %select_n3A_515, %get3A_543 : vector<16xf32>
      %add3A_545 = arith.addf %add3A_484, %mul3A_544 : vector<16xf32>
      %get3A_546 = arith.constant 4832 : index
      %get3A_547 = tpu.vector_load %arg6[%get3A_546] {strides = array<i32>} : memref<7840xf32, #tpu.memory_space<vmem>>, vector<16xf32>,
      %get3A_548 = vector.shape_cast %get3A_547 : vector<16xf32> to vector<16xf32>
      %mul3A_549 = arith.mulf %select_n3A_515, %get3A_548 : vector<16xf32>
      %add3A_550 = arith.addf %add3A_489, %mul3A_549 : vector<16xf32>
      %get3A_551 = arith.constant 5616 : index
      %get3A_552 = tpu.vector_load %arg6[%get3A_551] {strides = array<i32>} : memref<7840xf32, #tpu.memory_space<vmem>>, vector<16xf32>,
      %get3A_553 = vector.shape_cast %get3A_552 : vector<16xf32> to vector<16xf32>
      %mul3A_554 = arith.mulf %select_n3A_515, %get3A_553 : vector<16xf32>
      %add3A_555 = arith.addf %add3A_494, %mul3A_554 : vector<16xf32>
      %get3A_556 = arith.constant 6400 : index
      %get3A_557 = tpu.vector_load %arg6[%get3A_556] {strides = array<i32>} : memref<7840xf32, #tpu.memory_space<vmem>>, vector<16xf32>,
      %get3A_558 = vector.shape_cast %get3A_557 : vector<16xf32> to vector<16xf32>
      %mul3A_559 = arith.mulf %select_n3A_515, %get3A_558 : vector<16xf32>
      %add3A_560 = arith.addf %add3A_499, %mul3A_559 : vector<16xf32>
      %get3A_561 = arith.constant 7184 : index
      %get3A_562 = tpu.vector_load %arg6[%get3A_561] {strides = array<i32>} : memref<7840xf32, #tpu.memory_space<vmem>>, vector<16xf32>,
      %get3A_563 = vector.shape_cast %get3A_562 : vector<16xf32> to vector<16xf32>
      %mul3A_564 = arith.mulf %select_n3A_515, %get3A_563 : vector<16xf32>
      %add3A_565 = arith.addf %add3A_504, %mul3A_564 : vector<16xf32>
      %get3A_566 = arith.constant 144 : index
      %get3A_567 = tpu.vector_load %arg5[%get3A_566] {strides = array<i32>} : memref<784xf32, #tpu.memory_space<vmem>>, vector<16xf32>,
      %get3A_568 = vector.shape_cast %get3A_567 : vector<16xf32> to vector<16xf32>
      %gt3A_569 = arith.constant 5.000000e-01 : f32
      %gt3A_570 = vector.broadcast %gt3A_569 : f32 to vector<16xf32>
      %gt3A_571 = arith.cmpf ogt, %get3A_568, %gt3A_570 : vector<16xf32>
      %jit3A_572 = arith.constant 1.000000e+00 : f32
      %jit3A_573 = arith.constant 0.000000e+00 : f32
      %broadcast_in_dim3A_574 = vector.broadcast %jit3A_572 : f32 to vector<16xf32>
      %broadcast_in_dim3A_575 = vector.broadcast %jit3A_573 : f32 to vector<16xf32>
      %select_n3A_576 = arith.select %gt3A_571, %broadcast_in_dim3A_574, %broadcast_in_dim3A_575 : vector<16xi1>, vector<16xf32>
      %get3A_577 = arith.constant 144 : index
      %get3A_578 = tpu.vector_load %arg6[%get3A_577] {strides = array<i32>} : memref<7840xf32, #tpu.memory_space<vmem>>, vector<16xf32>,
      %get3A_579 = vector.shape_cast %get3A_578 : vector<16xf32> to vector<16xf32>
      %mul3A_580 = arith.mulf %select_n3A_576, %get3A_579 : vector<16xf32>
      %add3A_581 = arith.addf %add3A_520, %mul3A_580 : vector<16xf32>
      %get3A_582 = arith.constant 928 : index
      %get3A_583 = tpu.vector_load %arg6[%get3A_582] {strides = array<i32>} : memref<7840xf32, #tpu.memory_space<vmem>>, vector<16xf32>,
      %get3A_584 = vector.shape_cast %get3A_583 : vector<16xf32> to vector<16xf32>
      %mul3A_585 = arith.mulf %select_n3A_576, %get3A_584 : vector<16xf32>
      %add3A_586 = arith.addf %add3A_525, %mul3A_585 : vector<16xf32>
      %get3A_587 = arith.constant 1712 : index
      %get3A_588 = tpu.vector_load %arg6[%get3A_587] {strides = array<i32>} : memref<7840xf32, #tpu.memory_space<vmem>>, vector<16xf32>,
      %get3A_589 = vector.shape_cast %get3A_588 : vector<16xf32> to vector<16xf32>
      %mul3A_590 = arith.mulf %select_n3A_576, %get3A_589 : vector<16xf32>
      %add3A_591 = arith.addf %add3A_530, %mul3A_590 : vector<16xf32>
      %get3A_592 = arith.constant 2496 : index
      %get3A_593 = tpu.vector_load %arg6[%get3A_592] {strides = array<i32>} : memref<7840xf32, #tpu.memory_space<vmem>>, vector<16xf32>,
      %get3A_594 = vector.shape_cast %get3A_593 : vector<16xf32> to vector<16xf32>
      %mul3A_595 = arith.mulf %select_n3A_576, %get3A_594 : vector<16xf32>
      %add3A_596 = arith.addf %add3A_535, %mul3A_595 : vector<16xf32>
      %get3A_597 = arith.constant 3280 : index
      %get3A_598 = tpu.vector_load %arg6[%get3A_597] {strides = array<i32>} : memref<7840xf32, #tpu.memory_space<vmem>>, vector<16xf32>,
      %get3A_599 = vector.shape_cast %get3A_598 : vector<16xf32> to vector<16xf32>
      %mul3A_600 = arith.mulf %select_n3A_576, %get3A_599 : vector<16xf32>
      %add3A_601 = arith.addf %add3A_540, %mul3A_600 : vector<16xf32>
      %get3A_602 = arith.constant 4064 : index
      %get3A_603 = tpu.vector_load %arg6[%get3A_602] {strides = array<i32>} : memref<7840xf32, #tpu.memory_space<vmem>>, vector<16xf32>,
      %get3A_604 = vector.shape_cast %get3A_603 : vector<16xf32> to vector<16xf32>
      %mul3A_605 = arith.mulf %select_n3A_576, %get3A_604 : vector<16xf32>
      %add3A_606 = arith.addf %add3A_545, %mul3A_605 : vector<16xf32>
      %get3A_607 = arith.constant 4848 : index
      %get3A_608 = tpu.vector_load %arg6[%get3A_607] {strides = array<i32>} : memref<7840xf32, #tpu.memory_space<vmem>>, vector<16xf32>,
      %get3A_609 = vector.shape_cast %get3A_608 : vector<16xf32> to vector<16xf32>
      %mul3A_610 = arith.mulf %select_n3A_576, %get3A_609 : vector<16xf32>
      %add3A_611 = arith.addf %add3A_550, %mul3A_610 : vector<16xf32>
      %get3A_612 = arith.constant 5632 : index
      %get3A_613 = tpu.vector_load %arg6[%get3A_612] {strides = array<i32>} : memref<7840xf32, #tpu.memory_space<vmem>>, vector<16xf32>,
      %get3A_614 = vector.shape_cast %get3A_613 : vector<16xf32> to vector<16xf32>
      %mul3A_615 = arith.mulf %select_n3A_576, %get3A_614 : vector<16xf32>
      %add3A_616 = arith.addf %add3A_555, %mul3A_615 : vector<16xf32>
      %get3A_617 = arith.constant 6416 : index
      %get3A_618 = tpu.vector_load %arg6[%get3A_617] {strides = array<i32>} : memref<7840xf32, #tpu.memory_space<vmem>>, vector<16xf32>,
      %get3A_619 = vector.shape_cast %get3A_618 : vector<16xf32> to vector<16xf32>
      %mul3A_620 = arith.mulf %select_n3A_576, %get3A_619 : vector<16xf32>
      %add3A_621 = arith.addf %add3A_560, %mul3A_620 : vector<16xf32>
      %get3A_622 = arith.constant 7200 : index
      %get3A_623 = tpu.vector_load %arg6[%get3A_622] {strides = array<i32>} : memref<7840xf32, #tpu.memory_space<vmem>>, vector<16xf32>,
      %get3A_624 = vector.shape_cast %get3A_623 : vector<16xf32> to vector<16xf32>
      %mul3A_625 = arith.mulf %select_n3A_576, %get3A_624 : vector<16xf32>
      %add3A_626 = arith.addf %add3A_565, %mul3A_625 : vector<16xf32>
      %get3A_627 = arith.constant 160 : index
      %get3A_628 = tpu.vector_load %arg5[%get3A_627] {strides = array<i32>} : memref<784xf32, #tpu.memory_space<vmem>>, vector<16xf32>,
      %get3A_629 = vector.shape_cast %get3A_628 : vector<16xf32> to vector<16xf32>
      %gt3A_630 = arith.constant 5.000000e-01 : f32
      %gt3A_631 = vector.broadcast %gt3A_630 : f32 to vector<16xf32>
      %gt3A_632 = arith.cmpf ogt, %get3A_629, %gt3A_631 : vector<16xf32>
      %jit3A_633 = arith.constant 1.000000e+00 : f32
      %jit3A_634 = arith.constant 0.000000e+00 : f32
      %broadcast_in_dim3A_635 = vector.broadcast %jit3A_633 : f32 to vector<16xf32>
      %broadcast_in_dim3A_636 = vector.broadcast %jit3A_634 : f32 to vector<16xf32>
      %select_n3A_637 = arith.select %gt3A_632, %broadcast_in_dim3A_635, %broadcast_in_dim3A_636 : vector<16xi1>, vector<16xf32>
      %get3A_638 = arith.constant 160 : index
      %get3A_639 = tpu.vector_load %arg6[%get3A_638] {strides = array<i32>} : memref<7840xf32, #tpu.memory_space<vmem>>, vector<16xf32>,
      %get3A_640 = vector.shape_cast %get3A_639 : vector<16xf32> to vector<16xf32>
      %mul3A_641 = arith.mulf %select_n3A_637, %get3A_640 : vector<16xf32>
      %add3A_642 = arith.addf %add3A_581, %mul3A_641 : vector<16xf32>
      %get3A_643 = arith.constant 944 : index
      %get3A_644 = tpu.vector_load %arg6[%get3A_643] {strides = array<i32>} : memref<7840xf32, #tpu.memory_space<vmem>>, vector<16xf32>,
      %get3A_645 = vector.shape_cast %get3A_644 : vector<16xf32> to vector<16xf32>
      %mul3A_646 = arith.mulf %select_n3A_637, %get3A_645 : vector<16xf32>
      %add3A_647 = arith.addf %add3A_586, %mul3A_646 : vector<16xf32>
      %get3A_648 = arith.constant 1728 : index
      %get3A_649 = tpu.vector_load %arg6[%get3A_648] {strides = array<i32>} : memref<7840xf32, #tpu.memory_space<vmem>>, vector<16xf32>,
      %get3A_650 = vector.shape_cast %get3A_649 : vector<16xf32> to vector<16xf32>
      %mul3A_651 = arith.mulf %select_n3A_637, %get3A_650 : vector<16xf32>
      %add3A_652 = arith.addf %add3A_591, %mul3A_651 : vector<16xf32>
      %get3A_653 = arith.constant 2512 : index
      %get3A_654 = tpu.vector_load %arg6[%get3A_653] {strides = array<i32>} : memref<7840xf32, #tpu.memory_space<vmem>>, vector<16xf32>,
      %get3A_655 = vector.shape_cast %get3A_654 : vector<16xf32> to vector<16xf32>
      %mul3A_656 = arith.mulf %select_n3A_637, %get3A_655 : vector<16xf32>
      %add3A_657 = arith.addf %add3A_596, %mul3A_656 : vector<16xf32>
      %get3A_658 = arith.constant 3296 : index
      %get3A_659 = tpu.vector_load %arg6[%get3A_658] {strides = array<i32>} : memref<7840xf32, #tpu.memory_space<vmem>>, vector<16xf32>,
      %get3A_660 = vector.shape_cast %get3A_659 : vector<16xf32> to vector<16xf32>
      %mul3A_661 = arith.mulf %select_n3A_637, %get3A_660 : vector<16xf32>
      %add3A_662 = arith.addf %add3A_601, %mul3A_661 : vector<16xf32>
      %get3A_663 = arith.constant 4080 : index
      %get3A_664 = tpu.vector_load %arg6[%get3A_663] {strides = array<i32>} : memref<7840xf32, #tpu.memory_space<vmem>>, vector<16xf32>,
      %get3A_665 = vector.shape_cast %get3A_664 : vector<16xf32> to vector<16xf32>
      %mul3A_666 = arith.mulf %select_n3A_637, %get3A_665 : vector<16xf32>
      %add3A_667 = arith.addf %add3A_606, %mul3A_666 : vector<16xf32>
      %get3A_668 = arith.constant 4864 : index
      %get3A_669 = tpu.vector_load %arg6[%get3A_668] {strides = array<i32>} : memref<7840xf32, #tpu.memory_space<vmem>>, vector<16xf32>,
      %get3A_670 = vector.shape_cast %get3A_669 : vector<16xf32> to vector<16xf32>
      %mul3A_671 = arith.mulf %select_n3A_637, %get3A_670 : vector<16xf32>
      %add3A_672 = arith.addf %add3A_611, %mul3A_671 : vector<16xf32>
      %get3A_673 = arith.constant 5648 : index
      %get3A_674 = tpu.vector_load %arg6[%get3A_673] {strides = array<i32>} : memref<7840xf32, #tpu.memory_space<vmem>>, vector<16xf32>,
      %get3A_675 = vector.shape_cast %get3A_674 : vector<16xf32> to vector<16xf32>
      %mul3A_676 = arith.mulf %select_n3A_637, %get3A_675 : vector<16xf32>
      %add3A_677 = arith.addf %add3A_616, %mul3A_676 : vector<16xf32>
      %get3A_678 = arith.constant 6432 : index
      %get3A_679 = tpu.vector_load %arg6[%get3A_678] {strides = array<i32>} : memref<7840xf32, #tpu.memory_space<vmem>>, vector<16xf32>,
      %get3A_680 = vector.shape_cast %get3A_679 : vector<16xf32> to vector<16xf32>
      %mul3A_681 = arith.mulf %select_n3A_637, %get3A_680 : vector<16xf32>
      %add3A_682 = arith.addf %add3A_621, %mul3A_681 : vector<16xf32>
      %get3A_683 = arith.constant 7216 : index
      %get3A_684 = tpu.vector_load %arg6[%get3A_683] {strides = array<i32>} : memref<7840xf32, #tpu.memory_space<vmem>>, vector<16xf32>,
      %get3A_685 = vector.shape_cast %get3A_684 : vector<16xf32> to vector<16xf32>
      %mul3A_686 = arith.mulf %select_n3A_637, %get3A_685 : vector<16xf32>
      %add3A_687 = arith.addf %add3A_626, %mul3A_686 : vector<16xf32>
      %get3A_688 = arith.constant 176 : index
      %get3A_689 = tpu.vector_load %arg5[%get3A_688] {strides = array<i32>} : memref<784xf32, #tpu.memory_space<vmem>>, vector<16xf32>,
      %get3A_690 = vector.shape_cast %get3A_689 : vector<16xf32> to vector<16xf32>
      %gt3A_691 = arith.constant 5.000000e-01 : f32
      %gt3A_692 = vector.broadcast %gt3A_691 : f32 to vector<16xf32>
      %gt3A_693 = arith.cmpf ogt, %get3A_690, %gt3A_692 : vector<16xf32>
      %jit3A_694 = arith.constant 1.000000e+00 : f32
      %jit3A_695 = arith.constant 0.000000e+00 : f32
      %broadcast_in_dim3A_696 = vector.broadcast %jit3A_694 : f32 to vector<16xf32>
      %broadcast_in_dim3A_697 = vector.broadcast %jit3A_695 : f32 to vector<16xf32>
      %select_n3A_698 = arith.select %gt3A_693, %broadcast_in_dim3A_696, %broadcast_in_dim3A_697 : vector<16xi1>, vector<16xf32>
      %get3A_699 = arith.constant 176 : index
      %get3A_700 = tpu.vector_load %arg6[%get3A_699] {strides = array<i32>} : memref<7840xf32, #tpu.memory_space<vmem>>, vector<16xf32>,
      %get3A_701 = vector.shape_cast %get3A_700 : vector<16xf32> to vector<16xf32>
      %mul3A_702 = arith.mulf %select_n3A_698, %get3A_701 : vector<16xf32>
      %add3A_703 = arith.addf %add3A_642, %mul3A_702 : vector<16xf32>
      %get3A_704 = arith.constant 960 : index
      %get3A_705 = tpu.vector_load %arg6[%get3A_704] {strides = array<i32>} : memref<7840xf32, #tpu.memory_space<vmem>>, vector<16xf32>,
      %get3A_706 = vector.shape_cast %get3A_705 : vector<16xf32> to vector<16xf32>
      %mul3A_707 = arith.mulf %select_n3A_698, %get3A_706 : vector<16xf32>
      %add3A_708 = arith.addf %add3A_647, %mul3A_707 : vector<16xf32>
      %get3A_709 = arith.constant 1744 : index
      %get3A_710 = tpu.vector_load %arg6[%get3A_709] {strides = array<i32>} : memref<7840xf32, #tpu.memory_space<vmem>>, vector<16xf32>,
      %get3A_711 = vector.shape_cast %get3A_710 : vector<16xf32> to vector<16xf32>
      %mul3A_712 = arith.mulf %select_n3A_698, %get3A_711 : vector<16xf32>
      %add3A_713 = arith.addf %add3A_652, %mul3A_712 : vector<16xf32>
      %get3A_714 = arith.constant 2528 : index
      %get3A_715 = tpu.vector_load %arg6[%get3A_714] {strides = array<i32>} : memref<7840xf32, #tpu.memory_space<vmem>>, vector<16xf32>,
      %get3A_716 = vector.shape_cast %get3A_715 : vector<16xf32> to vector<16xf32>
      %mul3A_717 = arith.mulf %select_n3A_698, %get3A_716 : vector<16xf32>
      %add3A_718 = arith.addf %add3A_657, %mul3A_717 : vector<16xf32>
      %get3A_719 = arith.constant 3312 : index
      %get3A_720 = tpu.vector_load %arg6[%get3A_719] {strides = array<i32>} : memref<7840xf32, #tpu.memory_space<vmem>>, vector<16xf32>,
      %get3A_721 = vector.shape_cast %get3A_720 : vector<16xf32> to vector<16xf32>
      %mul3A_722 = arith.mulf %select_n3A_698, %get3A_721 : vector<16xf32>
      %add3A_723 = arith.addf %add3A_662, %mul3A_722 : vector<16xf32>
      %get3A_724 = arith.constant 4096 : index
      %get3A_725 = tpu.vector_load %arg6[%get3A_724] {strides = array<i32>} : memref<7840xf32, #tpu.memory_space<vmem>>, vector<16xf32>,
      %get3A_726 = vector.shape_cast %get3A_725 : vector<16xf32> to vector<16xf32>
      %mul3A_727 = arith.mulf %select_n3A_698, %get3A_726 : vector<16xf32>
      %add3A_728 = arith.addf %add3A_667, %mul3A_727 : vector<16xf32>
      %get3A_729 = arith.constant 4880 : index
      %get3A_730 = tpu.vector_load %arg6[%get3A_729] {strides = array<i32>} : memref<7840xf32, #tpu.memory_space<vmem>>, vector<16xf32>,
      %get3A_731 = vector.shape_cast %get3A_730 : vector<16xf32> to vector<16xf32>
      %mul3A_732 = arith.mulf %select_n3A_698, %get3A_731 : vector<16xf32>
      %add3A_733 = arith.addf %add3A_672, %mul3A_732 : vector<16xf32>
      %get3A_734 = arith.constant 5664 : index
      %get3A_735 = tpu.vector_load %arg6[%get3A_734] {strides = array<i32>} : memref<7840xf32, #tpu.memory_space<vmem>>, vector<16xf32>,
      %get3A_736 = vector.shape_cast %get3A_735 : vector<16xf32> to vector<16xf32>
      %mul3A_737 = arith.mulf %select_n3A_698, %get3A_736 : vector<16xf32>
      %add3A_738 = arith.addf %add3A_677, %mul3A_737 : vector<16xf32>
      %get3A_739 = arith.constant 6448 : index
      %get3A_740 = tpu.vector_load %arg6[%get3A_739] {strides = array<i32>} : memref<7840xf32, #tpu.memory_space<vmem>>, vector<16xf32>,
      %get3A_741 = vector.shape_cast %get3A_740 : vector<16xf32> to vector<16xf32>
      %mul3A_742 = arith.mulf %select_n3A_698, %get3A_741 : vector<16xf32>
      %add3A_743 = arith.addf %add3A_682, %mul3A_742 : vector<16xf32>
      %get3A_744 = arith.constant 7232 : index
      %get3A_745 = tpu.vector_load %arg6[%get3A_744] {strides = array<i32>} : memref<7840xf32, #tpu.memory_space<vmem>>, vector<16xf32>,
      %get3A_746 = vector.shape_cast %get3A_745 : vector<16xf32> to vector<16xf32>
      %mul3A_747 = arith.mulf %select_n3A_698, %get3A_746 : vector<16xf32>
      %add3A_748 = arith.addf %add3A_687, %mul3A_747 : vector<16xf32>
      %get3A_749 = arith.constant 192 : index
      %get3A_750 = tpu.vector_load %arg5[%get3A_749] {strides = array<i32>} : memref<784xf32, #tpu.memory_space<vmem>>, vector<16xf32>,
      %get3A_751 = vector.shape_cast %get3A_750 : vector<16xf32> to vector<16xf32>
      %gt3A_752 = arith.constant 5.000000e-01 : f32
      %gt3A_753 = vector.broadcast %gt3A_752 : f32 to vector<16xf32>
      %gt3A_754 = arith.cmpf ogt, %get3A_751, %gt3A_753 : vector<16xf32>
      %jit3A_755 = arith.constant 1.000000e+00 : f32
      %jit3A_756 = arith.constant 0.000000e+00 : f32
      %broadcast_in_dim3A_757 = vector.broadcast %jit3A_755 : f32 to vector<16xf32>
      %broadcast_in_dim3A_758 = vector.broadcast %jit3A_756 : f32 to vector<16xf32>
      %select_n3A_759 = arith.select %gt3A_754, %broadcast_in_dim3A_757, %broadcast_in_dim3A_758 : vector<16xi1>, vector<16xf32>
      %get3A_760 = arith.constant 192 : index
      %get3A_761 = tpu.vector_load %arg6[%get3A_760] {strides = array<i32>} : memref<7840xf32, #tpu.memory_space<vmem>>, vector<16xf32>,
      %get3A_762 = vector.shape_cast %get3A_761 : vector<16xf32> to vector<16xf32>
      %mul3A_763 = arith.mulf %select_n3A_759, %get3A_762 : vector<16xf32>
      %add3A_764 = arith.addf %add3A_703, %mul3A_763 : vector<16xf32>
      %get3A_765 = arith.constant 976 : index
      %get3A_766 = tpu.vector_load %arg6[%get3A_765] {strides = array<i32>} : memref<7840xf32, #tpu.memory_space<vmem>>, vector<16xf32>,
      %get3A_767 = vector.shape_cast %get3A_766 : vector<16xf32> to vector<16xf32>
      %mul3A_768 = arith.mulf %select_n3A_759, %get3A_767 : vector<16xf32>
      %add3A_769 = arith.addf %add3A_708, %mul3A_768 : vector<16xf32>
      %get3A_770 = arith.constant 1760 : index
      %get3A_771 = tpu.vector_load %arg6[%get3A_770] {strides = array<i32>} : memref<7840xf32, #tpu.memory_space<vmem>>, vector<16xf32>,
      %get3A_772 = vector.shape_cast %get3A_771 : vector<16xf32> to vector<16xf32>
      %mul3A_773 = arith.mulf %select_n3A_759, %get3A_772 : vector<16xf32>
      %add3A_774 = arith.addf %add3A_713, %mul3A_773 : vector<16xf32>
      %get3A_775 = arith.constant 2544 : index
      %get3A_776 = tpu.vector_load %arg6[%get3A_775] {strides = array<i32>} : memref<7840xf32, #tpu.memory_space<vmem>>, vector<16xf32>,
      %get3A_777 = vector.shape_cast %get3A_776 : vector<16xf32> to vector<16xf32>
      %mul3A_778 = arith.mulf %select_n3A_759, %get3A_777 : vector<16xf32>
      %add3A_779 = arith.addf %add3A_718, %mul3A_778 : vector<16xf32>
      %get3A_780 = arith.constant 3328 : index
      %get3A_781 = tpu.vector_load %arg6[%get3A_780] {strides = array<i32>} : memref<7840xf32, #tpu.memory_space<vmem>>, vector<16xf32>,
      %get3A_782 = vector.shape_cast %get3A_781 : vector<16xf32> to vector<16xf32>
      %mul3A_783 = arith.mulf %select_n3A_759, %get3A_782 : vector<16xf32>
      %add3A_784 = arith.addf %add3A_723, %mul3A_783 : vector<16xf32>
      %get3A_785 = arith.constant 4112 : index
      %get3A_786 = tpu.vector_load %arg6[%get3A_785] {strides = array<i32>} : memref<7840xf32, #tpu.memory_space<vmem>>, vector<16xf32>,
      %get3A_787 = vector.shape_cast %get3A_786 : vector<16xf32> to vector<16xf32>
      %mul3A_788 = arith.mulf %select_n3A_759, %get3A_787 : vector<16xf32>
      %add3A_789 = arith.addf %add3A_728, %mul3A_788 : vector<16xf32>
      %get3A_790 = arith.constant 4896 : index
      %get3A_791 = tpu.vector_load %arg6[%get3A_790] {strides = array<i32>} : memref<7840xf32, #tpu.memory_space<vmem>>, vector<16xf32>,
      %get3A_792 = vector.shape_cast %get3A_791 : vector<16xf32> to vector<16xf32>
      %mul3A_793 = arith.mulf %select_n3A_759, %get3A_792 : vector<16xf32>
      %add3A_794 = arith.addf %add3A_733, %mul3A_793 : vector<16xf32>
      %get3A_795 = arith.constant 5680 : index
      %get3A_796 = tpu.vector_load %arg6[%get3A_795] {strides = array<i32>} : memref<7840xf32, #tpu.memory_space<vmem>>, vector<16xf32>,
      %get3A_797 = vector.shape_cast %get3A_796 : vector<16xf32> to vector<16xf32>
      %mul3A_798 = arith.mulf %select_n3A_759, %get3A_797 : vector<16xf32>
      %add3A_799 = arith.addf %add3A_738, %mul3A_798 : vector<16xf32>
      %get3A_800 = arith.constant 6464 : index
      %get3A_801 = tpu.vector_load %arg6[%get3A_800] {strides = array<i32>} : memref<7840xf32, #tpu.memory_space<vmem>>, vector<16xf32>,
      %get3A_802 = vector.shape_cast %get3A_801 : vector<16xf32> to vector<16xf32>
      %mul3A_803 = arith.mulf %select_n3A_759, %get3A_802 : vector<16xf32>
      %add3A_804 = arith.addf %add3A_743, %mul3A_803 : vector<16xf32>
      %get3A_805 = arith.constant 7248 : index
      %get3A_806 = tpu.vector_load %arg6[%get3A_805] {strides = array<i32>} : memref<7840xf32, #tpu.memory_space<vmem>>, vector<16xf32>,
      %get3A_807 = vector.shape_cast %get3A_806 : vector<16xf32> to vector<16xf32>
      %mul3A_808 = arith.mulf %select_n3A_759, %get3A_807 : vector<16xf32>
      %add3A_809 = arith.addf %add3A_748, %mul3A_808 : vector<16xf32>
      %get3A_810 = arith.constant 208 : index
      %get3A_811 = tpu.vector_load %arg5[%get3A_810] {strides = array<i32>} : memref<784xf32, #tpu.memory_space<vmem>>, vector<16xf32>,
      %get3A_812 = vector.shape_cast %get3A_811 : vector<16xf32> to vector<16xf32>
      %gt3A_813 = arith.constant 5.000000e-01 : f32
      %gt3A_814 = vector.broadcast %gt3A_813 : f32 to vector<16xf32>
      %gt3A_815 = arith.cmpf ogt, %get3A_812, %gt3A_814 : vector<16xf32>
      %jit3A_816 = arith.constant 1.000000e+00 : f32
      %jit3A_817 = arith.constant 0.000000e+00 : f32
      %broadcast_in_dim3A_818 = vector.broadcast %jit3A_816 : f32 to vector<16xf32>
      %broadcast_in_dim3A_819 = vector.broadcast %jit3A_817 : f32 to vector<16xf32>
      %select_n3A_820 = arith.select %gt3A_815, %broadcast_in_dim3A_818, %broadcast_in_dim3A_819 : vector<16xi1>, vector<16xf32>
      %get3A_821 = arith.constant 208 : index
      %get3A_822 = tpu.vector_load %arg6[%get3A_821] {strides = array<i32>} : memref<7840xf32, #tpu.memory_space<vmem>>, vector<16xf32>,
      %get3A_823 = vector.shape_cast %get3A_822 : vector<16xf32> to vector<16xf32>
      %mul3A_824 = arith.mulf %select_n3A_820, %get3A_823 : vector<16xf32>
      %add3A_825 = arith.addf %add3A_764, %mul3A_824 : vector<16xf32>
      %get3A_826 = arith.constant 992 : index
      %get3A_827 = tpu.vector_load %arg6[%get3A_826] {strides = array<i32>} : memref<7840xf32, #tpu.memory_space<vmem>>, vector<16xf32>,
      %get3A_828 = vector.shape_cast %get3A_827 : vector<16xf32> to vector<16xf32>
      %mul3A_829 = arith.mulf %select_n3A_820, %get3A_828 : vector<16xf32>
      %add3A_830 = arith.addf %add3A_769, %mul3A_829 : vector<16xf32>
      %get3A_831 = arith.constant 1776 : index
      %get3A_832 = tpu.vector_load %arg6[%get3A_831] {strides = array<i32>} : memref<7840xf32, #tpu.memory_space<vmem>>, vector<16xf32>,
      %get3A_833 = vector.shape_cast %get3A_832 : vector<16xf32> to vector<16xf32>
      %mul3A_834 = arith.mulf %select_n3A_820, %get3A_833 : vector<16xf32>
      %add3A_835 = arith.addf %add3A_774, %mul3A_834 : vector<16xf32>
      %get3A_836 = arith.constant 2560 : index
      %get3A_837 = tpu.vector_load %arg6[%get3A_836] {strides = array<i32>} : memref<7840xf32, #tpu.memory_space<vmem>>, vector<16xf32>,
      %get3A_838 = vector.shape_cast %get3A_837 : vector<16xf32> to vector<16xf32>
      %mul3A_839 = arith.mulf %select_n3A_820, %get3A_838 : vector<16xf32>
      %add3A_840 = arith.addf %add3A_779, %mul3A_839 : vector<16xf32>
      %get3A_841 = arith.constant 3344 : index
      %get3A_842 = tpu.vector_load %arg6[%get3A_841] {strides = array<i32>} : memref<7840xf32, #tpu.memory_space<vmem>>, vector<16xf32>,
      %get3A_843 = vector.shape_cast %get3A_842 : vector<16xf32> to vector<16xf32>
      %mul3A_844 = arith.mulf %select_n3A_820, %get3A_843 : vector<16xf32>
      %add3A_845 = arith.addf %add3A_784, %mul3A_844 : vector<16xf32>
      %get3A_846 = arith.constant 4128 : index
      %get3A_847 = tpu.vector_load %arg6[%get3A_846] {strides = array<i32>} : memref<7840xf32, #tpu.memory_space<vmem>>, vector<16xf32>,
      %get3A_848 = vector.shape_cast %get3A_847 : vector<16xf32> to vector<16xf32>
      %mul3A_849 = arith.mulf %select_n3A_820, %get3A_848 : vector<16xf32>
      %add3A_850 = arith.addf %add3A_789, %mul3A_849 : vector<16xf32>
      %get3A_851 = arith.constant 4912 : index
      %get3A_852 = tpu.vector_load %arg6[%get3A_851] {strides = array<i32>} : memref<7840xf32, #tpu.memory_space<vmem>>, vector<16xf32>,
      %get3A_853 = vector.shape_cast %get3A_852 : vector<16xf32> to vector<16xf32>
      %mul3A_854 = arith.mulf %select_n3A_820, %get3A_853 : vector<16xf32>
      %add3A_855 = arith.addf %add3A_794, %mul3A_854 : vector<16xf32>
      %get3A_856 = arith.constant 5696 : index
      %get3A_857 = tpu.vector_load %arg6[%get3A_856] {strides = array<i32>} : memref<7840xf32, #tpu.memory_space<vmem>>, vector<16xf32>,
      %get3A_858 = vector.shape_cast %get3A_857 : vector<16xf32> to vector<16xf32>
      %mul3A_859 = arith.mulf %select_n3A_820, %get3A_858 : vector<16xf32>
      %add3A_860 = arith.addf %add3A_799, %mul3A_859 : vector<16xf32>
      %get3A_861 = arith.constant 6480 : index
      %get3A_862 = tpu.vector_load %arg6[%get3A_861] {strides = array<i32>} : memref<7840xf32, #tpu.memory_space<vmem>>, vector<16xf32>,
      %get3A_863 = vector.shape_cast %get3A_862 : vector<16xf32> to vector<16xf32>
      %mul3A_864 = arith.mulf %select_n3A_820, %get3A_863 : vector<16xf32>
      %add3A_865 = arith.addf %add3A_804, %mul3A_864 : vector<16xf32>
      %get3A_866 = arith.constant 7264 : index
      %get3A_867 = tpu.vector_load %arg6[%get3A_866] {strides = array<i32>} : memref<7840xf32, #tpu.memory_space<vmem>>, vector<16xf32>,
      %get3A_868 = vector.shape_cast %get3A_867 : vector<16xf32> to vector<16xf32>
      %mul3A_869 = arith.mulf %select_n3A_820, %get3A_868 : vector<16xf32>
      %add3A_870 = arith.addf %add3A_809, %mul3A_869 : vector<16xf32>
      %get3A_871 = arith.constant 224 : index
      %get3A_872 = tpu.vector_load %arg5[%get3A_871] {strides = array<i32>} : memref<784xf32, #tpu.memory_space<vmem>>, vector<16xf32>,
      %get3A_873 = vector.shape_cast %get3A_872 : vector<16xf32> to vector<16xf32>
      %gt3A_874 = arith.constant 5.000000e-01 : f32
      %gt3A_875 = vector.broadcast %gt3A_874 : f32 to vector<16xf32>
      %gt3A_876 = arith.cmpf ogt, %get3A_873, %gt3A_875 : vector<16xf32>
      %jit3A_877 = arith.constant 1.000000e+00 : f32
      %jit3A_878 = arith.constant 0.000000e+00 : f32
      %broadcast_in_dim3A_879 = vector.broadcast %jit3A_877 : f32 to vector<16xf32>
      %broadcast_in_dim3A_880 = vector.broadcast %jit3A_878 : f32 to vector<16xf32>
      %select_n3A_881 = arith.select %gt3A_876, %broadcast_in_dim3A_879, %broadcast_in_dim3A_880 : vector<16xi1>, vector<16xf32>
      %get3A_882 = arith.constant 224 : index
      %get3A_883 = tpu.vector_load %arg6[%get3A_882] {strides = array<i32>} : memref<7840xf32, #tpu.memory_space<vmem>>, vector<16xf32>,
      %get3A_884 = vector.shape_cast %get3A_883 : vector<16xf32> to vector<16xf32>
      %mul3A_885 = arith.mulf %select_n3A_881, %get3A_884 : vector<16xf32>
      %add3A_886 = arith.addf %add3A_825, %mul3A_885 : vector<16xf32>
      %get3A_887 = arith.constant 1008 : index
      %get3A_888 = tpu.vector_load %arg6[%get3A_887] {strides = array<i32>} : memref<7840xf32, #tpu.memory_space<vmem>>, vector<16xf32>,
      %get3A_889 = vector.shape_cast %get3A_888 : vector<16xf32> to vector<16xf32>
      %mul3A_890 = arith.mulf %select_n3A_881, %get3A_889 : vector<16xf32>
      %add3A_891 = arith.addf %add3A_830, %mul3A_890 : vector<16xf32>
      %get3A_892 = arith.constant 1792 : index
      %get3A_893 = tpu.vector_load %arg6[%get3A_892] {strides = array<i32>} : memref<7840xf32, #tpu.memory_space<vmem>>, vector<16xf32>,
      %get3A_894 = vector.shape_cast %get3A_893 : vector<16xf32> to vector<16xf32>
      %mul3A_895 = arith.mulf %select_n3A_881, %get3A_894 : vector<16xf32>
      %add3A_896 = arith.addf %add3A_835, %mul3A_895 : vector<16xf32>
      %get3A_897 = arith.constant 2576 : index
      %get3A_898 = tpu.vector_load %arg6[%get3A_897] {strides = array<i32>} : memref<7840xf32, #tpu.memory_space<vmem>>, vector<16xf32>,
      %get3A_899 = vector.shape_cast %get3A_898 : vector<16xf32> to vector<16xf32>
      %mul3A_900 = arith.mulf %select_n3A_881, %get3A_899 : vector<16xf32>
      %add3A_901 = arith.addf %add3A_840, %mul3A_900 : vector<16xf32>
      %get3A_902 = arith.constant 3360 : index
      %get3A_903 = tpu.vector_load %arg6[%get3A_902] {strides = array<i32>} : memref<7840xf32, #tpu.memory_space<vmem>>, vector<16xf32>,
      %get3A_904 = vector.shape_cast %get3A_903 : vector<16xf32> to vector<16xf32>
      %mul3A_905 = arith.mulf %select_n3A_881, %get3A_904 : vector<16xf32>
      %add3A_906 = arith.addf %add3A_845, %mul3A_905 : vector<16xf32>
      %get3A_907 = arith.constant 4144 : index
      %get3A_908 = tpu.vector_load %arg6[%get3A_907] {strides = array<i32>} : memref<7840xf32, #tpu.memory_space<vmem>>, vector<16xf32>,
      %get3A_909 = vector.shape_cast %get3A_908 : vector<16xf32> to vector<16xf32>
      %mul3A_910 = arith.mulf %select_n3A_881, %get3A_909 : vector<16xf32>
      %add3A_911 = arith.addf %add3A_850, %mul3A_910 : vector<16xf32>
      %get3A_912 = arith.constant 4928 : index
      %get3A_913 = tpu.vector_load %arg6[%get3A_912] {strides = array<i32>} : memref<7840xf32, #tpu.memory_space<vmem>>, vector<16xf32>,
      %get3A_914 = vector.shape_cast %get3A_913 : vector<16xf32> to vector<16xf32>
      %mul3A_915 = arith.mulf %select_n3A_881, %get3A_914 : vector<16xf32>
      %add3A_916 = arith.addf %add3A_855, %mul3A_915 : vector<16xf32>
      %get3A_917 = arith.constant 5712 : index
      %get3A_918 = tpu.vector_load %arg6[%get3A_917] {strides = array<i32>} : memref<7840xf32, #tpu.memory_space<vmem>>, vector<16xf32>,
      %get3A_919 = vector.shape_cast %get3A_918 : vector<16xf32> to vector<16xf32>
      %mul3A_920 = arith.mulf %select_n3A_881, %get3A_919 : vector<16xf32>
      %add3A_921 = arith.addf %add3A_860, %mul3A_920 : vector<16xf32>
      %get3A_922 = arith.constant 6496 : index
      %get3A_923 = tpu.vector_load %arg6[%get3A_922] {strides = array<i32>} : memref<7840xf32, #tpu.memory_space<vmem>>, vector<16xf32>,
      %get3A_924 = vector.shape_cast %get3A_923 : vector<16xf32> to vector<16xf32>
      %mul3A_925 = arith.mulf %select_n3A_881, %get3A_924 : vector<16xf32>
      %add3A_926 = arith.addf %add3A_865, %mul3A_925 : vector<16xf32>
      %get3A_927 = arith.constant 7280 : index
      %get3A_928 = tpu.vector_load %arg6[%get3A_927] {strides = array<i32>} : memref<7840xf32, #tpu.memory_space<vmem>>, vector<16xf32>,
      %get3A_929 = vector.shape_cast %get3A_928 : vector<16xf32> to vector<16xf32>
      %mul3A_930 = arith.mulf %select_n3A_881, %get3A_929 : vector<16xf32>
      %add3A_931 = arith.addf %add3A_870, %mul3A_930 : vector<16xf32>
      %get3A_932 = arith.constant 240 : index
      %get3A_933 = tpu.vector_load %arg5[%get3A_932] {strides = array<i32>} : memref<784xf32, #tpu.memory_space<vmem>>, vector<16xf32>,
      %get3A_934 = vector.shape_cast %get3A_933 : vector<16xf32> to vector<16xf32>
      %gt3A_935 = arith.constant 5.000000e-01 : f32
      %gt3A_936 = vector.broadcast %gt3A_935 : f32 to vector<16xf32>
      %gt3A_937 = arith.cmpf ogt, %get3A_934, %gt3A_936 : vector<16xf32>
      %jit3A_938 = arith.constant 1.000000e+00 : f32
      %jit3A_939 = arith.constant 0.000000e+00 : f32
      %broadcast_in_dim3A_940 = vector.broadcast %jit3A_938 : f32 to vector<16xf32>
      %broadcast_in_dim3A_941 = vector.broadcast %jit3A_939 : f32 to vector<16xf32>
      %select_n3A_942 = arith.select %gt3A_937, %broadcast_in_dim3A_940, %broadcast_in_dim3A_941 : vector<16xi1>, vector<16xf32>
      %get3A_943 = arith.constant 240 : index
      %get3A_944 = tpu.vector_load %arg6[%get3A_943] {strides = array<i32>} : memref<7840xf32, #tpu.memory_space<vmem>>, vector<16xf32>,
      %get3A_945 = vector.shape_cast %get3A_944 : vector<16xf32> to vector<16xf32>
      %mul3A_946 = arith.mulf %select_n3A_942, %get3A_945 : vector<16xf32>
      %add3A_947 = arith.addf %add3A_886, %mul3A_946 : vector<16xf32>
      %get3A_948 = arith.constant 1024 : index
      %get3A_949 = tpu.vector_load %arg6[%get3A_948] {strides = array<i32>} : memref<7840xf32, #tpu.memory_space<vmem>>, vector<16xf32>,
      %get3A_950 = vector.shape_cast %get3A_949 : vector<16xf32> to vector<16xf32>
      %mul3A_951 = arith.mulf %select_n3A_942, %get3A_950 : vector<16xf32>
      %add3A_952 = arith.addf %add3A_891, %mul3A_951 : vector<16xf32>
      %get3A_953 = arith.constant 1808 : index
      %get3A_954 = tpu.vector_load %arg6[%get3A_953] {strides = array<i32>} : memref<7840xf32, #tpu.memory_space<vmem>>, vector<16xf32>,
      %get3A_955 = vector.shape_cast %get3A_954 : vector<16xf32> to vector<16xf32>
      %mul3A_956 = arith.mulf %select_n3A_942, %get3A_955 : vector<16xf32>
      %add3A_957 = arith.addf %add3A_896, %mul3A_956 : vector<16xf32>
      %get3A_958 = arith.constant 2592 : index
      %get3A_959 = tpu.vector_load %arg6[%get3A_958] {strides = array<i32>} : memref<7840xf32, #tpu.memory_space<vmem>>, vector<16xf32>,
      %get3A_960 = vector.shape_cast %get3A_959 : vector<16xf32> to vector<16xf32>
      %mul3A_961 = arith.mulf %select_n3A_942, %get3A_960 : vector<16xf32>
      %add3A_962 = arith.addf %add3A_901, %mul3A_961 : vector<16xf32>
      %get3A_963 = arith.constant 3376 : index
      %get3A_964 = tpu.vector_load %arg6[%get3A_963] {strides = array<i32>} : memref<7840xf32, #tpu.memory_space<vmem>>, vector<16xf32>,
      %get3A_965 = vector.shape_cast %get3A_964 : vector<16xf32> to vector<16xf32>
      %mul3A_966 = arith.mulf %select_n3A_942, %get3A_965 : vector<16xf32>
      %add3A_967 = arith.addf %add3A_906, %mul3A_966 : vector<16xf32>
      %get3A_968 = arith.constant 4160 : index
      %get3A_969 = tpu.vector_load %arg6[%get3A_968] {strides = array<i32>} : memref<7840xf32, #tpu.memory_space<vmem>>, vector<16xf32>,
      %get3A_970 = vector.shape_cast %get3A_969 : vector<16xf32> to vector<16xf32>
      %mul3A_971 = arith.mulf %select_n3A_942, %get3A_970 : vector<16xf32>
      %add3A_972 = arith.addf %add3A_911, %mul3A_971 : vector<16xf32>
      %get3A_973 = arith.constant 4944 : index
      %get3A_974 = tpu.vector_load %arg6[%get3A_973] {strides = array<i32>} : memref<7840xf32, #tpu.memory_space<vmem>>, vector<16xf32>,
      %get3A_975 = vector.shape_cast %get3A_974 : vector<16xf32> to vector<16xf32>
      %mul3A_976 = arith.mulf %select_n3A_942, %get3A_975 : vector<16xf32>
      %add3A_977 = arith.addf %add3A_916, %mul3A_976 : vector<16xf32>
      %get3A_978 = arith.constant 5728 : index
      %get3A_979 = tpu.vector_load %arg6[%get3A_978] {strides = array<i32>} : memref<7840xf32, #tpu.memory_space<vmem>>, vector<16xf32>,
      %get3A_980 = vector.shape_cast %get3A_979 : vector<16xf32> to vector<16xf32>
      %mul3A_981 = arith.mulf %select_n3A_942, %get3A_980 : vector<16xf32>
      %add3A_982 = arith.addf %add3A_921, %mul3A_981 : vector<16xf32>
      %get3A_983 = arith.constant 6512 : index
      %get3A_984 = tpu.vector_load %arg6[%get3A_983] {strides = array<i32>} : memref<7840xf32, #tpu.memory_space<vmem>>, vector<16xf32>,
      %get3A_985 = vector.shape_cast %get3A_984 : vector<16xf32> to vector<16xf32>
      %mul3A_986 = arith.mulf %select_n3A_942, %get3A_985 : vector<16xf32>
      %add3A_987 = arith.addf %add3A_926, %mul3A_986 : vector<16xf32>
      %get3A_988 = arith.constant 7296 : index
      %get3A_989 = tpu.vector_load %arg6[%get3A_988] {strides = array<i32>} : memref<7840xf32, #tpu.memory_space<vmem>>, vector<16xf32>,
      %get3A_990 = vector.shape_cast %get3A_989 : vector<16xf32> to vector<16xf32>
      %mul3A_991 = arith.mulf %select_n3A_942, %get3A_990 : vector<16xf32>
      %add3A_992 = arith.addf %add3A_931, %mul3A_991 : vector<16xf32>
      %get3A_993 = arith.constant 256 : index
      %get3A_994 = tpu.vector_load %arg5[%get3A_993] {strides = array<i32>} : memref<784xf32, #tpu.memory_space<vmem>>, vector<16xf32>,
      %get3A_995 = vector.shape_cast %get3A_994 : vector<16xf32> to vector<16xf32>
      %gt3A_996 = arith.constant 5.000000e-01 : f32
      %gt3A_997 = vector.broadcast %gt3A_996 : f32 to vector<16xf32>
      %gt3A_998 = arith.cmpf ogt, %get3A_995, %gt3A_997 : vector<16xf32>
      %jit3A_999 = arith.constant 1.000000e+00 : f32
      %jit3A_1000 = arith.constant 0.000000e+00 : f32
      %broadcast_in_dim3A_1001 = vector.broadcast %jit3A_999 : f32 to vector<16xf32>
      %broadcast_in_dim3A_1002 = vector.broadcast %jit3A_1000 : f32 to vector<16xf32>
      %select_n3A_1003 = arith.select %gt3A_998, %broadcast_in_dim3A_1001, %broadcast_in_dim3A_1002 : vector<16xi1>, vector<16xf32>
      %get3A_1004 = arith.constant 256 : index
      %get3A_1005 = tpu.vector_load %arg6[%get3A_1004] {strides = array<i32>} : memref<7840xf32, #tpu.memory_space<vmem>>, vector<16xf32>,
      %get3A_1006 = vector.shape_cast %get3A_1005 : vector<16xf32> to vector<16xf32>
      %mul3A_1007 = arith.mulf %select_n3A_1003, %get3A_1006 : vector<16xf32>
      %add3A_1008 = arith.addf %add3A_947, %mul3A_1007 : vector<16xf32>
      %get3A_1009 = arith.constant 1040 : index
      %get3A_1010 = tpu.vector_load %arg6[%get3A_1009] {strides = array<i32>} : memref<7840xf32, #tpu.memory_space<vmem>>, vector<16xf32>,
      %get3A_1011 = vector.shape_cast %get3A_1010 : vector<16xf32> to vector<16xf32>
      %mul3A_1012 = arith.mulf %select_n3A_1003, %get3A_1011 : vector<16xf32>
      %add3A_1013 = arith.addf %add3A_952, %mul3A_1012 : vector<16xf32>
      %get3A_1014 = arith.constant 1824 : index
      %get3A_1015 = tpu.vector_load %arg6[%get3A_1014] {strides = array<i32>} : memref<7840xf32, #tpu.memory_space<vmem>>, vector<16xf32>,
      %get3A_1016 = vector.shape_cast %get3A_1015 : vector<16xf32> to vector<16xf32>
      %mul3A_1017 = arith.mulf %select_n3A_1003, %get3A_1016 : vector<16xf32>
      %add3A_1018 = arith.addf %add3A_957, %mul3A_1017 : vector<16xf32>
      %get3A_1019 = arith.constant 2608 : index
      %get3A_1020 = tpu.vector_load %arg6[%get3A_1019] {strides = array<i32>} : memref<7840xf32, #tpu.memory_space<vmem>>, vector<16xf32>,
      %get3A_1021 = vector.shape_cast %get3A_1020 : vector<16xf32> to vector<16xf32>
      %mul3A_1022 = arith.mulf %select_n3A_1003, %get3A_1021 : vector<16xf32>
      %add3A_1023 = arith.addf %add3A_962, %mul3A_1022 : vector<16xf32>
      %get3A_1024 = arith.constant 3392 : index
      %get3A_1025 = tpu.vector_load %arg6[%get3A_1024] {strides = array<i32>} : memref<7840xf32, #tpu.memory_space<vmem>>, vector<16xf32>,
      %get3A_1026 = vector.shape_cast %get3A_1025 : vector<16xf32> to vector<16xf32>
      %mul3A_1027 = arith.mulf %select_n3A_1003, %get3A_1026 : vector<16xf32>
      %add3A_1028 = arith.addf %add3A_967, %mul3A_1027 : vector<16xf32>
      %get3A_1029 = arith.constant 4176 : index
      %get3A_1030 = tpu.vector_load %arg6[%get3A_1029] {strides = array<i32>} : memref<7840xf32, #tpu.memory_space<vmem>>, vector<16xf32>,
      %get3A_1031 = vector.shape_cast %get3A_1030 : vector<16xf32> to vector<16xf32>
      %mul3A_1032 = arith.mulf %select_n3A_1003, %get3A_1031 : vector<16xf32>
      %add3A_1033 = arith.addf %add3A_972, %mul3A_1032 : vector<16xf32>
      %get3A_1034 = arith.constant 4960 : index
      %get3A_1035 = tpu.vector_load %arg6[%get3A_1034] {strides = array<i32>} : memref<7840xf32, #tpu.memory_space<vmem>>, vector<16xf32>,
      %get3A_1036 = vector.shape_cast %get3A_1035 : vector<16xf32> to vector<16xf32>
      %mul3A_1037 = arith.mulf %select_n3A_1003, %get3A_1036 : vector<16xf32>
      %add3A_1038 = arith.addf %add3A_977, %mul3A_1037 : vector<16xf32>
      %get3A_1039 = arith.constant 5744 : index
      %get3A_1040 = tpu.vector_load %arg6[%get3A_1039] {strides = array<i32>} : memref<7840xf32, #tpu.memory_space<vmem>>, vector<16xf32>,
      %get3A_1041 = vector.shape_cast %get3A_1040 : vector<16xf32> to vector<16xf32>
      %mul3A_1042 = arith.mulf %select_n3A_1003, %get3A_1041 : vector<16xf32>
      %add3A_1043 = arith.addf %add3A_982, %mul3A_1042 : vector<16xf32>
      %get3A_1044 = arith.constant 6528 : index
      %get3A_1045 = tpu.vector_load %arg6[%get3A_1044] {strides = array<i32>} : memref<7840xf32, #tpu.memory_space<vmem>>, vector<16xf32>,
      %get3A_1046 = vector.shape_cast %get3A_1045 : vector<16xf32> to vector<16xf32>
      %mul3A_1047 = arith.mulf %select_n3A_1003, %get3A_1046 : vector<16xf32>
      %add3A_1048 = arith.addf %add3A_987, %mul3A_1047 : vector<16xf32>
      %get3A_1049 = arith.constant 7312 : index
      %get3A_1050 = tpu.vector_load %arg6[%get3A_1049] {strides = array<i32>} : memref<7840xf32, #tpu.memory_space<vmem>>, vector<16xf32>,
      %get3A_1051 = vector.shape_cast %get3A_1050 : vector<16xf32> to vector<16xf32>
      %mul3A_1052 = arith.mulf %select_n3A_1003, %get3A_1051 : vector<16xf32>
      %add3A_1053 = arith.addf %add3A_992, %mul3A_1052 : vector<16xf32>
      %get3A_1054 = arith.constant 272 : index
      %get3A_1055 = tpu.vector_load %arg5[%get3A_1054] {strides = array<i32>} : memref<784xf32, #tpu.memory_space<vmem>>, vector<16xf32>,
      %get3A_1056 = vector.shape_cast %get3A_1055 : vector<16xf32> to vector<16xf32>
      %gt3A_1057 = arith.constant 5.000000e-01 : f32
      %gt3A_1058 = vector.broadcast %gt3A_1057 : f32 to vector<16xf32>
      %gt3A_1059 = arith.cmpf ogt, %get3A_1056, %gt3A_1058 : vector<16xf32>
      %jit3A_1060 = arith.constant 1.000000e+00 : f32
      %jit3A_1061 = arith.constant 0.000000e+00 : f32
      %broadcast_in_dim3A_1062 = vector.broadcast %jit3A_1060 : f32 to vector<16xf32>
      %broadcast_in_dim3A_1063 = vector.broadcast %jit3A_1061 : f32 to vector<16xf32>
      %select_n3A_1064 = arith.select %gt3A_1059, %broadcast_in_dim3A_1062, %broadcast_in_dim3A_1063 : vector<16xi1>, vector<16xf32>
      %get3A_1065 = arith.constant 272 : index
      %get3A_1066 = tpu.vector_load %arg6[%get3A_1065] {strides = array<i32>} : memref<7840xf32, #tpu.memory_space<vmem>>, vector<16xf32>,
      %get3A_1067 = vector.shape_cast %get3A_1066 : vector<16xf32> to vector<16xf32>
      %mul3A_1068 = arith.mulf %select_n3A_1064, %get3A_1067 : vector<16xf32>
      %add3A_1069 = arith.addf %add3A_1008, %mul3A_1068 : vector<16xf32>
      %get3A_1070 = arith.constant 1056 : index
      %get3A_1071 = tpu.vector_load %arg6[%get3A_1070] {strides = array<i32>} : memref<7840xf32, #tpu.memory_space<vmem>>, vector<16xf32>,
      %get3A_1072 = vector.shape_cast %get3A_1071 : vector<16xf32> to vector<16xf32>
      %mul3A_1073 = arith.mulf %select_n3A_1064, %get3A_1072 : vector<16xf32>
      %add3A_1074 = arith.addf %add3A_1013, %mul3A_1073 : vector<16xf32>
      %get3A_1075 = arith.constant 1840 : index
      %get3A_1076 = tpu.vector_load %arg6[%get3A_1075] {strides = array<i32>} : memref<7840xf32, #tpu.memory_space<vmem>>, vector<16xf32>,
      %get3A_1077 = vector.shape_cast %get3A_1076 : vector<16xf32> to vector<16xf32>
      %mul3A_1078 = arith.mulf %select_n3A_1064, %get3A_1077 : vector<16xf32>
      %add3A_1079 = arith.addf %add3A_1018, %mul3A_1078 : vector<16xf32>
      %get3A_1080 = arith.constant 2624 : index
      %get3A_1081 = tpu.vector_load %arg6[%get3A_1080] {strides = array<i32>} : memref<7840xf32, #tpu.memory_space<vmem>>, vector<16xf32>,
      %get3A_1082 = vector.shape_cast %get3A_1081 : vector<16xf32> to vector<16xf32>
      %mul3A_1083 = arith.mulf %select_n3A_1064, %get3A_1082 : vector<16xf32>
      %add3A_1084 = arith.addf %add3A_1023, %mul3A_1083 : vector<16xf32>
      %get3A_1085 = arith.constant 3408 : index
      %get3A_1086 = tpu.vector_load %arg6[%get3A_1085] {strides = array<i32>} : memref<7840xf32, #tpu.memory_space<vmem>>, vector<16xf32>,
      %get3A_1087 = vector.shape_cast %get3A_1086 : vector<16xf32> to vector<16xf32>
      %mul3A_1088 = arith.mulf %select_n3A_1064, %get3A_1087 : vector<16xf32>
      %add3A_1089 = arith.addf %add3A_1028, %mul3A_1088 : vector<16xf32>
      %get3A_1090 = arith.constant 4192 : index
      %get3A_1091 = tpu.vector_load %arg6[%get3A_1090] {strides = array<i32>} : memref<7840xf32, #tpu.memory_space<vmem>>, vector<16xf32>,
      %get3A_1092 = vector.shape_cast %get3A_1091 : vector<16xf32> to vector<16xf32>
      %mul3A_1093 = arith.mulf %select_n3A_1064, %get3A_1092 : vector<16xf32>
      %add3A_1094 = arith.addf %add3A_1033, %mul3A_1093 : vector<16xf32>
      %get3A_1095 = arith.constant 4976 : index
      %get3A_1096 = tpu.vector_load %arg6[%get3A_1095] {strides = array<i32>} : memref<7840xf32, #tpu.memory_space<vmem>>, vector<16xf32>,
      %get3A_1097 = vector.shape_cast %get3A_1096 : vector<16xf32> to vector<16xf32>
      %mul3A_1098 = arith.mulf %select_n3A_1064, %get3A_1097 : vector<16xf32>
      %add3A_1099 = arith.addf %add3A_1038, %mul3A_1098 : vector<16xf32>
      %get3A_1100 = arith.constant 5760 : index
      %get3A_1101 = tpu.vector_load %arg6[%get3A_1100] {strides = array<i32>} : memref<7840xf32, #tpu.memory_space<vmem>>, vector<16xf32>,
      %get3A_1102 = vector.shape_cast %get3A_1101 : vector<16xf32> to vector<16xf32>
      %mul3A_1103 = arith.mulf %select_n3A_1064, %get3A_1102 : vector<16xf32>
      %add3A_1104 = arith.addf %add3A_1043, %mul3A_1103 : vector<16xf32>
      %get3A_1105 = arith.constant 6544 : index
      %get3A_1106 = tpu.vector_load %arg6[%get3A_1105] {strides = array<i32>} : memref<7840xf32, #tpu.memory_space<vmem>>, vector<16xf32>,
      %get3A_1107 = vector.shape_cast %get3A_1106 : vector<16xf32> to vector<16xf32>
      %mul3A_1108 = arith.mulf %select_n3A_1064, %get3A_1107 : vector<16xf32>
      %add3A_1109 = arith.addf %add3A_1048, %mul3A_1108 : vector<16xf32>
      %get3A_1110 = arith.constant 7328 : index
      %get3A_1111 = tpu.vector_load %arg6[%get3A_1110] {strides = array<i32>} : memref<7840xf32, #tpu.memory_space<vmem>>, vector<16xf32>,
      %get3A_1112 = vector.shape_cast %get3A_1111 : vector<16xf32> to vector<16xf32>
      %mul3A_1113 = arith.mulf %select_n3A_1064, %get3A_1112 : vector<16xf32>
      %add3A_1114 = arith.addf %add3A_1053, %mul3A_1113 : vector<16xf32>
      %get3A_1115 = arith.constant 288 : index
      %get3A_1116 = tpu.vector_load %arg5[%get3A_1115] {strides = array<i32>} : memref<784xf32, #tpu.memory_space<vmem>>, vector<16xf32>,
      %get3A_1117 = vector.shape_cast %get3A_1116 : vector<16xf32> to vector<16xf32>
      %gt3A_1118 = arith.constant 5.000000e-01 : f32
      %gt3A_1119 = vector.broadcast %gt3A_1118 : f32 to vector<16xf32>
      %gt3A_1120 = arith.cmpf ogt, %get3A_1117, %gt3A_1119 : vector<16xf32>
      %jit3A_1121 = arith.constant 1.000000e+00 : f32
      %jit3A_1122 = arith.constant 0.000000e+00 : f32
      %broadcast_in_dim3A_1123 = vector.broadcast %jit3A_1121 : f32 to vector<16xf32>
      %broadcast_in_dim3A_1124 = vector.broadcast %jit3A_1122 : f32 to vector<16xf32>
      %select_n3A_1125 = arith.select %gt3A_1120, %broadcast_in_dim3A_1123, %broadcast_in_dim3A_1124 : vector<16xi1>, vector<16xf32>
      %get3A_1126 = arith.constant 288 : index
      %get3A_1127 = tpu.vector_load %arg6[%get3A_1126] {strides = array<i32>} : memref<7840xf32, #tpu.memory_space<vmem>>, vector<16xf32>,
      %get3A_1128 = vector.shape_cast %get3A_1127 : vector<16xf32> to vector<16xf32>
      %mul3A_1129 = arith.mulf %select_n3A_1125, %get3A_1128 : vector<16xf32>
      %add3A_1130 = arith.addf %add3A_1069, %mul3A_1129 : vector<16xf32>
      %get3A_1131 = arith.constant 1072 : index
      %get3A_1132 = tpu.vector_load %arg6[%get3A_1131] {strides = array<i32>} : memref<7840xf32, #tpu.memory_space<vmem>>, vector<16xf32>,
      %get3A_1133 = vector.shape_cast %get3A_1132 : vector<16xf32> to vector<16xf32>
      %mul3A_1134 = arith.mulf %select_n3A_1125, %get3A_1133 : vector<16xf32>
      %add3A_1135 = arith.addf %add3A_1074, %mul3A_1134 : vector<16xf32>
      %get3A_1136 = arith.constant 1856 : index
      %get3A_1137 = tpu.vector_load %arg6[%get3A_1136] {strides = array<i32>} : memref<7840xf32, #tpu.memory_space<vmem>>, vector<16xf32>,
      %get3A_1138 = vector.shape_cast %get3A_1137 : vector<16xf32> to vector<16xf32>
      %mul3A_1139 = arith.mulf %select_n3A_1125, %get3A_1138 : vector<16xf32>
      %add3A_1140 = arith.addf %add3A_1079, %mul3A_1139 : vector<16xf32>
      %get3A_1141 = arith.constant 2640 : index
      %get3A_1142 = tpu.vector_load %arg6[%get3A_1141] {strides = array<i32>} : memref<7840xf32, #tpu.memory_space<vmem>>, vector<16xf32>,
      %get3A_1143 = vector.shape_cast %get3A_1142 : vector<16xf32> to vector<16xf32>
      %mul3A_1144 = arith.mulf %select_n3A_1125, %get3A_1143 : vector<16xf32>
      %add3A_1145 = arith.addf %add3A_1084, %mul3A_1144 : vector<16xf32>
      %get3A_1146 = arith.constant 3424 : index
      %get3A_1147 = tpu.vector_load %arg6[%get3A_1146] {strides = array<i32>} : memref<7840xf32, #tpu.memory_space<vmem>>, vector<16xf32>,
      %get3A_1148 = vector.shape_cast %get3A_1147 : vector<16xf32> to vector<16xf32>
      %mul3A_1149 = arith.mulf %select_n3A_1125, %get3A_1148 : vector<16xf32>
      %add3A_1150 = arith.addf %add3A_1089, %mul3A_1149 : vector<16xf32>
      %get3A_1151 = arith.constant 4208 : index
      %get3A_1152 = tpu.vector_load %arg6[%get3A_1151] {strides = array<i32>} : memref<7840xf32, #tpu.memory_space<vmem>>, vector<16xf32>,
      %get3A_1153 = vector.shape_cast %get3A_1152 : vector<16xf32> to vector<16xf32>
      %mul3A_1154 = arith.mulf %select_n3A_1125, %get3A_1153 : vector<16xf32>
      %add3A_1155 = arith.addf %add3A_1094, %mul3A_1154 : vector<16xf32>
      %get3A_1156 = arith.constant 4992 : index
      %get3A_1157 = tpu.vector_load %arg6[%get3A_1156] {strides = array<i32>} : memref<7840xf32, #tpu.memory_space<vmem>>, vector<16xf32>,
      %get3A_1158 = vector.shape_cast %get3A_1157 : vector<16xf32> to vector<16xf32>
      %mul3A_1159 = arith.mulf %select_n3A_1125, %get3A_1158 : vector<16xf32>
      %add3A_1160 = arith.addf %add3A_1099, %mul3A_1159 : vector<16xf32>
      %get3A_1161 = arith.constant 5776 : index
      %get3A_1162 = tpu.vector_load %arg6[%get3A_1161] {strides = array<i32>} : memref<7840xf32, #tpu.memory_space<vmem>>, vector<16xf32>,
      %get3A_1163 = vector.shape_cast %get3A_1162 : vector<16xf32> to vector<16xf32>
      %mul3A_1164 = arith.mulf %select_n3A_1125, %get3A_1163 : vector<16xf32>
      %add3A_1165 = arith.addf %add3A_1104, %mul3A_1164 : vector<16xf32>
      %get3A_1166 = arith.constant 6560 : index
      %get3A_1167 = tpu.vector_load %arg6[%get3A_1166] {strides = array<i32>} : memref<7840xf32, #tpu.memory_space<vmem>>, vector<16xf32>,
      %get3A_1168 = vector.shape_cast %get3A_1167 : vector<16xf32> to vector<16xf32>
      %mul3A_1169 = arith.mulf %select_n3A_1125, %get3A_1168 : vector<16xf32>
      %add3A_1170 = arith.addf %add3A_1109, %mul3A_1169 : vector<16xf32>
      %get3A_1171 = arith.constant 7344 : index
      %get3A_1172 = tpu.vector_load %arg6[%get3A_1171] {strides = array<i32>} : memref<7840xf32, #tpu.memory_space<vmem>>, vector<16xf32>,
      %get3A_1173 = vector.shape_cast %get3A_1172 : vector<16xf32> to vector<16xf32>
      %mul3A_1174 = arith.mulf %select_n3A_1125, %get3A_1173 : vector<16xf32>
      %add3A_1175 = arith.addf %add3A_1114, %mul3A_1174 : vector<16xf32>
      %get3A_1176 = arith.constant 304 : index
      %get3A_1177 = tpu.vector_load %arg5[%get3A_1176] {strides = array<i32>} : memref<784xf32, #tpu.memory_space<vmem>>, vector<16xf32>,
      %get3A_1178 = vector.shape_cast %get3A_1177 : vector<16xf32> to vector<16xf32>
      %gt3A_1179 = arith.constant 5.000000e-01 : f32
      %gt3A_1180 = vector.broadcast %gt3A_1179 : f32 to vector<16xf32>
      %gt3A_1181 = arith.cmpf ogt, %get3A_1178, %gt3A_1180 : vector<16xf32>
      %jit3A_1182 = arith.constant 1.000000e+00 : f32
      %jit3A_1183 = arith.constant 0.000000e+00 : f32
      %broadcast_in_dim3A_1184 = vector.broadcast %jit3A_1182 : f32 to vector<16xf32>
      %broadcast_in_dim3A_1185 = vector.broadcast %jit3A_1183 : f32 to vector<16xf32>
      %select_n3A_1186 = arith.select %gt3A_1181, %broadcast_in_dim3A_1184, %broadcast_in_dim3A_1185 : vector<16xi1>, vector<16xf32>
      %get3A_1187 = arith.constant 304 : index
      %get3A_1188 = tpu.vector_load %arg6[%get3A_1187] {strides = array<i32>} : memref<7840xf32, #tpu.memory_space<vmem>>, vector<16xf32>,
      %get3A_1189 = vector.shape_cast %get3A_1188 : vector<16xf32> to vector<16xf32>
      %mul3A_1190 = arith.mulf %select_n3A_1186, %get3A_1189 : vector<16xf32>
      %add3A_1191 = arith.addf %add3A_1130, %mul3A_1190 : vector<16xf32>
      %get3A_1192 = arith.constant 1088 : index
      %get3A_1193 = tpu.vector_load %arg6[%get3A_1192] {strides = array<i32>} : memref<7840xf32, #tpu.memory_space<vmem>>, vector<16xf32>,
      %get3A_1194 = vector.shape_cast %get3A_1193 : vector<16xf32> to vector<16xf32>
      %mul3A_1195 = arith.mulf %select_n3A_1186, %get3A_1194 : vector<16xf32>
      %add3A_1196 = arith.addf %add3A_1135, %mul3A_1195 : vector<16xf32>
      %get3A_1197 = arith.constant 1872 : index
      %get3A_1198 = tpu.vector_load %arg6[%get3A_1197] {strides = array<i32>} : memref<7840xf32, #tpu.memory_space<vmem>>, vector<16xf32>,
      %get3A_1199 = vector.shape_cast %get3A_1198 : vector<16xf32> to vector<16xf32>
      %mul3A_1200 = arith.mulf %select_n3A_1186, %get3A_1199 : vector<16xf32>
      %add3A_1201 = arith.addf %add3A_1140, %mul3A_1200 : vector<16xf32>
      %get3A_1202 = arith.constant 2656 : index
      %get3A_1203 = tpu.vector_load %arg6[%get3A_1202] {strides = array<i32>} : memref<7840xf32, #tpu.memory_space<vmem>>, vector<16xf32>,
      %get3A_1204 = vector.shape_cast %get3A_1203 : vector<16xf32> to vector<16xf32>
      %mul3A_1205 = arith.mulf %select_n3A_1186, %get3A_1204 : vector<16xf32>
      %add3A_1206 = arith.addf %add3A_1145, %mul3A_1205 : vector<16xf32>
      %get3A_1207 = arith.constant 3440 : index
      %get3A_1208 = tpu.vector_load %arg6[%get3A_1207] {strides = array<i32>} : memref<7840xf32, #tpu.memory_space<vmem>>, vector<16xf32>,
      %get3A_1209 = vector.shape_cast %get3A_1208 : vector<16xf32> to vector<16xf32>
      %mul3A_1210 = arith.mulf %select_n3A_1186, %get3A_1209 : vector<16xf32>
      %add3A_1211 = arith.addf %add3A_1150, %mul3A_1210 : vector<16xf32>
      %get3A_1212 = arith.constant 4224 : index
      %get3A_1213 = tpu.vector_load %arg6[%get3A_1212] {strides = array<i32>} : memref<7840xf32, #tpu.memory_space<vmem>>, vector<16xf32>,
      %get3A_1214 = vector.shape_cast %get3A_1213 : vector<16xf32> to vector<16xf32>
      %mul3A_1215 = arith.mulf %select_n3A_1186, %get3A_1214 : vector<16xf32>
      %add3A_1216 = arith.addf %add3A_1155, %mul3A_1215 : vector<16xf32>
      %get3A_1217 = arith.constant 5008 : index
      %get3A_1218 = tpu.vector_load %arg6[%get3A_1217] {strides = array<i32>} : memref<7840xf32, #tpu.memory_space<vmem>>, vector<16xf32>,
      %get3A_1219 = vector.shape_cast %get3A_1218 : vector<16xf32> to vector<16xf32>
      %mul3A_1220 = arith.mulf %select_n3A_1186, %get3A_1219 : vector<16xf32>
      %add3A_1221 = arith.addf %add3A_1160, %mul3A_1220 : vector<16xf32>
      %get3A_1222 = arith.constant 5792 : index
      %get3A_1223 = tpu.vector_load %arg6[%get3A_1222] {strides = array<i32>} : memref<7840xf32, #tpu.memory_space<vmem>>, vector<16xf32>,
      %get3A_1224 = vector.shape_cast %get3A_1223 : vector<16xf32> to vector<16xf32>
      %mul3A_1225 = arith.mulf %select_n3A_1186, %get3A_1224 : vector<16xf32>
      %add3A_1226 = arith.addf %add3A_1165, %mul3A_1225 : vector<16xf32>
      %get3A_1227 = arith.constant 6576 : index
      %get3A_1228 = tpu.vector_load %arg6[%get3A_1227] {strides = array<i32>} : memref<7840xf32, #tpu.memory_space<vmem>>, vector<16xf32>,
      %get3A_1229 = vector.shape_cast %get3A_1228 : vector<16xf32> to vector<16xf32>
      %mul3A_1230 = arith.mulf %select_n3A_1186, %get3A_1229 : vector<16xf32>
      %add3A_1231 = arith.addf %add3A_1170, %mul3A_1230 : vector<16xf32>
      %get3A_1232 = arith.constant 7360 : index
      %get3A_1233 = tpu.vector_load %arg6[%get3A_1232] {strides = array<i32>} : memref<7840xf32, #tpu.memory_space<vmem>>, vector<16xf32>,
      %get3A_1234 = vector.shape_cast %get3A_1233 : vector<16xf32> to vector<16xf32>
      %mul3A_1235 = arith.mulf %select_n3A_1186, %get3A_1234 : vector<16xf32>
      %add3A_1236 = arith.addf %add3A_1175, %mul3A_1235 : vector<16xf32>
      %get3A_1237 = arith.constant 320 : index
      %get3A_1238 = tpu.vector_load %arg5[%get3A_1237] {strides = array<i32>} : memref<784xf32, #tpu.memory_space<vmem>>, vector<16xf32>,
      %get3A_1239 = vector.shape_cast %get3A_1238 : vector<16xf32> to vector<16xf32>
      %gt3A_1240 = arith.constant 5.000000e-01 : f32
      %gt3A_1241 = vector.broadcast %gt3A_1240 : f32 to vector<16xf32>
      %gt3A_1242 = arith.cmpf ogt, %get3A_1239, %gt3A_1241 : vector<16xf32>
      %jit3A_1243 = arith.constant 1.000000e+00 : f32
      %jit3A_1244 = arith.constant 0.000000e+00 : f32
      %broadcast_in_dim3A_1245 = vector.broadcast %jit3A_1243 : f32 to vector<16xf32>
      %broadcast_in_dim3A_1246 = vector.broadcast %jit3A_1244 : f32 to vector<16xf32>
      %select_n3A_1247 = arith.select %gt3A_1242, %broadcast_in_dim3A_1245, %broadcast_in_dim3A_1246 : vector<16xi1>, vector<16xf32>
      %get3A_1248 = arith.constant 320 : index
      %get3A_1249 = tpu.vector_load %arg6[%get3A_1248] {strides = array<i32>} : memref<7840xf32, #tpu.memory_space<vmem>>, vector<16xf32>,
      %get3A_1250 = vector.shape_cast %get3A_1249 : vector<16xf32> to vector<16xf32>
      %mul3A_1251 = arith.mulf %select_n3A_1247, %get3A_1250 : vector<16xf32>
      %add3A_1252 = arith.addf %add3A_1191, %mul3A_1251 : vector<16xf32>
      %get3A_1253 = arith.constant 1104 : index
      %get3A_1254 = tpu.vector_load %arg6[%get3A_1253] {strides = array<i32>} : memref<7840xf32, #tpu.memory_space<vmem>>, vector<16xf32>,
      %get3A_1255 = vector.shape_cast %get3A_1254 : vector<16xf32> to vector<16xf32>
      %mul3A_1256 = arith.mulf %select_n3A_1247, %get3A_1255 : vector<16xf32>
      %add3A_1257 = arith.addf %add3A_1196, %mul3A_1256 : vector<16xf32>
      %get3A_1258 = arith.constant 1888 : index
      %get3A_1259 = tpu.vector_load %arg6[%get3A_1258] {strides = array<i32>} : memref<7840xf32, #tpu.memory_space<vmem>>, vector<16xf32>,
      %get3A_1260 = vector.shape_cast %get3A_1259 : vector<16xf32> to vector<16xf32>
      %mul3A_1261 = arith.mulf %select_n3A_1247, %get3A_1260 : vector<16xf32>
      %add3A_1262 = arith.addf %add3A_1201, %mul3A_1261 : vector<16xf32>
      %get3A_1263 = arith.constant 2672 : index
      %get3A_1264 = tpu.vector_load %arg6[%get3A_1263] {strides = array<i32>} : memref<7840xf32, #tpu.memory_space<vmem>>, vector<16xf32>,
      %get3A_1265 = vector.shape_cast %get3A_1264 : vector<16xf32> to vector<16xf32>
      %mul3A_1266 = arith.mulf %select_n3A_1247, %get3A_1265 : vector<16xf32>
      %add3A_1267 = arith.addf %add3A_1206, %mul3A_1266 : vector<16xf32>
      %get3A_1268 = arith.constant 3456 : index
      %get3A_1269 = tpu.vector_load %arg6[%get3A_1268] {strides = array<i32>} : memref<7840xf32, #tpu.memory_space<vmem>>, vector<16xf32>,
      %get3A_1270 = vector.shape_cast %get3A_1269 : vector<16xf32> to vector<16xf32>
      %mul3A_1271 = arith.mulf %select_n3A_1247, %get3A_1270 : vector<16xf32>
      %add3A_1272 = arith.addf %add3A_1211, %mul3A_1271 : vector<16xf32>
      %get3A_1273 = arith.constant 4240 : index
      %get3A_1274 = tpu.vector_load %arg6[%get3A_1273] {strides = array<i32>} : memref<7840xf32, #tpu.memory_space<vmem>>, vector<16xf32>,
      %get3A_1275 = vector.shape_cast %get3A_1274 : vector<16xf32> to vector<16xf32>
      %mul3A_1276 = arith.mulf %select_n3A_1247, %get3A_1275 : vector<16xf32>
      %add3A_1277 = arith.addf %add3A_1216, %mul3A_1276 : vector<16xf32>
      %get3A_1278 = arith.constant 5024 : index
      %get3A_1279 = tpu.vector_load %arg6[%get3A_1278] {strides = array<i32>} : memref<7840xf32, #tpu.memory_space<vmem>>, vector<16xf32>,
      %get3A_1280 = vector.shape_cast %get3A_1279 : vector<16xf32> to vector<16xf32>
      %mul3A_1281 = arith.mulf %select_n3A_1247, %get3A_1280 : vector<16xf32>
      %add3A_1282 = arith.addf %add3A_1221, %mul3A_1281 : vector<16xf32>
      %get3A_1283 = arith.constant 5808 : index
      %get3A_1284 = tpu.vector_load %arg6[%get3A_1283] {strides = array<i32>} : memref<7840xf32, #tpu.memory_space<vmem>>, vector<16xf32>,
      %get3A_1285 = vector.shape_cast %get3A_1284 : vector<16xf32> to vector<16xf32>
      %mul3A_1286 = arith.mulf %select_n3A_1247, %get3A_1285 : vector<16xf32>
      %add3A_1287 = arith.addf %add3A_1226, %mul3A_1286 : vector<16xf32>
      %get3A_1288 = arith.constant 6592 : index
      %get3A_1289 = tpu.vector_load %arg6[%get3A_1288] {strides = array<i32>} : memref<7840xf32, #tpu.memory_space<vmem>>, vector<16xf32>,
      %get3A_1290 = vector.shape_cast %get3A_1289 : vector<16xf32> to vector<16xf32>
      %mul3A_1291 = arith.mulf %select_n3A_1247, %get3A_1290 : vector<16xf32>
      %add3A_1292 = arith.addf %add3A_1231, %mul3A_1291 : vector<16xf32>
      %get3A_1293 = arith.constant 7376 : index
      %get3A_1294 = tpu.vector_load %arg6[%get3A_1293] {strides = array<i32>} : memref<7840xf32, #tpu.memory_space<vmem>>, vector<16xf32>,
      %get3A_1295 = vector.shape_cast %get3A_1294 : vector<16xf32> to vector<16xf32>
      %mul3A_1296 = arith.mulf %select_n3A_1247, %get3A_1295 : vector<16xf32>
      %add3A_1297 = arith.addf %add3A_1236, %mul3A_1296 : vector<16xf32>
      %get3A_1298 = arith.constant 336 : index
      %get3A_1299 = tpu.vector_load %arg5[%get3A_1298] {strides = array<i32>} : memref<784xf32, #tpu.memory_space<vmem>>, vector<16xf32>,
      %get3A_1300 = vector.shape_cast %get3A_1299 : vector<16xf32> to vector<16xf32>
      %gt3A_1301 = arith.constant 5.000000e-01 : f32
      %gt3A_1302 = vector.broadcast %gt3A_1301 : f32 to vector<16xf32>
      %gt3A_1303 = arith.cmpf ogt, %get3A_1300, %gt3A_1302 : vector<16xf32>
      %jit3A_1304 = arith.constant 1.000000e+00 : f32
      %jit3A_1305 = arith.constant 0.000000e+00 : f32
      %broadcast_in_dim3A_1306 = vector.broadcast %jit3A_1304 : f32 to vector<16xf32>
      %broadcast_in_dim3A_1307 = vector.broadcast %jit3A_1305 : f32 to vector<16xf32>
      %select_n3A_1308 = arith.select %gt3A_1303, %broadcast_in_dim3A_1306, %broadcast_in_dim3A_1307 : vector<16xi1>, vector<16xf32>
      %get3A_1309 = arith.constant 336 : index
      %get3A_1310 = tpu.vector_load %arg6[%get3A_1309] {strides = array<i32>} : memref<7840xf32, #tpu.memory_space<vmem>>, vector<16xf32>,
      %get3A_1311 = vector.shape_cast %get3A_1310 : vector<16xf32> to vector<16xf32>
      %mul3A_1312 = arith.mulf %select_n3A_1308, %get3A_1311 : vector<16xf32>
      %add3A_1313 = arith.addf %add3A_1252, %mul3A_1312 : vector<16xf32>
      %get3A_1314 = arith.constant 1120 : index
      %get3A_1315 = tpu.vector_load %arg6[%get3A_1314] {strides = array<i32>} : memref<7840xf32, #tpu.memory_space<vmem>>, vector<16xf32>,
      %get3A_1316 = vector.shape_cast %get3A_1315 : vector<16xf32> to vector<16xf32>
      %mul3A_1317 = arith.mulf %select_n3A_1308, %get3A_1316 : vector<16xf32>
      %add3A_1318 = arith.addf %add3A_1257, %mul3A_1317 : vector<16xf32>
      %get3A_1319 = arith.constant 1904 : index
      %get3A_1320 = tpu.vector_load %arg6[%get3A_1319] {strides = array<i32>} : memref<7840xf32, #tpu.memory_space<vmem>>, vector<16xf32>,
      %get3A_1321 = vector.shape_cast %get3A_1320 : vector<16xf32> to vector<16xf32>
      %mul3A_1322 = arith.mulf %select_n3A_1308, %get3A_1321 : vector<16xf32>
      %add3A_1323 = arith.addf %add3A_1262, %mul3A_1322 : vector<16xf32>
      %get3A_1324 = arith.constant 2688 : index
      %get3A_1325 = tpu.vector_load %arg6[%get3A_1324] {strides = array<i32>} : memref<7840xf32, #tpu.memory_space<vmem>>, vector<16xf32>,
      %get3A_1326 = vector.shape_cast %get3A_1325 : vector<16xf32> to vector<16xf32>
      %mul3A_1327 = arith.mulf %select_n3A_1308, %get3A_1326 : vector<16xf32>
      %add3A_1328 = arith.addf %add3A_1267, %mul3A_1327 : vector<16xf32>
      %get3A_1329 = arith.constant 3472 : index
      %get3A_1330 = tpu.vector_load %arg6[%get3A_1329] {strides = array<i32>} : memref<7840xf32, #tpu.memory_space<vmem>>, vector<16xf32>,
      %get3A_1331 = vector.shape_cast %get3A_1330 : vector<16xf32> to vector<16xf32>
      %mul3A_1332 = arith.mulf %select_n3A_1308, %get3A_1331 : vector<16xf32>
      %add3A_1333 = arith.addf %add3A_1272, %mul3A_1332 : vector<16xf32>
      %get3A_1334 = arith.constant 4256 : index
      %get3A_1335 = tpu.vector_load %arg6[%get3A_1334] {strides = array<i32>} : memref<7840xf32, #tpu.memory_space<vmem>>, vector<16xf32>,
      %get3A_1336 = vector.shape_cast %get3A_1335 : vector<16xf32> to vector<16xf32>
      %mul3A_1337 = arith.mulf %select_n3A_1308, %get3A_1336 : vector<16xf32>
      %add3A_1338 = arith.addf %add3A_1277, %mul3A_1337 : vector<16xf32>
      %get3A_1339 = arith.constant 5040 : index
      %get3A_1340 = tpu.vector_load %arg6[%get3A_1339] {strides = array<i32>} : memref<7840xf32, #tpu.memory_space<vmem>>, vector<16xf32>,
      %get3A_1341 = vector.shape_cast %get3A_1340 : vector<16xf32> to vector<16xf32>
      %mul3A_1342 = arith.mulf %select_n3A_1308, %get3A_1341 : vector<16xf32>
      %add3A_1343 = arith.addf %add3A_1282, %mul3A_1342 : vector<16xf32>
      %get3A_1344 = arith.constant 5824 : index
      %get3A_1345 = tpu.vector_load %arg6[%get3A_1344] {strides = array<i32>} : memref<7840xf32, #tpu.memory_space<vmem>>, vector<16xf32>,
      %get3A_1346 = vector.shape_cast %get3A_1345 : vector<16xf32> to vector<16xf32>
      %mul3A_1347 = arith.mulf %select_n3A_1308, %get3A_1346 : vector<16xf32>
      %add3A_1348 = arith.addf %add3A_1287, %mul3A_1347 : vector<16xf32>
      %get3A_1349 = arith.constant 6608 : index
      %get3A_1350 = tpu.vector_load %arg6[%get3A_1349] {strides = array<i32>} : memref<7840xf32, #tpu.memory_space<vmem>>, vector<16xf32>,
      %get3A_1351 = vector.shape_cast %get3A_1350 : vector<16xf32> to vector<16xf32>
      %mul3A_1352 = arith.mulf %select_n3A_1308, %get3A_1351 : vector<16xf32>
      %add3A_1353 = arith.addf %add3A_1292, %mul3A_1352 : vector<16xf32>
      %get3A_1354 = arith.constant 7392 : index
      %get3A_1355 = tpu.vector_load %arg6[%get3A_1354] {strides = array<i32>} : memref<7840xf32, #tpu.memory_space<vmem>>, vector<16xf32>,
      %get3A_1356 = vector.shape_cast %get3A_1355 : vector<16xf32> to vector<16xf32>
      %mul3A_1357 = arith.mulf %select_n3A_1308, %get3A_1356 : vector<16xf32>
      %add3A_1358 = arith.addf %add3A_1297, %mul3A_1357 : vector<16xf32>
      %get3A_1359 = arith.constant 352 : index
      %get3A_1360 = tpu.vector_load %arg5[%get3A_1359] {strides = array<i32>} : memref<784xf32, #tpu.memory_space<vmem>>, vector<16xf32>,
      %get3A_1361 = vector.shape_cast %get3A_1360 : vector<16xf32> to vector<16xf32>
      %gt3A_1362 = arith.constant 5.000000e-01 : f32
      %gt3A_1363 = vector.broadcast %gt3A_1362 : f32 to vector<16xf32>
      %gt3A_1364 = arith.cmpf ogt, %get3A_1361, %gt3A_1363 : vector<16xf32>
      %jit3A_1365 = arith.constant 1.000000e+00 : f32
      %jit3A_1366 = arith.constant 0.000000e+00 : f32
      %broadcast_in_dim3A_1367 = vector.broadcast %jit3A_1365 : f32 to vector<16xf32>
      %broadcast_in_dim3A_1368 = vector.broadcast %jit3A_1366 : f32 to vector<16xf32>
      %select_n3A_1369 = arith.select %gt3A_1364, %broadcast_in_dim3A_1367, %broadcast_in_dim3A_1368 : vector<16xi1>, vector<16xf32>
      %get3A_1370 = arith.constant 352 : index
      %get3A_1371 = tpu.vector_load %arg6[%get3A_1370] {strides = array<i32>} : memref<7840xf32, #tpu.memory_space<vmem>>, vector<16xf32>,
      %get3A_1372 = vector.shape_cast %get3A_1371 : vector<16xf32> to vector<16xf32>
      %mul3A_1373 = arith.mulf %select_n3A_1369, %get3A_1372 : vector<16xf32>
      %add3A_1374 = arith.addf %add3A_1313, %mul3A_1373 : vector<16xf32>
      %get3A_1375 = arith.constant 1136 : index
      %get3A_1376 = tpu.vector_load %arg6[%get3A_1375] {strides = array<i32>} : memref<7840xf32, #tpu.memory_space<vmem>>, vector<16xf32>,
      %get3A_1377 = vector.shape_cast %get3A_1376 : vector<16xf32> to vector<16xf32>
      %mul3A_1378 = arith.mulf %select_n3A_1369, %get3A_1377 : vector<16xf32>
      %add3A_1379 = arith.addf %add3A_1318, %mul3A_1378 : vector<16xf32>
      %get3A_1380 = arith.constant 1920 : index
      %get3A_1381 = tpu.vector_load %arg6[%get3A_1380] {strides = array<i32>} : memref<7840xf32, #tpu.memory_space<vmem>>, vector<16xf32>,
      %get3A_1382 = vector.shape_cast %get3A_1381 : vector<16xf32> to vector<16xf32>
      %mul3A_1383 = arith.mulf %select_n3A_1369, %get3A_1382 : vector<16xf32>
      %add3A_1384 = arith.addf %add3A_1323, %mul3A_1383 : vector<16xf32>
      %get3A_1385 = arith.constant 2704 : index
      %get3A_1386 = tpu.vector_load %arg6[%get3A_1385] {strides = array<i32>} : memref<7840xf32, #tpu.memory_space<vmem>>, vector<16xf32>,
      %get3A_1387 = vector.shape_cast %get3A_1386 : vector<16xf32> to vector<16xf32>
      %mul3A_1388 = arith.mulf %select_n3A_1369, %get3A_1387 : vector<16xf32>
      %add3A_1389 = arith.addf %add3A_1328, %mul3A_1388 : vector<16xf32>
      %get3A_1390 = arith.constant 3488 : index
      %get3A_1391 = tpu.vector_load %arg6[%get3A_1390] {strides = array<i32>} : memref<7840xf32, #tpu.memory_space<vmem>>, vector<16xf32>,
      %get3A_1392 = vector.shape_cast %get3A_1391 : vector<16xf32> to vector<16xf32>
      %mul3A_1393 = arith.mulf %select_n3A_1369, %get3A_1392 : vector<16xf32>
      %add3A_1394 = arith.addf %add3A_1333, %mul3A_1393 : vector<16xf32>
      %get3A_1395 = arith.constant 4272 : index
      %get3A_1396 = tpu.vector_load %arg6[%get3A_1395] {strides = array<i32>} : memref<7840xf32, #tpu.memory_space<vmem>>, vector<16xf32>,
      %get3A_1397 = vector.shape_cast %get3A_1396 : vector<16xf32> to vector<16xf32>
      %mul3A_1398 = arith.mulf %select_n3A_1369, %get3A_1397 : vector<16xf32>
      %add3A_1399 = arith.addf %add3A_1338, %mul3A_1398 : vector<16xf32>
      %get3A_1400 = arith.constant 5056 : index
      %get3A_1401 = tpu.vector_load %arg6[%get3A_1400] {strides = array<i32>} : memref<7840xf32, #tpu.memory_space<vmem>>, vector<16xf32>,
      %get3A_1402 = vector.shape_cast %get3A_1401 : vector<16xf32> to vector<16xf32>
      %mul3A_1403 = arith.mulf %select_n3A_1369, %get3A_1402 : vector<16xf32>
      %add3A_1404 = arith.addf %add3A_1343, %mul3A_1403 : vector<16xf32>
      %get3A_1405 = arith.constant 5840 : index
      %get3A_1406 = tpu.vector_load %arg6[%get3A_1405] {strides = array<i32>} : memref<7840xf32, #tpu.memory_space<vmem>>, vector<16xf32>,
      %get3A_1407 = vector.shape_cast %get3A_1406 : vector<16xf32> to vector<16xf32>
      %mul3A_1408 = arith.mulf %select_n3A_1369, %get3A_1407 : vector<16xf32>
      %add3A_1409 = arith.addf %add3A_1348, %mul3A_1408 : vector<16xf32>
      %get3A_1410 = arith.constant 6624 : index
      %get3A_1411 = tpu.vector_load %arg6[%get3A_1410] {strides = array<i32>} : memref<7840xf32, #tpu.memory_space<vmem>>, vector<16xf32>,
      %get3A_1412 = vector.shape_cast %get3A_1411 : vector<16xf32> to vector<16xf32>
      %mul3A_1413 = arith.mulf %select_n3A_1369, %get3A_1412 : vector<16xf32>
      %add3A_1414 = arith.addf %add3A_1353, %mul3A_1413 : vector<16xf32>
      %get3A_1415 = arith.constant 7408 : index
      %get3A_1416 = tpu.vector_load %arg6[%get3A_1415] {strides = array<i32>} : memref<7840xf32, #tpu.memory_space<vmem>>, vector<16xf32>,
      %get3A_1417 = vector.shape_cast %get3A_1416 : vector<16xf32> to vector<16xf32>
      %mul3A_1418 = arith.mulf %select_n3A_1369, %get3A_1417 : vector<16xf32>
      %add3A_1419 = arith.addf %add3A_1358, %mul3A_1418 : vector<16xf32>
      %get3A_1420 = arith.constant 368 : index
      %get3A_1421 = tpu.vector_load %arg5[%get3A_1420] {strides = array<i32>} : memref<784xf32, #tpu.memory_space<vmem>>, vector<16xf32>,
      %get3A_1422 = vector.shape_cast %get3A_1421 : vector<16xf32> to vector<16xf32>
      %gt3A_1423 = arith.constant 5.000000e-01 : f32
      %gt3A_1424 = vector.broadcast %gt3A_1423 : f32 to vector<16xf32>
      %gt3A_1425 = arith.cmpf ogt, %get3A_1422, %gt3A_1424 : vector<16xf32>
      %jit3A_1426 = arith.constant 1.000000e+00 : f32
      %jit3A_1427 = arith.constant 0.000000e+00 : f32
      %broadcast_in_dim3A_1428 = vector.broadcast %jit3A_1426 : f32 to vector<16xf32>
      %broadcast_in_dim3A_1429 = vector.broadcast %jit3A_1427 : f32 to vector<16xf32>
      %select_n3A_1430 = arith.select %gt3A_1425, %broadcast_in_dim3A_1428, %broadcast_in_dim3A_1429 : vector<16xi1>, vector<16xf32>
      %get3A_1431 = arith.constant 368 : index
      %get3A_1432 = tpu.vector_load %arg6[%get3A_1431] {strides = array<i32>} : memref<7840xf32, #tpu.memory_space<vmem>>, vector<16xf32>,
      %get3A_1433 = vector.shape_cast %get3A_1432 : vector<16xf32> to vector<16xf32>
      %mul3A_1434 = arith.mulf %select_n3A_1430, %get3A_1433 : vector<16xf32>
      %add3A_1435 = arith.addf %add3A_1374, %mul3A_1434 : vector<16xf32>
      %get3A_1436 = arith.constant 1152 : index
      %get3A_1437 = tpu.vector_load %arg6[%get3A_1436] {strides = array<i32>} : memref<7840xf32, #tpu.memory_space<vmem>>, vector<16xf32>,
      %get3A_1438 = vector.shape_cast %get3A_1437 : vector<16xf32> to vector<16xf32>
      %mul3A_1439 = arith.mulf %select_n3A_1430, %get3A_1438 : vector<16xf32>
      %add3A_1440 = arith.addf %add3A_1379, %mul3A_1439 : vector<16xf32>
      %get3A_1441 = arith.constant 1936 : index
      %get3A_1442 = tpu.vector_load %arg6[%get3A_1441] {strides = array<i32>} : memref<7840xf32, #tpu.memory_space<vmem>>, vector<16xf32>,
      %get3A_1443 = vector.shape_cast %get3A_1442 : vector<16xf32> to vector<16xf32>
      %mul3A_1444 = arith.mulf %select_n3A_1430, %get3A_1443 : vector<16xf32>
      %add3A_1445 = arith.addf %add3A_1384, %mul3A_1444 : vector<16xf32>
      %get3A_1446 = arith.constant 2720 : index
      %get3A_1447 = tpu.vector_load %arg6[%get3A_1446] {strides = array<i32>} : memref<7840xf32, #tpu.memory_space<vmem>>, vector<16xf32>,
      %get3A_1448 = vector.shape_cast %get3A_1447 : vector<16xf32> to vector<16xf32>
      %mul3A_1449 = arith.mulf %select_n3A_1430, %get3A_1448 : vector<16xf32>
      %add3A_1450 = arith.addf %add3A_1389, %mul3A_1449 : vector<16xf32>
      %get3A_1451 = arith.constant 3504 : index
      %get3A_1452 = tpu.vector_load %arg6[%get3A_1451] {strides = array<i32>} : memref<7840xf32, #tpu.memory_space<vmem>>, vector<16xf32>,
      %get3A_1453 = vector.shape_cast %get3A_1452 : vector<16xf32> to vector<16xf32>
      %mul3A_1454 = arith.mulf %select_n3A_1430, %get3A_1453 : vector<16xf32>
      %add3A_1455 = arith.addf %add3A_1394, %mul3A_1454 : vector<16xf32>
      %get3A_1456 = arith.constant 4288 : index
      %get3A_1457 = tpu.vector_load %arg6[%get3A_1456] {strides = array<i32>} : memref<7840xf32, #tpu.memory_space<vmem>>, vector<16xf32>,
      %get3A_1458 = vector.shape_cast %get3A_1457 : vector<16xf32> to vector<16xf32>
      %mul3A_1459 = arith.mulf %select_n3A_1430, %get3A_1458 : vector<16xf32>
      %add3A_1460 = arith.addf %add3A_1399, %mul3A_1459 : vector<16xf32>
      %get3A_1461 = arith.constant 5072 : index
      %get3A_1462 = tpu.vector_load %arg6[%get3A_1461] {strides = array<i32>} : memref<7840xf32, #tpu.memory_space<vmem>>, vector<16xf32>,
      %get3A_1463 = vector.shape_cast %get3A_1462 : vector<16xf32> to vector<16xf32>
      %mul3A_1464 = arith.mulf %select_n3A_1430, %get3A_1463 : vector<16xf32>
      %add3A_1465 = arith.addf %add3A_1404, %mul3A_1464 : vector<16xf32>
      %get3A_1466 = arith.constant 5856 : index
      %get3A_1467 = tpu.vector_load %arg6[%get3A_1466] {strides = array<i32>} : memref<7840xf32, #tpu.memory_space<vmem>>, vector<16xf32>,
      %get3A_1468 = vector.shape_cast %get3A_1467 : vector<16xf32> to vector<16xf32>
      %mul3A_1469 = arith.mulf %select_n3A_1430, %get3A_1468 : vector<16xf32>
      %add3A_1470 = arith.addf %add3A_1409, %mul3A_1469 : vector<16xf32>
      %get3A_1471 = arith.constant 6640 : index
      %get3A_1472 = tpu.vector_load %arg6[%get3A_1471] {strides = array<i32>} : memref<7840xf32, #tpu.memory_space<vmem>>, vector<16xf32>,
      %get3A_1473 = vector.shape_cast %get3A_1472 : vector<16xf32> to vector<16xf32>
      %mul3A_1474 = arith.mulf %select_n3A_1430, %get3A_1473 : vector<16xf32>
      %add3A_1475 = arith.addf %add3A_1414, %mul3A_1474 : vector<16xf32>
      %get3A_1476 = arith.constant 7424 : index
      %get3A_1477 = tpu.vector_load %arg6[%get3A_1476] {strides = array<i32>} : memref<7840xf32, #tpu.memory_space<vmem>>, vector<16xf32>,
      %get3A_1478 = vector.shape_cast %get3A_1477 : vector<16xf32> to vector<16xf32>
      %mul3A_1479 = arith.mulf %select_n3A_1430, %get3A_1478 : vector<16xf32>
      %add3A_1480 = arith.addf %add3A_1419, %mul3A_1479 : vector<16xf32>
      %get3A_1481 = arith.constant 384 : index
      %get3A_1482 = tpu.vector_load %arg5[%get3A_1481] {strides = array<i32>} : memref<784xf32, #tpu.memory_space<vmem>>, vector<16xf32>,
      %get3A_1483 = vector.shape_cast %get3A_1482 : vector<16xf32> to vector<16xf32>
      %gt3A_1484 = arith.constant 5.000000e-01 : f32
      %gt3A_1485 = vector.broadcast %gt3A_1484 : f32 to vector<16xf32>
      %gt3A_1486 = arith.cmpf ogt, %get3A_1483, %gt3A_1485 : vector<16xf32>
      %jit3A_1487 = arith.constant 1.000000e+00 : f32
      %jit3A_1488 = arith.constant 0.000000e+00 : f32
      %broadcast_in_dim3A_1489 = vector.broadcast %jit3A_1487 : f32 to vector<16xf32>
      %broadcast_in_dim3A_1490 = vector.broadcast %jit3A_1488 : f32 to vector<16xf32>
      %select_n3A_1491 = arith.select %gt3A_1486, %broadcast_in_dim3A_1489, %broadcast_in_dim3A_1490 : vector<16xi1>, vector<16xf32>
      %get3A_1492 = arith.constant 384 : index
      %get3A_1493 = tpu.vector_load %arg6[%get3A_1492] {strides = array<i32>} : memref<7840xf32, #tpu.memory_space<vmem>>, vector<16xf32>,
      %get3A_1494 = vector.shape_cast %get3A_1493 : vector<16xf32> to vector<16xf32>
      %mul3A_1495 = arith.mulf %select_n3A_1491, %get3A_1494 : vector<16xf32>
      %add3A_1496 = arith.addf %add3A_1435, %mul3A_1495 : vector<16xf32>
      %get3A_1497 = arith.constant 1168 : index
      %get3A_1498 = tpu.vector_load %arg6[%get3A_1497] {strides = array<i32>} : memref<7840xf32, #tpu.memory_space<vmem>>, vector<16xf32>,
      %get3A_1499 = vector.shape_cast %get3A_1498 : vector<16xf32> to vector<16xf32>
      %mul3A_1500 = arith.mulf %select_n3A_1491, %get3A_1499 : vector<16xf32>
      %add3A_1501 = arith.addf %add3A_1440, %mul3A_1500 : vector<16xf32>
      %get3A_1502 = arith.constant 1952 : index
      %get3A_1503 = tpu.vector_load %arg6[%get3A_1502] {strides = array<i32>} : memref<7840xf32, #tpu.memory_space<vmem>>, vector<16xf32>,
      %get3A_1504 = vector.shape_cast %get3A_1503 : vector<16xf32> to vector<16xf32>
      %mul3A_1505 = arith.mulf %select_n3A_1491, %get3A_1504 : vector<16xf32>
      %add3A_1506 = arith.addf %add3A_1445, %mul3A_1505 : vector<16xf32>
      %get3A_1507 = arith.constant 2736 : index
      %get3A_1508 = tpu.vector_load %arg6[%get3A_1507] {strides = array<i32>} : memref<7840xf32, #tpu.memory_space<vmem>>, vector<16xf32>,
      %get3A_1509 = vector.shape_cast %get3A_1508 : vector<16xf32> to vector<16xf32>
      %mul3A_1510 = arith.mulf %select_n3A_1491, %get3A_1509 : vector<16xf32>
      %add3A_1511 = arith.addf %add3A_1450, %mul3A_1510 : vector<16xf32>
      %get3A_1512 = arith.constant 3520 : index
      %get3A_1513 = tpu.vector_load %arg6[%get3A_1512] {strides = array<i32>} : memref<7840xf32, #tpu.memory_space<vmem>>, vector<16xf32>,
      %get3A_1514 = vector.shape_cast %get3A_1513 : vector<16xf32> to vector<16xf32>
      %mul3A_1515 = arith.mulf %select_n3A_1491, %get3A_1514 : vector<16xf32>
      %add3A_1516 = arith.addf %add3A_1455, %mul3A_1515 : vector<16xf32>
      %get3A_1517 = arith.constant 4304 : index
      %get3A_1518 = tpu.vector_load %arg6[%get3A_1517] {strides = array<i32>} : memref<7840xf32, #tpu.memory_space<vmem>>, vector<16xf32>,
      %get3A_1519 = vector.shape_cast %get3A_1518 : vector<16xf32> to vector<16xf32>
      %mul3A_1520 = arith.mulf %select_n3A_1491, %get3A_1519 : vector<16xf32>
      %add3A_1521 = arith.addf %add3A_1460, %mul3A_1520 : vector<16xf32>
      %get3A_1522 = arith.constant 5088 : index
      %get3A_1523 = tpu.vector_load %arg6[%get3A_1522] {strides = array<i32>} : memref<7840xf32, #tpu.memory_space<vmem>>, vector<16xf32>,
      %get3A_1524 = vector.shape_cast %get3A_1523 : vector<16xf32> to vector<16xf32>
      %mul3A_1525 = arith.mulf %select_n3A_1491, %get3A_1524 : vector<16xf32>
      %add3A_1526 = arith.addf %add3A_1465, %mul3A_1525 : vector<16xf32>
      %get3A_1527 = arith.constant 5872 : index
      %get3A_1528 = tpu.vector_load %arg6[%get3A_1527] {strides = array<i32>} : memref<7840xf32, #tpu.memory_space<vmem>>, vector<16xf32>,
      %get3A_1529 = vector.shape_cast %get3A_1528 : vector<16xf32> to vector<16xf32>
      %mul3A_1530 = arith.mulf %select_n3A_1491, %get3A_1529 : vector<16xf32>
      %add3A_1531 = arith.addf %add3A_1470, %mul3A_1530 : vector<16xf32>
      %get3A_1532 = arith.constant 6656 : index
      %get3A_1533 = tpu.vector_load %arg6[%get3A_1532] {strides = array<i32>} : memref<7840xf32, #tpu.memory_space<vmem>>, vector<16xf32>,
      %get3A_1534 = vector.shape_cast %get3A_1533 : vector<16xf32> to vector<16xf32>
      %mul3A_1535 = arith.mulf %select_n3A_1491, %get3A_1534 : vector<16xf32>
      %add3A_1536 = arith.addf %add3A_1475, %mul3A_1535 : vector<16xf32>
      %get3A_1537 = arith.constant 7440 : index
      %get3A_1538 = tpu.vector_load %arg6[%get3A_1537] {strides = array<i32>} : memref<7840xf32, #tpu.memory_space<vmem>>, vector<16xf32>,
      %get3A_1539 = vector.shape_cast %get3A_1538 : vector<16xf32> to vector<16xf32>
      %mul3A_1540 = arith.mulf %select_n3A_1491, %get3A_1539 : vector<16xf32>
      %add3A_1541 = arith.addf %add3A_1480, %mul3A_1540 : vector<16xf32>
      %get3A_1542 = arith.constant 400 : index
      %get3A_1543 = tpu.vector_load %arg5[%get3A_1542] {strides = array<i32>} : memref<784xf32, #tpu.memory_space<vmem>>, vector<16xf32>,
      %get3A_1544 = vector.shape_cast %get3A_1543 : vector<16xf32> to vector<16xf32>
      %gt3A_1545 = arith.constant 5.000000e-01 : f32
      %gt3A_1546 = vector.broadcast %gt3A_1545 : f32 to vector<16xf32>
      %gt3A_1547 = arith.cmpf ogt, %get3A_1544, %gt3A_1546 : vector<16xf32>
      %jit3A_1548 = arith.constant 1.000000e+00 : f32
      %jit3A_1549 = arith.constant 0.000000e+00 : f32
      %broadcast_in_dim3A_1550 = vector.broadcast %jit3A_1548 : f32 to vector<16xf32>
      %broadcast_in_dim3A_1551 = vector.broadcast %jit3A_1549 : f32 to vector<16xf32>
      %select_n3A_1552 = arith.select %gt3A_1547, %broadcast_in_dim3A_1550, %broadcast_in_dim3A_1551 : vector<16xi1>, vector<16xf32>
      %get3A_1553 = arith.constant 400 : index
      %get3A_1554 = tpu.vector_load %arg6[%get3A_1553] {strides = array<i32>} : memref<7840xf32, #tpu.memory_space<vmem>>, vector<16xf32>,
      %get3A_1555 = vector.shape_cast %get3A_1554 : vector<16xf32> to vector<16xf32>
      %mul3A_1556 = arith.mulf %select_n3A_1552, %get3A_1555 : vector<16xf32>
      %add3A_1557 = arith.addf %add3A_1496, %mul3A_1556 : vector<16xf32>
      %get3A_1558 = arith.constant 1184 : index
      %get3A_1559 = tpu.vector_load %arg6[%get3A_1558] {strides = array<i32>} : memref<7840xf32, #tpu.memory_space<vmem>>, vector<16xf32>,
      %get3A_1560 = vector.shape_cast %get3A_1559 : vector<16xf32> to vector<16xf32>
      %mul3A_1561 = arith.mulf %select_n3A_1552, %get3A_1560 : vector<16xf32>
      %add3A_1562 = arith.addf %add3A_1501, %mul3A_1561 : vector<16xf32>
      %get3A_1563 = arith.constant 1968 : index
      %get3A_1564 = tpu.vector_load %arg6[%get3A_1563] {strides = array<i32>} : memref<7840xf32, #tpu.memory_space<vmem>>, vector<16xf32>,
      %get3A_1565 = vector.shape_cast %get3A_1564 : vector<16xf32> to vector<16xf32>
      %mul3A_1566 = arith.mulf %select_n3A_1552, %get3A_1565 : vector<16xf32>
      %add3A_1567 = arith.addf %add3A_1506, %mul3A_1566 : vector<16xf32>
      %get3A_1568 = arith.constant 2752 : index
      %get3A_1569 = tpu.vector_load %arg6[%get3A_1568] {strides = array<i32>} : memref<7840xf32, #tpu.memory_space<vmem>>, vector<16xf32>,
      %get3A_1570 = vector.shape_cast %get3A_1569 : vector<16xf32> to vector<16xf32>
      %mul3A_1571 = arith.mulf %select_n3A_1552, %get3A_1570 : vector<16xf32>
      %add3A_1572 = arith.addf %add3A_1511, %mul3A_1571 : vector<16xf32>
      %get3A_1573 = arith.constant 3536 : index
      %get3A_1574 = tpu.vector_load %arg6[%get3A_1573] {strides = array<i32>} : memref<7840xf32, #tpu.memory_space<vmem>>, vector<16xf32>,
      %get3A_1575 = vector.shape_cast %get3A_1574 : vector<16xf32> to vector<16xf32>
      %mul3A_1576 = arith.mulf %select_n3A_1552, %get3A_1575 : vector<16xf32>
      %add3A_1577 = arith.addf %add3A_1516, %mul3A_1576 : vector<16xf32>
      %get3A_1578 = arith.constant 4320 : index
      %get3A_1579 = tpu.vector_load %arg6[%get3A_1578] {strides = array<i32>} : memref<7840xf32, #tpu.memory_space<vmem>>, vector<16xf32>,
      %get3A_1580 = vector.shape_cast %get3A_1579 : vector<16xf32> to vector<16xf32>
      %mul3A_1581 = arith.mulf %select_n3A_1552, %get3A_1580 : vector<16xf32>
      %add3A_1582 = arith.addf %add3A_1521, %mul3A_1581 : vector<16xf32>
      %get3A_1583 = arith.constant 5104 : index
      %get3A_1584 = tpu.vector_load %arg6[%get3A_1583] {strides = array<i32>} : memref<7840xf32, #tpu.memory_space<vmem>>, vector<16xf32>,
      %get3A_1585 = vector.shape_cast %get3A_1584 : vector<16xf32> to vector<16xf32>
      %mul3A_1586 = arith.mulf %select_n3A_1552, %get3A_1585 : vector<16xf32>
      %add3A_1587 = arith.addf %add3A_1526, %mul3A_1586 : vector<16xf32>
      %get3A_1588 = arith.constant 5888 : index
      %get3A_1589 = tpu.vector_load %arg6[%get3A_1588] {strides = array<i32>} : memref<7840xf32, #tpu.memory_space<vmem>>, vector<16xf32>,
      %get3A_1590 = vector.shape_cast %get3A_1589 : vector<16xf32> to vector<16xf32>
      %mul3A_1591 = arith.mulf %select_n3A_1552, %get3A_1590 : vector<16xf32>
      %add3A_1592 = arith.addf %add3A_1531, %mul3A_1591 : vector<16xf32>
      %get3A_1593 = arith.constant 6672 : index
      %get3A_1594 = tpu.vector_load %arg6[%get3A_1593] {strides = array<i32>} : memref<7840xf32, #tpu.memory_space<vmem>>, vector<16xf32>,
      %get3A_1595 = vector.shape_cast %get3A_1594 : vector<16xf32> to vector<16xf32>
      %mul3A_1596 = arith.mulf %select_n3A_1552, %get3A_1595 : vector<16xf32>
      %add3A_1597 = arith.addf %add3A_1536, %mul3A_1596 : vector<16xf32>
      %get3A_1598 = arith.constant 7456 : index
      %get3A_1599 = tpu.vector_load %arg6[%get3A_1598] {strides = array<i32>} : memref<7840xf32, #tpu.memory_space<vmem>>, vector<16xf32>,
      %get3A_1600 = vector.shape_cast %get3A_1599 : vector<16xf32> to vector<16xf32>
      %mul3A_1601 = arith.mulf %select_n3A_1552, %get3A_1600 : vector<16xf32>
      %add3A_1602 = arith.addf %add3A_1541, %mul3A_1601 : vector<16xf32>
      %get3A_1603 = arith.constant 416 : index
      %get3A_1604 = tpu.vector_load %arg5[%get3A_1603] {strides = array<i32>} : memref<784xf32, #tpu.memory_space<vmem>>, vector<16xf32>,
      %get3A_1605 = vector.shape_cast %get3A_1604 : vector<16xf32> to vector<16xf32>
      %gt3A_1606 = arith.constant 5.000000e-01 : f32
      %gt3A_1607 = vector.broadcast %gt3A_1606 : f32 to vector<16xf32>
      %gt3A_1608 = arith.cmpf ogt, %get3A_1605, %gt3A_1607 : vector<16xf32>
      %jit3A_1609 = arith.constant 1.000000e+00 : f32
      %jit3A_1610 = arith.constant 0.000000e+00 : f32
      %broadcast_in_dim3A_1611 = vector.broadcast %jit3A_1609 : f32 to vector<16xf32>
      %broadcast_in_dim3A_1612 = vector.broadcast %jit3A_1610 : f32 to vector<16xf32>
      %select_n3A_1613 = arith.select %gt3A_1608, %broadcast_in_dim3A_1611, %broadcast_in_dim3A_1612 : vector<16xi1>, vector<16xf32>
      %get3A_1614 = arith.constant 416 : index
      %get3A_1615 = tpu.vector_load %arg6[%get3A_1614] {strides = array<i32>} : memref<7840xf32, #tpu.memory_space<vmem>>, vector<16xf32>,
      %get3A_1616 = vector.shape_cast %get3A_1615 : vector<16xf32> to vector<16xf32>
      %mul3A_1617 = arith.mulf %select_n3A_1613, %get3A_1616 : vector<16xf32>
      %add3A_1618 = arith.addf %add3A_1557, %mul3A_1617 : vector<16xf32>
      %get3A_1619 = arith.constant 1200 : index
      %get3A_1620 = tpu.vector_load %arg6[%get3A_1619] {strides = array<i32>} : memref<7840xf32, #tpu.memory_space<vmem>>, vector<16xf32>,
      %get3A_1621 = vector.shape_cast %get3A_1620 : vector<16xf32> to vector<16xf32>
      %mul3A_1622 = arith.mulf %select_n3A_1613, %get3A_1621 : vector<16xf32>
      %add3A_1623 = arith.addf %add3A_1562, %mul3A_1622 : vector<16xf32>
      %get3A_1624 = arith.constant 1984 : index
      %get3A_1625 = tpu.vector_load %arg6[%get3A_1624] {strides = array<i32>} : memref<7840xf32, #tpu.memory_space<vmem>>, vector<16xf32>,
      %get3A_1626 = vector.shape_cast %get3A_1625 : vector<16xf32> to vector<16xf32>
      %mul3A_1627 = arith.mulf %select_n3A_1613, %get3A_1626 : vector<16xf32>
      %add3A_1628 = arith.addf %add3A_1567, %mul3A_1627 : vector<16xf32>
      %get3A_1629 = arith.constant 2768 : index
      %get3A_1630 = tpu.vector_load %arg6[%get3A_1629] {strides = array<i32>} : memref<7840xf32, #tpu.memory_space<vmem>>, vector<16xf32>,
      %get3A_1631 = vector.shape_cast %get3A_1630 : vector<16xf32> to vector<16xf32>
      %mul3A_1632 = arith.mulf %select_n3A_1613, %get3A_1631 : vector<16xf32>
      %add3A_1633 = arith.addf %add3A_1572, %mul3A_1632 : vector<16xf32>
      %get3A_1634 = arith.constant 3552 : index
      %get3A_1635 = tpu.vector_load %arg6[%get3A_1634] {strides = array<i32>} : memref<7840xf32, #tpu.memory_space<vmem>>, vector<16xf32>,
      %get3A_1636 = vector.shape_cast %get3A_1635 : vector<16xf32> to vector<16xf32>
      %mul3A_1637 = arith.mulf %select_n3A_1613, %get3A_1636 : vector<16xf32>
      %add3A_1638 = arith.addf %add3A_1577, %mul3A_1637 : vector<16xf32>
      %get3A_1639 = arith.constant 4336 : index
      %get3A_1640 = tpu.vector_load %arg6[%get3A_1639] {strides = array<i32>} : memref<7840xf32, #tpu.memory_space<vmem>>, vector<16xf32>,
      %get3A_1641 = vector.shape_cast %get3A_1640 : vector<16xf32> to vector<16xf32>
      %mul3A_1642 = arith.mulf %select_n3A_1613, %get3A_1641 : vector<16xf32>
      %add3A_1643 = arith.addf %add3A_1582, %mul3A_1642 : vector<16xf32>
      %get3A_1644 = arith.constant 5120 : index
      %get3A_1645 = tpu.vector_load %arg6[%get3A_1644] {strides = array<i32>} : memref<7840xf32, #tpu.memory_space<vmem>>, vector<16xf32>,
      %get3A_1646 = vector.shape_cast %get3A_1645 : vector<16xf32> to vector<16xf32>
      %mul3A_1647 = arith.mulf %select_n3A_1613, %get3A_1646 : vector<16xf32>
      %add3A_1648 = arith.addf %add3A_1587, %mul3A_1647 : vector<16xf32>
      %get3A_1649 = arith.constant 5904 : index
      %get3A_1650 = tpu.vector_load %arg6[%get3A_1649] {strides = array<i32>} : memref<7840xf32, #tpu.memory_space<vmem>>, vector<16xf32>,
      %get3A_1651 = vector.shape_cast %get3A_1650 : vector<16xf32> to vector<16xf32>
      %mul3A_1652 = arith.mulf %select_n3A_1613, %get3A_1651 : vector<16xf32>
      %add3A_1653 = arith.addf %add3A_1592, %mul3A_1652 : vector<16xf32>
      %get3A_1654 = arith.constant 6688 : index
      %get3A_1655 = tpu.vector_load %arg6[%get3A_1654] {strides = array<i32>} : memref<7840xf32, #tpu.memory_space<vmem>>, vector<16xf32>,
      %get3A_1656 = vector.shape_cast %get3A_1655 : vector<16xf32> to vector<16xf32>
      %mul3A_1657 = arith.mulf %select_n3A_1613, %get3A_1656 : vector<16xf32>
      %add3A_1658 = arith.addf %add3A_1597, %mul3A_1657 : vector<16xf32>
      %get3A_1659 = arith.constant 7472 : index
      %get3A_1660 = tpu.vector_load %arg6[%get3A_1659] {strides = array<i32>} : memref<7840xf32, #tpu.memory_space<vmem>>, vector<16xf32>,
      %get3A_1661 = vector.shape_cast %get3A_1660 : vector<16xf32> to vector<16xf32>
      %mul3A_1662 = arith.mulf %select_n3A_1613, %get3A_1661 : vector<16xf32>
      %add3A_1663 = arith.addf %add3A_1602, %mul3A_1662 : vector<16xf32>
      %get3A_1664 = arith.constant 432 : index
      %get3A_1665 = tpu.vector_load %arg5[%get3A_1664] {strides = array<i32>} : memref<784xf32, #tpu.memory_space<vmem>>, vector<16xf32>,
      %get3A_1666 = vector.shape_cast %get3A_1665 : vector<16xf32> to vector<16xf32>
      %gt3A_1667 = arith.constant 5.000000e-01 : f32
      %gt3A_1668 = vector.broadcast %gt3A_1667 : f32 to vector<16xf32>
      %gt3A_1669 = arith.cmpf ogt, %get3A_1666, %gt3A_1668 : vector<16xf32>
      %jit3A_1670 = arith.constant 1.000000e+00 : f32
      %jit3A_1671 = arith.constant 0.000000e+00 : f32
      %broadcast_in_dim3A_1672 = vector.broadcast %jit3A_1670 : f32 to vector<16xf32>
      %broadcast_in_dim3A_1673 = vector.broadcast %jit3A_1671 : f32 to vector<16xf32>
      %select_n3A_1674 = arith.select %gt3A_1669, %broadcast_in_dim3A_1672, %broadcast_in_dim3A_1673 : vector<16xi1>, vector<16xf32>
      %get3A_1675 = arith.constant 432 : index
      %get3A_1676 = tpu.vector_load %arg6[%get3A_1675] {strides = array<i32>} : memref<7840xf32, #tpu.memory_space<vmem>>, vector<16xf32>,
      %get3A_1677 = vector.shape_cast %get3A_1676 : vector<16xf32> to vector<16xf32>
      %mul3A_1678 = arith.mulf %select_n3A_1674, %get3A_1677 : vector<16xf32>
      %add3A_1679 = arith.addf %add3A_1618, %mul3A_1678 : vector<16xf32>
      %get3A_1680 = arith.constant 1216 : index
      %get3A_1681 = tpu.vector_load %arg6[%get3A_1680] {strides = array<i32>} : memref<7840xf32, #tpu.memory_space<vmem>>, vector<16xf32>,
      %get3A_1682 = vector.shape_cast %get3A_1681 : vector<16xf32> to vector<16xf32>
      %mul3A_1683 = arith.mulf %select_n3A_1674, %get3A_1682 : vector<16xf32>
      %add3A_1684 = arith.addf %add3A_1623, %mul3A_1683 : vector<16xf32>
      %get3A_1685 = arith.constant 2000 : index
      %get3A_1686 = tpu.vector_load %arg6[%get3A_1685] {strides = array<i32>} : memref<7840xf32, #tpu.memory_space<vmem>>, vector<16xf32>,
      %get3A_1687 = vector.shape_cast %get3A_1686 : vector<16xf32> to vector<16xf32>
      %mul3A_1688 = arith.mulf %select_n3A_1674, %get3A_1687 : vector<16xf32>
      %add3A_1689 = arith.addf %add3A_1628, %mul3A_1688 : vector<16xf32>
      %get3A_1690 = arith.constant 2784 : index
      %get3A_1691 = tpu.vector_load %arg6[%get3A_1690] {strides = array<i32>} : memref<7840xf32, #tpu.memory_space<vmem>>, vector<16xf32>,
      %get3A_1692 = vector.shape_cast %get3A_1691 : vector<16xf32> to vector<16xf32>
      %mul3A_1693 = arith.mulf %select_n3A_1674, %get3A_1692 : vector<16xf32>
      %add3A_1694 = arith.addf %add3A_1633, %mul3A_1693 : vector<16xf32>
      %get3A_1695 = arith.constant 3568 : index
      %get3A_1696 = tpu.vector_load %arg6[%get3A_1695] {strides = array<i32>} : memref<7840xf32, #tpu.memory_space<vmem>>, vector<16xf32>,
      %get3A_1697 = vector.shape_cast %get3A_1696 : vector<16xf32> to vector<16xf32>
      %mul3A_1698 = arith.mulf %select_n3A_1674, %get3A_1697 : vector<16xf32>
      %add3A_1699 = arith.addf %add3A_1638, %mul3A_1698 : vector<16xf32>
      %get3A_1700 = arith.constant 4352 : index
      %get3A_1701 = tpu.vector_load %arg6[%get3A_1700] {strides = array<i32>} : memref<7840xf32, #tpu.memory_space<vmem>>, vector<16xf32>,
      %get3A_1702 = vector.shape_cast %get3A_1701 : vector<16xf32> to vector<16xf32>
      %mul3A_1703 = arith.mulf %select_n3A_1674, %get3A_1702 : vector<16xf32>
      %add3A_1704 = arith.addf %add3A_1643, %mul3A_1703 : vector<16xf32>
      %get3A_1705 = arith.constant 5136 : index
      %get3A_1706 = tpu.vector_load %arg6[%get3A_1705] {strides = array<i32>} : memref<7840xf32, #tpu.memory_space<vmem>>, vector<16xf32>,
      %get3A_1707 = vector.shape_cast %get3A_1706 : vector<16xf32> to vector<16xf32>
      %mul3A_1708 = arith.mulf %select_n3A_1674, %get3A_1707 : vector<16xf32>
      %add3A_1709 = arith.addf %add3A_1648, %mul3A_1708 : vector<16xf32>
      %get3A_1710 = arith.constant 5920 : index
      %get3A_1711 = tpu.vector_load %arg6[%get3A_1710] {strides = array<i32>} : memref<7840xf32, #tpu.memory_space<vmem>>, vector<16xf32>,
      %get3A_1712 = vector.shape_cast %get3A_1711 : vector<16xf32> to vector<16xf32>
      %mul3A_1713 = arith.mulf %select_n3A_1674, %get3A_1712 : vector<16xf32>
      %add3A_1714 = arith.addf %add3A_1653, %mul3A_1713 : vector<16xf32>
      %get3A_1715 = arith.constant 6704 : index
      %get3A_1716 = tpu.vector_load %arg6[%get3A_1715] {strides = array<i32>} : memref<7840xf32, #tpu.memory_space<vmem>>, vector<16xf32>,
      %get3A_1717 = vector.shape_cast %get3A_1716 : vector<16xf32> to vector<16xf32>
      %mul3A_1718 = arith.mulf %select_n3A_1674, %get3A_1717 : vector<16xf32>
      %add3A_1719 = arith.addf %add3A_1658, %mul3A_1718 : vector<16xf32>
      %get3A_1720 = arith.constant 7488 : index
      %get3A_1721 = tpu.vector_load %arg6[%get3A_1720] {strides = array<i32>} : memref<7840xf32, #tpu.memory_space<vmem>>, vector<16xf32>,
      %get3A_1722 = vector.shape_cast %get3A_1721 : vector<16xf32> to vector<16xf32>
      %mul3A_1723 = arith.mulf %select_n3A_1674, %get3A_1722 : vector<16xf32>
      %add3A_1724 = arith.addf %add3A_1663, %mul3A_1723 : vector<16xf32>
      %get3A_1725 = arith.constant 448 : index
      %get3A_1726 = tpu.vector_load %arg5[%get3A_1725] {strides = array<i32>} : memref<784xf32, #tpu.memory_space<vmem>>, vector<16xf32>,
      %get3A_1727 = vector.shape_cast %get3A_1726 : vector<16xf32> to vector<16xf32>
      %gt3A_1728 = arith.constant 5.000000e-01 : f32
      %gt3A_1729 = vector.broadcast %gt3A_1728 : f32 to vector<16xf32>
      %gt3A_1730 = arith.cmpf ogt, %get3A_1727, %gt3A_1729 : vector<16xf32>
      %jit3A_1731 = arith.constant 1.000000e+00 : f32
      %jit3A_1732 = arith.constant 0.000000e+00 : f32
      %broadcast_in_dim3A_1733 = vector.broadcast %jit3A_1731 : f32 to vector<16xf32>
      %broadcast_in_dim3A_1734 = vector.broadcast %jit3A_1732 : f32 to vector<16xf32>
      %select_n3A_1735 = arith.select %gt3A_1730, %broadcast_in_dim3A_1733, %broadcast_in_dim3A_1734 : vector<16xi1>, vector<16xf32>
      %get3A_1736 = arith.constant 448 : index
      %get3A_1737 = tpu.vector_load %arg6[%get3A_1736] {strides = array<i32>} : memref<7840xf32, #tpu.memory_space<vmem>>, vector<16xf32>,
      %get3A_1738 = vector.shape_cast %get3A_1737 : vector<16xf32> to vector<16xf32>
      %mul3A_1739 = arith.mulf %select_n3A_1735, %get3A_1738 : vector<16xf32>
      %add3A_1740 = arith.addf %add3A_1679, %mul3A_1739 : vector<16xf32>
      %get3A_1741 = arith.constant 1232 : index
      %get3A_1742 = tpu.vector_load %arg6[%get3A_1741] {strides = array<i32>} : memref<7840xf32, #tpu.memory_space<vmem>>, vector<16xf32>,
      %get3A_1743 = vector.shape_cast %get3A_1742 : vector<16xf32> to vector<16xf32>
      %mul3A_1744 = arith.mulf %select_n3A_1735, %get3A_1743 : vector<16xf32>
      %add3A_1745 = arith.addf %add3A_1684, %mul3A_1744 : vector<16xf32>
      %get3A_1746 = arith.constant 2016 : index
      %get3A_1747 = tpu.vector_load %arg6[%get3A_1746] {strides = array<i32>} : memref<7840xf32, #tpu.memory_space<vmem>>, vector<16xf32>,
      %get3A_1748 = vector.shape_cast %get3A_1747 : vector<16xf32> to vector<16xf32>
      %mul3A_1749 = arith.mulf %select_n3A_1735, %get3A_1748 : vector<16xf32>
      %add3A_1750 = arith.addf %add3A_1689, %mul3A_1749 : vector<16xf32>
      %get3A_1751 = arith.constant 2800 : index
      %get3A_1752 = tpu.vector_load %arg6[%get3A_1751] {strides = array<i32>} : memref<7840xf32, #tpu.memory_space<vmem>>, vector<16xf32>,
      %get3A_1753 = vector.shape_cast %get3A_1752 : vector<16xf32> to vector<16xf32>
      %mul3A_1754 = arith.mulf %select_n3A_1735, %get3A_1753 : vector<16xf32>
      %add3A_1755 = arith.addf %add3A_1694, %mul3A_1754 : vector<16xf32>
      %get3A_1756 = arith.constant 3584 : index
      %get3A_1757 = tpu.vector_load %arg6[%get3A_1756] {strides = array<i32>} : memref<7840xf32, #tpu.memory_space<vmem>>, vector<16xf32>,
      %get3A_1758 = vector.shape_cast %get3A_1757 : vector<16xf32> to vector<16xf32>
      %mul3A_1759 = arith.mulf %select_n3A_1735, %get3A_1758 : vector<16xf32>
      %add3A_1760 = arith.addf %add3A_1699, %mul3A_1759 : vector<16xf32>
      %get3A_1761 = arith.constant 4368 : index
      %get3A_1762 = tpu.vector_load %arg6[%get3A_1761] {strides = array<i32>} : memref<7840xf32, #tpu.memory_space<vmem>>, vector<16xf32>,
      %get3A_1763 = vector.shape_cast %get3A_1762 : vector<16xf32> to vector<16xf32>
      %mul3A_1764 = arith.mulf %select_n3A_1735, %get3A_1763 : vector<16xf32>
      %add3A_1765 = arith.addf %add3A_1704, %mul3A_1764 : vector<16xf32>
      %get3A_1766 = arith.constant 5152 : index
      %get3A_1767 = tpu.vector_load %arg6[%get3A_1766] {strides = array<i32>} : memref<7840xf32, #tpu.memory_space<vmem>>, vector<16xf32>,
      %get3A_1768 = vector.shape_cast %get3A_1767 : vector<16xf32> to vector<16xf32>
      %mul3A_1769 = arith.mulf %select_n3A_1735, %get3A_1768 : vector<16xf32>
      %add3A_1770 = arith.addf %add3A_1709, %mul3A_1769 : vector<16xf32>
      %get3A_1771 = arith.constant 5936 : index
      %get3A_1772 = tpu.vector_load %arg6[%get3A_1771] {strides = array<i32>} : memref<7840xf32, #tpu.memory_space<vmem>>, vector<16xf32>,
      %get3A_1773 = vector.shape_cast %get3A_1772 : vector<16xf32> to vector<16xf32>
      %mul3A_1774 = arith.mulf %select_n3A_1735, %get3A_1773 : vector<16xf32>
      %add3A_1775 = arith.addf %add3A_1714, %mul3A_1774 : vector<16xf32>
      %get3A_1776 = arith.constant 6720 : index
      %get3A_1777 = tpu.vector_load %arg6[%get3A_1776] {strides = array<i32>} : memref<7840xf32, #tpu.memory_space<vmem>>, vector<16xf32>,
      %get3A_1778 = vector.shape_cast %get3A_1777 : vector<16xf32> to vector<16xf32>
      %mul3A_1779 = arith.mulf %select_n3A_1735, %get3A_1778 : vector<16xf32>
      %add3A_1780 = arith.addf %add3A_1719, %mul3A_1779 : vector<16xf32>
      %get3A_1781 = arith.constant 7504 : index
      %get3A_1782 = tpu.vector_load %arg6[%get3A_1781] {strides = array<i32>} : memref<7840xf32, #tpu.memory_space<vmem>>, vector<16xf32>,
      %get3A_1783 = vector.shape_cast %get3A_1782 : vector<16xf32> to vector<16xf32>
      %mul3A_1784 = arith.mulf %select_n3A_1735, %get3A_1783 : vector<16xf32>
      %add3A_1785 = arith.addf %add3A_1724, %mul3A_1784 : vector<16xf32>
      %get3A_1786 = arith.constant 464 : index
      %get3A_1787 = tpu.vector_load %arg5[%get3A_1786] {strides = array<i32>} : memref<784xf32, #tpu.memory_space<vmem>>, vector<16xf32>,
      %get3A_1788 = vector.shape_cast %get3A_1787 : vector<16xf32> to vector<16xf32>
      %gt3A_1789 = arith.constant 5.000000e-01 : f32
      %gt3A_1790 = vector.broadcast %gt3A_1789 : f32 to vector<16xf32>
      %gt3A_1791 = arith.cmpf ogt, %get3A_1788, %gt3A_1790 : vector<16xf32>
      %jit3A_1792 = arith.constant 1.000000e+00 : f32
      %jit3A_1793 = arith.constant 0.000000e+00 : f32
      %broadcast_in_dim3A_1794 = vector.broadcast %jit3A_1792 : f32 to vector<16xf32>
      %broadcast_in_dim3A_1795 = vector.broadcast %jit3A_1793 : f32 to vector<16xf32>
      %select_n3A_1796 = arith.select %gt3A_1791, %broadcast_in_dim3A_1794, %broadcast_in_dim3A_1795 : vector<16xi1>, vector<16xf32>
      %get3A_1797 = arith.constant 464 : index
      %get3A_1798 = tpu.vector_load %arg6[%get3A_1797] {strides = array<i32>} : memref<7840xf32, #tpu.memory_space<vmem>>, vector<16xf32>,
      %get3A_1799 = vector.shape_cast %get3A_1798 : vector<16xf32> to vector<16xf32>
      %mul3A_1800 = arith.mulf %select_n3A_1796, %get3A_1799 : vector<16xf32>
      %add3A_1801 = arith.addf %add3A_1740, %mul3A_1800 : vector<16xf32>
      %get3A_1802 = arith.constant 1248 : index
      %get3A_1803 = tpu.vector_load %arg6[%get3A_1802] {strides = array<i32>} : memref<7840xf32, #tpu.memory_space<vmem>>, vector<16xf32>,
      %get3A_1804 = vector.shape_cast %get3A_1803 : vector<16xf32> to vector<16xf32>
      %mul3A_1805 = arith.mulf %select_n3A_1796, %get3A_1804 : vector<16xf32>
      %add3A_1806 = arith.addf %add3A_1745, %mul3A_1805 : vector<16xf32>
      %get3A_1807 = arith.constant 2032 : index
      %get3A_1808 = tpu.vector_load %arg6[%get3A_1807] {strides = array<i32>} : memref<7840xf32, #tpu.memory_space<vmem>>, vector<16xf32>,
      %get3A_1809 = vector.shape_cast %get3A_1808 : vector<16xf32> to vector<16xf32>
      %mul3A_1810 = arith.mulf %select_n3A_1796, %get3A_1809 : vector<16xf32>
      %add3A_1811 = arith.addf %add3A_1750, %mul3A_1810 : vector<16xf32>
      %get3A_1812 = arith.constant 2816 : index
      %get3A_1813 = tpu.vector_load %arg6[%get3A_1812] {strides = array<i32>} : memref<7840xf32, #tpu.memory_space<vmem>>, vector<16xf32>,
      %get3A_1814 = vector.shape_cast %get3A_1813 : vector<16xf32> to vector<16xf32>
      %mul3A_1815 = arith.mulf %select_n3A_1796, %get3A_1814 : vector<16xf32>
      %add3A_1816 = arith.addf %add3A_1755, %mul3A_1815 : vector<16xf32>
      %get3A_1817 = arith.constant 3600 : index
      %get3A_1818 = tpu.vector_load %arg6[%get3A_1817] {strides = array<i32>} : memref<7840xf32, #tpu.memory_space<vmem>>, vector<16xf32>,
      %get3A_1819 = vector.shape_cast %get3A_1818 : vector<16xf32> to vector<16xf32>
      %mul3A_1820 = arith.mulf %select_n3A_1796, %get3A_1819 : vector<16xf32>
      %add3A_1821 = arith.addf %add3A_1760, %mul3A_1820 : vector<16xf32>
      %get3A_1822 = arith.constant 4384 : index
      %get3A_1823 = tpu.vector_load %arg6[%get3A_1822] {strides = array<i32>} : memref<7840xf32, #tpu.memory_space<vmem>>, vector<16xf32>,
      %get3A_1824 = vector.shape_cast %get3A_1823 : vector<16xf32> to vector<16xf32>
      %mul3A_1825 = arith.mulf %select_n3A_1796, %get3A_1824 : vector<16xf32>
      %add3A_1826 = arith.addf %add3A_1765, %mul3A_1825 : vector<16xf32>
      %get3A_1827 = arith.constant 5168 : index
      %get3A_1828 = tpu.vector_load %arg6[%get3A_1827] {strides = array<i32>} : memref<7840xf32, #tpu.memory_space<vmem>>, vector<16xf32>,
      %get3A_1829 = vector.shape_cast %get3A_1828 : vector<16xf32> to vector<16xf32>
      %mul3A_1830 = arith.mulf %select_n3A_1796, %get3A_1829 : vector<16xf32>
      %add3A_1831 = arith.addf %add3A_1770, %mul3A_1830 : vector<16xf32>
      %get3A_1832 = arith.constant 5952 : index
      %get3A_1833 = tpu.vector_load %arg6[%get3A_1832] {strides = array<i32>} : memref<7840xf32, #tpu.memory_space<vmem>>, vector<16xf32>,
      %get3A_1834 = vector.shape_cast %get3A_1833 : vector<16xf32> to vector<16xf32>
      %mul3A_1835 = arith.mulf %select_n3A_1796, %get3A_1834 : vector<16xf32>
      %add3A_1836 = arith.addf %add3A_1775, %mul3A_1835 : vector<16xf32>
      %get3A_1837 = arith.constant 6736 : index
      %get3A_1838 = tpu.vector_load %arg6[%get3A_1837] {strides = array<i32>} : memref<7840xf32, #tpu.memory_space<vmem>>, vector<16xf32>,
      %get3A_1839 = vector.shape_cast %get3A_1838 : vector<16xf32> to vector<16xf32>
      %mul3A_1840 = arith.mulf %select_n3A_1796, %get3A_1839 : vector<16xf32>
      %add3A_1841 = arith.addf %add3A_1780, %mul3A_1840 : vector<16xf32>
      %get3A_1842 = arith.constant 7520 : index
      %get3A_1843 = tpu.vector_load %arg6[%get3A_1842] {strides = array<i32>} : memref<7840xf32, #tpu.memory_space<vmem>>, vector<16xf32>,
      %get3A_1844 = vector.shape_cast %get3A_1843 : vector<16xf32> to vector<16xf32>
      %mul3A_1845 = arith.mulf %select_n3A_1796, %get3A_1844 : vector<16xf32>
      %add3A_1846 = arith.addf %add3A_1785, %mul3A_1845 : vector<16xf32>
      %get3A_1847 = arith.constant 480 : index
      %get3A_1848 = tpu.vector_load %arg5[%get3A_1847] {strides = array<i32>} : memref<784xf32, #tpu.memory_space<vmem>>, vector<16xf32>,
      %get3A_1849 = vector.shape_cast %get3A_1848 : vector<16xf32> to vector<16xf32>
      %gt3A_1850 = arith.constant 5.000000e-01 : f32
      %gt3A_1851 = vector.broadcast %gt3A_1850 : f32 to vector<16xf32>
      %gt3A_1852 = arith.cmpf ogt, %get3A_1849, %gt3A_1851 : vector<16xf32>
      %jit3A_1853 = arith.constant 1.000000e+00 : f32
      %jit3A_1854 = arith.constant 0.000000e+00 : f32
      %broadcast_in_dim3A_1855 = vector.broadcast %jit3A_1853 : f32 to vector<16xf32>
      %broadcast_in_dim3A_1856 = vector.broadcast %jit3A_1854 : f32 to vector<16xf32>
      %select_n3A_1857 = arith.select %gt3A_1852, %broadcast_in_dim3A_1855, %broadcast_in_dim3A_1856 : vector<16xi1>, vector<16xf32>
      %get3A_1858 = arith.constant 480 : index
      %get3A_1859 = tpu.vector_load %arg6[%get3A_1858] {strides = array<i32>} : memref<7840xf32, #tpu.memory_space<vmem>>, vector<16xf32>,
      %get3A_1860 = vector.shape_cast %get3A_1859 : vector<16xf32> to vector<16xf32>
      %mul3A_1861 = arith.mulf %select_n3A_1857, %get3A_1860 : vector<16xf32>
      %add3A_1862 = arith.addf %add3A_1801, %mul3A_1861 : vector<16xf32>
      %get3A_1863 = arith.constant 1264 : index
      %get3A_1864 = tpu.vector_load %arg6[%get3A_1863] {strides = array<i32>} : memref<7840xf32, #tpu.memory_space<vmem>>, vector<16xf32>,
      %get3A_1865 = vector.shape_cast %get3A_1864 : vector<16xf32> to vector<16xf32>
      %mul3A_1866 = arith.mulf %select_n3A_1857, %get3A_1865 : vector<16xf32>
      %add3A_1867 = arith.addf %add3A_1806, %mul3A_1866 : vector<16xf32>
      %get3A_1868 = arith.constant 2048 : index
      %get3A_1869 = tpu.vector_load %arg6[%get3A_1868] {strides = array<i32>} : memref<7840xf32, #tpu.memory_space<vmem>>, vector<16xf32>,
      %get3A_1870 = vector.shape_cast %get3A_1869 : vector<16xf32> to vector<16xf32>
      %mul3A_1871 = arith.mulf %select_n3A_1857, %get3A_1870 : vector<16xf32>
      %add3A_1872 = arith.addf %add3A_1811, %mul3A_1871 : vector<16xf32>
      %get3A_1873 = arith.constant 2832 : index
      %get3A_1874 = tpu.vector_load %arg6[%get3A_1873] {strides = array<i32>} : memref<7840xf32, #tpu.memory_space<vmem>>, vector<16xf32>,
      %get3A_1875 = vector.shape_cast %get3A_1874 : vector<16xf32> to vector<16xf32>
      %mul3A_1876 = arith.mulf %select_n3A_1857, %get3A_1875 : vector<16xf32>
      %add3A_1877 = arith.addf %add3A_1816, %mul3A_1876 : vector<16xf32>
      %get3A_1878 = arith.constant 3616 : index
      %get3A_1879 = tpu.vector_load %arg6[%get3A_1878] {strides = array<i32>} : memref<7840xf32, #tpu.memory_space<vmem>>, vector<16xf32>,
      %get3A_1880 = vector.shape_cast %get3A_1879 : vector<16xf32> to vector<16xf32>
      %mul3A_1881 = arith.mulf %select_n3A_1857, %get3A_1880 : vector<16xf32>
      %add3A_1882 = arith.addf %add3A_1821, %mul3A_1881 : vector<16xf32>
      %get3A_1883 = arith.constant 4400 : index
      %get3A_1884 = tpu.vector_load %arg6[%get3A_1883] {strides = array<i32>} : memref<7840xf32, #tpu.memory_space<vmem>>, vector<16xf32>,
      %get3A_1885 = vector.shape_cast %get3A_1884 : vector<16xf32> to vector<16xf32>
      %mul3A_1886 = arith.mulf %select_n3A_1857, %get3A_1885 : vector<16xf32>
      %add3A_1887 = arith.addf %add3A_1826, %mul3A_1886 : vector<16xf32>
      %get3A_1888 = arith.constant 5184 : index
      %get3A_1889 = tpu.vector_load %arg6[%get3A_1888] {strides = array<i32>} : memref<7840xf32, #tpu.memory_space<vmem>>, vector<16xf32>,
      %get3A_1890 = vector.shape_cast %get3A_1889 : vector<16xf32> to vector<16xf32>
      %mul3A_1891 = arith.mulf %select_n3A_1857, %get3A_1890 : vector<16xf32>
      %add3A_1892 = arith.addf %add3A_1831, %mul3A_1891 : vector<16xf32>
      %get3A_1893 = arith.constant 5968 : index
      %get3A_1894 = tpu.vector_load %arg6[%get3A_1893] {strides = array<i32>} : memref<7840xf32, #tpu.memory_space<vmem>>, vector<16xf32>,
      %get3A_1895 = vector.shape_cast %get3A_1894 : vector<16xf32> to vector<16xf32>
      %mul3A_1896 = arith.mulf %select_n3A_1857, %get3A_1895 : vector<16xf32>
      %add3A_1897 = arith.addf %add3A_1836, %mul3A_1896 : vector<16xf32>
      %get3A_1898 = arith.constant 6752 : index
      %get3A_1899 = tpu.vector_load %arg6[%get3A_1898] {strides = array<i32>} : memref<7840xf32, #tpu.memory_space<vmem>>, vector<16xf32>,
      %get3A_1900 = vector.shape_cast %get3A_1899 : vector<16xf32> to vector<16xf32>
      %mul3A_1901 = arith.mulf %select_n3A_1857, %get3A_1900 : vector<16xf32>
      %add3A_1902 = arith.addf %add3A_1841, %mul3A_1901 : vector<16xf32>
      %get3A_1903 = arith.constant 7536 : index
      %get3A_1904 = tpu.vector_load %arg6[%get3A_1903] {strides = array<i32>} : memref<7840xf32, #tpu.memory_space<vmem>>, vector<16xf32>,
      %get3A_1905 = vector.shape_cast %get3A_1904 : vector<16xf32> to vector<16xf32>
      %mul3A_1906 = arith.mulf %select_n3A_1857, %get3A_1905 : vector<16xf32>
      %add3A_1907 = arith.addf %add3A_1846, %mul3A_1906 : vector<16xf32>
      %get3A_1908 = arith.constant 496 : index
      %get3A_1909 = tpu.vector_load %arg5[%get3A_1908] {strides = array<i32>} : memref<784xf32, #tpu.memory_space<vmem>>, vector<16xf32>,
      %get3A_1910 = vector.shape_cast %get3A_1909 : vector<16xf32> to vector<16xf32>
      %gt3A_1911 = arith.constant 5.000000e-01 : f32
      %gt3A_1912 = vector.broadcast %gt3A_1911 : f32 to vector<16xf32>
      %gt3A_1913 = arith.cmpf ogt, %get3A_1910, %gt3A_1912 : vector<16xf32>
      %jit3A_1914 = arith.constant 1.000000e+00 : f32
      %jit3A_1915 = arith.constant 0.000000e+00 : f32
      %broadcast_in_dim3A_1916 = vector.broadcast %jit3A_1914 : f32 to vector<16xf32>
      %broadcast_in_dim3A_1917 = vector.broadcast %jit3A_1915 : f32 to vector<16xf32>
      %select_n3A_1918 = arith.select %gt3A_1913, %broadcast_in_dim3A_1916, %broadcast_in_dim3A_1917 : vector<16xi1>, vector<16xf32>
      %get3A_1919 = arith.constant 496 : index
      %get3A_1920 = tpu.vector_load %arg6[%get3A_1919] {strides = array<i32>} : memref<7840xf32, #tpu.memory_space<vmem>>, vector<16xf32>,
      %get3A_1921 = vector.shape_cast %get3A_1920 : vector<16xf32> to vector<16xf32>
      %mul3A_1922 = arith.mulf %select_n3A_1918, %get3A_1921 : vector<16xf32>
      %add3A_1923 = arith.addf %add3A_1862, %mul3A_1922 : vector<16xf32>
      %get3A_1924 = arith.constant 1280 : index
      %get3A_1925 = tpu.vector_load %arg6[%get3A_1924] {strides = array<i32>} : memref<7840xf32, #tpu.memory_space<vmem>>, vector<16xf32>,
      %get3A_1926 = vector.shape_cast %get3A_1925 : vector<16xf32> to vector<16xf32>
      %mul3A_1927 = arith.mulf %select_n3A_1918, %get3A_1926 : vector<16xf32>
      %add3A_1928 = arith.addf %add3A_1867, %mul3A_1927 : vector<16xf32>
      %get3A_1929 = arith.constant 2064 : index
      %get3A_1930 = tpu.vector_load %arg6[%get3A_1929] {strides = array<i32>} : memref<7840xf32, #tpu.memory_space<vmem>>, vector<16xf32>,
      %get3A_1931 = vector.shape_cast %get3A_1930 : vector<16xf32> to vector<16xf32>
      %mul3A_1932 = arith.mulf %select_n3A_1918, %get3A_1931 : vector<16xf32>
      %add3A_1933 = arith.addf %add3A_1872, %mul3A_1932 : vector<16xf32>
      %get3A_1934 = arith.constant 2848 : index
      %get3A_1935 = tpu.vector_load %arg6[%get3A_1934] {strides = array<i32>} : memref<7840xf32, #tpu.memory_space<vmem>>, vector<16xf32>,
      %get3A_1936 = vector.shape_cast %get3A_1935 : vector<16xf32> to vector<16xf32>
      %mul3A_1937 = arith.mulf %select_n3A_1918, %get3A_1936 : vector<16xf32>
      %add3A_1938 = arith.addf %add3A_1877, %mul3A_1937 : vector<16xf32>
      %get3A_1939 = arith.constant 3632 : index
      %get3A_1940 = tpu.vector_load %arg6[%get3A_1939] {strides = array<i32>} : memref<7840xf32, #tpu.memory_space<vmem>>, vector<16xf32>,
      %get3A_1941 = vector.shape_cast %get3A_1940 : vector<16xf32> to vector<16xf32>
      %mul3A_1942 = arith.mulf %select_n3A_1918, %get3A_1941 : vector<16xf32>
      %add3A_1943 = arith.addf %add3A_1882, %mul3A_1942 : vector<16xf32>
      %get3A_1944 = arith.constant 4416 : index
      %get3A_1945 = tpu.vector_load %arg6[%get3A_1944] {strides = array<i32>} : memref<7840xf32, #tpu.memory_space<vmem>>, vector<16xf32>,
      %get3A_1946 = vector.shape_cast %get3A_1945 : vector<16xf32> to vector<16xf32>
      %mul3A_1947 = arith.mulf %select_n3A_1918, %get3A_1946 : vector<16xf32>
      %add3A_1948 = arith.addf %add3A_1887, %mul3A_1947 : vector<16xf32>
      %get3A_1949 = arith.constant 5200 : index
      %get3A_1950 = tpu.vector_load %arg6[%get3A_1949] {strides = array<i32>} : memref<7840xf32, #tpu.memory_space<vmem>>, vector<16xf32>,
      %get3A_1951 = vector.shape_cast %get3A_1950 : vector<16xf32> to vector<16xf32>
      %mul3A_1952 = arith.mulf %select_n3A_1918, %get3A_1951 : vector<16xf32>
      %add3A_1953 = arith.addf %add3A_1892, %mul3A_1952 : vector<16xf32>
      %get3A_1954 = arith.constant 5984 : index
      %get3A_1955 = tpu.vector_load %arg6[%get3A_1954] {strides = array<i32>} : memref<7840xf32, #tpu.memory_space<vmem>>, vector<16xf32>,
      %get3A_1956 = vector.shape_cast %get3A_1955 : vector<16xf32> to vector<16xf32>
      %mul3A_1957 = arith.mulf %select_n3A_1918, %get3A_1956 : vector<16xf32>
      %add3A_1958 = arith.addf %add3A_1897, %mul3A_1957 : vector<16xf32>
      %get3A_1959 = arith.constant 6768 : index
      %get3A_1960 = tpu.vector_load %arg6[%get3A_1959] {strides = array<i32>} : memref<7840xf32, #tpu.memory_space<vmem>>, vector<16xf32>,
      %get3A_1961 = vector.shape_cast %get3A_1960 : vector<16xf32> to vector<16xf32>
      %mul3A_1962 = arith.mulf %select_n3A_1918, %get3A_1961 : vector<16xf32>
      %add3A_1963 = arith.addf %add3A_1902, %mul3A_1962 : vector<16xf32>
      %get3A_1964 = arith.constant 7552 : index
      %get3A_1965 = tpu.vector_load %arg6[%get3A_1964] {strides = array<i32>} : memref<7840xf32, #tpu.memory_space<vmem>>, vector<16xf32>,
      %get3A_1966 = vector.shape_cast %get3A_1965 : vector<16xf32> to vector<16xf32>
      %mul3A_1967 = arith.mulf %select_n3A_1918, %get3A_1966 : vector<16xf32>
      %add3A_1968 = arith.addf %add3A_1907, %mul3A_1967 : vector<16xf32>
      %get3A_1969 = arith.constant 512 : index
      %get3A_1970 = tpu.vector_load %arg5[%get3A_1969] {strides = array<i32>} : memref<784xf32, #tpu.memory_space<vmem>>, vector<16xf32>,
      %get3A_1971 = vector.shape_cast %get3A_1970 : vector<16xf32> to vector<16xf32>
      %gt3A_1972 = arith.constant 5.000000e-01 : f32
      %gt3A_1973 = vector.broadcast %gt3A_1972 : f32 to vector<16xf32>
      %gt3A_1974 = arith.cmpf ogt, %get3A_1971, %gt3A_1973 : vector<16xf32>
      %jit3A_1975 = arith.constant 1.000000e+00 : f32
      %jit3A_1976 = arith.constant 0.000000e+00 : f32
      %broadcast_in_dim3A_1977 = vector.broadcast %jit3A_1975 : f32 to vector<16xf32>
      %broadcast_in_dim3A_1978 = vector.broadcast %jit3A_1976 : f32 to vector<16xf32>
      %select_n3A_1979 = arith.select %gt3A_1974, %broadcast_in_dim3A_1977, %broadcast_in_dim3A_1978 : vector<16xi1>, vector<16xf32>
      %get3A_1980 = arith.constant 512 : index
      %get3A_1981 = tpu.vector_load %arg6[%get3A_1980] {strides = array<i32>} : memref<7840xf32, #tpu.memory_space<vmem>>, vector<16xf32>,
      %get3A_1982 = vector.shape_cast %get3A_1981 : vector<16xf32> to vector<16xf32>
      %mul3A_1983 = arith.mulf %select_n3A_1979, %get3A_1982 : vector<16xf32>
      %add3A_1984 = arith.addf %add3A_1923, %mul3A_1983 : vector<16xf32>
      %get3A_1985 = arith.constant 1296 : index
      %get3A_1986 = tpu.vector_load %arg6[%get3A_1985] {strides = array<i32>} : memref<7840xf32, #tpu.memory_space<vmem>>, vector<16xf32>,
      %get3A_1987 = vector.shape_cast %get3A_1986 : vector<16xf32> to vector<16xf32>
      %mul3A_1988 = arith.mulf %select_n3A_1979, %get3A_1987 : vector<16xf32>
      %add3A_1989 = arith.addf %add3A_1928, %mul3A_1988 : vector<16xf32>
      %get3A_1990 = arith.constant 2080 : index
      %get3A_1991 = tpu.vector_load %arg6[%get3A_1990] {strides = array<i32>} : memref<7840xf32, #tpu.memory_space<vmem>>, vector<16xf32>,
      %get3A_1992 = vector.shape_cast %get3A_1991 : vector<16xf32> to vector<16xf32>
      %mul3A_1993 = arith.mulf %select_n3A_1979, %get3A_1992 : vector<16xf32>
      %add3A_1994 = arith.addf %add3A_1933, %mul3A_1993 : vector<16xf32>
      %get3A_1995 = arith.constant 2864 : index
      %get3A_1996 = tpu.vector_load %arg6[%get3A_1995] {strides = array<i32>} : memref<7840xf32, #tpu.memory_space<vmem>>, vector<16xf32>,
      %get3A_1997 = vector.shape_cast %get3A_1996 : vector<16xf32> to vector<16xf32>
      %mul3A_1998 = arith.mulf %select_n3A_1979, %get3A_1997 : vector<16xf32>
      %add3A_1999 = arith.addf %add3A_1938, %mul3A_1998 : vector<16xf32>
      %get3A_2000 = arith.constant 3648 : index
      %get3A_2001 = tpu.vector_load %arg6[%get3A_2000] {strides = array<i32>} : memref<7840xf32, #tpu.memory_space<vmem>>, vector<16xf32>,
      %get3A_2002 = vector.shape_cast %get3A_2001 : vector<16xf32> to vector<16xf32>
      %mul3A_2003 = arith.mulf %select_n3A_1979, %get3A_2002 : vector<16xf32>
      %add3A_2004 = arith.addf %add3A_1943, %mul3A_2003 : vector<16xf32>
      %get3A_2005 = arith.constant 4432 : index
      %get3A_2006 = tpu.vector_load %arg6[%get3A_2005] {strides = array<i32>} : memref<7840xf32, #tpu.memory_space<vmem>>, vector<16xf32>,
      %get3A_2007 = vector.shape_cast %get3A_2006 : vector<16xf32> to vector<16xf32>
      %mul3A_2008 = arith.mulf %select_n3A_1979, %get3A_2007 : vector<16xf32>
      %add3A_2009 = arith.addf %add3A_1948, %mul3A_2008 : vector<16xf32>
      %get3A_2010 = arith.constant 5216 : index
      %get3A_2011 = tpu.vector_load %arg6[%get3A_2010] {strides = array<i32>} : memref<7840xf32, #tpu.memory_space<vmem>>, vector<16xf32>,
      %get3A_2012 = vector.shape_cast %get3A_2011 : vector<16xf32> to vector<16xf32>
      %mul3A_2013 = arith.mulf %select_n3A_1979, %get3A_2012 : vector<16xf32>
      %add3A_2014 = arith.addf %add3A_1953, %mul3A_2013 : vector<16xf32>
      %get3A_2015 = arith.constant 6000 : index
      %get3A_2016 = tpu.vector_load %arg6[%get3A_2015] {strides = array<i32>} : memref<7840xf32, #tpu.memory_space<vmem>>, vector<16xf32>,
      %get3A_2017 = vector.shape_cast %get3A_2016 : vector<16xf32> to vector<16xf32>
      %mul3A_2018 = arith.mulf %select_n3A_1979, %get3A_2017 : vector<16xf32>
      %add3A_2019 = arith.addf %add3A_1958, %mul3A_2018 : vector<16xf32>
      %get3A_2020 = arith.constant 6784 : index
      %get3A_2021 = tpu.vector_load %arg6[%get3A_2020] {strides = array<i32>} : memref<7840xf32, #tpu.memory_space<vmem>>, vector<16xf32>,
      %get3A_2022 = vector.shape_cast %get3A_2021 : vector<16xf32> to vector<16xf32>
      %mul3A_2023 = arith.mulf %select_n3A_1979, %get3A_2022 : vector<16xf32>
      %add3A_2024 = arith.addf %add3A_1963, %mul3A_2023 : vector<16xf32>
      %get3A_2025 = arith.constant 7568 : index
      %get3A_2026 = tpu.vector_load %arg6[%get3A_2025] {strides = array<i32>} : memref<7840xf32, #tpu.memory_space<vmem>>, vector<16xf32>,
      %get3A_2027 = vector.shape_cast %get3A_2026 : vector<16xf32> to vector<16xf32>
      %mul3A_2028 = arith.mulf %select_n3A_1979, %get3A_2027 : vector<16xf32>
      %add3A_2029 = arith.addf %add3A_1968, %mul3A_2028 : vector<16xf32>
      %get3A_2030 = arith.constant 528 : index
      %get3A_2031 = tpu.vector_load %arg5[%get3A_2030] {strides = array<i32>} : memref<784xf32, #tpu.memory_space<vmem>>, vector<16xf32>,
      %get3A_2032 = vector.shape_cast %get3A_2031 : vector<16xf32> to vector<16xf32>
      %gt3A_2033 = arith.constant 5.000000e-01 : f32
      %gt3A_2034 = vector.broadcast %gt3A_2033 : f32 to vector<16xf32>
      %gt3A_2035 = arith.cmpf ogt, %get3A_2032, %gt3A_2034 : vector<16xf32>
      %jit3A_2036 = arith.constant 1.000000e+00 : f32
      %jit3A_2037 = arith.constant 0.000000e+00 : f32
      %broadcast_in_dim3A_2038 = vector.broadcast %jit3A_2036 : f32 to vector<16xf32>
      %broadcast_in_dim3A_2039 = vector.broadcast %jit3A_2037 : f32 to vector<16xf32>
      %select_n3A_2040 = arith.select %gt3A_2035, %broadcast_in_dim3A_2038, %broadcast_in_dim3A_2039 : vector<16xi1>, vector<16xf32>
      %get3A_2041 = arith.constant 528 : index
      %get3A_2042 = tpu.vector_load %arg6[%get3A_2041] {strides = array<i32>} : memref<7840xf32, #tpu.memory_space<vmem>>, vector<16xf32>,
      %get3A_2043 = vector.shape_cast %get3A_2042 : vector<16xf32> to vector<16xf32>
      %mul3A_2044 = arith.mulf %select_n3A_2040, %get3A_2043 : vector<16xf32>
      %add3A_2045 = arith.addf %add3A_1984, %mul3A_2044 : vector<16xf32>
      %get3A_2046 = arith.constant 1312 : index
      %get3A_2047 = tpu.vector_load %arg6[%get3A_2046] {strides = array<i32>} : memref<7840xf32, #tpu.memory_space<vmem>>, vector<16xf32>,
      %get3A_2048 = vector.shape_cast %get3A_2047 : vector<16xf32> to vector<16xf32>
      %mul3A_2049 = arith.mulf %select_n3A_2040, %get3A_2048 : vector<16xf32>
      %add3A_2050 = arith.addf %add3A_1989, %mul3A_2049 : vector<16xf32>
      %get3A_2051 = arith.constant 2096 : index
      %get3A_2052 = tpu.vector_load %arg6[%get3A_2051] {strides = array<i32>} : memref<7840xf32, #tpu.memory_space<vmem>>, vector<16xf32>,
      %get3A_2053 = vector.shape_cast %get3A_2052 : vector<16xf32> to vector<16xf32>
      %mul3A_2054 = arith.mulf %select_n3A_2040, %get3A_2053 : vector<16xf32>
      %add3A_2055 = arith.addf %add3A_1994, %mul3A_2054 : vector<16xf32>
      %get3A_2056 = arith.constant 2880 : index
      %get3A_2057 = tpu.vector_load %arg6[%get3A_2056] {strides = array<i32>} : memref<7840xf32, #tpu.memory_space<vmem>>, vector<16xf32>,
      %get3A_2058 = vector.shape_cast %get3A_2057 : vector<16xf32> to vector<16xf32>
      %mul3A_2059 = arith.mulf %select_n3A_2040, %get3A_2058 : vector<16xf32>
      %add3A_2060 = arith.addf %add3A_1999, %mul3A_2059 : vector<16xf32>
      %get3A_2061 = arith.constant 3664 : index
      %get3A_2062 = tpu.vector_load %arg6[%get3A_2061] {strides = array<i32>} : memref<7840xf32, #tpu.memory_space<vmem>>, vector<16xf32>,
      %get3A_2063 = vector.shape_cast %get3A_2062 : vector<16xf32> to vector<16xf32>
      %mul3A_2064 = arith.mulf %select_n3A_2040, %get3A_2063 : vector<16xf32>
      %add3A_2065 = arith.addf %add3A_2004, %mul3A_2064 : vector<16xf32>
      %get3A_2066 = arith.constant 4448 : index
      %get3A_2067 = tpu.vector_load %arg6[%get3A_2066] {strides = array<i32>} : memref<7840xf32, #tpu.memory_space<vmem>>, vector<16xf32>,
      %get3A_2068 = vector.shape_cast %get3A_2067 : vector<16xf32> to vector<16xf32>
      %mul3A_2069 = arith.mulf %select_n3A_2040, %get3A_2068 : vector<16xf32>
      %add3A_2070 = arith.addf %add3A_2009, %mul3A_2069 : vector<16xf32>
      %get3A_2071 = arith.constant 5232 : index
      %get3A_2072 = tpu.vector_load %arg6[%get3A_2071] {strides = array<i32>} : memref<7840xf32, #tpu.memory_space<vmem>>, vector<16xf32>,
      %get3A_2073 = vector.shape_cast %get3A_2072 : vector<16xf32> to vector<16xf32>
      %mul3A_2074 = arith.mulf %select_n3A_2040, %get3A_2073 : vector<16xf32>
      %add3A_2075 = arith.addf %add3A_2014, %mul3A_2074 : vector<16xf32>
      %get3A_2076 = arith.constant 6016 : index
      %get3A_2077 = tpu.vector_load %arg6[%get3A_2076] {strides = array<i32>} : memref<7840xf32, #tpu.memory_space<vmem>>, vector<16xf32>,
      %get3A_2078 = vector.shape_cast %get3A_2077 : vector<16xf32> to vector<16xf32>
      %mul3A_2079 = arith.mulf %select_n3A_2040, %get3A_2078 : vector<16xf32>
      %add3A_2080 = arith.addf %add3A_2019, %mul3A_2079 : vector<16xf32>
      %get3A_2081 = arith.constant 6800 : index
      %get3A_2082 = tpu.vector_load %arg6[%get3A_2081] {strides = array<i32>} : memref<7840xf32, #tpu.memory_space<vmem>>, vector<16xf32>,
      %get3A_2083 = vector.shape_cast %get3A_2082 : vector<16xf32> to vector<16xf32>
      %mul3A_2084 = arith.mulf %select_n3A_2040, %get3A_2083 : vector<16xf32>
      %add3A_2085 = arith.addf %add3A_2024, %mul3A_2084 : vector<16xf32>
      %get3A_2086 = arith.constant 7584 : index
      %get3A_2087 = tpu.vector_load %arg6[%get3A_2086] {strides = array<i32>} : memref<7840xf32, #tpu.memory_space<vmem>>, vector<16xf32>,
      %get3A_2088 = vector.shape_cast %get3A_2087 : vector<16xf32> to vector<16xf32>
      %mul3A_2089 = arith.mulf %select_n3A_2040, %get3A_2088 : vector<16xf32>
      %add3A_2090 = arith.addf %add3A_2029, %mul3A_2089 : vector<16xf32>
      %get3A_2091 = arith.constant 544 : index
      %get3A_2092 = tpu.vector_load %arg5[%get3A_2091] {strides = array<i32>} : memref<784xf32, #tpu.memory_space<vmem>>, vector<16xf32>,
      %get3A_2093 = vector.shape_cast %get3A_2092 : vector<16xf32> to vector<16xf32>
      %gt3A_2094 = arith.constant 5.000000e-01 : f32
      %gt3A_2095 = vector.broadcast %gt3A_2094 : f32 to vector<16xf32>
      %gt3A_2096 = arith.cmpf ogt, %get3A_2093, %gt3A_2095 : vector<16xf32>
      %jit3A_2097 = arith.constant 1.000000e+00 : f32
      %jit3A_2098 = arith.constant 0.000000e+00 : f32
      %broadcast_in_dim3A_2099 = vector.broadcast %jit3A_2097 : f32 to vector<16xf32>
      %broadcast_in_dim3A_2100 = vector.broadcast %jit3A_2098 : f32 to vector<16xf32>
      %select_n3A_2101 = arith.select %gt3A_2096, %broadcast_in_dim3A_2099, %broadcast_in_dim3A_2100 : vector<16xi1>, vector<16xf32>
      %get3A_2102 = arith.constant 544 : index
      %get3A_2103 = tpu.vector_load %arg6[%get3A_2102] {strides = array<i32>} : memref<7840xf32, #tpu.memory_space<vmem>>, vector<16xf32>,
      %get3A_2104 = vector.shape_cast %get3A_2103 : vector<16xf32> to vector<16xf32>
      %mul3A_2105 = arith.mulf %select_n3A_2101, %get3A_2104 : vector<16xf32>
      %add3A_2106 = arith.addf %add3A_2045, %mul3A_2105 : vector<16xf32>
      %get3A_2107 = arith.constant 1328 : index
      %get3A_2108 = tpu.vector_load %arg6[%get3A_2107] {strides = array<i32>} : memref<7840xf32, #tpu.memory_space<vmem>>, vector<16xf32>,
      %get3A_2109 = vector.shape_cast %get3A_2108 : vector<16xf32> to vector<16xf32>
      %mul3A_2110 = arith.mulf %select_n3A_2101, %get3A_2109 : vector<16xf32>
      %add3A_2111 = arith.addf %add3A_2050, %mul3A_2110 : vector<16xf32>
      %get3A_2112 = arith.constant 2112 : index
      %get3A_2113 = tpu.vector_load %arg6[%get3A_2112] {strides = array<i32>} : memref<7840xf32, #tpu.memory_space<vmem>>, vector<16xf32>,
      %get3A_2114 = vector.shape_cast %get3A_2113 : vector<16xf32> to vector<16xf32>
      %mul3A_2115 = arith.mulf %select_n3A_2101, %get3A_2114 : vector<16xf32>
      %add3A_2116 = arith.addf %add3A_2055, %mul3A_2115 : vector<16xf32>
      %get3A_2117 = arith.constant 2896 : index
      %get3A_2118 = tpu.vector_load %arg6[%get3A_2117] {strides = array<i32>} : memref<7840xf32, #tpu.memory_space<vmem>>, vector<16xf32>,
      %get3A_2119 = vector.shape_cast %get3A_2118 : vector<16xf32> to vector<16xf32>
      %mul3A_2120 = arith.mulf %select_n3A_2101, %get3A_2119 : vector<16xf32>
      %add3A_2121 = arith.addf %add3A_2060, %mul3A_2120 : vector<16xf32>
      %get3A_2122 = arith.constant 3680 : index
      %get3A_2123 = tpu.vector_load %arg6[%get3A_2122] {strides = array<i32>} : memref<7840xf32, #tpu.memory_space<vmem>>, vector<16xf32>,
      %get3A_2124 = vector.shape_cast %get3A_2123 : vector<16xf32> to vector<16xf32>
      %mul3A_2125 = arith.mulf %select_n3A_2101, %get3A_2124 : vector<16xf32>
      %add3A_2126 = arith.addf %add3A_2065, %mul3A_2125 : vector<16xf32>
      %get3A_2127 = arith.constant 4464 : index
      %get3A_2128 = tpu.vector_load %arg6[%get3A_2127] {strides = array<i32>} : memref<7840xf32, #tpu.memory_space<vmem>>, vector<16xf32>,
      %get3A_2129 = vector.shape_cast %get3A_2128 : vector<16xf32> to vector<16xf32>
      %mul3A_2130 = arith.mulf %select_n3A_2101, %get3A_2129 : vector<16xf32>
      %add3A_2131 = arith.addf %add3A_2070, %mul3A_2130 : vector<16xf32>
      %get3A_2132 = arith.constant 5248 : index
      %get3A_2133 = tpu.vector_load %arg6[%get3A_2132] {strides = array<i32>} : memref<7840xf32, #tpu.memory_space<vmem>>, vector<16xf32>,
      %get3A_2134 = vector.shape_cast %get3A_2133 : vector<16xf32> to vector<16xf32>
      %mul3A_2135 = arith.mulf %select_n3A_2101, %get3A_2134 : vector<16xf32>
      %add3A_2136 = arith.addf %add3A_2075, %mul3A_2135 : vector<16xf32>
      %get3A_2137 = arith.constant 6032 : index
      %get3A_2138 = tpu.vector_load %arg6[%get3A_2137] {strides = array<i32>} : memref<7840xf32, #tpu.memory_space<vmem>>, vector<16xf32>,
      %get3A_2139 = vector.shape_cast %get3A_2138 : vector<16xf32> to vector<16xf32>
      %mul3A_2140 = arith.mulf %select_n3A_2101, %get3A_2139 : vector<16xf32>
      %add3A_2141 = arith.addf %add3A_2080, %mul3A_2140 : vector<16xf32>
      %get3A_2142 = arith.constant 6816 : index
      %get3A_2143 = tpu.vector_load %arg6[%get3A_2142] {strides = array<i32>} : memref<7840xf32, #tpu.memory_space<vmem>>, vector<16xf32>,
      %get3A_2144 = vector.shape_cast %get3A_2143 : vector<16xf32> to vector<16xf32>
      %mul3A_2145 = arith.mulf %select_n3A_2101, %get3A_2144 : vector<16xf32>
      %add3A_2146 = arith.addf %add3A_2085, %mul3A_2145 : vector<16xf32>
      %get3A_2147 = arith.constant 7600 : index
      %get3A_2148 = tpu.vector_load %arg6[%get3A_2147] {strides = array<i32>} : memref<7840xf32, #tpu.memory_space<vmem>>, vector<16xf32>,
      %get3A_2149 = vector.shape_cast %get3A_2148 : vector<16xf32> to vector<16xf32>
      %mul3A_2150 = arith.mulf %select_n3A_2101, %get3A_2149 : vector<16xf32>
      %add3A_2151 = arith.addf %add3A_2090, %mul3A_2150 : vector<16xf32>
      %get3A_2152 = arith.constant 560 : index
      %get3A_2153 = tpu.vector_load %arg5[%get3A_2152] {strides = array<i32>} : memref<784xf32, #tpu.memory_space<vmem>>, vector<16xf32>,
      %get3A_2154 = vector.shape_cast %get3A_2153 : vector<16xf32> to vector<16xf32>
      %gt3A_2155 = arith.constant 5.000000e-01 : f32
      %gt3A_2156 = vector.broadcast %gt3A_2155 : f32 to vector<16xf32>
      %gt3A_2157 = arith.cmpf ogt, %get3A_2154, %gt3A_2156 : vector<16xf32>
      %jit3A_2158 = arith.constant 1.000000e+00 : f32
      %jit3A_2159 = arith.constant 0.000000e+00 : f32
      %broadcast_in_dim3A_2160 = vector.broadcast %jit3A_2158 : f32 to vector<16xf32>
      %broadcast_in_dim3A_2161 = vector.broadcast %jit3A_2159 : f32 to vector<16xf32>
      %select_n3A_2162 = arith.select %gt3A_2157, %broadcast_in_dim3A_2160, %broadcast_in_dim3A_2161 : vector<16xi1>, vector<16xf32>
      %get3A_2163 = arith.constant 560 : index
      %get3A_2164 = tpu.vector_load %arg6[%get3A_2163] {strides = array<i32>} : memref<7840xf32, #tpu.memory_space<vmem>>, vector<16xf32>,
      %get3A_2165 = vector.shape_cast %get3A_2164 : vector<16xf32> to vector<16xf32>
      %mul3A_2166 = arith.mulf %select_n3A_2162, %get3A_2165 : vector<16xf32>
      %add3A_2167 = arith.addf %add3A_2106, %mul3A_2166 : vector<16xf32>
      %get3A_2168 = arith.constant 1344 : index
      %get3A_2169 = tpu.vector_load %arg6[%get3A_2168] {strides = array<i32>} : memref<7840xf32, #tpu.memory_space<vmem>>, vector<16xf32>,
      %get3A_2170 = vector.shape_cast %get3A_2169 : vector<16xf32> to vector<16xf32>
      %mul3A_2171 = arith.mulf %select_n3A_2162, %get3A_2170 : vector<16xf32>
      %add3A_2172 = arith.addf %add3A_2111, %mul3A_2171 : vector<16xf32>
      %get3A_2173 = arith.constant 2128 : index
      %get3A_2174 = tpu.vector_load %arg6[%get3A_2173] {strides = array<i32>} : memref<7840xf32, #tpu.memory_space<vmem>>, vector<16xf32>,
      %get3A_2175 = vector.shape_cast %get3A_2174 : vector<16xf32> to vector<16xf32>
      %mul3A_2176 = arith.mulf %select_n3A_2162, %get3A_2175 : vector<16xf32>
      %add3A_2177 = arith.addf %add3A_2116, %mul3A_2176 : vector<16xf32>
      %get3A_2178 = arith.constant 2912 : index
      %get3A_2179 = tpu.vector_load %arg6[%get3A_2178] {strides = array<i32>} : memref<7840xf32, #tpu.memory_space<vmem>>, vector<16xf32>,
      %get3A_2180 = vector.shape_cast %get3A_2179 : vector<16xf32> to vector<16xf32>
      %mul3A_2181 = arith.mulf %select_n3A_2162, %get3A_2180 : vector<16xf32>
      %add3A_2182 = arith.addf %add3A_2121, %mul3A_2181 : vector<16xf32>
      %get3A_2183 = arith.constant 3696 : index
      %get3A_2184 = tpu.vector_load %arg6[%get3A_2183] {strides = array<i32>} : memref<7840xf32, #tpu.memory_space<vmem>>, vector<16xf32>,
      %get3A_2185 = vector.shape_cast %get3A_2184 : vector<16xf32> to vector<16xf32>
      %mul3A_2186 = arith.mulf %select_n3A_2162, %get3A_2185 : vector<16xf32>
      %add3A_2187 = arith.addf %add3A_2126, %mul3A_2186 : vector<16xf32>
      %get3A_2188 = arith.constant 4480 : index
      %get3A_2189 = tpu.vector_load %arg6[%get3A_2188] {strides = array<i32>} : memref<7840xf32, #tpu.memory_space<vmem>>, vector<16xf32>,
      %get3A_2190 = vector.shape_cast %get3A_2189 : vector<16xf32> to vector<16xf32>
      %mul3A_2191 = arith.mulf %select_n3A_2162, %get3A_2190 : vector<16xf32>
      %add3A_2192 = arith.addf %add3A_2131, %mul3A_2191 : vector<16xf32>
      %get3A_2193 = arith.constant 5264 : index
      %get3A_2194 = tpu.vector_load %arg6[%get3A_2193] {strides = array<i32>} : memref<7840xf32, #tpu.memory_space<vmem>>, vector<16xf32>,
      %get3A_2195 = vector.shape_cast %get3A_2194 : vector<16xf32> to vector<16xf32>
      %mul3A_2196 = arith.mulf %select_n3A_2162, %get3A_2195 : vector<16xf32>
      %add3A_2197 = arith.addf %add3A_2136, %mul3A_2196 : vector<16xf32>
      %get3A_2198 = arith.constant 6048 : index
      %get3A_2199 = tpu.vector_load %arg6[%get3A_2198] {strides = array<i32>} : memref<7840xf32, #tpu.memory_space<vmem>>, vector<16xf32>,
      %get3A_2200 = vector.shape_cast %get3A_2199 : vector<16xf32> to vector<16xf32>
      %mul3A_2201 = arith.mulf %select_n3A_2162, %get3A_2200 : vector<16xf32>
      %add3A_2202 = arith.addf %add3A_2141, %mul3A_2201 : vector<16xf32>
      %get3A_2203 = arith.constant 6832 : index
      %get3A_2204 = tpu.vector_load %arg6[%get3A_2203] {strides = array<i32>} : memref<7840xf32, #tpu.memory_space<vmem>>, vector<16xf32>,
      %get3A_2205 = vector.shape_cast %get3A_2204 : vector<16xf32> to vector<16xf32>
      %mul3A_2206 = arith.mulf %select_n3A_2162, %get3A_2205 : vector<16xf32>
      %add3A_2207 = arith.addf %add3A_2146, %mul3A_2206 : vector<16xf32>
      %get3A_2208 = arith.constant 7616 : index
      %get3A_2209 = tpu.vector_load %arg6[%get3A_2208] {strides = array<i32>} : memref<7840xf32, #tpu.memory_space<vmem>>, vector<16xf32>,
      %get3A_2210 = vector.shape_cast %get3A_2209 : vector<16xf32> to vector<16xf32>
      %mul3A_2211 = arith.mulf %select_n3A_2162, %get3A_2210 : vector<16xf32>
      %add3A_2212 = arith.addf %add3A_2151, %mul3A_2211 : vector<16xf32>
      %get3A_2213 = arith.constant 576 : index
      %get3A_2214 = tpu.vector_load %arg5[%get3A_2213] {strides = array<i32>} : memref<784xf32, #tpu.memory_space<vmem>>, vector<16xf32>,
      %get3A_2215 = vector.shape_cast %get3A_2214 : vector<16xf32> to vector<16xf32>
      %gt3A_2216 = arith.constant 5.000000e-01 : f32
      %gt3A_2217 = vector.broadcast %gt3A_2216 : f32 to vector<16xf32>
      %gt3A_2218 = arith.cmpf ogt, %get3A_2215, %gt3A_2217 : vector<16xf32>
      %jit3A_2219 = arith.constant 1.000000e+00 : f32
      %jit3A_2220 = arith.constant 0.000000e+00 : f32
      %broadcast_in_dim3A_2221 = vector.broadcast %jit3A_2219 : f32 to vector<16xf32>
      %broadcast_in_dim3A_2222 = vector.broadcast %jit3A_2220 : f32 to vector<16xf32>
      %select_n3A_2223 = arith.select %gt3A_2218, %broadcast_in_dim3A_2221, %broadcast_in_dim3A_2222 : vector<16xi1>, vector<16xf32>
      %get3A_2224 = arith.constant 576 : index
      %get3A_2225 = tpu.vector_load %arg6[%get3A_2224] {strides = array<i32>} : memref<7840xf32, #tpu.memory_space<vmem>>, vector<16xf32>,
      %get3A_2226 = vector.shape_cast %get3A_2225 : vector<16xf32> to vector<16xf32>
      %mul3A_2227 = arith.mulf %select_n3A_2223, %get3A_2226 : vector<16xf32>
      %add3A_2228 = arith.addf %add3A_2167, %mul3A_2227 : vector<16xf32>
      %get3A_2229 = arith.constant 1360 : index
      %get3A_2230 = tpu.vector_load %arg6[%get3A_2229] {strides = array<i32>} : memref<7840xf32, #tpu.memory_space<vmem>>, vector<16xf32>,
      %get3A_2231 = vector.shape_cast %get3A_2230 : vector<16xf32> to vector<16xf32>
      %mul3A_2232 = arith.mulf %select_n3A_2223, %get3A_2231 : vector<16xf32>
      %add3A_2233 = arith.addf %add3A_2172, %mul3A_2232 : vector<16xf32>
      %get3A_2234 = arith.constant 2144 : index
      %get3A_2235 = tpu.vector_load %arg6[%get3A_2234] {strides = array<i32>} : memref<7840xf32, #tpu.memory_space<vmem>>, vector<16xf32>,
      %get3A_2236 = vector.shape_cast %get3A_2235 : vector<16xf32> to vector<16xf32>
      %mul3A_2237 = arith.mulf %select_n3A_2223, %get3A_2236 : vector<16xf32>
      %add3A_2238 = arith.addf %add3A_2177, %mul3A_2237 : vector<16xf32>
      %get3A_2239 = arith.constant 2928 : index
      %get3A_2240 = tpu.vector_load %arg6[%get3A_2239] {strides = array<i32>} : memref<7840xf32, #tpu.memory_space<vmem>>, vector<16xf32>,
      %get3A_2241 = vector.shape_cast %get3A_2240 : vector<16xf32> to vector<16xf32>
      %mul3A_2242 = arith.mulf %select_n3A_2223, %get3A_2241 : vector<16xf32>
      %add3A_2243 = arith.addf %add3A_2182, %mul3A_2242 : vector<16xf32>
      %get3A_2244 = arith.constant 3712 : index
      %get3A_2245 = tpu.vector_load %arg6[%get3A_2244] {strides = array<i32>} : memref<7840xf32, #tpu.memory_space<vmem>>, vector<16xf32>,
      %get3A_2246 = vector.shape_cast %get3A_2245 : vector<16xf32> to vector<16xf32>
      %mul3A_2247 = arith.mulf %select_n3A_2223, %get3A_2246 : vector<16xf32>
      %add3A_2248 = arith.addf %add3A_2187, %mul3A_2247 : vector<16xf32>
      %get3A_2249 = arith.constant 4496 : index
      %get3A_2250 = tpu.vector_load %arg6[%get3A_2249] {strides = array<i32>} : memref<7840xf32, #tpu.memory_space<vmem>>, vector<16xf32>,
      %get3A_2251 = vector.shape_cast %get3A_2250 : vector<16xf32> to vector<16xf32>
      %mul3A_2252 = arith.mulf %select_n3A_2223, %get3A_2251 : vector<16xf32>
      %add3A_2253 = arith.addf %add3A_2192, %mul3A_2252 : vector<16xf32>
      %get3A_2254 = arith.constant 5280 : index
      %get3A_2255 = tpu.vector_load %arg6[%get3A_2254] {strides = array<i32>} : memref<7840xf32, #tpu.memory_space<vmem>>, vector<16xf32>,
      %get3A_2256 = vector.shape_cast %get3A_2255 : vector<16xf32> to vector<16xf32>
      %mul3A_2257 = arith.mulf %select_n3A_2223, %get3A_2256 : vector<16xf32>
      %add3A_2258 = arith.addf %add3A_2197, %mul3A_2257 : vector<16xf32>
      %get3A_2259 = arith.constant 6064 : index
      %get3A_2260 = tpu.vector_load %arg6[%get3A_2259] {strides = array<i32>} : memref<7840xf32, #tpu.memory_space<vmem>>, vector<16xf32>,
      %get3A_2261 = vector.shape_cast %get3A_2260 : vector<16xf32> to vector<16xf32>
      %mul3A_2262 = arith.mulf %select_n3A_2223, %get3A_2261 : vector<16xf32>
      %add3A_2263 = arith.addf %add3A_2202, %mul3A_2262 : vector<16xf32>
      %get3A_2264 = arith.constant 6848 : index
      %get3A_2265 = tpu.vector_load %arg6[%get3A_2264] {strides = array<i32>} : memref<7840xf32, #tpu.memory_space<vmem>>, vector<16xf32>,
      %get3A_2266 = vector.shape_cast %get3A_2265 : vector<16xf32> to vector<16xf32>
      %mul3A_2267 = arith.mulf %select_n3A_2223, %get3A_2266 : vector<16xf32>
      %add3A_2268 = arith.addf %add3A_2207, %mul3A_2267 : vector<16xf32>
      %get3A_2269 = arith.constant 7632 : index
      %get3A_2270 = tpu.vector_load %arg6[%get3A_2269] {strides = array<i32>} : memref<7840xf32, #tpu.memory_space<vmem>>, vector<16xf32>,
      %get3A_2271 = vector.shape_cast %get3A_2270 : vector<16xf32> to vector<16xf32>
      %mul3A_2272 = arith.mulf %select_n3A_2223, %get3A_2271 : vector<16xf32>
      %add3A_2273 = arith.addf %add3A_2212, %mul3A_2272 : vector<16xf32>
      %get3A_2274 = arith.constant 592 : index
      %get3A_2275 = tpu.vector_load %arg5[%get3A_2274] {strides = array<i32>} : memref<784xf32, #tpu.memory_space<vmem>>, vector<16xf32>,
      %get3A_2276 = vector.shape_cast %get3A_2275 : vector<16xf32> to vector<16xf32>
      %gt3A_2277 = arith.constant 5.000000e-01 : f32
      %gt3A_2278 = vector.broadcast %gt3A_2277 : f32 to vector<16xf32>
      %gt3A_2279 = arith.cmpf ogt, %get3A_2276, %gt3A_2278 : vector<16xf32>
      %jit3A_2280 = arith.constant 1.000000e+00 : f32
      %jit3A_2281 = arith.constant 0.000000e+00 : f32
      %broadcast_in_dim3A_2282 = vector.broadcast %jit3A_2280 : f32 to vector<16xf32>
      %broadcast_in_dim3A_2283 = vector.broadcast %jit3A_2281 : f32 to vector<16xf32>
      %select_n3A_2284 = arith.select %gt3A_2279, %broadcast_in_dim3A_2282, %broadcast_in_dim3A_2283 : vector<16xi1>, vector<16xf32>
      %get3A_2285 = arith.constant 592 : index
      %get3A_2286 = tpu.vector_load %arg6[%get3A_2285] {strides = array<i32>} : memref<7840xf32, #tpu.memory_space<vmem>>, vector<16xf32>,
      %get3A_2287 = vector.shape_cast %get3A_2286 : vector<16xf32> to vector<16xf32>
      %mul3A_2288 = arith.mulf %select_n3A_2284, %get3A_2287 : vector<16xf32>
      %add3A_2289 = arith.addf %add3A_2228, %mul3A_2288 : vector<16xf32>
      %get3A_2290 = arith.constant 1376 : index
      %get3A_2291 = tpu.vector_load %arg6[%get3A_2290] {strides = array<i32>} : memref<7840xf32, #tpu.memory_space<vmem>>, vector<16xf32>,
      %get3A_2292 = vector.shape_cast %get3A_2291 : vector<16xf32> to vector<16xf32>
      %mul3A_2293 = arith.mulf %select_n3A_2284, %get3A_2292 : vector<16xf32>
      %add3A_2294 = arith.addf %add3A_2233, %mul3A_2293 : vector<16xf32>
      %get3A_2295 = arith.constant 2160 : index
      %get3A_2296 = tpu.vector_load %arg6[%get3A_2295] {strides = array<i32>} : memref<7840xf32, #tpu.memory_space<vmem>>, vector<16xf32>,
      %get3A_2297 = vector.shape_cast %get3A_2296 : vector<16xf32> to vector<16xf32>
      %mul3A_2298 = arith.mulf %select_n3A_2284, %get3A_2297 : vector<16xf32>
      %add3A_2299 = arith.addf %add3A_2238, %mul3A_2298 : vector<16xf32>
      %get3A_2300 = arith.constant 2944 : index
      %get3A_2301 = tpu.vector_load %arg6[%get3A_2300] {strides = array<i32>} : memref<7840xf32, #tpu.memory_space<vmem>>, vector<16xf32>,
      %get3A_2302 = vector.shape_cast %get3A_2301 : vector<16xf32> to vector<16xf32>
      %mul3A_2303 = arith.mulf %select_n3A_2284, %get3A_2302 : vector<16xf32>
      %add3A_2304 = arith.addf %add3A_2243, %mul3A_2303 : vector<16xf32>
      %get3A_2305 = arith.constant 3728 : index
      %get3A_2306 = tpu.vector_load %arg6[%get3A_2305] {strides = array<i32>} : memref<7840xf32, #tpu.memory_space<vmem>>, vector<16xf32>,
      %get3A_2307 = vector.shape_cast %get3A_2306 : vector<16xf32> to vector<16xf32>
      %mul3A_2308 = arith.mulf %select_n3A_2284, %get3A_2307 : vector<16xf32>
      %add3A_2309 = arith.addf %add3A_2248, %mul3A_2308 : vector<16xf32>
      %get3A_2310 = arith.constant 4512 : index
      %get3A_2311 = tpu.vector_load %arg6[%get3A_2310] {strides = array<i32>} : memref<7840xf32, #tpu.memory_space<vmem>>, vector<16xf32>,
      %get3A_2312 = vector.shape_cast %get3A_2311 : vector<16xf32> to vector<16xf32>
      %mul3A_2313 = arith.mulf %select_n3A_2284, %get3A_2312 : vector<16xf32>
      %add3A_2314 = arith.addf %add3A_2253, %mul3A_2313 : vector<16xf32>
      %get3A_2315 = arith.constant 5296 : index
      %get3A_2316 = tpu.vector_load %arg6[%get3A_2315] {strides = array<i32>} : memref<7840xf32, #tpu.memory_space<vmem>>, vector<16xf32>,
      %get3A_2317 = vector.shape_cast %get3A_2316 : vector<16xf32> to vector<16xf32>
      %mul3A_2318 = arith.mulf %select_n3A_2284, %get3A_2317 : vector<16xf32>
      %add3A_2319 = arith.addf %add3A_2258, %mul3A_2318 : vector<16xf32>
      %get3A_2320 = arith.constant 6080 : index
      %get3A_2321 = tpu.vector_load %arg6[%get3A_2320] {strides = array<i32>} : memref<7840xf32, #tpu.memory_space<vmem>>, vector<16xf32>,
      %get3A_2322 = vector.shape_cast %get3A_2321 : vector<16xf32> to vector<16xf32>
      %mul3A_2323 = arith.mulf %select_n3A_2284, %get3A_2322 : vector<16xf32>
      %add3A_2324 = arith.addf %add3A_2263, %mul3A_2323 : vector<16xf32>
      %get3A_2325 = arith.constant 6864 : index
      %get3A_2326 = tpu.vector_load %arg6[%get3A_2325] {strides = array<i32>} : memref<7840xf32, #tpu.memory_space<vmem>>, vector<16xf32>,
      %get3A_2327 = vector.shape_cast %get3A_2326 : vector<16xf32> to vector<16xf32>
      %mul3A_2328 = arith.mulf %select_n3A_2284, %get3A_2327 : vector<16xf32>
      %add3A_2329 = arith.addf %add3A_2268, %mul3A_2328 : vector<16xf32>
      %get3A_2330 = arith.constant 7648 : index
      %get3A_2331 = tpu.vector_load %arg6[%get3A_2330] {strides = array<i32>} : memref<7840xf32, #tpu.memory_space<vmem>>, vector<16xf32>,
      %get3A_2332 = vector.shape_cast %get3A_2331 : vector<16xf32> to vector<16xf32>
      %mul3A_2333 = arith.mulf %select_n3A_2284, %get3A_2332 : vector<16xf32>
      %add3A_2334 = arith.addf %add3A_2273, %mul3A_2333 : vector<16xf32>
      %get3A_2335 = arith.constant 608 : index
      %get3A_2336 = tpu.vector_load %arg5[%get3A_2335] {strides = array<i32>} : memref<784xf32, #tpu.memory_space<vmem>>, vector<16xf32>,
      %get3A_2337 = vector.shape_cast %get3A_2336 : vector<16xf32> to vector<16xf32>
      %gt3A_2338 = arith.constant 5.000000e-01 : f32
      %gt3A_2339 = vector.broadcast %gt3A_2338 : f32 to vector<16xf32>
      %gt3A_2340 = arith.cmpf ogt, %get3A_2337, %gt3A_2339 : vector<16xf32>
      %jit3A_2341 = arith.constant 1.000000e+00 : f32
      %jit3A_2342 = arith.constant 0.000000e+00 : f32
      %broadcast_in_dim3A_2343 = vector.broadcast %jit3A_2341 : f32 to vector<16xf32>
      %broadcast_in_dim3A_2344 = vector.broadcast %jit3A_2342 : f32 to vector<16xf32>
      %select_n3A_2345 = arith.select %gt3A_2340, %broadcast_in_dim3A_2343, %broadcast_in_dim3A_2344 : vector<16xi1>, vector<16xf32>
      %get3A_2346 = arith.constant 608 : index
      %get3A_2347 = tpu.vector_load %arg6[%get3A_2346] {strides = array<i32>} : memref<7840xf32, #tpu.memory_space<vmem>>, vector<16xf32>,
      %get3A_2348 = vector.shape_cast %get3A_2347 : vector<16xf32> to vector<16xf32>
      %mul3A_2349 = arith.mulf %select_n3A_2345, %get3A_2348 : vector<16xf32>
      %add3A_2350 = arith.addf %add3A_2289, %mul3A_2349 : vector<16xf32>
      %get3A_2351 = arith.constant 1392 : index
      %get3A_2352 = tpu.vector_load %arg6[%get3A_2351] {strides = array<i32>} : memref<7840xf32, #tpu.memory_space<vmem>>, vector<16xf32>,
      %get3A_2353 = vector.shape_cast %get3A_2352 : vector<16xf32> to vector<16xf32>
      %mul3A_2354 = arith.mulf %select_n3A_2345, %get3A_2353 : vector<16xf32>
      %add3A_2355 = arith.addf %add3A_2294, %mul3A_2354 : vector<16xf32>
      %get3A_2356 = arith.constant 2176 : index
      %get3A_2357 = tpu.vector_load %arg6[%get3A_2356] {strides = array<i32>} : memref<7840xf32, #tpu.memory_space<vmem>>, vector<16xf32>,
      %get3A_2358 = vector.shape_cast %get3A_2357 : vector<16xf32> to vector<16xf32>
      %mul3A_2359 = arith.mulf %select_n3A_2345, %get3A_2358 : vector<16xf32>
      %add3A_2360 = arith.addf %add3A_2299, %mul3A_2359 : vector<16xf32>
      %get3A_2361 = arith.constant 2960 : index
      %get3A_2362 = tpu.vector_load %arg6[%get3A_2361] {strides = array<i32>} : memref<7840xf32, #tpu.memory_space<vmem>>, vector<16xf32>,
      %get3A_2363 = vector.shape_cast %get3A_2362 : vector<16xf32> to vector<16xf32>
      %mul3A_2364 = arith.mulf %select_n3A_2345, %get3A_2363 : vector<16xf32>
      %add3A_2365 = arith.addf %add3A_2304, %mul3A_2364 : vector<16xf32>
      %get3A_2366 = arith.constant 3744 : index
      %get3A_2367 = tpu.vector_load %arg6[%get3A_2366] {strides = array<i32>} : memref<7840xf32, #tpu.memory_space<vmem>>, vector<16xf32>,
      %get3A_2368 = vector.shape_cast %get3A_2367 : vector<16xf32> to vector<16xf32>
      %mul3A_2369 = arith.mulf %select_n3A_2345, %get3A_2368 : vector<16xf32>
      %add3A_2370 = arith.addf %add3A_2309, %mul3A_2369 : vector<16xf32>
      %get3A_2371 = arith.constant 4528 : index
      %get3A_2372 = tpu.vector_load %arg6[%get3A_2371] {strides = array<i32>} : memref<7840xf32, #tpu.memory_space<vmem>>, vector<16xf32>,
      %get3A_2373 = vector.shape_cast %get3A_2372 : vector<16xf32> to vector<16xf32>
      %mul3A_2374 = arith.mulf %select_n3A_2345, %get3A_2373 : vector<16xf32>
      %add3A_2375 = arith.addf %add3A_2314, %mul3A_2374 : vector<16xf32>
      %get3A_2376 = arith.constant 5312 : index
      %get3A_2377 = tpu.vector_load %arg6[%get3A_2376] {strides = array<i32>} : memref<7840xf32, #tpu.memory_space<vmem>>, vector<16xf32>,
      %get3A_2378 = vector.shape_cast %get3A_2377 : vector<16xf32> to vector<16xf32>
      %mul3A_2379 = arith.mulf %select_n3A_2345, %get3A_2378 : vector<16xf32>
      %add3A_2380 = arith.addf %add3A_2319, %mul3A_2379 : vector<16xf32>
      %get3A_2381 = arith.constant 6096 : index
      %get3A_2382 = tpu.vector_load %arg6[%get3A_2381] {strides = array<i32>} : memref<7840xf32, #tpu.memory_space<vmem>>, vector<16xf32>,
      %get3A_2383 = vector.shape_cast %get3A_2382 : vector<16xf32> to vector<16xf32>
      %mul3A_2384 = arith.mulf %select_n3A_2345, %get3A_2383 : vector<16xf32>
      %add3A_2385 = arith.addf %add3A_2324, %mul3A_2384 : vector<16xf32>
      %get3A_2386 = arith.constant 6880 : index
      %get3A_2387 = tpu.vector_load %arg6[%get3A_2386] {strides = array<i32>} : memref<7840xf32, #tpu.memory_space<vmem>>, vector<16xf32>,
      %get3A_2388 = vector.shape_cast %get3A_2387 : vector<16xf32> to vector<16xf32>
      %mul3A_2389 = arith.mulf %select_n3A_2345, %get3A_2388 : vector<16xf32>
      %add3A_2390 = arith.addf %add3A_2329, %mul3A_2389 : vector<16xf32>
      %get3A_2391 = arith.constant 7664 : index
      %get3A_2392 = tpu.vector_load %arg6[%get3A_2391] {strides = array<i32>} : memref<7840xf32, #tpu.memory_space<vmem>>, vector<16xf32>,
      %get3A_2393 = vector.shape_cast %get3A_2392 : vector<16xf32> to vector<16xf32>
      %mul3A_2394 = arith.mulf %select_n3A_2345, %get3A_2393 : vector<16xf32>
      %add3A_2395 = arith.addf %add3A_2334, %mul3A_2394 : vector<16xf32>
      %get3A_2396 = arith.constant 624 : index
      %get3A_2397 = tpu.vector_load %arg5[%get3A_2396] {strides = array<i32>} : memref<784xf32, #tpu.memory_space<vmem>>, vector<16xf32>,
      %get3A_2398 = vector.shape_cast %get3A_2397 : vector<16xf32> to vector<16xf32>
      %gt3A_2399 = arith.constant 5.000000e-01 : f32
      %gt3A_2400 = vector.broadcast %gt3A_2399 : f32 to vector<16xf32>
      %gt3A_2401 = arith.cmpf ogt, %get3A_2398, %gt3A_2400 : vector<16xf32>
      %jit3A_2402 = arith.constant 1.000000e+00 : f32
      %jit3A_2403 = arith.constant 0.000000e+00 : f32
      %broadcast_in_dim3A_2404 = vector.broadcast %jit3A_2402 : f32 to vector<16xf32>
      %broadcast_in_dim3A_2405 = vector.broadcast %jit3A_2403 : f32 to vector<16xf32>
      %select_n3A_2406 = arith.select %gt3A_2401, %broadcast_in_dim3A_2404, %broadcast_in_dim3A_2405 : vector<16xi1>, vector<16xf32>
      %get3A_2407 = arith.constant 624 : index
      %get3A_2408 = tpu.vector_load %arg6[%get3A_2407] {strides = array<i32>} : memref<7840xf32, #tpu.memory_space<vmem>>, vector<16xf32>,
      %get3A_2409 = vector.shape_cast %get3A_2408 : vector<16xf32> to vector<16xf32>
      %mul3A_2410 = arith.mulf %select_n3A_2406, %get3A_2409 : vector<16xf32>
      %add3A_2411 = arith.addf %add3A_2350, %mul3A_2410 : vector<16xf32>
      %get3A_2412 = arith.constant 1408 : index
      %get3A_2413 = tpu.vector_load %arg6[%get3A_2412] {strides = array<i32>} : memref<7840xf32, #tpu.memory_space<vmem>>, vector<16xf32>,
      %get3A_2414 = vector.shape_cast %get3A_2413 : vector<16xf32> to vector<16xf32>
      %mul3A_2415 = arith.mulf %select_n3A_2406, %get3A_2414 : vector<16xf32>
      %add3A_2416 = arith.addf %add3A_2355, %mul3A_2415 : vector<16xf32>
      %get3A_2417 = arith.constant 2192 : index
      %get3A_2418 = tpu.vector_load %arg6[%get3A_2417] {strides = array<i32>} : memref<7840xf32, #tpu.memory_space<vmem>>, vector<16xf32>,
      %get3A_2419 = vector.shape_cast %get3A_2418 : vector<16xf32> to vector<16xf32>
      %mul3A_2420 = arith.mulf %select_n3A_2406, %get3A_2419 : vector<16xf32>
      %add3A_2421 = arith.addf %add3A_2360, %mul3A_2420 : vector<16xf32>
      %get3A_2422 = arith.constant 2976 : index
      %get3A_2423 = tpu.vector_load %arg6[%get3A_2422] {strides = array<i32>} : memref<7840xf32, #tpu.memory_space<vmem>>, vector<16xf32>,
      %get3A_2424 = vector.shape_cast %get3A_2423 : vector<16xf32> to vector<16xf32>
      %mul3A_2425 = arith.mulf %select_n3A_2406, %get3A_2424 : vector<16xf32>
      %add3A_2426 = arith.addf %add3A_2365, %mul3A_2425 : vector<16xf32>
      %get3A_2427 = arith.constant 3760 : index
      %get3A_2428 = tpu.vector_load %arg6[%get3A_2427] {strides = array<i32>} : memref<7840xf32, #tpu.memory_space<vmem>>, vector<16xf32>,
      %get3A_2429 = vector.shape_cast %get3A_2428 : vector<16xf32> to vector<16xf32>
      %mul3A_2430 = arith.mulf %select_n3A_2406, %get3A_2429 : vector<16xf32>
      %add3A_2431 = arith.addf %add3A_2370, %mul3A_2430 : vector<16xf32>
      %get3A_2432 = arith.constant 4544 : index
      %get3A_2433 = tpu.vector_load %arg6[%get3A_2432] {strides = array<i32>} : memref<7840xf32, #tpu.memory_space<vmem>>, vector<16xf32>,
      %get3A_2434 = vector.shape_cast %get3A_2433 : vector<16xf32> to vector<16xf32>
      %mul3A_2435 = arith.mulf %select_n3A_2406, %get3A_2434 : vector<16xf32>
      %add3A_2436 = arith.addf %add3A_2375, %mul3A_2435 : vector<16xf32>
      %get3A_2437 = arith.constant 5328 : index
      %get3A_2438 = tpu.vector_load %arg6[%get3A_2437] {strides = array<i32>} : memref<7840xf32, #tpu.memory_space<vmem>>, vector<16xf32>,
      %get3A_2439 = vector.shape_cast %get3A_2438 : vector<16xf32> to vector<16xf32>
      %mul3A_2440 = arith.mulf %select_n3A_2406, %get3A_2439 : vector<16xf32>
      %add3A_2441 = arith.addf %add3A_2380, %mul3A_2440 : vector<16xf32>
      %get3A_2442 = arith.constant 6112 : index
      %get3A_2443 = tpu.vector_load %arg6[%get3A_2442] {strides = array<i32>} : memref<7840xf32, #tpu.memory_space<vmem>>, vector<16xf32>,
      %get3A_2444 = vector.shape_cast %get3A_2443 : vector<16xf32> to vector<16xf32>
      %mul3A_2445 = arith.mulf %select_n3A_2406, %get3A_2444 : vector<16xf32>
      %add3A_2446 = arith.addf %add3A_2385, %mul3A_2445 : vector<16xf32>
      %get3A_2447 = arith.constant 6896 : index
      %get3A_2448 = tpu.vector_load %arg6[%get3A_2447] {strides = array<i32>} : memref<7840xf32, #tpu.memory_space<vmem>>, vector<16xf32>,
      %get3A_2449 = vector.shape_cast %get3A_2448 : vector<16xf32> to vector<16xf32>
      %mul3A_2450 = arith.mulf %select_n3A_2406, %get3A_2449 : vector<16xf32>
      %add3A_2451 = arith.addf %add3A_2390, %mul3A_2450 : vector<16xf32>
      %get3A_2452 = arith.constant 7680 : index
      %get3A_2453 = tpu.vector_load %arg6[%get3A_2452] {strides = array<i32>} : memref<7840xf32, #tpu.memory_space<vmem>>, vector<16xf32>,
      %get3A_2454 = vector.shape_cast %get3A_2453 : vector<16xf32> to vector<16xf32>
      %mul3A_2455 = arith.mulf %select_n3A_2406, %get3A_2454 : vector<16xf32>
      %add3A_2456 = arith.addf %add3A_2395, %mul3A_2455 : vector<16xf32>
      %get3A_2457 = arith.constant 640 : index
      %get3A_2458 = tpu.vector_load %arg5[%get3A_2457] {strides = array<i32>} : memref<784xf32, #tpu.memory_space<vmem>>, vector<16xf32>,
      %get3A_2459 = vector.shape_cast %get3A_2458 : vector<16xf32> to vector<16xf32>
      %gt3A_2460 = arith.constant 5.000000e-01 : f32
      %gt3A_2461 = vector.broadcast %gt3A_2460 : f32 to vector<16xf32>
      %gt3A_2462 = arith.cmpf ogt, %get3A_2459, %gt3A_2461 : vector<16xf32>
      %jit3A_2463 = arith.constant 1.000000e+00 : f32
      %jit3A_2464 = arith.constant 0.000000e+00 : f32
      %broadcast_in_dim3A_2465 = vector.broadcast %jit3A_2463 : f32 to vector<16xf32>
      %broadcast_in_dim3A_2466 = vector.broadcast %jit3A_2464 : f32 to vector<16xf32>
      %select_n3A_2467 = arith.select %gt3A_2462, %broadcast_in_dim3A_2465, %broadcast_in_dim3A_2466 : vector<16xi1>, vector<16xf32>
      %get3A_2468 = arith.constant 640 : index
      %get3A_2469 = tpu.vector_load %arg6[%get3A_2468] {strides = array<i32>} : memref<7840xf32, #tpu.memory_space<vmem>>, vector<16xf32>,
      %get3A_2470 = vector.shape_cast %get3A_2469 : vector<16xf32> to vector<16xf32>
      %mul3A_2471 = arith.mulf %select_n3A_2467, %get3A_2470 : vector<16xf32>
      %add3A_2472 = arith.addf %add3A_2411, %mul3A_2471 : vector<16xf32>
      %get3A_2473 = arith.constant 1424 : index
      %get3A_2474 = tpu.vector_load %arg6[%get3A_2473] {strides = array<i32>} : memref<7840xf32, #tpu.memory_space<vmem>>, vector<16xf32>,
      %get3A_2475 = vector.shape_cast %get3A_2474 : vector<16xf32> to vector<16xf32>
      %mul3A_2476 = arith.mulf %select_n3A_2467, %get3A_2475 : vector<16xf32>
      %add3A_2477 = arith.addf %add3A_2416, %mul3A_2476 : vector<16xf32>
      %get3A_2478 = arith.constant 2208 : index
      %get3A_2479 = tpu.vector_load %arg6[%get3A_2478] {strides = array<i32>} : memref<7840xf32, #tpu.memory_space<vmem>>, vector<16xf32>,
      %get3A_2480 = vector.shape_cast %get3A_2479 : vector<16xf32> to vector<16xf32>
      %mul3A_2481 = arith.mulf %select_n3A_2467, %get3A_2480 : vector<16xf32>
      %add3A_2482 = arith.addf %add3A_2421, %mul3A_2481 : vector<16xf32>
      %get3A_2483 = arith.constant 2992 : index
      %get3A_2484 = tpu.vector_load %arg6[%get3A_2483] {strides = array<i32>} : memref<7840xf32, #tpu.memory_space<vmem>>, vector<16xf32>,
      %get3A_2485 = vector.shape_cast %get3A_2484 : vector<16xf32> to vector<16xf32>
      %mul3A_2486 = arith.mulf %select_n3A_2467, %get3A_2485 : vector<16xf32>
      %add3A_2487 = arith.addf %add3A_2426, %mul3A_2486 : vector<16xf32>
      %get3A_2488 = arith.constant 3776 : index
      %get3A_2489 = tpu.vector_load %arg6[%get3A_2488] {strides = array<i32>} : memref<7840xf32, #tpu.memory_space<vmem>>, vector<16xf32>,
      %get3A_2490 = vector.shape_cast %get3A_2489 : vector<16xf32> to vector<16xf32>
      %mul3A_2491 = arith.mulf %select_n3A_2467, %get3A_2490 : vector<16xf32>
      %add3A_2492 = arith.addf %add3A_2431, %mul3A_2491 : vector<16xf32>
      %get3A_2493 = arith.constant 4560 : index
      %get3A_2494 = tpu.vector_load %arg6[%get3A_2493] {strides = array<i32>} : memref<7840xf32, #tpu.memory_space<vmem>>, vector<16xf32>,
      %get3A_2495 = vector.shape_cast %get3A_2494 : vector<16xf32> to vector<16xf32>
      %mul3A_2496 = arith.mulf %select_n3A_2467, %get3A_2495 : vector<16xf32>
      %add3A_2497 = arith.addf %add3A_2436, %mul3A_2496 : vector<16xf32>
      %get3A_2498 = arith.constant 5344 : index
      %get3A_2499 = tpu.vector_load %arg6[%get3A_2498] {strides = array<i32>} : memref<7840xf32, #tpu.memory_space<vmem>>, vector<16xf32>,
      %get3A_2500 = vector.shape_cast %get3A_2499 : vector<16xf32> to vector<16xf32>
      %mul3A_2501 = arith.mulf %select_n3A_2467, %get3A_2500 : vector<16xf32>
      %add3A_2502 = arith.addf %add3A_2441, %mul3A_2501 : vector<16xf32>
      %get3A_2503 = arith.constant 6128 : index
      %get3A_2504 = tpu.vector_load %arg6[%get3A_2503] {strides = array<i32>} : memref<7840xf32, #tpu.memory_space<vmem>>, vector<16xf32>,
      %get3A_2505 = vector.shape_cast %get3A_2504 : vector<16xf32> to vector<16xf32>
      %mul3A_2506 = arith.mulf %select_n3A_2467, %get3A_2505 : vector<16xf32>
      %add3A_2507 = arith.addf %add3A_2446, %mul3A_2506 : vector<16xf32>
      %get3A_2508 = arith.constant 6912 : index
      %get3A_2509 = tpu.vector_load %arg6[%get3A_2508] {strides = array<i32>} : memref<7840xf32, #tpu.memory_space<vmem>>, vector<16xf32>,
      %get3A_2510 = vector.shape_cast %get3A_2509 : vector<16xf32> to vector<16xf32>
      %mul3A_2511 = arith.mulf %select_n3A_2467, %get3A_2510 : vector<16xf32>
      %add3A_2512 = arith.addf %add3A_2451, %mul3A_2511 : vector<16xf32>
      %get3A_2513 = arith.constant 7696 : index
      %get3A_2514 = tpu.vector_load %arg6[%get3A_2513] {strides = array<i32>} : memref<7840xf32, #tpu.memory_space<vmem>>, vector<16xf32>,
      %get3A_2515 = vector.shape_cast %get3A_2514 : vector<16xf32> to vector<16xf32>
      %mul3A_2516 = arith.mulf %select_n3A_2467, %get3A_2515 : vector<16xf32>
      %add3A_2517 = arith.addf %add3A_2456, %mul3A_2516 : vector<16xf32>
      %get3A_2518 = arith.constant 656 : index
      %get3A_2519 = tpu.vector_load %arg5[%get3A_2518] {strides = array<i32>} : memref<784xf32, #tpu.memory_space<vmem>>, vector<16xf32>,
      %get3A_2520 = vector.shape_cast %get3A_2519 : vector<16xf32> to vector<16xf32>
      %gt3A_2521 = arith.constant 5.000000e-01 : f32
      %gt3A_2522 = vector.broadcast %gt3A_2521 : f32 to vector<16xf32>
      %gt3A_2523 = arith.cmpf ogt, %get3A_2520, %gt3A_2522 : vector<16xf32>
      %jit3A_2524 = arith.constant 1.000000e+00 : f32
      %jit3A_2525 = arith.constant 0.000000e+00 : f32
      %broadcast_in_dim3A_2526 = vector.broadcast %jit3A_2524 : f32 to vector<16xf32>
      %broadcast_in_dim3A_2527 = vector.broadcast %jit3A_2525 : f32 to vector<16xf32>
      %select_n3A_2528 = arith.select %gt3A_2523, %broadcast_in_dim3A_2526, %broadcast_in_dim3A_2527 : vector<16xi1>, vector<16xf32>
      %get3A_2529 = arith.constant 656 : index
      %get3A_2530 = tpu.vector_load %arg6[%get3A_2529] {strides = array<i32>} : memref<7840xf32, #tpu.memory_space<vmem>>, vector<16xf32>,
      %get3A_2531 = vector.shape_cast %get3A_2530 : vector<16xf32> to vector<16xf32>
      %mul3A_2532 = arith.mulf %select_n3A_2528, %get3A_2531 : vector<16xf32>
      %add3A_2533 = arith.addf %add3A_2472, %mul3A_2532 : vector<16xf32>
      %get3A_2534 = arith.constant 1440 : index
      %get3A_2535 = tpu.vector_load %arg6[%get3A_2534] {strides = array<i32>} : memref<7840xf32, #tpu.memory_space<vmem>>, vector<16xf32>,
      %get3A_2536 = vector.shape_cast %get3A_2535 : vector<16xf32> to vector<16xf32>
      %mul3A_2537 = arith.mulf %select_n3A_2528, %get3A_2536 : vector<16xf32>
      %add3A_2538 = arith.addf %add3A_2477, %mul3A_2537 : vector<16xf32>
      %get3A_2539 = arith.constant 2224 : index
      %get3A_2540 = tpu.vector_load %arg6[%get3A_2539] {strides = array<i32>} : memref<7840xf32, #tpu.memory_space<vmem>>, vector<16xf32>,
      %get3A_2541 = vector.shape_cast %get3A_2540 : vector<16xf32> to vector<16xf32>
      %mul3A_2542 = arith.mulf %select_n3A_2528, %get3A_2541 : vector<16xf32>
      %add3A_2543 = arith.addf %add3A_2482, %mul3A_2542 : vector<16xf32>
      %get3A_2544 = arith.constant 3008 : index
      %get3A_2545 = tpu.vector_load %arg6[%get3A_2544] {strides = array<i32>} : memref<7840xf32, #tpu.memory_space<vmem>>, vector<16xf32>,
      %get3A_2546 = vector.shape_cast %get3A_2545 : vector<16xf32> to vector<16xf32>
      %mul3A_2547 = arith.mulf %select_n3A_2528, %get3A_2546 : vector<16xf32>
      %add3A_2548 = arith.addf %add3A_2487, %mul3A_2547 : vector<16xf32>
      %get3A_2549 = arith.constant 3792 : index
      %get3A_2550 = tpu.vector_load %arg6[%get3A_2549] {strides = array<i32>} : memref<7840xf32, #tpu.memory_space<vmem>>, vector<16xf32>,
      %get3A_2551 = vector.shape_cast %get3A_2550 : vector<16xf32> to vector<16xf32>
      %mul3A_2552 = arith.mulf %select_n3A_2528, %get3A_2551 : vector<16xf32>
      %add3A_2553 = arith.addf %add3A_2492, %mul3A_2552 : vector<16xf32>
      %get3A_2554 = arith.constant 4576 : index
      %get3A_2555 = tpu.vector_load %arg6[%get3A_2554] {strides = array<i32>} : memref<7840xf32, #tpu.memory_space<vmem>>, vector<16xf32>,
      %get3A_2556 = vector.shape_cast %get3A_2555 : vector<16xf32> to vector<16xf32>
      %mul3A_2557 = arith.mulf %select_n3A_2528, %get3A_2556 : vector<16xf32>
      %add3A_2558 = arith.addf %add3A_2497, %mul3A_2557 : vector<16xf32>
      %get3A_2559 = arith.constant 5360 : index
      %get3A_2560 = tpu.vector_load %arg6[%get3A_2559] {strides = array<i32>} : memref<7840xf32, #tpu.memory_space<vmem>>, vector<16xf32>,
      %get3A_2561 = vector.shape_cast %get3A_2560 : vector<16xf32> to vector<16xf32>
      %mul3A_2562 = arith.mulf %select_n3A_2528, %get3A_2561 : vector<16xf32>
      %add3A_2563 = arith.addf %add3A_2502, %mul3A_2562 : vector<16xf32>
      %get3A_2564 = arith.constant 6144 : index
      %get3A_2565 = tpu.vector_load %arg6[%get3A_2564] {strides = array<i32>} : memref<7840xf32, #tpu.memory_space<vmem>>, vector<16xf32>,
      %get3A_2566 = vector.shape_cast %get3A_2565 : vector<16xf32> to vector<16xf32>
      %mul3A_2567 = arith.mulf %select_n3A_2528, %get3A_2566 : vector<16xf32>
      %add3A_2568 = arith.addf %add3A_2507, %mul3A_2567 : vector<16xf32>
      %get3A_2569 = arith.constant 6928 : index
      %get3A_2570 = tpu.vector_load %arg6[%get3A_2569] {strides = array<i32>} : memref<7840xf32, #tpu.memory_space<vmem>>, vector<16xf32>,
      %get3A_2571 = vector.shape_cast %get3A_2570 : vector<16xf32> to vector<16xf32>
      %mul3A_2572 = arith.mulf %select_n3A_2528, %get3A_2571 : vector<16xf32>
      %add3A_2573 = arith.addf %add3A_2512, %mul3A_2572 : vector<16xf32>
      %get3A_2574 = arith.constant 7712 : index
      %get3A_2575 = tpu.vector_load %arg6[%get3A_2574] {strides = array<i32>} : memref<7840xf32, #tpu.memory_space<vmem>>, vector<16xf32>,
      %get3A_2576 = vector.shape_cast %get3A_2575 : vector<16xf32> to vector<16xf32>
      %mul3A_2577 = arith.mulf %select_n3A_2528, %get3A_2576 : vector<16xf32>
      %add3A_2578 = arith.addf %add3A_2517, %mul3A_2577 : vector<16xf32>
      %get3A_2579 = arith.constant 672 : index
      %get3A_2580 = tpu.vector_load %arg5[%get3A_2579] {strides = array<i32>} : memref<784xf32, #tpu.memory_space<vmem>>, vector<16xf32>,
      %get3A_2581 = vector.shape_cast %get3A_2580 : vector<16xf32> to vector<16xf32>
      %gt3A_2582 = arith.constant 5.000000e-01 : f32
      %gt3A_2583 = vector.broadcast %gt3A_2582 : f32 to vector<16xf32>
      %gt3A_2584 = arith.cmpf ogt, %get3A_2581, %gt3A_2583 : vector<16xf32>
      %jit3A_2585 = arith.constant 1.000000e+00 : f32
      %jit3A_2586 = arith.constant 0.000000e+00 : f32
      %broadcast_in_dim3A_2587 = vector.broadcast %jit3A_2585 : f32 to vector<16xf32>
      %broadcast_in_dim3A_2588 = vector.broadcast %jit3A_2586 : f32 to vector<16xf32>
      %select_n3A_2589 = arith.select %gt3A_2584, %broadcast_in_dim3A_2587, %broadcast_in_dim3A_2588 : vector<16xi1>, vector<16xf32>
      %get3A_2590 = arith.constant 672 : index
      %get3A_2591 = tpu.vector_load %arg6[%get3A_2590] {strides = array<i32>} : memref<7840xf32, #tpu.memory_space<vmem>>, vector<16xf32>,
      %get3A_2592 = vector.shape_cast %get3A_2591 : vector<16xf32> to vector<16xf32>
      %mul3A_2593 = arith.mulf %select_n3A_2589, %get3A_2592 : vector<16xf32>
      %add3A_2594 = arith.addf %add3A_2533, %mul3A_2593 : vector<16xf32>
      %get3A_2595 = arith.constant 1456 : index
      %get3A_2596 = tpu.vector_load %arg6[%get3A_2595] {strides = array<i32>} : memref<7840xf32, #tpu.memory_space<vmem>>, vector<16xf32>,
      %get3A_2597 = vector.shape_cast %get3A_2596 : vector<16xf32> to vector<16xf32>
      %mul3A_2598 = arith.mulf %select_n3A_2589, %get3A_2597 : vector<16xf32>
      %add3A_2599 = arith.addf %add3A_2538, %mul3A_2598 : vector<16xf32>
      %get3A_2600 = arith.constant 2240 : index
      %get3A_2601 = tpu.vector_load %arg6[%get3A_2600] {strides = array<i32>} : memref<7840xf32, #tpu.memory_space<vmem>>, vector<16xf32>,
      %get3A_2602 = vector.shape_cast %get3A_2601 : vector<16xf32> to vector<16xf32>
      %mul3A_2603 = arith.mulf %select_n3A_2589, %get3A_2602 : vector<16xf32>
      %add3A_2604 = arith.addf %add3A_2543, %mul3A_2603 : vector<16xf32>
      %get3A_2605 = arith.constant 3024 : index
      %get3A_2606 = tpu.vector_load %arg6[%get3A_2605] {strides = array<i32>} : memref<7840xf32, #tpu.memory_space<vmem>>, vector<16xf32>,
      %get3A_2607 = vector.shape_cast %get3A_2606 : vector<16xf32> to vector<16xf32>
      %mul3A_2608 = arith.mulf %select_n3A_2589, %get3A_2607 : vector<16xf32>
      %add3A_2609 = arith.addf %add3A_2548, %mul3A_2608 : vector<16xf32>
      %get3A_2610 = arith.constant 3808 : index
      %get3A_2611 = tpu.vector_load %arg6[%get3A_2610] {strides = array<i32>} : memref<7840xf32, #tpu.memory_space<vmem>>, vector<16xf32>,
      %get3A_2612 = vector.shape_cast %get3A_2611 : vector<16xf32> to vector<16xf32>
      %mul3A_2613 = arith.mulf %select_n3A_2589, %get3A_2612 : vector<16xf32>
      %add3A_2614 = arith.addf %add3A_2553, %mul3A_2613 : vector<16xf32>
      %get3A_2615 = arith.constant 4592 : index
      %get3A_2616 = tpu.vector_load %arg6[%get3A_2615] {strides = array<i32>} : memref<7840xf32, #tpu.memory_space<vmem>>, vector<16xf32>,
      %get3A_2617 = vector.shape_cast %get3A_2616 : vector<16xf32> to vector<16xf32>
      %mul3A_2618 = arith.mulf %select_n3A_2589, %get3A_2617 : vector<16xf32>
      %add3A_2619 = arith.addf %add3A_2558, %mul3A_2618 : vector<16xf32>
      %get3A_2620 = arith.constant 5376 : index
      %get3A_2621 = tpu.vector_load %arg6[%get3A_2620] {strides = array<i32>} : memref<7840xf32, #tpu.memory_space<vmem>>, vector<16xf32>,
      %get3A_2622 = vector.shape_cast %get3A_2621 : vector<16xf32> to vector<16xf32>
      %mul3A_2623 = arith.mulf %select_n3A_2589, %get3A_2622 : vector<16xf32>
      %add3A_2624 = arith.addf %add3A_2563, %mul3A_2623 : vector<16xf32>
      %get3A_2625 = arith.constant 6160 : index
      %get3A_2626 = tpu.vector_load %arg6[%get3A_2625] {strides = array<i32>} : memref<7840xf32, #tpu.memory_space<vmem>>, vector<16xf32>,
      %get3A_2627 = vector.shape_cast %get3A_2626 : vector<16xf32> to vector<16xf32>
      %mul3A_2628 = arith.mulf %select_n3A_2589, %get3A_2627 : vector<16xf32>
      %add3A_2629 = arith.addf %add3A_2568, %mul3A_2628 : vector<16xf32>
      %get3A_2630 = arith.constant 6944 : index
      %get3A_2631 = tpu.vector_load %arg6[%get3A_2630] {strides = array<i32>} : memref<7840xf32, #tpu.memory_space<vmem>>, vector<16xf32>,
      %get3A_2632 = vector.shape_cast %get3A_2631 : vector<16xf32> to vector<16xf32>
      %mul3A_2633 = arith.mulf %select_n3A_2589, %get3A_2632 : vector<16xf32>
      %add3A_2634 = arith.addf %add3A_2573, %mul3A_2633 : vector<16xf32>
      %get3A_2635 = arith.constant 7728 : index
      %get3A_2636 = tpu.vector_load %arg6[%get3A_2635] {strides = array<i32>} : memref<7840xf32, #tpu.memory_space<vmem>>, vector<16xf32>,
      %get3A_2637 = vector.shape_cast %get3A_2636 : vector<16xf32> to vector<16xf32>
      %mul3A_2638 = arith.mulf %select_n3A_2589, %get3A_2637 : vector<16xf32>
      %add3A_2639 = arith.addf %add3A_2578, %mul3A_2638 : vector<16xf32>
      %get3A_2640 = arith.constant 688 : index
      %get3A_2641 = tpu.vector_load %arg5[%get3A_2640] {strides = array<i32>} : memref<784xf32, #tpu.memory_space<vmem>>, vector<16xf32>,
      %get3A_2642 = vector.shape_cast %get3A_2641 : vector<16xf32> to vector<16xf32>
      %gt3A_2643 = arith.constant 5.000000e-01 : f32
      %gt3A_2644 = vector.broadcast %gt3A_2643 : f32 to vector<16xf32>
      %gt3A_2645 = arith.cmpf ogt, %get3A_2642, %gt3A_2644 : vector<16xf32>
      %jit3A_2646 = arith.constant 1.000000e+00 : f32
      %jit3A_2647 = arith.constant 0.000000e+00 : f32
      %broadcast_in_dim3A_2648 = vector.broadcast %jit3A_2646 : f32 to vector<16xf32>
      %broadcast_in_dim3A_2649 = vector.broadcast %jit3A_2647 : f32 to vector<16xf32>
      %select_n3A_2650 = arith.select %gt3A_2645, %broadcast_in_dim3A_2648, %broadcast_in_dim3A_2649 : vector<16xi1>, vector<16xf32>
      %get3A_2651 = arith.constant 688 : index
      %get3A_2652 = tpu.vector_load %arg6[%get3A_2651] {strides = array<i32>} : memref<7840xf32, #tpu.memory_space<vmem>>, vector<16xf32>,
      %get3A_2653 = vector.shape_cast %get3A_2652 : vector<16xf32> to vector<16xf32>
      %mul3A_2654 = arith.mulf %select_n3A_2650, %get3A_2653 : vector<16xf32>
      %add3A_2655 = arith.addf %add3A_2594, %mul3A_2654 : vector<16xf32>
      %get3A_2656 = arith.constant 1472 : index
      %get3A_2657 = tpu.vector_load %arg6[%get3A_2656] {strides = array<i32>} : memref<7840xf32, #tpu.memory_space<vmem>>, vector<16xf32>,
      %get3A_2658 = vector.shape_cast %get3A_2657 : vector<16xf32> to vector<16xf32>
      %mul3A_2659 = arith.mulf %select_n3A_2650, %get3A_2658 : vector<16xf32>
      %add3A_2660 = arith.addf %add3A_2599, %mul3A_2659 : vector<16xf32>
      %get3A_2661 = arith.constant 2256 : index
      %get3A_2662 = tpu.vector_load %arg6[%get3A_2661] {strides = array<i32>} : memref<7840xf32, #tpu.memory_space<vmem>>, vector<16xf32>,
      %get3A_2663 = vector.shape_cast %get3A_2662 : vector<16xf32> to vector<16xf32>
      %mul3A_2664 = arith.mulf %select_n3A_2650, %get3A_2663 : vector<16xf32>
      %add3A_2665 = arith.addf %add3A_2604, %mul3A_2664 : vector<16xf32>
      %get3A_2666 = arith.constant 3040 : index
      %get3A_2667 = tpu.vector_load %arg6[%get3A_2666] {strides = array<i32>} : memref<7840xf32, #tpu.memory_space<vmem>>, vector<16xf32>,
      %get3A_2668 = vector.shape_cast %get3A_2667 : vector<16xf32> to vector<16xf32>
      %mul3A_2669 = arith.mulf %select_n3A_2650, %get3A_2668 : vector<16xf32>
      %add3A_2670 = arith.addf %add3A_2609, %mul3A_2669 : vector<16xf32>
      %get3A_2671 = arith.constant 3824 : index
      %get3A_2672 = tpu.vector_load %arg6[%get3A_2671] {strides = array<i32>} : memref<7840xf32, #tpu.memory_space<vmem>>, vector<16xf32>,
      %get3A_2673 = vector.shape_cast %get3A_2672 : vector<16xf32> to vector<16xf32>
      %mul3A_2674 = arith.mulf %select_n3A_2650, %get3A_2673 : vector<16xf32>
      %add3A_2675 = arith.addf %add3A_2614, %mul3A_2674 : vector<16xf32>
      %get3A_2676 = arith.constant 4608 : index
      %get3A_2677 = tpu.vector_load %arg6[%get3A_2676] {strides = array<i32>} : memref<7840xf32, #tpu.memory_space<vmem>>, vector<16xf32>,
      %get3A_2678 = vector.shape_cast %get3A_2677 : vector<16xf32> to vector<16xf32>
      %mul3A_2679 = arith.mulf %select_n3A_2650, %get3A_2678 : vector<16xf32>
      %add3A_2680 = arith.addf %add3A_2619, %mul3A_2679 : vector<16xf32>
      %get3A_2681 = arith.constant 5392 : index
      %get3A_2682 = tpu.vector_load %arg6[%get3A_2681] {strides = array<i32>} : memref<7840xf32, #tpu.memory_space<vmem>>, vector<16xf32>,
      %get3A_2683 = vector.shape_cast %get3A_2682 : vector<16xf32> to vector<16xf32>
      %mul3A_2684 = arith.mulf %select_n3A_2650, %get3A_2683 : vector<16xf32>
      %add3A_2685 = arith.addf %add3A_2624, %mul3A_2684 : vector<16xf32>
      %get3A_2686 = arith.constant 6176 : index
      %get3A_2687 = tpu.vector_load %arg6[%get3A_2686] {strides = array<i32>} : memref<7840xf32, #tpu.memory_space<vmem>>, vector<16xf32>,
      %get3A_2688 = vector.shape_cast %get3A_2687 : vector<16xf32> to vector<16xf32>
      %mul3A_2689 = arith.mulf %select_n3A_2650, %get3A_2688 : vector<16xf32>
      %add3A_2690 = arith.addf %add3A_2629, %mul3A_2689 : vector<16xf32>
      %get3A_2691 = arith.constant 6960 : index
      %get3A_2692 = tpu.vector_load %arg6[%get3A_2691] {strides = array<i32>} : memref<7840xf32, #tpu.memory_space<vmem>>, vector<16xf32>,
      %get3A_2693 = vector.shape_cast %get3A_2692 : vector<16xf32> to vector<16xf32>
      %mul3A_2694 = arith.mulf %select_n3A_2650, %get3A_2693 : vector<16xf32>
      %add3A_2695 = arith.addf %add3A_2634, %mul3A_2694 : vector<16xf32>
      %get3A_2696 = arith.constant 7744 : index
      %get3A_2697 = tpu.vector_load %arg6[%get3A_2696] {strides = array<i32>} : memref<7840xf32, #tpu.memory_space<vmem>>, vector<16xf32>,
      %get3A_2698 = vector.shape_cast %get3A_2697 : vector<16xf32> to vector<16xf32>
      %mul3A_2699 = arith.mulf %select_n3A_2650, %get3A_2698 : vector<16xf32>
      %add3A_2700 = arith.addf %add3A_2639, %mul3A_2699 : vector<16xf32>
      %get3A_2701 = arith.constant 704 : index
      %get3A_2702 = tpu.vector_load %arg5[%get3A_2701] {strides = array<i32>} : memref<784xf32, #tpu.memory_space<vmem>>, vector<16xf32>,
      %get3A_2703 = vector.shape_cast %get3A_2702 : vector<16xf32> to vector<16xf32>
      %gt3A_2704 = arith.constant 5.000000e-01 : f32
      %gt3A_2705 = vector.broadcast %gt3A_2704 : f32 to vector<16xf32>
      %gt3A_2706 = arith.cmpf ogt, %get3A_2703, %gt3A_2705 : vector<16xf32>
      %jit3A_2707 = arith.constant 1.000000e+00 : f32
      %jit3A_2708 = arith.constant 0.000000e+00 : f32
      %broadcast_in_dim3A_2709 = vector.broadcast %jit3A_2707 : f32 to vector<16xf32>
      %broadcast_in_dim3A_2710 = vector.broadcast %jit3A_2708 : f32 to vector<16xf32>
      %select_n3A_2711 = arith.select %gt3A_2706, %broadcast_in_dim3A_2709, %broadcast_in_dim3A_2710 : vector<16xi1>, vector<16xf32>
      %get3A_2712 = arith.constant 704 : index
      %get3A_2713 = tpu.vector_load %arg6[%get3A_2712] {strides = array<i32>} : memref<7840xf32, #tpu.memory_space<vmem>>, vector<16xf32>,
      %get3A_2714 = vector.shape_cast %get3A_2713 : vector<16xf32> to vector<16xf32>
      %mul3A_2715 = arith.mulf %select_n3A_2711, %get3A_2714 : vector<16xf32>
      %add3A_2716 = arith.addf %add3A_2655, %mul3A_2715 : vector<16xf32>
      %get3A_2717 = arith.constant 1488 : index
      %get3A_2718 = tpu.vector_load %arg6[%get3A_2717] {strides = array<i32>} : memref<7840xf32, #tpu.memory_space<vmem>>, vector<16xf32>,
      %get3A_2719 = vector.shape_cast %get3A_2718 : vector<16xf32> to vector<16xf32>
      %mul3A_2720 = arith.mulf %select_n3A_2711, %get3A_2719 : vector<16xf32>
      %add3A_2721 = arith.addf %add3A_2660, %mul3A_2720 : vector<16xf32>
      %get3A_2722 = arith.constant 2272 : index
      %get3A_2723 = tpu.vector_load %arg6[%get3A_2722] {strides = array<i32>} : memref<7840xf32, #tpu.memory_space<vmem>>, vector<16xf32>,
      %get3A_2724 = vector.shape_cast %get3A_2723 : vector<16xf32> to vector<16xf32>
      %mul3A_2725 = arith.mulf %select_n3A_2711, %get3A_2724 : vector<16xf32>
      %add3A_2726 = arith.addf %add3A_2665, %mul3A_2725 : vector<16xf32>
      %get3A_2727 = arith.constant 3056 : index
      %get3A_2728 = tpu.vector_load %arg6[%get3A_2727] {strides = array<i32>} : memref<7840xf32, #tpu.memory_space<vmem>>, vector<16xf32>,
      %get3A_2729 = vector.shape_cast %get3A_2728 : vector<16xf32> to vector<16xf32>
      %mul3A_2730 = arith.mulf %select_n3A_2711, %get3A_2729 : vector<16xf32>
      %add3A_2731 = arith.addf %add3A_2670, %mul3A_2730 : vector<16xf32>
      %get3A_2732 = arith.constant 3840 : index
      %get3A_2733 = tpu.vector_load %arg6[%get3A_2732] {strides = array<i32>} : memref<7840xf32, #tpu.memory_space<vmem>>, vector<16xf32>,
      %get3A_2734 = vector.shape_cast %get3A_2733 : vector<16xf32> to vector<16xf32>
      %mul3A_2735 = arith.mulf %select_n3A_2711, %get3A_2734 : vector<16xf32>
      %add3A_2736 = arith.addf %add3A_2675, %mul3A_2735 : vector<16xf32>
      %get3A_2737 = arith.constant 4624 : index
      %get3A_2738 = tpu.vector_load %arg6[%get3A_2737] {strides = array<i32>} : memref<7840xf32, #tpu.memory_space<vmem>>, vector<16xf32>,
      %get3A_2739 = vector.shape_cast %get3A_2738 : vector<16xf32> to vector<16xf32>
      %mul3A_2740 = arith.mulf %select_n3A_2711, %get3A_2739 : vector<16xf32>
      %add3A_2741 = arith.addf %add3A_2680, %mul3A_2740 : vector<16xf32>
      %get3A_2742 = arith.constant 5408 : index
      %get3A_2743 = tpu.vector_load %arg6[%get3A_2742] {strides = array<i32>} : memref<7840xf32, #tpu.memory_space<vmem>>, vector<16xf32>,
      %get3A_2744 = vector.shape_cast %get3A_2743 : vector<16xf32> to vector<16xf32>
      %mul3A_2745 = arith.mulf %select_n3A_2711, %get3A_2744 : vector<16xf32>
      %add3A_2746 = arith.addf %add3A_2685, %mul3A_2745 : vector<16xf32>
      %get3A_2747 = arith.constant 6192 : index
      %get3A_2748 = tpu.vector_load %arg6[%get3A_2747] {strides = array<i32>} : memref<7840xf32, #tpu.memory_space<vmem>>, vector<16xf32>,
      %get3A_2749 = vector.shape_cast %get3A_2748 : vector<16xf32> to vector<16xf32>
      %mul3A_2750 = arith.mulf %select_n3A_2711, %get3A_2749 : vector<16xf32>
      %add3A_2751 = arith.addf %add3A_2690, %mul3A_2750 : vector<16xf32>
      %get3A_2752 = arith.constant 6976 : index
      %get3A_2753 = tpu.vector_load %arg6[%get3A_2752] {strides = array<i32>} : memref<7840xf32, #tpu.memory_space<vmem>>, vector<16xf32>,
      %get3A_2754 = vector.shape_cast %get3A_2753 : vector<16xf32> to vector<16xf32>
      %mul3A_2755 = arith.mulf %select_n3A_2711, %get3A_2754 : vector<16xf32>
      %add3A_2756 = arith.addf %add3A_2695, %mul3A_2755 : vector<16xf32>
      %get3A_2757 = arith.constant 7760 : index
      %get3A_2758 = tpu.vector_load %arg6[%get3A_2757] {strides = array<i32>} : memref<7840xf32, #tpu.memory_space<vmem>>, vector<16xf32>,
      %get3A_2759 = vector.shape_cast %get3A_2758 : vector<16xf32> to vector<16xf32>
      %mul3A_2760 = arith.mulf %select_n3A_2711, %get3A_2759 : vector<16xf32>
      %add3A_2761 = arith.addf %add3A_2700, %mul3A_2760 : vector<16xf32>
      %get3A_2762 = arith.constant 720 : index
      %get3A_2763 = tpu.vector_load %arg5[%get3A_2762] {strides = array<i32>} : memref<784xf32, #tpu.memory_space<vmem>>, vector<16xf32>,
      %get3A_2764 = vector.shape_cast %get3A_2763 : vector<16xf32> to vector<16xf32>
      %gt3A_2765 = arith.constant 5.000000e-01 : f32
      %gt3A_2766 = vector.broadcast %gt3A_2765 : f32 to vector<16xf32>
      %gt3A_2767 = arith.cmpf ogt, %get3A_2764, %gt3A_2766 : vector<16xf32>
      %jit3A_2768 = arith.constant 1.000000e+00 : f32
      %jit3A_2769 = arith.constant 0.000000e+00 : f32
      %broadcast_in_dim3A_2770 = vector.broadcast %jit3A_2768 : f32 to vector<16xf32>
      %broadcast_in_dim3A_2771 = vector.broadcast %jit3A_2769 : f32 to vector<16xf32>
      %select_n3A_2772 = arith.select %gt3A_2767, %broadcast_in_dim3A_2770, %broadcast_in_dim3A_2771 : vector<16xi1>, vector<16xf32>
      %get3A_2773 = arith.constant 720 : index
      %get3A_2774 = tpu.vector_load %arg6[%get3A_2773] {strides = array<i32>} : memref<7840xf32, #tpu.memory_space<vmem>>, vector<16xf32>,
      %get3A_2775 = vector.shape_cast %get3A_2774 : vector<16xf32> to vector<16xf32>
      %mul3A_2776 = arith.mulf %select_n3A_2772, %get3A_2775 : vector<16xf32>
      %add3A_2777 = arith.addf %add3A_2716, %mul3A_2776 : vector<16xf32>
      %get3A_2778 = arith.constant 1504 : index
      %get3A_2779 = tpu.vector_load %arg6[%get3A_2778] {strides = array<i32>} : memref<7840xf32, #tpu.memory_space<vmem>>, vector<16xf32>,
      %get3A_2780 = vector.shape_cast %get3A_2779 : vector<16xf32> to vector<16xf32>
      %mul3A_2781 = arith.mulf %select_n3A_2772, %get3A_2780 : vector<16xf32>
      %add3A_2782 = arith.addf %add3A_2721, %mul3A_2781 : vector<16xf32>
      %get3A_2783 = arith.constant 2288 : index
      %get3A_2784 = tpu.vector_load %arg6[%get3A_2783] {strides = array<i32>} : memref<7840xf32, #tpu.memory_space<vmem>>, vector<16xf32>,
      %get3A_2785 = vector.shape_cast %get3A_2784 : vector<16xf32> to vector<16xf32>
      %mul3A_2786 = arith.mulf %select_n3A_2772, %get3A_2785 : vector<16xf32>
      %add3A_2787 = arith.addf %add3A_2726, %mul3A_2786 : vector<16xf32>
      %get3A_2788 = arith.constant 3072 : index
      %get3A_2789 = tpu.vector_load %arg6[%get3A_2788] {strides = array<i32>} : memref<7840xf32, #tpu.memory_space<vmem>>, vector<16xf32>,
      %get3A_2790 = vector.shape_cast %get3A_2789 : vector<16xf32> to vector<16xf32>
      %mul3A_2791 = arith.mulf %select_n3A_2772, %get3A_2790 : vector<16xf32>
      %add3A_2792 = arith.addf %add3A_2731, %mul3A_2791 : vector<16xf32>
      %get3A_2793 = arith.constant 3856 : index
      %get3A_2794 = tpu.vector_load %arg6[%get3A_2793] {strides = array<i32>} : memref<7840xf32, #tpu.memory_space<vmem>>, vector<16xf32>,
      %get3A_2795 = vector.shape_cast %get3A_2794 : vector<16xf32> to vector<16xf32>
      %mul3A_2796 = arith.mulf %select_n3A_2772, %get3A_2795 : vector<16xf32>
      %add3A_2797 = arith.addf %add3A_2736, %mul3A_2796 : vector<16xf32>
      %get3A_2798 = arith.constant 4640 : index
      %get3A_2799 = tpu.vector_load %arg6[%get3A_2798] {strides = array<i32>} : memref<7840xf32, #tpu.memory_space<vmem>>, vector<16xf32>,
      %get3A_2800 = vector.shape_cast %get3A_2799 : vector<16xf32> to vector<16xf32>
      %mul3A_2801 = arith.mulf %select_n3A_2772, %get3A_2800 : vector<16xf32>
      %add3A_2802 = arith.addf %add3A_2741, %mul3A_2801 : vector<16xf32>
      %get3A_2803 = arith.constant 5424 : index
      %get3A_2804 = tpu.vector_load %arg6[%get3A_2803] {strides = array<i32>} : memref<7840xf32, #tpu.memory_space<vmem>>, vector<16xf32>,
      %get3A_2805 = vector.shape_cast %get3A_2804 : vector<16xf32> to vector<16xf32>
      %mul3A_2806 = arith.mulf %select_n3A_2772, %get3A_2805 : vector<16xf32>
      %add3A_2807 = arith.addf %add3A_2746, %mul3A_2806 : vector<16xf32>
      %get3A_2808 = arith.constant 6208 : index
      %get3A_2809 = tpu.vector_load %arg6[%get3A_2808] {strides = array<i32>} : memref<7840xf32, #tpu.memory_space<vmem>>, vector<16xf32>,
      %get3A_2810 = vector.shape_cast %get3A_2809 : vector<16xf32> to vector<16xf32>
      %mul3A_2811 = arith.mulf %select_n3A_2772, %get3A_2810 : vector<16xf32>
      %add3A_2812 = arith.addf %add3A_2751, %mul3A_2811 : vector<16xf32>
      %get3A_2813 = arith.constant 6992 : index
      %get3A_2814 = tpu.vector_load %arg6[%get3A_2813] {strides = array<i32>} : memref<7840xf32, #tpu.memory_space<vmem>>, vector<16xf32>,
      %get3A_2815 = vector.shape_cast %get3A_2814 : vector<16xf32> to vector<16xf32>
      %mul3A_2816 = arith.mulf %select_n3A_2772, %get3A_2815 : vector<16xf32>
      %add3A_2817 = arith.addf %add3A_2756, %mul3A_2816 : vector<16xf32>
      %get3A_2818 = arith.constant 7776 : index
      %get3A_2819 = tpu.vector_load %arg6[%get3A_2818] {strides = array<i32>} : memref<7840xf32, #tpu.memory_space<vmem>>, vector<16xf32>,
      %get3A_2820 = vector.shape_cast %get3A_2819 : vector<16xf32> to vector<16xf32>
      %mul3A_2821 = arith.mulf %select_n3A_2772, %get3A_2820 : vector<16xf32>
      %add3A_2822 = arith.addf %add3A_2761, %mul3A_2821 : vector<16xf32>
      %get3A_2823 = arith.constant 736 : index
      %get3A_2824 = tpu.vector_load %arg5[%get3A_2823] {strides = array<i32>} : memref<784xf32, #tpu.memory_space<vmem>>, vector<16xf32>,
      %get3A_2825 = vector.shape_cast %get3A_2824 : vector<16xf32> to vector<16xf32>
      %gt3A_2826 = arith.constant 5.000000e-01 : f32
      %gt3A_2827 = vector.broadcast %gt3A_2826 : f32 to vector<16xf32>
      %gt3A_2828 = arith.cmpf ogt, %get3A_2825, %gt3A_2827 : vector<16xf32>
      %jit3A_2829 = arith.constant 1.000000e+00 : f32
      %jit3A_2830 = arith.constant 0.000000e+00 : f32
      %broadcast_in_dim3A_2831 = vector.broadcast %jit3A_2829 : f32 to vector<16xf32>
      %broadcast_in_dim3A_2832 = vector.broadcast %jit3A_2830 : f32 to vector<16xf32>
      %select_n3A_2833 = arith.select %gt3A_2828, %broadcast_in_dim3A_2831, %broadcast_in_dim3A_2832 : vector<16xi1>, vector<16xf32>
      %get3A_2834 = arith.constant 736 : index
      %get3A_2835 = tpu.vector_load %arg6[%get3A_2834] {strides = array<i32>} : memref<7840xf32, #tpu.memory_space<vmem>>, vector<16xf32>,
      %get3A_2836 = vector.shape_cast %get3A_2835 : vector<16xf32> to vector<16xf32>
      %mul3A_2837 = arith.mulf %select_n3A_2833, %get3A_2836 : vector<16xf32>
      %add3A_2838 = arith.addf %add3A_2777, %mul3A_2837 : vector<16xf32>
      %get3A_2839 = arith.constant 1520 : index
      %get3A_2840 = tpu.vector_load %arg6[%get3A_2839] {strides = array<i32>} : memref<7840xf32, #tpu.memory_space<vmem>>, vector<16xf32>,
      %get3A_2841 = vector.shape_cast %get3A_2840 : vector<16xf32> to vector<16xf32>
      %mul3A_2842 = arith.mulf %select_n3A_2833, %get3A_2841 : vector<16xf32>
      %add3A_2843 = arith.addf %add3A_2782, %mul3A_2842 : vector<16xf32>
      %get3A_2844 = arith.constant 2304 : index
      %get3A_2845 = tpu.vector_load %arg6[%get3A_2844] {strides = array<i32>} : memref<7840xf32, #tpu.memory_space<vmem>>, vector<16xf32>,
      %get3A_2846 = vector.shape_cast %get3A_2845 : vector<16xf32> to vector<16xf32>
      %mul3A_2847 = arith.mulf %select_n3A_2833, %get3A_2846 : vector<16xf32>
      %add3A_2848 = arith.addf %add3A_2787, %mul3A_2847 : vector<16xf32>
      %get3A_2849 = arith.constant 3088 : index
      %get3A_2850 = tpu.vector_load %arg6[%get3A_2849] {strides = array<i32>} : memref<7840xf32, #tpu.memory_space<vmem>>, vector<16xf32>,
      %get3A_2851 = vector.shape_cast %get3A_2850 : vector<16xf32> to vector<16xf32>
      %mul3A_2852 = arith.mulf %select_n3A_2833, %get3A_2851 : vector<16xf32>
      %add3A_2853 = arith.addf %add3A_2792, %mul3A_2852 : vector<16xf32>
      %get3A_2854 = arith.constant 3872 : index
      %get3A_2855 = tpu.vector_load %arg6[%get3A_2854] {strides = array<i32>} : memref<7840xf32, #tpu.memory_space<vmem>>, vector<16xf32>,
      %get3A_2856 = vector.shape_cast %get3A_2855 : vector<16xf32> to vector<16xf32>
      %mul3A_2857 = arith.mulf %select_n3A_2833, %get3A_2856 : vector<16xf32>
      %add3A_2858 = arith.addf %add3A_2797, %mul3A_2857 : vector<16xf32>
      %get3A_2859 = arith.constant 4656 : index
      %get3A_2860 = tpu.vector_load %arg6[%get3A_2859] {strides = array<i32>} : memref<7840xf32, #tpu.memory_space<vmem>>, vector<16xf32>,
      %get3A_2861 = vector.shape_cast %get3A_2860 : vector<16xf32> to vector<16xf32>
      %mul3A_2862 = arith.mulf %select_n3A_2833, %get3A_2861 : vector<16xf32>
      %add3A_2863 = arith.addf %add3A_2802, %mul3A_2862 : vector<16xf32>
      %get3A_2864 = arith.constant 5440 : index
      %get3A_2865 = tpu.vector_load %arg6[%get3A_2864] {strides = array<i32>} : memref<7840xf32, #tpu.memory_space<vmem>>, vector<16xf32>,
      %get3A_2866 = vector.shape_cast %get3A_2865 : vector<16xf32> to vector<16xf32>
      %mul3A_2867 = arith.mulf %select_n3A_2833, %get3A_2866 : vector<16xf32>
      %add3A_2868 = arith.addf %add3A_2807, %mul3A_2867 : vector<16xf32>
      %get3A_2869 = arith.constant 6224 : index
      %get3A_2870 = tpu.vector_load %arg6[%get3A_2869] {strides = array<i32>} : memref<7840xf32, #tpu.memory_space<vmem>>, vector<16xf32>,
      %get3A_2871 = vector.shape_cast %get3A_2870 : vector<16xf32> to vector<16xf32>
      %mul3A_2872 = arith.mulf %select_n3A_2833, %get3A_2871 : vector<16xf32>
      %add3A_2873 = arith.addf %add3A_2812, %mul3A_2872 : vector<16xf32>
      %get3A_2874 = arith.constant 7008 : index
      %get3A_2875 = tpu.vector_load %arg6[%get3A_2874] {strides = array<i32>} : memref<7840xf32, #tpu.memory_space<vmem>>, vector<16xf32>,
      %get3A_2876 = vector.shape_cast %get3A_2875 : vector<16xf32> to vector<16xf32>
      %mul3A_2877 = arith.mulf %select_n3A_2833, %get3A_2876 : vector<16xf32>
      %add3A_2878 = arith.addf %add3A_2817, %mul3A_2877 : vector<16xf32>
      %get3A_2879 = arith.constant 7792 : index
      %get3A_2880 = tpu.vector_load %arg6[%get3A_2879] {strides = array<i32>} : memref<7840xf32, #tpu.memory_space<vmem>>, vector<16xf32>,
      %get3A_2881 = vector.shape_cast %get3A_2880 : vector<16xf32> to vector<16xf32>
      %mul3A_2882 = arith.mulf %select_n3A_2833, %get3A_2881 : vector<16xf32>
      %add3A_2883 = arith.addf %add3A_2822, %mul3A_2882 : vector<16xf32>
      %get3A_2884 = arith.constant 752 : index
      %get3A_2885 = tpu.vector_load %arg5[%get3A_2884] {strides = array<i32>} : memref<784xf32, #tpu.memory_space<vmem>>, vector<16xf32>,
      %get3A_2886 = vector.shape_cast %get3A_2885 : vector<16xf32> to vector<16xf32>
      %gt3A_2887 = arith.constant 5.000000e-01 : f32
      %gt3A_2888 = vector.broadcast %gt3A_2887 : f32 to vector<16xf32>
      %gt3A_2889 = arith.cmpf ogt, %get3A_2886, %gt3A_2888 : vector<16xf32>
      %jit3A_2890 = arith.constant 1.000000e+00 : f32
      %jit3A_2891 = arith.constant 0.000000e+00 : f32
      %broadcast_in_dim3A_2892 = vector.broadcast %jit3A_2890 : f32 to vector<16xf32>
      %broadcast_in_dim3A_2893 = vector.broadcast %jit3A_2891 : f32 to vector<16xf32>
      %select_n3A_2894 = arith.select %gt3A_2889, %broadcast_in_dim3A_2892, %broadcast_in_dim3A_2893 : vector<16xi1>, vector<16xf32>
      %get3A_2895 = arith.constant 752 : index
      %get3A_2896 = tpu.vector_load %arg6[%get3A_2895] {strides = array<i32>} : memref<7840xf32, #tpu.memory_space<vmem>>, vector<16xf32>,
      %get3A_2897 = vector.shape_cast %get3A_2896 : vector<16xf32> to vector<16xf32>
      %mul3A_2898 = arith.mulf %select_n3A_2894, %get3A_2897 : vector<16xf32>
      %add3A_2899 = arith.addf %add3A_2838, %mul3A_2898 : vector<16xf32>
      %get3A_2900 = arith.constant 1536 : index
      %get3A_2901 = tpu.vector_load %arg6[%get3A_2900] {strides = array<i32>} : memref<7840xf32, #tpu.memory_space<vmem>>, vector<16xf32>,
      %get3A_2902 = vector.shape_cast %get3A_2901 : vector<16xf32> to vector<16xf32>
      %mul3A_2903 = arith.mulf %select_n3A_2894, %get3A_2902 : vector<16xf32>
      %add3A_2904 = arith.addf %add3A_2843, %mul3A_2903 : vector<16xf32>
      %get3A_2905 = arith.constant 2320 : index
      %get3A_2906 = tpu.vector_load %arg6[%get3A_2905] {strides = array<i32>} : memref<7840xf32, #tpu.memory_space<vmem>>, vector<16xf32>,
      %get3A_2907 = vector.shape_cast %get3A_2906 : vector<16xf32> to vector<16xf32>
      %mul3A_2908 = arith.mulf %select_n3A_2894, %get3A_2907 : vector<16xf32>
      %add3A_2909 = arith.addf %add3A_2848, %mul3A_2908 : vector<16xf32>
      %get3A_2910 = arith.constant 3104 : index
      %get3A_2911 = tpu.vector_load %arg6[%get3A_2910] {strides = array<i32>} : memref<7840xf32, #tpu.memory_space<vmem>>, vector<16xf32>,
      %get3A_2912 = vector.shape_cast %get3A_2911 : vector<16xf32> to vector<16xf32>
      %mul3A_2913 = arith.mulf %select_n3A_2894, %get3A_2912 : vector<16xf32>
      %add3A_2914 = arith.addf %add3A_2853, %mul3A_2913 : vector<16xf32>
      %get3A_2915 = arith.constant 3888 : index
      %get3A_2916 = tpu.vector_load %arg6[%get3A_2915] {strides = array<i32>} : memref<7840xf32, #tpu.memory_space<vmem>>, vector<16xf32>,
      %get3A_2917 = vector.shape_cast %get3A_2916 : vector<16xf32> to vector<16xf32>
      %mul3A_2918 = arith.mulf %select_n3A_2894, %get3A_2917 : vector<16xf32>
      %add3A_2919 = arith.addf %add3A_2858, %mul3A_2918 : vector<16xf32>
      %get3A_2920 = arith.constant 4672 : index
      %get3A_2921 = tpu.vector_load %arg6[%get3A_2920] {strides = array<i32>} : memref<7840xf32, #tpu.memory_space<vmem>>, vector<16xf32>,
      %get3A_2922 = vector.shape_cast %get3A_2921 : vector<16xf32> to vector<16xf32>
      %mul3A_2923 = arith.mulf %select_n3A_2894, %get3A_2922 : vector<16xf32>
      %add3A_2924 = arith.addf %add3A_2863, %mul3A_2923 : vector<16xf32>
      %get3A_2925 = arith.constant 5456 : index
      %get3A_2926 = tpu.vector_load %arg6[%get3A_2925] {strides = array<i32>} : memref<7840xf32, #tpu.memory_space<vmem>>, vector<16xf32>,
      %get3A_2927 = vector.shape_cast %get3A_2926 : vector<16xf32> to vector<16xf32>
      %mul3A_2928 = arith.mulf %select_n3A_2894, %get3A_2927 : vector<16xf32>
      %add3A_2929 = arith.addf %add3A_2868, %mul3A_2928 : vector<16xf32>
      %get3A_2930 = arith.constant 6240 : index
      %get3A_2931 = tpu.vector_load %arg6[%get3A_2930] {strides = array<i32>} : memref<7840xf32, #tpu.memory_space<vmem>>, vector<16xf32>,
      %get3A_2932 = vector.shape_cast %get3A_2931 : vector<16xf32> to vector<16xf32>
      %mul3A_2933 = arith.mulf %select_n3A_2894, %get3A_2932 : vector<16xf32>
      %add3A_2934 = arith.addf %add3A_2873, %mul3A_2933 : vector<16xf32>
      %get3A_2935 = arith.constant 7024 : index
      %get3A_2936 = tpu.vector_load %arg6[%get3A_2935] {strides = array<i32>} : memref<7840xf32, #tpu.memory_space<vmem>>, vector<16xf32>,
      %get3A_2937 = vector.shape_cast %get3A_2936 : vector<16xf32> to vector<16xf32>
      %mul3A_2938 = arith.mulf %select_n3A_2894, %get3A_2937 : vector<16xf32>
      %add3A_2939 = arith.addf %add3A_2878, %mul3A_2938 : vector<16xf32>
      %get3A_2940 = arith.constant 7808 : index
      %get3A_2941 = tpu.vector_load %arg6[%get3A_2940] {strides = array<i32>} : memref<7840xf32, #tpu.memory_space<vmem>>, vector<16xf32>,
      %get3A_2942 = vector.shape_cast %get3A_2941 : vector<16xf32> to vector<16xf32>
      %mul3A_2943 = arith.mulf %select_n3A_2894, %get3A_2942 : vector<16xf32>
      %add3A_2944 = arith.addf %add3A_2883, %mul3A_2943 : vector<16xf32>
      %get3A_2945 = arith.constant 768 : index
      %get3A_2946 = tpu.vector_load %arg5[%get3A_2945] {strides = array<i32>} : memref<784xf32, #tpu.memory_space<vmem>>, vector<16xf32>,
      %get3A_2947 = vector.shape_cast %get3A_2946 : vector<16xf32> to vector<16xf32>
      %gt3A_2948 = arith.constant 5.000000e-01 : f32
      %gt3A_2949 = vector.broadcast %gt3A_2948 : f32 to vector<16xf32>
      %gt3A_2950 = arith.cmpf ogt, %get3A_2947, %gt3A_2949 : vector<16xf32>
      %jit3A_2951 = arith.constant 1.000000e+00 : f32
      %jit3A_2952 = arith.constant 0.000000e+00 : f32
      %broadcast_in_dim3A_2953 = vector.broadcast %jit3A_2951 : f32 to vector<16xf32>
      %broadcast_in_dim3A_2954 = vector.broadcast %jit3A_2952 : f32 to vector<16xf32>
      %select_n3A_2955 = arith.select %gt3A_2950, %broadcast_in_dim3A_2953, %broadcast_in_dim3A_2954 : vector<16xi1>, vector<16xf32>
      %get3A_2956 = arith.constant 768 : index
      %get3A_2957 = tpu.vector_load %arg6[%get3A_2956] {strides = array<i32>} : memref<7840xf32, #tpu.memory_space<vmem>>, vector<16xf32>,
      %get3A_2958 = vector.shape_cast %get3A_2957 : vector<16xf32> to vector<16xf32>
      %mul3A_2959 = arith.mulf %select_n3A_2955, %get3A_2958 : vector<16xf32>
      %add3A_2960 = arith.addf %add3A_2899, %mul3A_2959 : vector<16xf32>
      %get3A_2961 = arith.constant 1552 : index
      %get3A_2962 = tpu.vector_load %arg6[%get3A_2961] {strides = array<i32>} : memref<7840xf32, #tpu.memory_space<vmem>>, vector<16xf32>,
      %get3A_2963 = vector.shape_cast %get3A_2962 : vector<16xf32> to vector<16xf32>
      %mul3A_2964 = arith.mulf %select_n3A_2955, %get3A_2963 : vector<16xf32>
      %add3A_2965 = arith.addf %add3A_2904, %mul3A_2964 : vector<16xf32>
      %get3A_2966 = arith.constant 2336 : index
      %get3A_2967 = tpu.vector_load %arg6[%get3A_2966] {strides = array<i32>} : memref<7840xf32, #tpu.memory_space<vmem>>, vector<16xf32>,
      %get3A_2968 = vector.shape_cast %get3A_2967 : vector<16xf32> to vector<16xf32>
      %mul3A_2969 = arith.mulf %select_n3A_2955, %get3A_2968 : vector<16xf32>
      %add3A_2970 = arith.addf %add3A_2909, %mul3A_2969 : vector<16xf32>
      %get3A_2971 = arith.constant 3120 : index
      %get3A_2972 = tpu.vector_load %arg6[%get3A_2971] {strides = array<i32>} : memref<7840xf32, #tpu.memory_space<vmem>>, vector<16xf32>,
      %get3A_2973 = vector.shape_cast %get3A_2972 : vector<16xf32> to vector<16xf32>
      %mul3A_2974 = arith.mulf %select_n3A_2955, %get3A_2973 : vector<16xf32>
      %add3A_2975 = arith.addf %add3A_2914, %mul3A_2974 : vector<16xf32>
      %get3A_2976 = arith.constant 3904 : index
      %get3A_2977 = tpu.vector_load %arg6[%get3A_2976] {strides = array<i32>} : memref<7840xf32, #tpu.memory_space<vmem>>, vector<16xf32>,
      %get3A_2978 = vector.shape_cast %get3A_2977 : vector<16xf32> to vector<16xf32>
      %mul3A_2979 = arith.mulf %select_n3A_2955, %get3A_2978 : vector<16xf32>
      %add3A_2980 = arith.addf %add3A_2919, %mul3A_2979 : vector<16xf32>
      %get3A_2981 = arith.constant 4688 : index
      %get3A_2982 = tpu.vector_load %arg6[%get3A_2981] {strides = array<i32>} : memref<7840xf32, #tpu.memory_space<vmem>>, vector<16xf32>,
      %get3A_2983 = vector.shape_cast %get3A_2982 : vector<16xf32> to vector<16xf32>
      %mul3A_2984 = arith.mulf %select_n3A_2955, %get3A_2983 : vector<16xf32>
      %add3A_2985 = arith.addf %add3A_2924, %mul3A_2984 : vector<16xf32>
      %get3A_2986 = arith.constant 5472 : index
      %get3A_2987 = tpu.vector_load %arg6[%get3A_2986] {strides = array<i32>} : memref<7840xf32, #tpu.memory_space<vmem>>, vector<16xf32>,
      %get3A_2988 = vector.shape_cast %get3A_2987 : vector<16xf32> to vector<16xf32>
      %mul3A_2989 = arith.mulf %select_n3A_2955, %get3A_2988 : vector<16xf32>
      %add3A_2990 = arith.addf %add3A_2929, %mul3A_2989 : vector<16xf32>
      %get3A_2991 = arith.constant 6256 : index
      %get3A_2992 = tpu.vector_load %arg6[%get3A_2991] {strides = array<i32>} : memref<7840xf32, #tpu.memory_space<vmem>>, vector<16xf32>,
      %get3A_2993 = vector.shape_cast %get3A_2992 : vector<16xf32> to vector<16xf32>
      %mul3A_2994 = arith.mulf %select_n3A_2955, %get3A_2993 : vector<16xf32>
      %add3A_2995 = arith.addf %add3A_2934, %mul3A_2994 : vector<16xf32>
      %get3A_2996 = arith.constant 7040 : index
      %get3A_2997 = tpu.vector_load %arg6[%get3A_2996] {strides = array<i32>} : memref<7840xf32, #tpu.memory_space<vmem>>, vector<16xf32>,
      %get3A_2998 = vector.shape_cast %get3A_2997 : vector<16xf32> to vector<16xf32>
      %mul3A_2999 = arith.mulf %select_n3A_2955, %get3A_2998 : vector<16xf32>
      %add3A_3000 = arith.addf %add3A_2939, %mul3A_2999 : vector<16xf32>
      %get3A_3001 = arith.constant 7824 : index
      %get3A_3002 = tpu.vector_load %arg6[%get3A_3001] {strides = array<i32>} : memref<7840xf32, #tpu.memory_space<vmem>>, vector<16xf32>,
      %get3A_3003 = vector.shape_cast %get3A_3002 : vector<16xf32> to vector<16xf32>
      %mul3A_3004 = arith.mulf %select_n3A_2955, %get3A_3003 : vector<16xf32>
      %add3A_3005 = arith.addf %add3A_2944, %mul3A_3004 : vector<16xf32>
      %broadcast_in_dim3A_3006 = arith.constant -1.000000e+00 : f32
      %broadcast_in_dim3A_3007 = vector.broadcast %broadcast_in_dim3A_3006 : f32 to vector<16xf32>
      %broadcast_in_dim3A_3008 = arith.constant 0 : i32
      %broadcast_in_dim3A_3009 = vector.broadcast %broadcast_in_dim3A_3008 : i32 to vector<16xi32>
      %iota3A = tpu.iota {dimensions = array<i32: 0>} : vector<16xi32>
      %xor3A = arith.constant 8 : i32
      %xor3A_3010 = vector.broadcast %xor3A : i32 to vector<16xi32>
      %xor3A_3011 = arith.xori %iota3A, %xor3A_3010 : vector<16xi32>
      %lt3A = arith.constant 0 : i32
      %lt3A_3012 = vector.broadcast %lt3A : i32 to vector<16xi32>
      %lt3A_3013 = arith.cmpi slt, %xor3A_3011, %lt3A_3012 : vector<16xi32>
      %add3A_3014 = arith.constant 16 : i32
      %add3A_3015 = vector.broadcast %add3A_3014 : i32 to vector<16xi32>
      %add3A_3016 = arith.addi %xor3A_3011, %add3A_3015 : vector<16xi32>
      %select_n3A_3017 = arith.select %lt3A_3013, %add3A_3016, %xor3A_3011 : vector<16xi1>, vector<16xi32>
      %broadcast_in_dim3A_3018 = vector.shape_cast %select_n3A_3017 : vector<16xi32> to vector<16x1xi32>
      %gather3A = vector.shape_cast %broadcast_in_dim3A_3018 : vector<16x1xi32> to vector<16xi32>
      %gather3A_3019 = tpu.dynamic_gather %add3A_2960[%gather3A] in [0] : vector<16xf32>, vector<16xi32> -> vector<16xf32>
      %add3A_3020 = arith.addf %add3A_2960, %gather3A_3019 : vector<16xf32>
      %xor3A_3021 = arith.constant 4 : i32
      %xor3A_3022 = vector.broadcast %xor3A_3021 : i32 to vector<16xi32>
      %xor3A_3023 = arith.xori %iota3A, %xor3A_3022 : vector<16xi32>
      %lt3A_3024 = arith.constant 0 : i32
      %lt3A_3025 = vector.broadcast %lt3A_3024 : i32 to vector<16xi32>
      %lt3A_3026 = arith.cmpi slt, %xor3A_3023, %lt3A_3025 : vector<16xi32>
      %add3A_3027 = arith.constant 16 : i32
      %add3A_3028 = vector.broadcast %add3A_3027 : i32 to vector<16xi32>
      %add3A_3029 = arith.addi %xor3A_3023, %add3A_3028 : vector<16xi32>
      %select_n3A_3030 = arith.select %lt3A_3026, %add3A_3029, %xor3A_3023 : vector<16xi1>, vector<16xi32>
      %broadcast_in_dim3A_3031 = vector.shape_cast %select_n3A_3030 : vector<16xi32> to vector<16x1xi32>
      %gather3A_3032 = vector.shape_cast %broadcast_in_dim3A_3031 : vector<16x1xi32> to vector<16xi32>
      %gather3A_3033 = tpu.dynamic_gather %add3A_3020[%gather3A_3032] in [0] : vector<16xf32>, vector<16xi32> -> vector<16xf32>
      %add3A_3034 = arith.addf %add3A_3020, %gather3A_3033 : vector<16xf32>
      %xor3A_3035 = arith.constant 2 : i32
      %xor3A_3036 = vector.broadcast %xor3A_3035 : i32 to vector<16xi32>
      %xor3A_3037 = arith.xori %iota3A, %xor3A_3036 : vector<16xi32>
      %lt3A_3038 = arith.constant 0 : i32
      %lt3A_3039 = vector.broadcast %lt3A_3038 : i32 to vector<16xi32>
      %lt3A_3040 = arith.cmpi slt, %xor3A_3037, %lt3A_3039 : vector<16xi32>
      %add3A_3041 = arith.constant 16 : i32
      %add3A_3042 = vector.broadcast %add3A_3041 : i32 to vector<16xi32>
      %add3A_3043 = arith.addi %xor3A_3037, %add3A_3042 : vector<16xi32>
      %select_n3A_3044 = arith.select %lt3A_3040, %add3A_3043, %xor3A_3037 : vector<16xi1>, vector<16xi32>
      %broadcast_in_dim3A_3045 = vector.shape_cast %select_n3A_3044 : vector<16xi32> to vector<16x1xi32>
      %gather3A_3046 = vector.shape_cast %broadcast_in_dim3A_3045 : vector<16x1xi32> to vector<16xi32>
      %gather3A_3047 = tpu.dynamic_gather %add3A_3034[%gather3A_3046] in [0] : vector<16xf32>, vector<16xi32> -> vector<16xf32>
      %add3A_3048 = arith.addf %add3A_3034, %gather3A_3047 : vector<16xf32>
      %xor3A_3049 = arith.constant 1 : i32
      %xor3A_3050 = vector.broadcast %xor3A_3049 : i32 to vector<16xi32>
      %xor3A_3051 = arith.xori %iota3A, %xor3A_3050 : vector<16xi32>
      %lt3A_3052 = arith.constant 0 : i32
      %lt3A_3053 = vector.broadcast %lt3A_3052 : i32 to vector<16xi32>
      %lt3A_3054 = arith.cmpi slt, %xor3A_3051, %lt3A_3053 : vector<16xi32>
      %add3A_3055 = arith.constant 16 : i32
      %add3A_3056 = vector.broadcast %add3A_3055 : i32 to vector<16xi32>
      %add3A_3057 = arith.addi %xor3A_3051, %add3A_3056 : vector<16xi32>
      %select_n3A_3058 = arith.select %lt3A_3054, %add3A_3057, %xor3A_3051 : vector<16xi1>, vector<16xi32>
      %broadcast_in_dim3A_3059 = vector.shape_cast %select_n3A_3058 : vector<16xi32> to vector<16x1xi32>
      %gather3A_3060 = vector.shape_cast %broadcast_in_dim3A_3059 : vector<16x1xi32> to vector<16xi32>
      %gather3A_3061 = tpu.dynamic_gather %add3A_3048[%gather3A_3060] in [0] : vector<16xf32>, vector<16xi32> -> vector<16xf32>
      %add3A_3062 = arith.addf %add3A_3048, %gather3A_3061 : vector<16xf32>
      %gt3A_3063 = arith.cmpf ogt, %add3A_3062, %broadcast_in_dim3A_3007 : vector<16xf32>
      %select_n3A_3064 = arith.select %gt3A_3063, %add3A_3062, %broadcast_in_dim3A_3007 : vector<16xi1>, vector<16xf32>
      %broadcast_in_dim3A_3065 = arith.constant 0 : i32
      %broadcast_in_dim3A_3066 = vector.broadcast %broadcast_in_dim3A_3065 : i32 to vector<16xi32>
      %select_n3A_3067 = arith.select %gt3A_3063, %broadcast_in_dim3A_3066, %broadcast_in_dim3A_3009 : vector<16xi1>, vector<16xi32>
      %iota3A_3068 = tpu.iota {dimensions = array<i32: 0>} : vector<16xi32>
      %xor3A_3069 = arith.constant 8 : i32
      %xor3A_3070 = vector.broadcast %xor3A_3069 : i32 to vector<16xi32>
      %xor3A_3071 = arith.xori %iota3A_3068, %xor3A_3070 : vector<16xi32>
      %lt3A_3072 = arith.constant 0 : i32
      %lt3A_3073 = vector.broadcast %lt3A_3072 : i32 to vector<16xi32>
      %lt3A_3074 = arith.cmpi slt, %xor3A_3071, %lt3A_3073 : vector<16xi32>
      %add3A_3075 = arith.constant 16 : i32
      %add3A_3076 = vector.broadcast %add3A_3075 : i32 to vector<16xi32>
      %add3A_3077 = arith.addi %xor3A_3071, %add3A_3076 : vector<16xi32>
      %select_n3A_3078 = arith.select %lt3A_3074, %add3A_3077, %xor3A_3071 : vector<16xi1>, vector<16xi32>
      %broadcast_in_dim3A_3079 = vector.shape_cast %select_n3A_3078 : vector<16xi32> to vector<16x1xi32>
      %gather3A_3080 = vector.shape_cast %broadcast_in_dim3A_3079 : vector<16x1xi32> to vector<16xi32>
      %gather3A_3081 = tpu.dynamic_gather %add3A_2965[%gather3A_3080] in [0] : vector<16xf32>, vector<16xi32> -> vector<16xf32>
      %add3A_3082 = arith.addf %add3A_2965, %gather3A_3081 : vector<16xf32>
      %xor3A_3083 = arith.constant 4 : i32
      %xor3A_3084 = vector.broadcast %xor3A_3083 : i32 to vector<16xi32>
      %xor3A_3085 = arith.xori %iota3A_3068, %xor3A_3084 : vector<16xi32>
      %lt3A_3086 = arith.constant 0 : i32
      %lt3A_3087 = vector.broadcast %lt3A_3086 : i32 to vector<16xi32>
      %lt3A_3088 = arith.cmpi slt, %xor3A_3085, %lt3A_3087 : vector<16xi32>
      %add3A_3089 = arith.constant 16 : i32
      %add3A_3090 = vector.broadcast %add3A_3089 : i32 to vector<16xi32>
      %add3A_3091 = arith.addi %xor3A_3085, %add3A_3090 : vector<16xi32>
      %select_n3A_3092 = arith.select %lt3A_3088, %add3A_3091, %xor3A_3085 : vector<16xi1>, vector<16xi32>
      %broadcast_in_dim3A_3093 = vector.shape_cast %select_n3A_3092 : vector<16xi32> to vector<16x1xi32>
      %gather3A_3094 = vector.shape_cast %broadcast_in_dim3A_3093 : vector<16x1xi32> to vector<16xi32>
      %gather3A_3095 = tpu.dynamic_gather %add3A_3082[%gather3A_3094] in [0] : vector<16xf32>, vector<16xi32> -> vector<16xf32>
      %add3A_3096 = arith.addf %add3A_3082, %gather3A_3095 : vector<16xf32>
      %xor3A_3097 = arith.constant 2 : i32
      %xor3A_3098 = vector.broadcast %xor3A_3097 : i32 to vector<16xi32>
      %xor3A_3099 = arith.xori %iota3A_3068, %xor3A_3098 : vector<16xi32>
      %lt3A_3100 = arith.constant 0 : i32
      %lt3A_3101 = vector.broadcast %lt3A_3100 : i32 to vector<16xi32>
      %lt3A_3102 = arith.cmpi slt, %xor3A_3099, %lt3A_3101 : vector<16xi32>
      %add3A_3103 = arith.constant 16 : i32
      %add3A_3104 = vector.broadcast %add3A_3103 : i32 to vector<16xi32>
      %add3A_3105 = arith.addi %xor3A_3099, %add3A_3104 : vector<16xi32>
      %select_n3A_3106 = arith.select %lt3A_3102, %add3A_3105, %xor3A_3099 : vector<16xi1>, vector<16xi32>
      %broadcast_in_dim3A_3107 = vector.shape_cast %select_n3A_3106 : vector<16xi32> to vector<16x1xi32>
      %gather3A_3108 = vector.shape_cast %broadcast_in_dim3A_3107 : vector<16x1xi32> to vector<16xi32>
      %gather3A_3109 = tpu.dynamic_gather %add3A_3096[%gather3A_3108] in [0] : vector<16xf32>, vector<16xi32> -> vector<16xf32>
      %add3A_3110 = arith.addf %add3A_3096, %gather3A_3109 : vector<16xf32>
      %xor3A_3111 = arith.constant 1 : i32
      %xor3A_3112 = vector.broadcast %xor3A_3111 : i32 to vector<16xi32>
      %xor3A_3113 = arith.xori %iota3A_3068, %xor3A_3112 : vector<16xi32>
      %lt3A_3114 = arith.constant 0 : i32
      %lt3A_3115 = vector.broadcast %lt3A_3114 : i32 to vector<16xi32>
      %lt3A_3116 = arith.cmpi slt, %xor3A_3113, %lt3A_3115 : vector<16xi32>
      %add3A_3117 = arith.constant 16 : i32
      %add3A_3118 = vector.broadcast %add3A_3117 : i32 to vector<16xi32>
      %add3A_3119 = arith.addi %xor3A_3113, %add3A_3118 : vector<16xi32>
      %select_n3A_3120 = arith.select %lt3A_3116, %add3A_3119, %xor3A_3113 : vector<16xi1>, vector<16xi32>
      %broadcast_in_dim3A_3121 = vector.shape_cast %select_n3A_3120 : vector<16xi32> to vector<16x1xi32>
      %gather3A_3122 = vector.shape_cast %broadcast_in_dim3A_3121 : vector<16x1xi32> to vector<16xi32>
      %gather3A_3123 = tpu.dynamic_gather %add3A_3110[%gather3A_3122] in [0] : vector<16xf32>, vector<16xi32> -> vector<16xf32>
      %add3A_3124 = arith.addf %add3A_3110, %gather3A_3123 : vector<16xf32>
      %gt3A_3125 = arith.cmpf ogt, %add3A_3124, %select_n3A_3064 : vector<16xf32>
      %select_n3A_3126 = arith.select %gt3A_3125, %add3A_3124, %select_n3A_3064 : vector<16xi1>, vector<16xf32>
      %broadcast_in_dim3A_3127 = arith.constant 1 : i32
      %broadcast_in_dim3A_3128 = vector.broadcast %broadcast_in_dim3A_3127 : i32 to vector<16xi32>
      %select_n3A_3129 = arith.select %gt3A_3125, %broadcast_in_dim3A_3128, %select_n3A_3067 : vector<16xi1>, vector<16xi32>
      %iota3A_3130 = tpu.iota {dimensions = array<i32: 0>} : vector<16xi32>
      %xor3A_3131 = arith.constant 8 : i32
      %xor3A_3132 = vector.broadcast %xor3A_3131 : i32 to vector<16xi32>
      %xor3A_3133 = arith.xori %iota3A_3130, %xor3A_3132 : vector<16xi32>
      %lt3A_3134 = arith.constant 0 : i32
      %lt3A_3135 = vector.broadcast %lt3A_3134 : i32 to vector<16xi32>
      %lt3A_3136 = arith.cmpi slt, %xor3A_3133, %lt3A_3135 : vector<16xi32>
      %add3A_3137 = arith.constant 16 : i32
      %add3A_3138 = vector.broadcast %add3A_3137 : i32 to vector<16xi32>
      %add3A_3139 = arith.addi %xor3A_3133, %add3A_3138 : vector<16xi32>
      %select_n3A_3140 = arith.select %lt3A_3136, %add3A_3139, %xor3A_3133 : vector<16xi1>, vector<16xi32>
      %broadcast_in_dim3A_3141 = vector.shape_cast %select_n3A_3140 : vector<16xi32> to vector<16x1xi32>
      %gather3A_3142 = vector.shape_cast %broadcast_in_dim3A_3141 : vector<16x1xi32> to vector<16xi32>
      %gather3A_3143 = tpu.dynamic_gather %add3A_2970[%gather3A_3142] in [0] : vector<16xf32>, vector<16xi32> -> vector<16xf32>
      %add3A_3144 = arith.addf %add3A_2970, %gather3A_3143 : vector<16xf32>
      %xor3A_3145 = arith.constant 4 : i32
      %xor3A_3146 = vector.broadcast %xor3A_3145 : i32 to vector<16xi32>
      %xor3A_3147 = arith.xori %iota3A_3130, %xor3A_3146 : vector<16xi32>
      %lt3A_3148 = arith.constant 0 : i32
      %lt3A_3149 = vector.broadcast %lt3A_3148 : i32 to vector<16xi32>
      %lt3A_3150 = arith.cmpi slt, %xor3A_3147, %lt3A_3149 : vector<16xi32>
      %add3A_3151 = arith.constant 16 : i32
      %add3A_3152 = vector.broadcast %add3A_3151 : i32 to vector<16xi32>
      %add3A_3153 = arith.addi %xor3A_3147, %add3A_3152 : vector<16xi32>
      %select_n3A_3154 = arith.select %lt3A_3150, %add3A_3153, %xor3A_3147 : vector<16xi1>, vector<16xi32>
      %broadcast_in_dim3A_3155 = vector.shape_cast %select_n3A_3154 : vector<16xi32> to vector<16x1xi32>
      %gather3A_3156 = vector.shape_cast %broadcast_in_dim3A_3155 : vector<16x1xi32> to vector<16xi32>
      %gather3A_3157 = tpu.dynamic_gather %add3A_3144[%gather3A_3156] in [0] : vector<16xf32>, vector<16xi32> -> vector<16xf32>
      %add3A_3158 = arith.addf %add3A_3144, %gather3A_3157 : vector<16xf32>
      %xor3A_3159 = arith.constant 2 : i32
      %xor3A_3160 = vector.broadcast %xor3A_3159 : i32 to vector<16xi32>
      %xor3A_3161 = arith.xori %iota3A_3130, %xor3A_3160 : vector<16xi32>
      %lt3A_3162 = arith.constant 0 : i32
      %lt3A_3163 = vector.broadcast %lt3A_3162 : i32 to vector<16xi32>
      %lt3A_3164 = arith.cmpi slt, %xor3A_3161, %lt3A_3163 : vector<16xi32>
      %add3A_3165 = arith.constant 16 : i32
      %add3A_3166 = vector.broadcast %add3A_3165 : i32 to vector<16xi32>
      %add3A_3167 = arith.addi %xor3A_3161, %add3A_3166 : vector<16xi32>
      %select_n3A_3168 = arith.select %lt3A_3164, %add3A_3167, %xor3A_3161 : vector<16xi1>, vector<16xi32>
      %broadcast_in_dim3A_3169 = vector.shape_cast %select_n3A_3168 : vector<16xi32> to vector<16x1xi32>
      %gather3A_3170 = vector.shape_cast %broadcast_in_dim3A_3169 : vector<16x1xi32> to vector<16xi32>
      %gather3A_3171 = tpu.dynamic_gather %add3A_3158[%gather3A_3170] in [0] : vector<16xf32>, vector<16xi32> -> vector<16xf32>
      %add3A_3172 = arith.addf %add3A_3158, %gather3A_3171 : vector<16xf32>
      %xor3A_3173 = arith.constant 1 : i32
      %xor3A_3174 = vector.broadcast %xor3A_3173 : i32 to vector<16xi32>
      %xor3A_3175 = arith.xori %iota3A_3130, %xor3A_3174 : vector<16xi32>
      %lt3A_3176 = arith.constant 0 : i32
      %lt3A_3177 = vector.broadcast %lt3A_3176 : i32 to vector<16xi32>
      %lt3A_3178 = arith.cmpi slt, %xor3A_3175, %lt3A_3177 : vector<16xi32>
      %add3A_3179 = arith.constant 16 : i32
      %add3A_3180 = vector.broadcast %add3A_3179 : i32 to vector<16xi32>
      %add3A_3181 = arith.addi %xor3A_3175, %add3A_3180 : vector<16xi32>
      %select_n3A_3182 = arith.select %lt3A_3178, %add3A_3181, %xor3A_3175 : vector<16xi1>, vector<16xi32>
      %broadcast_in_dim3A_3183 = vector.shape_cast %select_n3A_3182 : vector<16xi32> to vector<16x1xi32>
      %gather3A_3184 = vector.shape_cast %broadcast_in_dim3A_3183 : vector<16x1xi32> to vector<16xi32>
      %gather3A_3185 = tpu.dynamic_gather %add3A_3172[%gather3A_3184] in [0] : vector<16xf32>, vector<16xi32> -> vector<16xf32>
      %add3A_3186 = arith.addf %add3A_3172, %gather3A_3185 : vector<16xf32>
      %gt3A_3187 = arith.cmpf ogt, %add3A_3186, %select_n3A_3126 : vector<16xf32>
      %select_n3A_3188 = arith.select %gt3A_3187, %add3A_3186, %select_n3A_3126 : vector<16xi1>, vector<16xf32>
      %broadcast_in_dim3A_3189 = arith.constant 2 : i32
      %broadcast_in_dim3A_3190 = vector.broadcast %broadcast_in_dim3A_3189 : i32 to vector<16xi32>
      %select_n3A_3191 = arith.select %gt3A_3187, %broadcast_in_dim3A_3190, %select_n3A_3129 : vector<16xi1>, vector<16xi32>
      %iota3A_3192 = tpu.iota {dimensions = array<i32: 0>} : vector<16xi32>
      %xor3A_3193 = arith.constant 8 : i32
      %xor3A_3194 = vector.broadcast %xor3A_3193 : i32 to vector<16xi32>
      %xor3A_3195 = arith.xori %iota3A_3192, %xor3A_3194 : vector<16xi32>
      %lt3A_3196 = arith.constant 0 : i32
      %lt3A_3197 = vector.broadcast %lt3A_3196 : i32 to vector<16xi32>
      %lt3A_3198 = arith.cmpi slt, %xor3A_3195, %lt3A_3197 : vector<16xi32>
      %add3A_3199 = arith.constant 16 : i32
      %add3A_3200 = vector.broadcast %add3A_3199 : i32 to vector<16xi32>
      %add3A_3201 = arith.addi %xor3A_3195, %add3A_3200 : vector<16xi32>
      %select_n3A_3202 = arith.select %lt3A_3198, %add3A_3201, %xor3A_3195 : vector<16xi1>, vector<16xi32>
      %broadcast_in_dim3A_3203 = vector.shape_cast %select_n3A_3202 : vector<16xi32> to vector<16x1xi32>
      %gather3A_3204 = vector.shape_cast %broadcast_in_dim3A_3203 : vector<16x1xi32> to vector<16xi32>
      %gather3A_3205 = tpu.dynamic_gather %add3A_2975[%gather3A_3204] in [0] : vector<16xf32>, vector<16xi32> -> vector<16xf32>
      %add3A_3206 = arith.addf %add3A_2975, %gather3A_3205 : vector<16xf32>
      %xor3A_3207 = arith.constant 4 : i32
      %xor3A_3208 = vector.broadcast %xor3A_3207 : i32 to vector<16xi32>
      %xor3A_3209 = arith.xori %iota3A_3192, %xor3A_3208 : vector<16xi32>
      %lt3A_3210 = arith.constant 0 : i32
      %lt3A_3211 = vector.broadcast %lt3A_3210 : i32 to vector<16xi32>
      %lt3A_3212 = arith.cmpi slt, %xor3A_3209, %lt3A_3211 : vector<16xi32>
      %add3A_3213 = arith.constant 16 : i32
      %add3A_3214 = vector.broadcast %add3A_3213 : i32 to vector<16xi32>
      %add3A_3215 = arith.addi %xor3A_3209, %add3A_3214 : vector<16xi32>
      %select_n3A_3216 = arith.select %lt3A_3212, %add3A_3215, %xor3A_3209 : vector<16xi1>, vector<16xi32>
      %broadcast_in_dim3A_3217 = vector.shape_cast %select_n3A_3216 : vector<16xi32> to vector<16x1xi32>
      %gather3A_3218 = vector.shape_cast %broadcast_in_dim3A_3217 : vector<16x1xi32> to vector<16xi32>
      %gather3A_3219 = tpu.dynamic_gather %add3A_3206[%gather3A_3218] in [0] : vector<16xf32>, vector<16xi32> -> vector<16xf32>
      %add3A_3220 = arith.addf %add3A_3206, %gather3A_3219 : vector<16xf32>
      %xor3A_3221 = arith.constant 2 : i32
      %xor3A_3222 = vector.broadcast %xor3A_3221 : i32 to vector<16xi32>
      %xor3A_3223 = arith.xori %iota3A_3192, %xor3A_3222 : vector<16xi32>
      %lt3A_3224 = arith.constant 0 : i32
      %lt3A_3225 = vector.broadcast %lt3A_3224 : i32 to vector<16xi32>
      %lt3A_3226 = arith.cmpi slt, %xor3A_3223, %lt3A_3225 : vector<16xi32>
      %add3A_3227 = arith.constant 16 : i32
      %add3A_3228 = vector.broadcast %add3A_3227 : i32 to vector<16xi32>
      %add3A_3229 = arith.addi %xor3A_3223, %add3A_3228 : vector<16xi32>
      %select_n3A_3230 = arith.select %lt3A_3226, %add3A_3229, %xor3A_3223 : vector<16xi1>, vector<16xi32>
      %broadcast_in_dim3A_3231 = vector.shape_cast %select_n3A_3230 : vector<16xi32> to vector<16x1xi32>
      %gather3A_3232 = vector.shape_cast %broadcast_in_dim3A_3231 : vector<16x1xi32> to vector<16xi32>
      %gather3A_3233 = tpu.dynamic_gather %add3A_3220[%gather3A_3232] in [0] : vector<16xf32>, vector<16xi32> -> vector<16xf32>
      %add3A_3234 = arith.addf %add3A_3220, %gather3A_3233 : vector<16xf32>
      %xor3A_3235 = arith.constant 1 : i32
      %xor3A_3236 = vector.broadcast %xor3A_3235 : i32 to vector<16xi32>
      %xor3A_3237 = arith.xori %iota3A_3192, %xor3A_3236 : vector<16xi32>
      %lt3A_3238 = arith.constant 0 : i32
      %lt3A_3239 = vector.broadcast %lt3A_3238 : i32 to vector<16xi32>
      %lt3A_3240 = arith.cmpi slt, %xor3A_3237, %lt3A_3239 : vector<16xi32>
      %add3A_3241 = arith.constant 16 : i32
      %add3A_3242 = vector.broadcast %add3A_3241 : i32 to vector<16xi32>
      %add3A_3243 = arith.addi %xor3A_3237, %add3A_3242 : vector<16xi32>
      %select_n3A_3244 = arith.select %lt3A_3240, %add3A_3243, %xor3A_3237 : vector<16xi1>, vector<16xi32>
      %broadcast_in_dim3A_3245 = vector.shape_cast %select_n3A_3244 : vector<16xi32> to vector<16x1xi32>
      %gather3A_3246 = vector.shape_cast %broadcast_in_dim3A_3245 : vector<16x1xi32> to vector<16xi32>
      %gather3A_3247 = tpu.dynamic_gather %add3A_3234[%gather3A_3246] in [0] : vector<16xf32>, vector<16xi32> -> vector<16xf32>
      %add3A_3248 = arith.addf %add3A_3234, %gather3A_3247 : vector<16xf32>
      %gt3A_3249 = arith.cmpf ogt, %add3A_3248, %select_n3A_3188 : vector<16xf32>
      %select_n3A_3250 = arith.select %gt3A_3249, %add3A_3248, %select_n3A_3188 : vector<16xi1>, vector<16xf32>
      %broadcast_in_dim3A_3251 = arith.constant 3 : i32
      %broadcast_in_dim3A_3252 = vector.broadcast %broadcast_in_dim3A_3251 : i32 to vector<16xi32>
      %select_n3A_3253 = arith.select %gt3A_3249, %broadcast_in_dim3A_3252, %select_n3A_3191 : vector<16xi1>, vector<16xi32>
      %iota3A_3254 = tpu.iota {dimensions = array<i32: 0>} : vector<16xi32>
      %xor3A_3255 = arith.constant 8 : i32
      %xor3A_3256 = vector.broadcast %xor3A_3255 : i32 to vector<16xi32>
      %xor3A_3257 = arith.xori %iota3A_3254, %xor3A_3256 : vector<16xi32>
      %lt3A_3258 = arith.constant 0 : i32
      %lt3A_3259 = vector.broadcast %lt3A_3258 : i32 to vector<16xi32>
      %lt3A_3260 = arith.cmpi slt, %xor3A_3257, %lt3A_3259 : vector<16xi32>
      %add3A_3261 = arith.constant 16 : i32
      %add3A_3262 = vector.broadcast %add3A_3261 : i32 to vector<16xi32>
      %add3A_3263 = arith.addi %xor3A_3257, %add3A_3262 : vector<16xi32>
      %select_n3A_3264 = arith.select %lt3A_3260, %add3A_3263, %xor3A_3257 : vector<16xi1>, vector<16xi32>
      %broadcast_in_dim3A_3265 = vector.shape_cast %select_n3A_3264 : vector<16xi32> to vector<16x1xi32>
      %gather3A_3266 = vector.shape_cast %broadcast_in_dim3A_3265 : vector<16x1xi32> to vector<16xi32>
      %gather3A_3267 = tpu.dynamic_gather %add3A_2980[%gather3A_3266] in [0] : vector<16xf32>, vector<16xi32> -> vector<16xf32>
      %add3A_3268 = arith.addf %add3A_2980, %gather3A_3267 : vector<16xf32>
      %xor3A_3269 = arith.constant 4 : i32
      %xor3A_3270 = vector.broadcast %xor3A_3269 : i32 to vector<16xi32>
      %xor3A_3271 = arith.xori %iota3A_3254, %xor3A_3270 : vector<16xi32>
      %lt3A_3272 = arith.constant 0 : i32
      %lt3A_3273 = vector.broadcast %lt3A_3272 : i32 to vector<16xi32>
      %lt3A_3274 = arith.cmpi slt, %xor3A_3271, %lt3A_3273 : vector<16xi32>
      %add3A_3275 = arith.constant 16 : i32
      %add3A_3276 = vector.broadcast %add3A_3275 : i32 to vector<16xi32>
      %add3A_3277 = arith.addi %xor3A_3271, %add3A_3276 : vector<16xi32>
      %select_n3A_3278 = arith.select %lt3A_3274, %add3A_3277, %xor3A_3271 : vector<16xi1>, vector<16xi32>
      %broadcast_in_dim3A_3279 = vector.shape_cast %select_n3A_3278 : vector<16xi32> to vector<16x1xi32>
      %gather3A_3280 = vector.shape_cast %broadcast_in_dim3A_3279 : vector<16x1xi32> to vector<16xi32>
      %gather3A_3281 = tpu.dynamic_gather %add3A_3268[%gather3A_3280] in [0] : vector<16xf32>, vector<16xi32> -> vector<16xf32>
      %add3A_3282 = arith.addf %add3A_3268, %gather3A_3281 : vector<16xf32>
      %xor3A_3283 = arith.constant 2 : i32
      %xor3A_3284 = vector.broadcast %xor3A_3283 : i32 to vector<16xi32>
      %xor3A_3285 = arith.xori %iota3A_3254, %xor3A_3284 : vector<16xi32>
      %lt3A_3286 = arith.constant 0 : i32
      %lt3A_3287 = vector.broadcast %lt3A_3286 : i32 to vector<16xi32>
      %lt3A_3288 = arith.cmpi slt, %xor3A_3285, %lt3A_3287 : vector<16xi32>
      %add3A_3289 = arith.constant 16 : i32
      %add3A_3290 = vector.broadcast %add3A_3289 : i32 to vector<16xi32>
      %add3A_3291 = arith.addi %xor3A_3285, %add3A_3290 : vector<16xi32>
      %select_n3A_3292 = arith.select %lt3A_3288, %add3A_3291, %xor3A_3285 : vector<16xi1>, vector<16xi32>
      %broadcast_in_dim3A_3293 = vector.shape_cast %select_n3A_3292 : vector<16xi32> to vector<16x1xi32>
      %gather3A_3294 = vector.shape_cast %broadcast_in_dim3A_3293 : vector<16x1xi32> to vector<16xi32>
      %gather3A_3295 = tpu.dynamic_gather %add3A_3282[%gather3A_3294] in [0] : vector<16xf32>, vector<16xi32> -> vector<16xf32>
      %add3A_3296 = arith.addf %add3A_3282, %gather3A_3295 : vector<16xf32>
      %xor3A_3297 = arith.constant 1 : i32
      %xor3A_3298 = vector.broadcast %xor3A_3297 : i32 to vector<16xi32>
      %xor3A_3299 = arith.xori %iota3A_3254, %xor3A_3298 : vector<16xi32>
      %lt3A_3300 = arith.constant 0 : i32
      %lt3A_3301 = vector.broadcast %lt3A_3300 : i32 to vector<16xi32>
      %lt3A_3302 = arith.cmpi slt, %xor3A_3299, %lt3A_3301 : vector<16xi32>
      %add3A_3303 = arith.constant 16 : i32
      %add3A_3304 = vector.broadcast %add3A_3303 : i32 to vector<16xi32>
      %add3A_3305 = arith.addi %xor3A_3299, %add3A_3304 : vector<16xi32>
      %select_n3A_3306 = arith.select %lt3A_3302, %add3A_3305, %xor3A_3299 : vector<16xi1>, vector<16xi32>
      %broadcast_in_dim3A_3307 = vector.shape_cast %select_n3A_3306 : vector<16xi32> to vector<16x1xi32>
      %gather3A_3308 = vector.shape_cast %broadcast_in_dim3A_3307 : vector<16x1xi32> to vector<16xi32>
      %gather3A_3309 = tpu.dynamic_gather %add3A_3296[%gather3A_3308] in [0] : vector<16xf32>, vector<16xi32> -> vector<16xf32>
      %add3A_3310 = arith.addf %add3A_3296, %gather3A_3309 : vector<16xf32>
      %gt3A_3311 = arith.cmpf ogt, %add3A_3310, %select_n3A_3250 : vector<16xf32>
      %select_n3A_3312 = arith.select %gt3A_3311, %add3A_3310, %select_n3A_3250 : vector<16xi1>, vector<16xf32>
      %broadcast_in_dim3A_3313 = arith.constant 4 : i32
      %broadcast_in_dim3A_3314 = vector.broadcast %broadcast_in_dim3A_3313 : i32 to vector<16xi32>
      %select_n3A_3315 = arith.select %gt3A_3311, %broadcast_in_dim3A_3314, %select_n3A_3253 : vector<16xi1>, vector<16xi32>
      %iota3A_3316 = tpu.iota {dimensions = array<i32: 0>} : vector<16xi32>
      %xor3A_3317 = arith.constant 8 : i32
      %xor3A_3318 = vector.broadcast %xor3A_3317 : i32 to vector<16xi32>
      %xor3A_3319 = arith.xori %iota3A_3316, %xor3A_3318 : vector<16xi32>
      %lt3A_3320 = arith.constant 0 : i32
      %lt3A_3321 = vector.broadcast %lt3A_3320 : i32 to vector<16xi32>
      %lt3A_3322 = arith.cmpi slt, %xor3A_3319, %lt3A_3321 : vector<16xi32>
      %add3A_3323 = arith.constant 16 : i32
      %add3A_3324 = vector.broadcast %add3A_3323 : i32 to vector<16xi32>
      %add3A_3325 = arith.addi %xor3A_3319, %add3A_3324 : vector<16xi32>
      %select_n3A_3326 = arith.select %lt3A_3322, %add3A_3325, %xor3A_3319 : vector<16xi1>, vector<16xi32>
      %broadcast_in_dim3A_3327 = vector.shape_cast %select_n3A_3326 : vector<16xi32> to vector<16x1xi32>
      %gather3A_3328 = vector.shape_cast %broadcast_in_dim3A_3327 : vector<16x1xi32> to vector<16xi32>
      %gather3A_3329 = tpu.dynamic_gather %add3A_2985[%gather3A_3328] in [0] : vector<16xf32>, vector<16xi32> -> vector<16xf32>
      %add3A_3330 = arith.addf %add3A_2985, %gather3A_3329 : vector<16xf32>
      %xor3A_3331 = arith.constant 4 : i32
      %xor3A_3332 = vector.broadcast %xor3A_3331 : i32 to vector<16xi32>
      %xor3A_3333 = arith.xori %iota3A_3316, %xor3A_3332 : vector<16xi32>
      %lt3A_3334 = arith.constant 0 : i32
      %lt3A_3335 = vector.broadcast %lt3A_3334 : i32 to vector<16xi32>
      %lt3A_3336 = arith.cmpi slt, %xor3A_3333, %lt3A_3335 : vector<16xi32>
      %add3A_3337 = arith.constant 16 : i32
      %add3A_3338 = vector.broadcast %add3A_3337 : i32 to vector<16xi32>
      %add3A_3339 = arith.addi %xor3A_3333, %add3A_3338 : vector<16xi32>
      %select_n3A_3340 = arith.select %lt3A_3336, %add3A_3339, %xor3A_3333 : vector<16xi1>, vector<16xi32>
      %broadcast_in_dim3A_3341 = vector.shape_cast %select_n3A_3340 : vector<16xi32> to vector<16x1xi32>
      %gather3A_3342 = vector.shape_cast %broadcast_in_dim3A_3341 : vector<16x1xi32> to vector<16xi32>
      %gather3A_3343 = tpu.dynamic_gather %add3A_3330[%gather3A_3342] in [0] : vector<16xf32>, vector<16xi32> -> vector<16xf32>
      %add3A_3344 = arith.addf %add3A_3330, %gather3A_3343 : vector<16xf32>
      %xor3A_3345 = arith.constant 2 : i32
      %xor3A_3346 = vector.broadcast %xor3A_3345 : i32 to vector<16xi32>
      %xor3A_3347 = arith.xori %iota3A_3316, %xor3A_3346 : vector<16xi32>
      %lt3A_3348 = arith.constant 0 : i32
      %lt3A_3349 = vector.broadcast %lt3A_3348 : i32 to vector<16xi32>
      %lt3A_3350 = arith.cmpi slt, %xor3A_3347, %lt3A_3349 : vector<16xi32>
      %add3A_3351 = arith.constant 16 : i32
      %add3A_3352 = vector.broadcast %add3A_3351 : i32 to vector<16xi32>
      %add3A_3353 = arith.addi %xor3A_3347, %add3A_3352 : vector<16xi32>
      %select_n3A_3354 = arith.select %lt3A_3350, %add3A_3353, %xor3A_3347 : vector<16xi1>, vector<16xi32>
      %broadcast_in_dim3A_3355 = vector.shape_cast %select_n3A_3354 : vector<16xi32> to vector<16x1xi32>
      %gather3A_3356 = vector.shape_cast %broadcast_in_dim3A_3355 : vector<16x1xi32> to vector<16xi32>
      %gather3A_3357 = tpu.dynamic_gather %add3A_3344[%gather3A_3356] in [0] : vector<16xf32>, vector<16xi32> -> vector<16xf32>
      %add3A_3358 = arith.addf %add3A_3344, %gather3A_3357 : vector<16xf32>
      %xor3A_3359 = arith.constant 1 : i32
      %xor3A_3360 = vector.broadcast %xor3A_3359 : i32 to vector<16xi32>
      %xor3A_3361 = arith.xori %iota3A_3316, %xor3A_3360 : vector<16xi32>
      %lt3A_3362 = arith.constant 0 : i32
      %lt3A_3363 = vector.broadcast %lt3A_3362 : i32 to vector<16xi32>
      %lt3A_3364 = arith.cmpi slt, %xor3A_3361, %lt3A_3363 : vector<16xi32>
      %add3A_3365 = arith.constant 16 : i32
      %add3A_3366 = vector.broadcast %add3A_3365 : i32 to vector<16xi32>
      %add3A_3367 = arith.addi %xor3A_3361, %add3A_3366 : vector<16xi32>
      %select_n3A_3368 = arith.select %lt3A_3364, %add3A_3367, %xor3A_3361 : vector<16xi1>, vector<16xi32>
      %broadcast_in_dim3A_3369 = vector.shape_cast %select_n3A_3368 : vector<16xi32> to vector<16x1xi32>
      %gather3A_3370 = vector.shape_cast %broadcast_in_dim3A_3369 : vector<16x1xi32> to vector<16xi32>
      %gather3A_3371 = tpu.dynamic_gather %add3A_3358[%gather3A_3370] in [0] : vector<16xf32>, vector<16xi32> -> vector<16xf32>
      %add3A_3372 = arith.addf %add3A_3358, %gather3A_3371 : vector<16xf32>
      %gt3A_3373 = arith.cmpf ogt, %add3A_3372, %select_n3A_3312 : vector<16xf32>
      %select_n3A_3374 = arith.select %gt3A_3373, %add3A_3372, %select_n3A_3312 : vector<16xi1>, vector<16xf32>
      %broadcast_in_dim3A_3375 = arith.constant 5 : i32
      %broadcast_in_dim3A_3376 = vector.broadcast %broadcast_in_dim3A_3375 : i32 to vector<16xi32>
      %select_n3A_3377 = arith.select %gt3A_3373, %broadcast_in_dim3A_3376, %select_n3A_3315 : vector<16xi1>, vector<16xi32>
      %iota3A_3378 = tpu.iota {dimensions = array<i32: 0>} : vector<16xi32>
      %xor3A_3379 = arith.constant 8 : i32
      %xor3A_3380 = vector.broadcast %xor3A_3379 : i32 to vector<16xi32>
      %xor3A_3381 = arith.xori %iota3A_3378, %xor3A_3380 : vector<16xi32>
      %lt3A_3382 = arith.constant 0 : i32
      %lt3A_3383 = vector.broadcast %lt3A_3382 : i32 to vector<16xi32>
      %lt3A_3384 = arith.cmpi slt, %xor3A_3381, %lt3A_3383 : vector<16xi32>
      %add3A_3385 = arith.constant 16 : i32
      %add3A_3386 = vector.broadcast %add3A_3385 : i32 to vector<16xi32>
      %add3A_3387 = arith.addi %xor3A_3381, %add3A_3386 : vector<16xi32>
      %select_n3A_3388 = arith.select %lt3A_3384, %add3A_3387, %xor3A_3381 : vector<16xi1>, vector<16xi32>
      %broadcast_in_dim3A_3389 = vector.shape_cast %select_n3A_3388 : vector<16xi32> to vector<16x1xi32>
      %gather3A_3390 = vector.shape_cast %broadcast_in_dim3A_3389 : vector<16x1xi32> to vector<16xi32>
      %gather3A_3391 = tpu.dynamic_gather %add3A_2990[%gather3A_3390] in [0] : vector<16xf32>, vector<16xi32> -> vector<16xf32>
      %add3A_3392 = arith.addf %add3A_2990, %gather3A_3391 : vector<16xf32>
      %xor3A_3393 = arith.constant 4 : i32
      %xor3A_3394 = vector.broadcast %xor3A_3393 : i32 to vector<16xi32>
      %xor3A_3395 = arith.xori %iota3A_3378, %xor3A_3394 : vector<16xi32>
      %lt3A_3396 = arith.constant 0 : i32
      %lt3A_3397 = vector.broadcast %lt3A_3396 : i32 to vector<16xi32>
      %lt3A_3398 = arith.cmpi slt, %xor3A_3395, %lt3A_3397 : vector<16xi32>
      %add3A_3399 = arith.constant 16 : i32
      %add3A_3400 = vector.broadcast %add3A_3399 : i32 to vector<16xi32>
      %add3A_3401 = arith.addi %xor3A_3395, %add3A_3400 : vector<16xi32>
      %select_n3A_3402 = arith.select %lt3A_3398, %add3A_3401, %xor3A_3395 : vector<16xi1>, vector<16xi32>
      %broadcast_in_dim3A_3403 = vector.shape_cast %select_n3A_3402 : vector<16xi32> to vector<16x1xi32>
      %gather3A_3404 = vector.shape_cast %broadcast_in_dim3A_3403 : vector<16x1xi32> to vector<16xi32>
      %gather3A_3405 = tpu.dynamic_gather %add3A_3392[%gather3A_3404] in [0] : vector<16xf32>, vector<16xi32> -> vector<16xf32>
      %add3A_3406 = arith.addf %add3A_3392, %gather3A_3405 : vector<16xf32>
      %xor3A_3407 = arith.constant 2 : i32
      %xor3A_3408 = vector.broadcast %xor3A_3407 : i32 to vector<16xi32>
      %xor3A_3409 = arith.xori %iota3A_3378, %xor3A_3408 : vector<16xi32>
      %lt3A_3410 = arith.constant 0 : i32
      %lt3A_3411 = vector.broadcast %lt3A_3410 : i32 to vector<16xi32>
      %lt3A_3412 = arith.cmpi slt, %xor3A_3409, %lt3A_3411 : vector<16xi32>
      %add3A_3413 = arith.constant 16 : i32
      %add3A_3414 = vector.broadcast %add3A_3413 : i32 to vector<16xi32>
      %add3A_3415 = arith.addi %xor3A_3409, %add3A_3414 : vector<16xi32>
      %select_n3A_3416 = arith.select %lt3A_3412, %add3A_3415, %xor3A_3409 : vector<16xi1>, vector<16xi32>
      %broadcast_in_dim3A_3417 = vector.shape_cast %select_n3A_3416 : vector<16xi32> to vector<16x1xi32>
      %gather3A_3418 = vector.shape_cast %broadcast_in_dim3A_3417 : vector<16x1xi32> to vector<16xi32>
      %gather3A_3419 = tpu.dynamic_gather %add3A_3406[%gather3A_3418] in [0] : vector<16xf32>, vector<16xi32> -> vector<16xf32>
      %add3A_3420 = arith.addf %add3A_3406, %gather3A_3419 : vector<16xf32>
      %xor3A_3421 = arith.constant 1 : i32
      %xor3A_3422 = vector.broadcast %xor3A_3421 : i32 to vector<16xi32>
      %xor3A_3423 = arith.xori %iota3A_3378, %xor3A_3422 : vector<16xi32>
      %lt3A_3424 = arith.constant 0 : i32
      %lt3A_3425 = vector.broadcast %lt3A_3424 : i32 to vector<16xi32>
      %lt3A_3426 = arith.cmpi slt, %xor3A_3423, %lt3A_3425 : vector<16xi32>
      %add3A_3427 = arith.constant 16 : i32
      %add3A_3428 = vector.broadcast %add3A_3427 : i32 to vector<16xi32>
      %add3A_3429 = arith.addi %xor3A_3423, %add3A_3428 : vector<16xi32>
      %select_n3A_3430 = arith.select %lt3A_3426, %add3A_3429, %xor3A_3423 : vector<16xi1>, vector<16xi32>
      %broadcast_in_dim3A_3431 = vector.shape_cast %select_n3A_3430 : vector<16xi32> to vector<16x1xi32>
      %gather3A_3432 = vector.shape_cast %broadcast_in_dim3A_3431 : vector<16x1xi32> to vector<16xi32>
      %gather3A_3433 = tpu.dynamic_gather %add3A_3420[%gather3A_3432] in [0] : vector<16xf32>, vector<16xi32> -> vector<16xf32>
      %add3A_3434 = arith.addf %add3A_3420, %gather3A_3433 : vector<16xf32>
      %gt3A_3435 = arith.cmpf ogt, %add3A_3434, %select_n3A_3374 : vector<16xf32>
      %select_n3A_3436 = arith.select %gt3A_3435, %add3A_3434, %select_n3A_3374 : vector<16xi1>, vector<16xf32>
      %broadcast_in_dim3A_3437 = arith.constant 6 : i32
      %broadcast_in_dim3A_3438 = vector.broadcast %broadcast_in_dim3A_3437 : i32 to vector<16xi32>
      %select_n3A_3439 = arith.select %gt3A_3435, %broadcast_in_dim3A_3438, %select_n3A_3377 : vector<16xi1>, vector<16xi32>
      %iota3A_3440 = tpu.iota {dimensions = array<i32: 0>} : vector<16xi32>
      %xor3A_3441 = arith.constant 8 : i32
      %xor3A_3442 = vector.broadcast %xor3A_3441 : i32 to vector<16xi32>
      %xor3A_3443 = arith.xori %iota3A_3440, %xor3A_3442 : vector<16xi32>
      %lt3A_3444 = arith.constant 0 : i32
      %lt3A_3445 = vector.broadcast %lt3A_3444 : i32 to vector<16xi32>
      %lt3A_3446 = arith.cmpi slt, %xor3A_3443, %lt3A_3445 : vector<16xi32>
      %add3A_3447 = arith.constant 16 : i32
      %add3A_3448 = vector.broadcast %add3A_3447 : i32 to vector<16xi32>
      %add3A_3449 = arith.addi %xor3A_3443, %add3A_3448 : vector<16xi32>
      %select_n3A_3450 = arith.select %lt3A_3446, %add3A_3449, %xor3A_3443 : vector<16xi1>, vector<16xi32>
      %broadcast_in_dim3A_3451 = vector.shape_cast %select_n3A_3450 : vector<16xi32> to vector<16x1xi32>
      %gather3A_3452 = vector.shape_cast %broadcast_in_dim3A_3451 : vector<16x1xi32> to vector<16xi32>
      %gather3A_3453 = tpu.dynamic_gather %add3A_2995[%gather3A_3452] in [0] : vector<16xf32>, vector<16xi32> -> vector<16xf32>
      %add3A_3454 = arith.addf %add3A_2995, %gather3A_3453 : vector<16xf32>
      %xor3A_3455 = arith.constant 4 : i32
      %xor3A_3456 = vector.broadcast %xor3A_3455 : i32 to vector<16xi32>
      %xor3A_3457 = arith.xori %iota3A_3440, %xor3A_3456 : vector<16xi32>
      %lt3A_3458 = arith.constant 0 : i32
      %lt3A_3459 = vector.broadcast %lt3A_3458 : i32 to vector<16xi32>
      %lt3A_3460 = arith.cmpi slt, %xor3A_3457, %lt3A_3459 : vector<16xi32>
      %add3A_3461 = arith.constant 16 : i32
      %add3A_3462 = vector.broadcast %add3A_3461 : i32 to vector<16xi32>
      %add3A_3463 = arith.addi %xor3A_3457, %add3A_3462 : vector<16xi32>
      %select_n3A_3464 = arith.select %lt3A_3460, %add3A_3463, %xor3A_3457 : vector<16xi1>, vector<16xi32>
      %broadcast_in_dim3A_3465 = vector.shape_cast %select_n3A_3464 : vector<16xi32> to vector<16x1xi32>
      %gather3A_3466 = vector.shape_cast %broadcast_in_dim3A_3465 : vector<16x1xi32> to vector<16xi32>
      %gather3A_3467 = tpu.dynamic_gather %add3A_3454[%gather3A_3466] in [0] : vector<16xf32>, vector<16xi32> -> vector<16xf32>
      %add3A_3468 = arith.addf %add3A_3454, %gather3A_3467 : vector<16xf32>
      %xor3A_3469 = arith.constant 2 : i32
      %xor3A_3470 = vector.broadcast %xor3A_3469 : i32 to vector<16xi32>
      %xor3A_3471 = arith.xori %iota3A_3440, %xor3A_3470 : vector<16xi32>
      %lt3A_3472 = arith.constant 0 : i32
      %lt3A_3473 = vector.broadcast %lt3A_3472 : i32 to vector<16xi32>
      %lt3A_3474 = arith.cmpi slt, %xor3A_3471, %lt3A_3473 : vector<16xi32>
      %add3A_3475 = arith.constant 16 : i32
      %add3A_3476 = vector.broadcast %add3A_3475 : i32 to vector<16xi32>
      %add3A_3477 = arith.addi %xor3A_3471, %add3A_3476 : vector<16xi32>
      %select_n3A_3478 = arith.select %lt3A_3474, %add3A_3477, %xor3A_3471 : vector<16xi1>, vector<16xi32>
      %broadcast_in_dim3A_3479 = vector.shape_cast %select_n3A_3478 : vector<16xi32> to vector<16x1xi32>
      %gather3A_3480 = vector.shape_cast %broadcast_in_dim3A_3479 : vector<16x1xi32> to vector<16xi32>
      %gather3A_3481 = tpu.dynamic_gather %add3A_3468[%gather3A_3480] in [0] : vector<16xf32>, vector<16xi32> -> vector<16xf32>
      %add3A_3482 = arith.addf %add3A_3468, %gather3A_3481 : vector<16xf32>
      %xor3A_3483 = arith.constant 1 : i32
      %xor3A_3484 = vector.broadcast %xor3A_3483 : i32 to vector<16xi32>
      %xor3A_3485 = arith.xori %iota3A_3440, %xor3A_3484 : vector<16xi32>
      %lt3A_3486 = arith.constant 0 : i32
      %lt3A_3487 = vector.broadcast %lt3A_3486 : i32 to vector<16xi32>
      %lt3A_3488 = arith.cmpi slt, %xor3A_3485, %lt3A_3487 : vector<16xi32>
      %add3A_3489 = arith.constant 16 : i32
      %add3A_3490 = vector.broadcast %add3A_3489 : i32 to vector<16xi32>
      %add3A_3491 = arith.addi %xor3A_3485, %add3A_3490 : vector<16xi32>
      %select_n3A_3492 = arith.select %lt3A_3488, %add3A_3491, %xor3A_3485 : vector<16xi1>, vector<16xi32>
      %broadcast_in_dim3A_3493 = vector.shape_cast %select_n3A_3492 : vector<16xi32> to vector<16x1xi32>
      %gather3A_3494 = vector.shape_cast %broadcast_in_dim3A_3493 : vector<16x1xi32> to vector<16xi32>
      %gather3A_3495 = tpu.dynamic_gather %add3A_3482[%gather3A_3494] in [0] : vector<16xf32>, vector<16xi32> -> vector<16xf32>
      %add3A_3496 = arith.addf %add3A_3482, %gather3A_3495 : vector<16xf32>
      %gt3A_3497 = arith.cmpf ogt, %add3A_3496, %select_n3A_3436 : vector<16xf32>
      %select_n3A_3498 = arith.select %gt3A_3497, %add3A_3496, %select_n3A_3436 : vector<16xi1>, vector<16xf32>
      %broadcast_in_dim3A_3499 = arith.constant 7 : i32
      %broadcast_in_dim3A_3500 = vector.broadcast %broadcast_in_dim3A_3499 : i32 to vector<16xi32>
      %select_n3A_3501 = arith.select %gt3A_3497, %broadcast_in_dim3A_3500, %select_n3A_3439 : vector<16xi1>, vector<16xi32>
      %iota3A_3502 = tpu.iota {dimensions = array<i32: 0>} : vector<16xi32>
      %xor3A_3503 = arith.constant 8 : i32
      %xor3A_3504 = vector.broadcast %xor3A_3503 : i32 to vector<16xi32>
      %xor3A_3505 = arith.xori %iota3A_3502, %xor3A_3504 : vector<16xi32>
      %lt3A_3506 = arith.constant 0 : i32
      %lt3A_3507 = vector.broadcast %lt3A_3506 : i32 to vector<16xi32>
      %lt3A_3508 = arith.cmpi slt, %xor3A_3505, %lt3A_3507 : vector<16xi32>
      %add3A_3509 = arith.constant 16 : i32
      %add3A_3510 = vector.broadcast %add3A_3509 : i32 to vector<16xi32>
      %add3A_3511 = arith.addi %xor3A_3505, %add3A_3510 : vector<16xi32>
      %select_n3A_3512 = arith.select %lt3A_3508, %add3A_3511, %xor3A_3505 : vector<16xi1>, vector<16xi32>
      %broadcast_in_dim3A_3513 = vector.shape_cast %select_n3A_3512 : vector<16xi32> to vector<16x1xi32>
      %gather3A_3514 = vector.shape_cast %broadcast_in_dim3A_3513 : vector<16x1xi32> to vector<16xi32>
      %gather3A_3515 = tpu.dynamic_gather %add3A_3000[%gather3A_3514] in [0] : vector<16xf32>, vector<16xi32> -> vector<16xf32>
      %add3A_3516 = arith.addf %add3A_3000, %gather3A_3515 : vector<16xf32>
      %xor3A_3517 = arith.constant 4 : i32
      %xor3A_3518 = vector.broadcast %xor3A_3517 : i32 to vector<16xi32>
      %xor3A_3519 = arith.xori %iota3A_3502, %xor3A_3518 : vector<16xi32>
      %lt3A_3520 = arith.constant 0 : i32
      %lt3A_3521 = vector.broadcast %lt3A_3520 : i32 to vector<16xi32>
      %lt3A_3522 = arith.cmpi slt, %xor3A_3519, %lt3A_3521 : vector<16xi32>
      %add3A_3523 = arith.constant 16 : i32
      %add3A_3524 = vector.broadcast %add3A_3523 : i32 to vector<16xi32>
      %add3A_3525 = arith.addi %xor3A_3519, %add3A_3524 : vector<16xi32>
      %select_n3A_3526 = arith.select %lt3A_3522, %add3A_3525, %xor3A_3519 : vector<16xi1>, vector<16xi32>
      %broadcast_in_dim3A_3527 = vector.shape_cast %select_n3A_3526 : vector<16xi32> to vector<16x1xi32>
      %gather3A_3528 = vector.shape_cast %broadcast_in_dim3A_3527 : vector<16x1xi32> to vector<16xi32>
      %gather3A_3529 = tpu.dynamic_gather %add3A_3516[%gather3A_3528] in [0] : vector<16xf32>, vector<16xi32> -> vector<16xf32>
      %add3A_3530 = arith.addf %add3A_3516, %gather3A_3529 : vector<16xf32>
      %xor3A_3531 = arith.constant 2 : i32
      %xor3A_3532 = vector.broadcast %xor3A_3531 : i32 to vector<16xi32>
      %xor3A_3533 = arith.xori %iota3A_3502, %xor3A_3532 : vector<16xi32>
      %lt3A_3534 = arith.constant 0 : i32
      %lt3A_3535 = vector.broadcast %lt3A_3534 : i32 to vector<16xi32>
      %lt3A_3536 = arith.cmpi slt, %xor3A_3533, %lt3A_3535 : vector<16xi32>
      %add3A_3537 = arith.constant 16 : i32
      %add3A_3538 = vector.broadcast %add3A_3537 : i32 to vector<16xi32>
      %add3A_3539 = arith.addi %xor3A_3533, %add3A_3538 : vector<16xi32>
      %select_n3A_3540 = arith.select %lt3A_3536, %add3A_3539, %xor3A_3533 : vector<16xi1>, vector<16xi32>
      %broadcast_in_dim3A_3541 = vector.shape_cast %select_n3A_3540 : vector<16xi32> to vector<16x1xi32>
      %gather3A_3542 = vector.shape_cast %broadcast_in_dim3A_3541 : vector<16x1xi32> to vector<16xi32>
      %gather3A_3543 = tpu.dynamic_gather %add3A_3530[%gather3A_3542] in [0] : vector<16xf32>, vector<16xi32> -> vector<16xf32>
      %add3A_3544 = arith.addf %add3A_3530, %gather3A_3543 : vector<16xf32>
      %xor3A_3545 = arith.constant 1 : i32
      %xor3A_3546 = vector.broadcast %xor3A_3545 : i32 to vector<16xi32>
      %xor3A_3547 = arith.xori %iota3A_3502, %xor3A_3546 : vector<16xi32>
      %lt3A_3548 = arith.constant 0 : i32
      %lt3A_3549 = vector.broadcast %lt3A_3548 : i32 to vector<16xi32>
      %lt3A_3550 = arith.cmpi slt, %xor3A_3547, %lt3A_3549 : vector<16xi32>
      %add3A_3551 = arith.constant 16 : i32
      %add3A_3552 = vector.broadcast %add3A_3551 : i32 to vector<16xi32>
      %add3A_3553 = arith.addi %xor3A_3547, %add3A_3552 : vector<16xi32>
      %select_n3A_3554 = arith.select %lt3A_3550, %add3A_3553, %xor3A_3547 : vector<16xi1>, vector<16xi32>
      %broadcast_in_dim3A_3555 = vector.shape_cast %select_n3A_3554 : vector<16xi32> to vector<16x1xi32>
      %gather3A_3556 = vector.shape_cast %broadcast_in_dim3A_3555 : vector<16x1xi32> to vector<16xi32>
      %gather3A_3557 = tpu.dynamic_gather %add3A_3544[%gather3A_3556] in [0] : vector<16xf32>, vector<16xi32> -> vector<16xf32>
      %add3A_3558 = arith.addf %add3A_3544, %gather3A_3557 : vector<16xf32>
      %gt3A_3559 = arith.cmpf ogt, %add3A_3558, %select_n3A_3498 : vector<16xf32>
      %select_n3A_3560 = arith.select %gt3A_3559, %add3A_3558, %select_n3A_3498 : vector<16xi1>, vector<16xf32>
      %broadcast_in_dim3A_3561 = arith.constant 8 : i32
      %broadcast_in_dim3A_3562 = vector.broadcast %broadcast_in_dim3A_3561 : i32 to vector<16xi32>
      %select_n3A_3563 = arith.select %gt3A_3559, %broadcast_in_dim3A_3562, %select_n3A_3501 : vector<16xi1>, vector<16xi32>
      %iota3A_3564 = tpu.iota {dimensions = array<i32: 0>} : vector<16xi32>
      %xor3A_3565 = arith.constant 8 : i32
      %xor3A_3566 = vector.broadcast %xor3A_3565 : i32 to vector<16xi32>
      %xor3A_3567 = arith.xori %iota3A_3564, %xor3A_3566 : vector<16xi32>
      %lt3A_3568 = arith.constant 0 : i32
      %lt3A_3569 = vector.broadcast %lt3A_3568 : i32 to vector<16xi32>
      %lt3A_3570 = arith.cmpi slt, %xor3A_3567, %lt3A_3569 : vector<16xi32>
      %add3A_3571 = arith.constant 16 : i32
      %add3A_3572 = vector.broadcast %add3A_3571 : i32 to vector<16xi32>
      %add3A_3573 = arith.addi %xor3A_3567, %add3A_3572 : vector<16xi32>
      %select_n3A_3574 = arith.select %lt3A_3570, %add3A_3573, %xor3A_3567 : vector<16xi1>, vector<16xi32>
      %broadcast_in_dim3A_3575 = vector.shape_cast %select_n3A_3574 : vector<16xi32> to vector<16x1xi32>
      %gather3A_3576 = vector.shape_cast %broadcast_in_dim3A_3575 : vector<16x1xi32> to vector<16xi32>
      %gather3A_3577 = tpu.dynamic_gather %add3A_3005[%gather3A_3576] in [0] : vector<16xf32>, vector<16xi32> -> vector<16xf32>
      %add3A_3578 = arith.addf %add3A_3005, %gather3A_3577 : vector<16xf32>
      %xor3A_3579 = arith.constant 4 : i32
      %xor3A_3580 = vector.broadcast %xor3A_3579 : i32 to vector<16xi32>
      %xor3A_3581 = arith.xori %iota3A_3564, %xor3A_3580 : vector<16xi32>
      %lt3A_3582 = arith.constant 0 : i32
      %lt3A_3583 = vector.broadcast %lt3A_3582 : i32 to vector<16xi32>
      %lt3A_3584 = arith.cmpi slt, %xor3A_3581, %lt3A_3583 : vector<16xi32>
      %add3A_3585 = arith.constant 16 : i32
      %add3A_3586 = vector.broadcast %add3A_3585 : i32 to vector<16xi32>
      %add3A_3587 = arith.addi %xor3A_3581, %add3A_3586 : vector<16xi32>
      %select_n3A_3588 = arith.select %lt3A_3584, %add3A_3587, %xor3A_3581 : vector<16xi1>, vector<16xi32>
      %broadcast_in_dim3A_3589 = vector.shape_cast %select_n3A_3588 : vector<16xi32> to vector<16x1xi32>
      %gather3A_3590 = vector.shape_cast %broadcast_in_dim3A_3589 : vector<16x1xi32> to vector<16xi32>
      %gather3A_3591 = tpu.dynamic_gather %add3A_3578[%gather3A_3590] in [0] : vector<16xf32>, vector<16xi32> -> vector<16xf32>
      %add3A_3592 = arith.addf %add3A_3578, %gather3A_3591 : vector<16xf32>
      %xor3A_3593 = arith.constant 2 : i32
      %xor3A_3594 = vector.broadcast %xor3A_3593 : i32 to vector<16xi32>
      %xor3A_3595 = arith.xori %iota3A_3564, %xor3A_3594 : vector<16xi32>
      %lt3A_3596 = arith.constant 0 : i32
      %lt3A_3597 = vector.broadcast %lt3A_3596 : i32 to vector<16xi32>
      %lt3A_3598 = arith.cmpi slt, %xor3A_3595, %lt3A_3597 : vector<16xi32>
      %add3A_3599 = arith.constant 16 : i32
      %add3A_3600 = vector.broadcast %add3A_3599 : i32 to vector<16xi32>
      %add3A_3601 = arith.addi %xor3A_3595, %add3A_3600 : vector<16xi32>
      %select_n3A_3602 = arith.select %lt3A_3598, %add3A_3601, %xor3A_3595 : vector<16xi1>, vector<16xi32>
      %broadcast_in_dim3A_3603 = vector.shape_cast %select_n3A_3602 : vector<16xi32> to vector<16x1xi32>
      %gather3A_3604 = vector.shape_cast %broadcast_in_dim3A_3603 : vector<16x1xi32> to vector<16xi32>
      %gather3A_3605 = tpu.dynamic_gather %add3A_3592[%gather3A_3604] in [0] : vector<16xf32>, vector<16xi32> -> vector<16xf32>
      %add3A_3606 = arith.addf %add3A_3592, %gather3A_3605 : vector<16xf32>
      %xor3A_3607 = arith.constant 1 : i32
      %xor3A_3608 = vector.broadcast %xor3A_3607 : i32 to vector<16xi32>
      %xor3A_3609 = arith.xori %iota3A_3564, %xor3A_3608 : vector<16xi32>
      %lt3A_3610 = arith.constant 0 : i32
      %lt3A_3611 = vector.broadcast %lt3A_3610 : i32 to vector<16xi32>
      %lt3A_3612 = arith.cmpi slt, %xor3A_3609, %lt3A_3611 : vector<16xi32>
      %add3A_3613 = arith.constant 16 : i32
      %add3A_3614 = vector.broadcast %add3A_3613 : i32 to vector<16xi32>
      %add3A_3615 = arith.addi %xor3A_3609, %add3A_3614 : vector<16xi32>
      %select_n3A_3616 = arith.select %lt3A_3612, %add3A_3615, %xor3A_3609 : vector<16xi1>, vector<16xi32>
      %broadcast_in_dim3A_3617 = vector.shape_cast %select_n3A_3616 : vector<16xi32> to vector<16x1xi32>
      %gather3A_3618 = vector.shape_cast %broadcast_in_dim3A_3617 : vector<16x1xi32> to vector<16xi32>
      %gather3A_3619 = tpu.dynamic_gather %add3A_3606[%gather3A_3618] in [0] : vector<16xf32>, vector<16xi32> -> vector<16xf32>
      %add3A_3620 = arith.addf %add3A_3606, %gather3A_3619 : vector<16xf32>
      %gt3A_3621 = arith.cmpf ogt, %add3A_3620, %select_n3A_3560 : vector<16xf32>
      %select_n3A_3622 = arith.select %gt3A_3621, %add3A_3620, %select_n3A_3560 : vector<16xi1>, vector<16xf32>
      %broadcast_in_dim3A_3623 = arith.constant 9 : i32
      %broadcast_in_dim3A_3624 = vector.broadcast %broadcast_in_dim3A_3623 : i32 to vector<16xi32>
      %select_n3A_3625 = arith.select %gt3A_3621, %broadcast_in_dim3A_3624, %select_n3A_3563 : vector<16xi1>, vector<16xi32>
      %swap3A = arith.constant 0 : index
      %swap3A_3626 = tpu.vector_load %arg7[%swap3A] {strides = array<i32>} : memref<16xi32, #tpu.memory_space<vmem>>, vector<16xi32>,
      %swap3A_3627 = vector.shape_cast %swap3A_3626 : vector<16xi32> to vector<16xi32>
      %swap3A_3628 = vector.shape_cast %select_n3A_3625 : vector<16xi32> to vector<16xi32>
      tpu.vector_store %arg7[%swap3A], %swap3A_3628 {strides = array<i32>} : memref<16xi32, #tpu.memory_space<vmem>>, vector<16xi32>,
      "tpu.region"() ({
        %run_scoped3A = tpu.sem_alloc : memref<!tpu.dma_semaphore, #tpu.memory_space<semaphore_mem>>
        tpu.enqueue_dma source(%arg7 : memref<16xi32, #tpu.memory_space<vmem>>) target(%arg4 : memref<16xi32, #tpu.memory_space<hbm>>) target_semaphore(%run_scoped3A : memref<!tpu.dma_semaphore, #tpu.memory_space<semaphore_mem>>)
        tpu.wait_dma2 semaphore(%run_scoped3A : memref<!tpu.dma_semaphore, #tpu.memory_space<semaphore_mem>>) src(%arg7 : memref<16xi32, #tpu.memory_space<vmem>>) dst(%arg4 : memref<16xi32, #tpu.memory_space<hbm>>)
        tpu.yield
      }) : () -> ()
    } else {
    }
    return
  }
}

</mosaic_0001>

<sc_bundles>
// kernel: kernel.3.cloned.1.call-start
scs
__scs_entry_jumppad:
0x0: {  	(pc) =	sbr.rel $0x88, $3  }
0x1: {  	(tag) =	ssettag $0x0;
	lr =	simm.s32 $0x1  }
0x2: {  	[smem:$0x3F9F] =	sst lr;
	_ =	strace $0xD0000000  }
0x3: {  	_ = 	snop  }
0x4: {  	_ = 	snop  }
0x5: {  	_ = 	snop  }
0x6: {  	_ = 	snop  }
0x7: {  	_ = 	snop  }
__scs_overlays_trampoline_lowered:
0x8: {  	[smem:$0x3FAE] =	sst s0  }
0x9: {  	[smem:$0x3FAF] =	sst s1  }
0xa: {  	[smem:$0x3FB0] =	sst s2  }
0xb: {  	[smem:$0x3FB1] =	sst s3  }
0xc: {  	[smem:$0x3FB2] =	sst s4  }
0xd: {  	[smem:$0x3FB3] =	sst s5  }
0xe: {  	[smem:$0x3FB4] =	sst s6  }
0xf: {  	[smem:$0x3FB5] =	sst s7  }
0x10: {  	[smem:$0x3FB6] =	sst s8  }
0x11: {  	[smem:$0x3FB7] =	sst s9;
	s0 =	simm.s32 @!p0 $0x0  }
0x12: {  	s1 =	sld [smem:$0x3F9D];
	s0 =	simm.s32 @p0 $0x1  }
0x13: {  	[smem:$0x3FB8] =	sst s0;
	s0 =	simm.s32 @!p1 $0x0  }
0x14: {  	s2 =	sld [smem:$0x3F9C];
	s0 =	simm.s32 @p1 $0x1  }
0x15: {  	[smem:$0x3FB9] =	sst s0;
	s0 =	simm.s32 @!p2 $0x0  }
0x16: {  	s3 =	sld [smem:$0x3FDB];
	s0 =	simm.s32 @p2 $0x1  }
0x17: {  	s4 =	simm.s32 $0x1BF5;
	[smem:$0x3FBB] =	sst s0  }
0x18: {  	s0 =	sld [smem:$0x3F9E];
	_ =	swait.ge [sflag:s4], $0x0  }
0x19: {  	s7 =	sld [smem:$0x3F9F]  }
0x1a: {  	s8 =	sadd.s32 $0xFFFFE003, lr  }
0x1b: {  	s9 =	sadd.s32 $0xFFFFFEF7, lr;
	s5 =	simm.s32 $0xFFFFFFFF;
	p2 =	slt.u32 s8, $0xFFFFF086  }
0x1c: {  	p1 =	slt.u32 s9, $0xF7A;
	s5 =	simm.s32 @!p2 $0x0  }
0x1d: {  	s5 =	simm.s32 @p1 $0x1;
	p0 =	seq.s32 s7, s2  }
0x1e: {  	s7 =	smul.u32 @!p0 $0xF7A, s2;
	p2 =	seq.s32 @!p0 s5, $0x0  }
0x1f: {  	s9 =	smul.u32 $0xF7A, s1;
	s8 =	simm.s32 @!p0 $0x1BF5;
	p2 =	por !p2, p0  }
0x20: {  	[sflag:s8] =	ssyncset.s32 @!p0 $0xFFFFF086;
	s6 =	sadd.s32 @!p0 s3, s7;
	s7 =	simm.s32 @!p0 $0x108  }
0x21: {  	s3 =	sadd.s32 s3, s9;
	s6 =	sadd.s32 @!p0 $0x88, s6;
	s7 =	simm.s32 @p2 $0x1082  }
0x22: {  	[simem:s7], [sflag:s8] =	dma.local @!p0 [hbm:s6], $0xF7A  }
0x23: {  	s9 =	sor.u32 $0xD0000000, s2;
	s6 =	simm.s32 $0x108;
	_ =	swait.ge @!p0 [sflag:s8], $0x0  }
0x24: {  	s3 =	sadd.s32 $0x88, s3;
	s6 =	simm.s32 @!p1 $0x1082;
	[sflag:s4] =	ssyncset.s32 $0xFFFFF086  }
0x25: {  	[simem:s6], [sflag:s4] =	dma.local [hbm:s3], $0xF7A  }
0x26: {  	[smem:$0x3F9F] =	sst s1;
	(tag) =	ssettag s2;
	_ =	strace s9  }
0x27: {  	s1 =	sld [smem:$0x3FAF]  }
0x28: {  	s2 =	sld [smem:$0x3FB0]  }
0x29: {  	s4 =	sld [smem:$0x3FB2]  }
0x2a: {  	p0 =	seq.s32 s5, $0x0;
	s5 =	sld [smem:$0x3FB3]  }
0x2b: {  	s6 =	sld [smem:$0x3FB4]  }
0x2c: {  	s7 =	sld [smem:$0x3FB5]  }
0x2d: {  	s3 =	simm.s32 $0x108;
	s8 =	sld [smem:$0x3FB6]  }
0x2e: {  	s3 =	simm.s32 @!p0 $0x1082;
	s9 =	sld [smem:$0x3FB7]  }
0x2f: {  	lr =	sadd.s32 s0, s3;
	s0 =	sld [smem:$0x3FAE]  }
0x30: {  	s3 =	sld [smem:$0x3FB1]  }
0x31: {  	[smem:$0x3FBA] =	sst s10  }
0x32: {  	s10 =	sld [smem:$0x3FB8];
	_ =	sdelay $0x3  }
0x33: {  	p0 =	seq.s32 s10, $0x1;
	s10 =	sld [smem:$0x3FBA];
	_ =	sdelay $0x3  }
0x34: {  	[smem:$0x3FBA] =	sst s10  }
0x35: {  	s10 =	sld [smem:$0x3FB9];
	_ =	sdelay $0x3  }
0x36: {  	p1 =	seq.s32 s10, $0x1;
	s10 =	sld [smem:$0x3FBA];
	_ =	sdelay $0x3  }
0x37: {  	[smem:$0x3FBA] =	sst s10  }
0x38: {  	s10 =	sld [smem:$0x3FBB]  }
0x39: {  	_ = 	snop;
	(pc) =	sbr.ind lr, $3  }
0x3a: {  	_ = 	snop  }
0x3b: {  	_ = 	snop  }
0x3c: {  	p2 =	seq.s32 s10, $0x1;
	s10 =	sld [smem:$0x3FBA]  }
0x3d: {  	_ =	shalt  }
0x3e: {  	_ =	shalt  }
0x3f: {  	_ =	shalt  }
0x40: {  	_ =	shalt  }
0x41: {  	_ =	shalt  }
0x42: {  	_ =	shalt  }
0x43: {  	_ =	shalt  }
0x44: {  	_ =	shalt  }
0x45: {  	_ =	shalt  }
0x46: {  	_ =	shalt  }
0x47: {  	_ =	shalt  }
0x48: {  	_ =	shalt  }
0x49: {  	_ =	shalt  }
0x4a: {  	_ =	shalt  }
0x4b: {  	_ =	shalt  }
0x4c: {  	_ =	shalt  }
0x4d: {  	_ =	shalt  }
0x4e: {  	_ =	shalt  }
0x4f: {  	_ =	shalt  }
0x50: {  	_ =	shalt  }
0x51: {  	_ =	shalt  }
0x52: {  	_ =	shalt  }
0x53: {  	_ =	shalt  }
0x54: {  	_ =	shalt  }
0x55: {  	_ =	shalt  }
0x56: {  	_ =	shalt  }
0x57: {  	_ =	shalt  }
0x58: {  	_ =	shalt  }
0x59: {  	_ =	shalt  }
0x5a: {  	_ =	shalt  }
0x5b: {  	_ =	shalt  }
0x5c: {  	_ =	shalt  }
0x5d: {  	_ =	shalt  }
0x5e: {  	_ =	shalt  }
0x5f: {  	_ =	shalt  }
0x60: {  	_ =	shalt  }
0x61: {  	_ =	shalt  }
0x62: {  	_ =	shalt  }
0x63: {  	_ =	shalt  }
0x64: {  	_ =	shalt  }
0x65: {  	_ =	shalt  }
0x66: {  	_ =	shalt  }
0x67: {  	_ =	shalt  }
0x68: {  	_ =	shalt  }
0x69: {  	_ =	shalt  }
0x6a: {  	_ =	shalt  }
0x6b: {  	_ =	shalt  }
0x6c: {  	_ =	shalt  }
0x6d: {  	_ =	shalt  }
0x6e: {  	_ =	shalt  }
0x6f: {  	_ =	shalt  }
0x70: {  	_ =	shalt  }
0x71: {  	_ =	shalt  }
0x72: {  	_ =	shalt  }
0x73: {  	_ =	shalt  }
0x74: {  	_ =	shalt  }
0x75: {  	_ =	shalt  }
0x76: {  	_ =	shalt  }
0x77: {  	_ =	shalt  }
0x78: {  	_ =	shalt  }
0x79: {  	_ =	shalt  }
0x7a: {  	_ =	shalt  }
0x7b: {  	_ =	shalt  }
0x7c: {  	_ =	shalt  }
0x7d: {  	_ =	shalt  }
0x7e: {  	_ =	shalt  }
0x7f: {  	_ =	shalt  }
0x80: {  	_ =	shalt  }
0x81: {  	_ =	shalt  }
0x82: {  	_ =	shalt  }
0x83: {  	_ =	shalt  }
0x84: {  	_ =	shalt  }
0x85: {  	_ =	shalt  }
0x86: {  	_ =	shalt  }
0x87: {  	_ =	shalt  }
.Lfunc_end0:
.L_simem_size_0:
called_computation_lowered:
.L_overlay_start_0:
0x88: {  	s2 =	sld [smem:$0x3FD9]  }
0x89: {  	s3 =	sld [smem:$0x3FFE];
	_ =	sdelay $0x1  }
0x8a: {  	s1 =	srdreg.scid  }
0x8b: {  	s0 =	sand.u32 $0x1, s1  }
0x8c: {  	s17 =	sshll.u32 s0, $0xA;
	s2 =	sadd.s32 s3, s2  }
0x8d: {  	s2 =	sadd.s32 s2, s17  }
0x8e: {  	[smem:$0x3FC6] =	sst s2  }
0x8f: {  	_ = 	snop  }
0x90: {  	s2 =	sld [smem:$0x3FC9]  }
0x91: {  	s18 =	sld [smem:$0x3FD0];
	(tm) =	ssettm $0x1  }
0x92: {  	s4 =	sld [smem:$0x3FFB];
	_ =	sdelay $0x3  }
0x93: {  	_ =	strace s4  }
0x94: {  	s4 =	sld [smem:$0x3FFC];
	_ =	sdelay $0x3  }
0x95: {  	_ =	strace s4  }
0x96: {  	s4 =	sld [smem:$0x3FFD];
	_ =	sdelay $0x3  }
0x97: {  	_ =	strace s4  }
0x98: {  	_ =	strace $0x8FFFFFFF  }
0x99: {  	s19 =	sld [smem:$0x3FDB];
	_ =	sdelay $0x1  }
0x9a: {  	s5 =	simm.s32 $_scs_section_size  }
0x9b: {  	s6 =	simm.s32 $_size__tile_overlayer_lowered;
	s7 =	simm.s32 $_tile_overlayer_lowered  }
0x9c: {  	s22 =	simm.s32 $0x1BFF;
	s21 =	sshll.u32 s7, $0x1;
	s4 =	sadd.s32 s5, s19  }
0x9d: {  	s8 =	simm.s32 $0x0;
	s20 =	sshll.u32 s6, $0x1;
	s6 =	sadd.s32 s21, s4  }
0x9e: {  	[timem:s8], [sflag:s22] =	dma.local [hbm:s6], s20  }
0x9f: {  	_ =	swait.ge [sflag:s22], s20  }
0xa0: {  	s5 =	ssub.s32 $0x0, s20;
	[sflag:s22] =	ssyncset.done $0x0  }
0xa1: {  	[sflag:s22] =	ssyncadd.s32 s5;
	_ =	sdelay $0x1  }
0xa2: {  	s23 =	simm.s32 $0x1B8B  }
0xa3: {  	_ =	swait.ge [sflag:s23], $0x1  }
0xa4: {  	[sflag:s23] =	ssyncset.done $0x0  }
0xa5: {  	s25 =	simm.s32 $0x1B8E;
	s24 =	sld [smem:$0x3FFE];
	[sflag:s23] =	ssyncadd.s32 $0xFFFFFFFF  }
0xa6: {  	s26 =	simm.s32 $execute0_lowered;
	[smem:$0x3FD2] =	sst s25  }
0xa7: {  	s6 =	sshll.u32 s26, $0x1;
	_ =	strace $0x80000046;
	[dreg:$0x1] =	wrdreg $0xFFFFFFFF  }
0xa8: {  	s28 =	simm.s32 $_size_execute0_lowered;
	s4 =	sadd.s32 s4, s6;
	[dreg:$0x0] =	wrdreg $0x0  }
0xa9: {  	s6 =	sshll.u32 s28, $0x1;
	[dreg:$0x2] =	wrdreg s4  }
0xaa: {  	[dreg:$0x3] =	wrdreg s6  }
0xab: {  	[dreg:$0x4] =	wrdreg $0xC0  }
0xac: {  	_ =	task [dreg:s8], $0x5FFFF  }
0xad: {  	[dreg:$0x1] =	wrdreg $0xFFFFFFFF  }
0xae: {  	[dreg:$0x0] =	wrdreg $0x60  }
0xaf: {  	[dreg:$0x2] =	wrdreg s2  }
0xb0: {  	[dreg:$0x3] =	wrdreg s24  }
0xb1: {  	[dreg:$0x4] =	wrdreg s18  }
0xb2: {  	[dreg:$0x5] =	wrdreg $0x9  }
0xb3: {  	_ =	task.clear_ibuf [dreg:s8], $0x6FFFF;
	_ =	strace $0x90000046  }
0xb4: {  	s29 =	simm.s32 $0x9;
	_ =	strace $0x80000048  }
0xb5: {  	_ =	swait.ge [sflag:s29], $0x1  }
0xb6: {  	[sflag:s29] =	ssyncadd.s32 $0xFFFFFFFF  }
0xb7: {  	_ =	strace $0x90000048  }
0xb8: {  	_ =	sfence  }
0xb9: {  	s30 =	sld [smem:$0x0];
	_ =	sdelay $0x2  }
0xba: {  	s31 =	sshll.u32 s1, $0xD;
	s1 =	sshrl.u32 s1, $0x2  }
0xbb: {  	s3 =	sand.u32 $0x4000, s31;
	s1 =	sadd.s32 s1, s30  }
0xbc: {  	s0 =	sor.u32 s3, s0;
	s1 =	sshll.u32 s1, $0x11  }
0xbd: {  	s0 =	sor.u32 s1, s0  }
0xbe: {  	s0 =	sadd.s32 $0x8F2B, s0  }
0xbf: {  	[sflag:s0] =	ssyncadd.remote.s32 $0x1  }
0xc0: {  	_ =	sfence.sel $0xFFFF  }
0xc1: {  	[dreg:$0x0] =	wrdreg $0xFFFFFFFF;
	(pc) =	sbr.abs _section_cstart, $3  }
0xc2: {  	[dreg:$0x1] =	wrdreg $0xFFFFFFFF  }
0xc3: {  	_ =	task.clear_ibuf [dreg:s8], $0x2FFFF;
	_ =	strace $0x9FFFFFFF  }
0xc4: {  	(tm) =	ssettm $0x7FFFFFFF  }
0xc5: {  	_ =	shalt  }
tec
execute0_lowered:
.L_overlay_start_1:
0x0: {  	(tag) =	ssettag $0x1  }
0x1: {  	s0 =	srdreg.scid  }
0x2: {  	s5 =	sand.u32 $0x1, s0;
	s0 =	stileid.u32  }
0x3: {  	s6 =	sor.u32 s0, s5  }
0x4: {  	p0 =	sne.s32 s6, $0x0  }
.Ltmp0:
0x5: {  	_ = 	snop;
	(pc) =	sbr.rel @p0 .LBB2_3-.Ltmp0, $4  }
0x6: {  	s1 =	rddreg [dreg:$0x0]  }
0x7: {  	s4 =	rddreg [dreg:$0x1]  }
0x8: {  	s3 =	rddreg [dreg:$0x2]  }
0x9: {  	s2 =	rddreg [dreg:$0x3];
	_ =	strace $0x80000047  }
0xa: {  	v0 =	vimm.s32 $0xFEDCBA98;
	v1 =	vimm.s32 $0x76543210;
	v2 =	vimm.s32 $0xBA98FEDC  }
0xb: {  	v3 =	vimm.s32 $0x32107654;
	v4 =	vimm.s32 $0xDCFE98BA;
	v5 =	vimm.s32 $0x54761032  }
0xc: {  	v6 =	vimm.s32 $0xEFCDAB89;
	v7 =	vimm.s32 $0x67452301;
	v0 =	vunpack.c.l.s4.s8 v0  }
0xd: {  	v1 =	vunpack.c.l.s4.s8 v1;
	v2 =	vunpack.c.l.s4.s8 v2;
	v3 =	vunpack.c.l.s4.s8 v3  }
0xe: {  	v4 =	vunpack.c.l.s4.s8 v4;
	v5 =	vunpack.c.l.s4.s8 v5;
	v6 =	vunpack.c.l.s4.s8 v6  }
0xf: {  	v7 =	vunpack.c.l.s4.s8 v7;
	v0 =	vunpack.c.0.s8.s32 v0;
	v2 =	vunpack.c.0.s8.s32 v2  }
0x10: {  	v3 =	vunpack.c.0.s8.s32 v3;
	v4 =	vunpack.c.0.s8.s32 v4;
	v1 =	vunpack.c.0.s8.s32 v1  }
0x11: {  	v5 =	vunpack.c.0.s8.s32 v5;
	v6 =	vunpack.c.0.s8.s32 v6;
	v59 =	vand.u32 $0xF, v0  }
0x12: {  	v7 =	vunpack.c.0.s8.s32 v7;
	v2 =	vcombine.low v3, v2;
	v0 =	vcombine.low v59, v1  }
0x13: {  	v58 =	vcombine.low v5, v4  }
0x14: {  	v60 =	vcombine.low v7, v6;
	v61 =	vand.u32 $0xF, v2;
	[tilespmem:$0x1FFC0] =	vst v0  }
0x15: {  	s5 =	ssub.s32 $0x2, s5;
	s4 =	sadd.s32 $0x400, s4;
	v62 =	vand.u32 $0xF, v58;
	[tilespmem:$0x1FFD0] =	vst v61  }
0x16: {  	s7 =	simm.s32 $0x1;
	s8 =	simm.s32 $0x380;
	s6 =	sshrl.u32 s5, $0x1;
	v63 =	vand.u32 $0xF, v60;
	[tilespmem:$0x1FFE0] =	vst v62  }
0x17: {  	v51 =	vimm.f32 $0.0e+00;
	s9 =	simm.s32 $0x2280;
	s5 =	ssub.s32 s5, s6;
	s6 =	simm.s32 $0x0;
	[tilespmem:$0x1FFF0] =	vst v63  }
.LBB2_2:
0x18: {  	[tilespmem:s6], [sflag:$0x1] =	stream.linear.gather [hbm4b:s1+s6], $0x380, $0x38;
	[tilespmem:$0x2300] =	vst v63  }
0x19: {  	_ =	swait.ge [sflag:s7], $0x380  }
0x1a: {  	[sflag:s7] =	ssyncset.done $0x0  }
0x1b: {  	[sflag:s7] =	ssyncadd.s32 $0xFFFFFC80  }
0x1c: {  	[tilespmem:s8], [sflag:$0x1] =	stream.linear.gather [hbm4b:s4+s6], $0x1F00, $0x38;
	[tilespmem:$0x2300] =	vst v63  }
0x1d: {  	_ =	swait.ge [sflag:s7], $0x1F00  }
0x1e: {  	[sflag:s7] =	ssyncset.done $0x0  }
0x1f: {  	[sflag:s7] =	ssyncadd.s32 $0xFFFFE100  }
0x20: {  	v63 =	vld [tilespmem:$0x1630];
	_ =	sdelay $0x4  }
0x21: {  	[tilespmem:$0x1F340] =	vst v63;
	v63 =	vld [tilespmem:$0x1940];
	_ =	sdelay $0x4  }
0x22: {  	[tilespmem:$0x1F350] =	vst v63;
	v63 =	vld [tilespmem:$0x1C50];
	_ =	sdelay $0x4  }
0x23: {  	[tilespmem:$0x1F360] =	vst v63;
	v63 =	vld [tilespmem:$0x1F60];
	_ =	sdelay $0x4  }
0x24: {  	[tilespmem:$0x1F370] =	vst v63;
	v63 =	vld [tilespmem:$0x60];
	_ =	sdelay $0x4  }
0x25: {  	[tilespmem:$0x1F330] =	vst v63;
	v63 =	vld [tilespmem:$0x3E0];
	_ =	sdelay $0x4  }
0x26: {  	[tilespmem:$0x1F380] =	vst v63;
	v63 =	vld [tilespmem:$0x6F0];
	_ =	sdelay $0x4  }
0x27: {  	[tilespmem:$0x1F390] =	vst v63;
	v63 =	vld [tilespmem:$0xA00];
	_ =	sdelay $0x4  }
0x28: {  	[tilespmem:$0x1F3A0] =	vst v63;
	v63 =	vld [tilespmem:$0xD10];
	_ =	sdelay $0x4  }
0x29: {  	[tilespmem:$0x1F3B0] =	vst v63;
	v63 =	vld [tilespmem:$0x1020];
	_ =	sdelay $0x4  }
0x2a: {  	[tilespmem:$0x1F3C0] =	vst v63;
	v63 =	vld [tilespmem:$0x1330];
	_ =	sdelay $0x4  }
0x2b: {  	[tilespmem:$0x1F3D0] =	vst v63;
	v63 =	vld [tilespmem:$0x1640];
	_ =	sdelay $0x4  }
0x2c: {  	[tilespmem:$0x1F3F0] =	vst v63;
	v63 =	vld [tilespmem:$0x1950];
	_ =	sdelay $0x4  }
0x2d: {  	[tilespmem:$0x1F400] =	vst v63;
	v63 =	vld [tilespmem:$0x1C60];
	_ =	sdelay $0x4  }
0x2e: {  	[tilespmem:$0x1F410] =	vst v63;
	v63 =	vld [tilespmem:$0x1F70];
	_ =	sdelay $0x4  }
0x2f: {  	[tilespmem:$0x1F420] =	vst v63;
	v63 =	vld [tilespmem:$0x70];
	_ =	sdelay $0x4  }
0x30: {  	[tilespmem:$0x1F3E0] =	vst v63;
	v63 =	vld [tilespmem:$0x3F0];
	_ =	sdelay $0x4  }
0x31: {  	[tilespmem:$0x1F430] =	vst v63;
	v63 =	vld [tilespmem:$0x700];
	_ =	sdelay $0x4  }
0x32: {  	[tilespmem:$0x1F440] =	vst v63;
	v63 =	vld [tilespmem:$0xA10];
	_ =	sdelay $0x4  }
0x33: {  	[tilespmem:$0x1F450] =	vst v63;
	v63 =	vld [tilespmem:$0xD20];
	_ =	sdelay $0x4  }
0x34: {  	[tilespmem:$0x1F460] =	vst v63;
	v63 =	vld [tilespmem:$0x1030];
	_ =	sdelay $0x4  }
0x35: {  	[tilespmem:$0x1F470] =	vst v63;
	v63 =	vld [tilespmem:$0x1340];
	_ =	sdelay $0x4  }
0x36: {  	[tilespmem:$0x1F480] =	vst v63;
	v63 =	vld [tilespmem:$0x1650];
	_ =	sdelay $0x4  }
0x37: {  	[tilespmem:$0x1F4A0] =	vst v63;
	v63 =	vld [tilespmem:$0x1960];
	_ =	sdelay $0x4  }
0x38: {  	[tilespmem:$0x1F4B0] =	vst v63;
	v63 =	vld [tilespmem:$0x1C70];
	_ =	sdelay $0x4  }
0x39: {  	[tilespmem:$0x1F4C0] =	vst v63;
	v63 =	vld [tilespmem:$0x1F80];
	_ =	sdelay $0x4  }
0x3a: {  	[tilespmem:$0x1F4D0] =	vst v63;
	v63 =	vld [tilespmem:$0x80];
	_ =	sdelay $0x4  }
0x3b: {  	[tilespmem:$0x1F490] =	vst v63;
	v63 =	vld [tilespmem:$0x400];
	_ =	sdelay $0x4  }
0x3c: {  	[tilespmem:$0x1F4E0] =	vst v63;
	v63 =	vld [tilespmem:$0x710];
	_ =	sdelay $0x4  }
0x3d: {  	[tilespmem:$0x1F4F0] =	vst v63;
	v63 =	vld [tilespmem:$0xA20];
	_ =	sdelay $0x4  }
0x3e: {  	[tilespmem:$0x1F500] =	vst v63;
	v63 =	vld [tilespmem:$0xD30];
	_ =	sdelay $0x4  }
0x3f: {  	[tilespmem:$0x1F510] =	vst v63;
	v63 =	vld [tilespmem:$0x1040];
	_ =	sdelay $0x4  }
0x40: {  	[tilespmem:$0x1F520] =	vst v63;
	v63 =	vld [tilespmem:$0x1350];
	_ =	sdelay $0x4  }
0x41: {  	[tilespmem:$0x1F530] =	vst v63;
	v63 =	vld [tilespmem:$0x1660];
	_ =	sdelay $0x4  }
0x42: {  	[tilespmem:$0x1F550] =	vst v63;
	v63 =	vld [tilespmem:$0x1970];
	_ =	sdelay $0x4  }
0x43: {  	[tilespmem:$0x1F560] =	vst v63;
	v63 =	vld [tilespmem:$0x1C80];
	_ =	sdelay $0x4  }
0x44: {  	[tilespmem:$0x1F570] =	vst v63;
	v63 =	vld [tilespmem:$0x1F90];
	_ =	sdelay $0x4  }
0x45: {  	[tilespmem:$0x1F580] =	vst v63;
	v63 =	vld [tilespmem:$0x90];
	_ =	sdelay $0x4  }
0x46: {  	[tilespmem:$0x1F540] =	vst v63;
	v63 =	vld [tilespmem:$0x410];
	_ =	sdelay $0x4  }
0x47: {  	[tilespmem:$0x1F590] =	vst v63;
	v63 =	vld [tilespmem:$0x720];
	_ =	sdelay $0x4  }
0x48: {  	[tilespmem:$0x1F5A0] =	vst v63;
	v63 =	vld [tilespmem:$0xA30];
	_ =	sdelay $0x3  }
0x49: {  	v2 =	vld [tilespmem:$0x0]  }
0x4a: {  	[tilespmem:$0x1F5B0] =	vst v63;
	v63 =	vld [tilespmem:$0xD40]  }
0x4b: {  	v3 =	vld [tilespmem:$0x380]  }
0x4c: {  	v4 =	vld [tilespmem:$0x690]  }
0x4d: {  	v5 =	vld [tilespmem:$0x9A0]  }
0x4e: {  	v6 =	vld [tilespmem:$0xCB0]  }
0x4f: {  	[tilespmem:$0x1F5C0] =	vst v63;
	v63 =	vld [tilespmem:$0x1050]  }
0x50: {  	v7 =	vld [tilespmem:$0xFC0]  }
0x51: {  	v8 =	vld [tilespmem:$0x12D0]  }
0x52: {  	v9 =	vld [tilespmem:$0x15E0]  }
0x53: {  	v10 =	vld [tilespmem:$0x18F0]  }
0x54: {  	[tilespmem:$0x1F5D0] =	vst v63;
	v63 =	vld [tilespmem:$0x1360]  }
0x55: {  	v12 =	vld [tilespmem:$0x1C00]  }
0x56: {  	v14 =	vld [tilespmem:$0x1F10]  }
0x57: {  	v1 =	vld [tilespmem:$0x10]  }
0x58: {  	v11 =	vld [tilespmem:$0x390]  }
0x59: {  	[tilespmem:$0x1F5E0] =	vst v63;
	v63 =	vld [tilespmem:$0x1670]  }
0x5a: {  	v13 =	vld [tilespmem:$0x6A0]  }
0x5b: {  	v15 =	vld [tilespmem:$0x9B0]  }
0x5c: {  	v16 =	vld [tilespmem:$0xCC0]  }
0x5d: {  	v17 =	vld [tilespmem:$0xFD0]  }
0x5e: {  	[tilespmem:$0x1F600] =	vst v63;
	v63 =	vld [tilespmem:$0x1980]  }
0x5f: {  	v18 =	vld [tilespmem:$0x12E0]  }
0x60: {  	v19 =	vld [tilespmem:$0x15F0]  }
0x61: {  	v20 =	vld [tilespmem:$0x1900]  }
0x62: {  	v21 =	vld [tilespmem:$0x1C10]  }
0x63: {  	[tilespmem:$0x1F610] =	vst v63;
	v63 =	vld [tilespmem:$0x1C90]  }
0x64: {  	v22 =	vld [tilespmem:$0x1F20]  }
0x65: {  	v23 =	vld [tilespmem:$0x20]  }
0x66: {  	v24 =	vld [tilespmem:$0x3A0]  }
0x67: {  	v25 =	vld [tilespmem:$0x6B0]  }
0x68: {  	[tilespmem:$0x1F620] =	vst v63;
	v63 =	vld [tilespmem:$0x1FA0]  }
0x69: {  	v31 =	vld [tilespmem:$0x9C0]  }
0x6a: {  	v26 =	vld [tilespmem:$0xCD0]  }
0x6b: {  	v29 =	vld [tilespmem:$0xFE0]  }
0x6c: {  	v28 =	vld [tilespmem:$0x12F0]  }
0x6d: {  	[tilespmem:$0x1F630] =	vst v63;
	v63 =	vld [tilespmem:$0xA0]  }
0x6e: {  	v62 =	vld [tilespmem:$0x1600]  }
0x6f: {  	v32 =	vld [tilespmem:$0x1910]  }
0x70: {  	v33 =	vld [tilespmem:$0x1C20]  }
0x71: {  	v61 =	vld [tilespmem:$0x1F30]  }
0x72: {  	[tilespmem:$0x1F5F0] =	vst v63;
	v63 =	vld [tilespmem:$0x420]  }
0x73: {  	v30 =	vld [tilespmem:$0x30]  }
0x74: {  	v35 =	vld [tilespmem:$0x3B0]  }
0x75: {  	v36 =	vld [tilespmem:$0x6C0]  }
0x76: {  	v37 =	vld [tilespmem:$0x9D0]  }
0x77: {  	[tilespmem:$0x1F640] =	vst v63;
	v63 =	vld [tilespmem:$0x730]  }
0x78: {  	v45 =	vld [tilespmem:$0xCE0]  }
0x79: {  	v39 =	vld [tilespmem:$0xFF0]  }
0x7a: {  	v40 =	vld [tilespmem:$0x1300]  }
0x7b: {  	v43 =	vld [tilespmem:$0x1610]  }
0x7c: {  	[tilespmem:$0x1F650] =	vst v63;
	v63 =	vld [tilespmem:$0xA40]  }
0x7d: {  	v42 =	vld [tilespmem:$0x1920]  }
0x7e: {  	v46 =	vld [tilespmem:$0x1C30]  }
0x7f: {  	v41 =	vld [tilespmem:$0x40];
	vm0 =	vgt.f32 v2, $5.000000000e-01  }
0x80: {  	v52 =	vld [tilespmem:$0x50];
	v2 =	vsel vm0, $0x3F800000, v51  }
0x81: {  	vm9 =	vgt.f32 v1, $5.000000000e-01;
	v3 =	vmul.f32 v2, v3;
	v4 =	vmul.f32 v4, v2;
	[tilespmem:$0x1F660] =	vst v63;
	v63 =	vld [tilespmem:$0xD50]  }
0x82: {  	v44 =	vld [tilespmem:$0x1F40];
	vm10 =	vgt.f32 v23, $5.000000000e-01;
	v5 =	vmul.f32 v5, v2;
	v6 =	vmul.f32 v6, v2  }
0x83: {  	v49 =	vld [tilespmem:$0x3C0];
	vm11 =	vgt.f32 v30, $5.000000000e-01;
	v1 =	vmul.f32 v7, v2;
	v7 =	vmul.f32 v8, v2  }
0x84: {  	v47 =	vld [tilespmem:$0x6D0];
	vm12 =	vgt.f32 v41, $5.000000000e-01;
	v8 =	vmul.f32 v9, v2;
	v9 =	vmul.f32 v10, v2  }
0x85: {  	vm13 =	vgt.f32 v52, $5.000000000e-01;
	v12 =	vmul.f32 v12, v2;
	v2 =	vmul.f32 v14, v2;
	v14 =	vld [tilespmem:$0xD90]  }
0x86: {  	v10 =	vsel vm9, $0x3F800000, v51;
	v3 =	vadd.f32 $0.0e+00, v3;
	v4 =	vadd.f32 $0.0e+00, v4;
	[tilespmem:$0x1F670] =	vst v63;
	v63 =	vld [tilespmem:$0x1060]  }
0x87: {  	v60 =	vld [tilespmem:$0x9E0];
	v11 =	vmul.f32 v10, v11;
	v5 =	vadd.f32 $0.0e+00, v5;
	v6 =	vadd.f32 $0.0e+00, v6  }
0x88: {  	v48 =	vld [tilespmem:$0xCF0];
	v13 =	vmul.f32 v13, v10;
	v1 =	vadd.f32 $0.0e+00, v1;
	v7 =	vadd.f32 $0.0e+00, v7  }
0x89: {  	v55 =	vld [tilespmem:$0x1000];
	v8 =	vadd.f32 $0.0e+00, v8;
	v3 =	vadd.f32 v11, v3;
	v11 =	vmul.f32 v15, v10  }
0x8a: {  	v50 =	vld [tilespmem:$0x1310];
	v4 =	vadd.f32 v13, v4;
	v13 =	vmul.f32 v16, v10;
	v15 =	vsel vm10, $0x3F800000, v51;
	[tilespmem:$0x1F920] =	vst v14  }
0x8b: {  	v9 =	vadd.f32 $0.0e+00, v9;
	v14 =	vmul.f32 v20, v10;
	v24 =	vmul.f32 v15, v24;
	[tilespmem:$0x1F680] =	vst v63;
	v63 =	vld [tilespmem:$0x1370]  }
0x8c: {  	v53 =	vld [tilespmem:$0x1620];
	v25 =	vmul.f32 v25, v15;
	v5 =	vadd.f32 v11, v5;
	v11 =	vmul.f32 v17, v10  }
0x8d: {  	v54 =	vld [tilespmem:$0x1930];
	v12 =	vadd.f32 $0.0e+00, v12;
	v23 =	vmul.f32 v29, v15;
	v29 =	vmul.f32 v28, v15  }
0x8e: {  	v27 =	vld [tilespmem:$0x1C40];
	v30 =	vmul.f32 v62, v15;
	v1 =	vadd.f32 v11, v1;
	v11 =	vmul.f32 v19, v10  }
0x8f: {  	v56 =	vld [tilespmem:$0x1F50];
	v6 =	vadd.f32 v13, v6;
	v13 =	vmul.f32 v18, v10;
	v9 =	vadd.f32 v14, v9  }
0x90: {  	v8 =	vadd.f32 v11, v8;
	v11 =	vmul.f32 v31, v15;
	v31 =	vmul.f32 v26, v15;
	[tilespmem:$0x1F690] =	vst v63;
	v63 =	vld [tilespmem:$0x1680]  }
0x91: {  	v57 =	vld [tilespmem:$0x3D0];
	v62 =	vmul.f32 v33, v15;
	v3 =	vadd.f32 v24, v3;
	v4 =	vadd.f32 v25, v4  }
0x92: {  	v58 =	vld [tilespmem:$0x6E0];
	v7 =	vadd.f32 v13, v7;
	v13 =	vmul.f32 v21, v10;
	v6 =	vadd.f32 v31, v6  }
0x93: {  	v59 =	vld [tilespmem:$0x9F0];
	v31 =	vmul.f32 v32, v15;
	v32 =	vmul.f32 v61, v15;
	v15 =	vsel vm11, $0x3F800000, v51  }
0x94: {  	v0 =	vld [tilespmem:$0xD00];
	v12 =	vadd.f32 v13, v12;
	v1 =	vadd.f32 v23, v1;
	v33 =	vmul.f32 v15, v35  }
0x95: {  	v5 =	vadd.f32 v11, v5;
	v35 =	vmul.f32 v36, v15;
	v36 =	vmul.f32 v37, v15;
	[tilespmem:$0x1F6B0] =	vst v63;
	v63 =	vld [tilespmem:$0x1990]  }
0x96: {  	v38 =	vld [tilespmem:$0x1010];
	v8 =	vadd.f32 v30, v8;
	v37 =	vmul.f32 v45, v15;
	v39 =	vmul.f32 v39, v15  }
0x97: {  	v34 =	vld [tilespmem:$0x1320];
	v11 =	vadd.f32 v62, v12;
	v40 =	vmul.f32 v40, v15;
	v61 =	vmul.f32 v43, v15  }
0x98: {  	v41 =	vld [tilespmem:$0x1D00];
	v62 =	vmul.f32 v42, v15;
	v9 =	vadd.f32 v31, v9;
	v3 =	vadd.f32 v33, v3  }
0x99: {  	v16 =	vld [tilespmem:$0x10A0];
	v44 =	vmul.f32 v44, v15;
	v4 =	vadd.f32 v35, v4;
	v5 =	vadd.f32 v36, v5  }
0x9a: {  	v6 =	vadd.f32 v37, v6;
	v35 =	vmul.f32 v46, v15;
	v15 =	vsel vm12, $0x3F800000, v51;
	[tilespmem:$0x1F6C0] =	vst v63;
	v63 =	vld [tilespmem:$0x1CA0]  }
0x9b: {  	v20 =	vld [tilespmem:$0xF0];
	v1 =	vadd.f32 v39, v1;
	v46 =	vmul.f32 v15, v49;
	v47 =	vmul.f32 v47, v15  }
0x9c: {  	v28 =	vld [tilespmem:$0x13C0];
	v8 =	vadd.f32 v61, v8;
	v49 =	vmul.f32 v60, v15;
	v60 =	vmul.f32 v48, v15  }
0x9d: {  	v17 =	vld [tilespmem:$0x13B0];
	v9 =	vadd.f32 v62, v9;
	v61 =	vmul.f32 v55, v15;
	v62 =	vmul.f32 v50, v15  }
0x9e: {  	v18 =	vld [tilespmem:$0x1CE0];
	v50 =	vmul.f32 v56, v15;
	v3 =	vadd.f32 v46, v3;
	v4 =	vadd.f32 v47, v4  }
0x9f: {  	v5 =	vadd.f32 v49, v5;
	v1 =	vadd.f32 v61, v1;
	v46 =	vmul.f32 v53, v15;
	[tilespmem:$0x1F6D0] =	vst v63;
	v63 =	vld [tilespmem:$0x1FB0]  }
0xa0: {  	v47 =	vmul.f32 v54, v15;
	v49 =	vmul.f32 v27, v15;
	v15 =	vsel vm13, $0x3F800000, v51;
	v61 =	vld [tilespmem:$0x1F350]  }
0xa1: {  	v6 =	vadd.f32 v60, v6;
	v53 =	vmul.f32 v58, v15;
	v55 =	vmul.f32 v0, v15;
	v58 =	vld [tilespmem:$0x1F330]  }
0xa2: {  	v54 =	vmul.f32 v59, v15;
	v59 =	vld [tilespmem:$0x1F340]  }
0xa3: {  	v7 =	vadd.f32 v29, v7;
	v56 =	vmul.f32 v38, v15;
	v6 =	vadd.f32 v55, v6;
	v55 =	vld [tilespmem:$0x1F360]  }
0xa4: {  	[tilespmem:$0x1F6E0] =	vst v63;
	v63 =	vld [tilespmem:$0xB0]  }
0xa5: {  	v7 =	vadd.f32 v40, v7;
	v1 =	vadd.f32 v56, v1;
	v56 =	vld [tilespmem:$0x1F370]  }
0xa6: {  	vm14 =	vgt.f32 v58, $5.000000000e-01;
	v58 =	vld [tilespmem:$0x1F380]  }
0xa7: {  	v24 =	vld [tilespmem:$0xDA0];
	v7 =	vadd.f32 v62, v7;
	v52 =	vmul.f32 v15, v57;
	v57 =	vmul.f32 v34, v15  }
0xa8: {  	v25 =	vld [tilespmem:$0x10B0]  }
0xa9: {  	v7 =	vadd.f32 v57, v7;
	v62 =	vmul.f32 v61, v15;
	v60 =	vmul.f32 v59, v15;
	[tilespmem:$0x1F6A0] =	vst v63;
	v63 =	vld [tilespmem:$0x430]  }
0xaa: {  	v19 =	vld [tilespmem:$0x1FF0];
	v13 =	vmul.f32 v55, v15;
	v57 =	vmul.f32 v56, v15;
	v15 =	vsel vm14, $0x3F800000, v51  }
0xab: {  	v21 =	vld [tilespmem:$0x780];
	v3 =	vadd.f32 v52, v3;
	v59 =	vmul.f32 v15, v58  }
0xac: {  	v10 =	vmul.f32 v22, v10;
	v22 =	vld [tilespmem:$0xA90]  }
0xad: {  	v2 =	vadd.f32 $0.0e+00, v2;
	v3 =	vadd.f32 v59, v3;
	v59 =	vld [tilespmem:$0x1F3C0]  }
0xae: {  	[tilespmem:$0x1F6F0] =	vst v63;
	v63 =	vld [tilespmem:$0x740]  }
0xaf: {  	[tilespmem:$0x1F930] =	vst v16;
	v16 =	vld [tilespmem:$0x16C0];
	v2 =	vadd.f32 v10, v2  }
0xb0: {  	[tilespmem:$0x1F950] =	vst v20;
	v20 =	vld [tilespmem:$0x470]  }
0xb1: {  	v23 =	vld [tilespmem:$0x16D0];
	v2 =	vadd.f32 v32, v2  }
0xb2: {  	v61 =	vld [tilespmem:$0x1F390]  }
0xb3: {  	v2 =	vadd.f32 v44, v2;
	v12 =	vmul.f32 v59, v15;
	[tilespmem:$0x1F700] =	vst v63;
	v63 =	vld [tilespmem:$0xA50]  }
0xb4: {  	v14 =	vld [tilespmem:$0x1F400]  }
0xb5: {  	v2 =	vadd.f32 v50, v2;
	v1 =	vadd.f32 v12, v1;
	v12 =	vld [tilespmem:$0x1F3E0]  }
0xb6: {  	v11 =	vadd.f32 v35, v11;
	v56 =	vld [tilespmem:$0x1F3A0]  }
0xb7: {  	v9 =	vadd.f32 v47, v9;
	v2 =	vadd.f32 v57, v2;
	v57 =	vld [tilespmem:$0x1F3B0]  }
0xb8: {  	[tilespmem:$0x1F710] =	vst v63;
	v63 =	vld [tilespmem:$0xD60]  }
0xb9: {  	v11 =	vadd.f32 v49, v11;
	v9 =	vadd.f32 v62, v9;
	v62 =	vmul.f32 v61, v15;
	v61 =	vld [tilespmem:$0x1F3D0]  }
0xba: {  	vm15 =	vgt.f32 v12, $5.000000000e-01;
	v12 =	vmul.f32 v14, v15;
	v14 =	vld [tilespmem:$0x2030]  }
0xbb: {  	v11 =	vadd.f32 v13, v11;
	v13 =	vld [tilespmem:$0x1F3F0]  }
0xbc: {  	v10 =	vmul.f32 v56, v15;
	v56 =	vld [tilespmem:$0x1F410]  }
0xbd: {  	[tilespmem:$0x1F720] =	vst v63;
	v63 =	vld [tilespmem:$0x1070]  }
0xbe: {  	v4 =	vadd.f32 v53, v4;
	v59 =	vld [tilespmem:$0x1F420]  }
0xbf: {  	v5 =	vadd.f32 v54, v5;
	[tilespmem:$0x1F970] =	vst v14;
	v14 =	vld [tilespmem:$0x1F480]  }
0xc0: {  	v26 =	vld [tilespmem:$0x19E0];
	v4 =	vadd.f32 v62, v4;
	v62 =	vmul.f32 v61, v15  }
0xc1: {  	v29 =	vld [tilespmem:$0x1CF0];
	v5 =	vadd.f32 v10, v5  }
0xc2: {  	v58 =	vmul.f32 v57, v15;
	v7 =	vadd.f32 v62, v7;
	v10 =	vmul.f32 v13, v15;
	[tilespmem:$0x1F730] =	vst v63;
	v63 =	vld [tilespmem:$0x1380]  }
0xc3: {  	[tilespmem:$0x1F940] =	vst v17;
	v17 =	vld [tilespmem:$0x19D0];
	v13 =	vmul.f32 v56, v15;
	v62 =	vmul.f32 v59, v15;
	v15 =	vsel vm15, $0x3F800000, v51  }
0xc4: {  	v30 =	vld [tilespmem:$0x2000];
	v14 =	vmul.f32 v14, v15  }
0xc5: {  	v45 =	vld [tilespmem:$0x100]  }
0xc6: {  	v7 =	vadd.f32 v14, v7;
	v14 =	vld [tilespmem:$0x7C0]  }
0xc7: {  	[tilespmem:$0x1F740] =	vst v63;
	v63 =	vld [tilespmem:$0x1690]  }
0xc8: {  	v2 =	vadd.f32 v62, v2;
	v62 =	vld [tilespmem:$0x1F440]  }
0xc9: {  	v42 =	vld [tilespmem:$0x2010]  }
0xca: {  	v59 =	vld [tilespmem:$0x1F430]  }
0xcb: {  	[tilespmem:$0x1F990] =	vst v14;
	v14 =	vld [tilespmem:$0xAD0]  }
0xcc: {  	v8 =	vadd.f32 v46, v8;
	[tilespmem:$0x1F760] =	vst v63;
	v63 =	vld [tilespmem:$0x19A0]  }
0xcd: {  	v11 =	vadd.f32 v13, v11;
	v9 =	vadd.f32 v12, v9;
	v12 =	vmul.f32 v62, v15;
	v13 =	vld [tilespmem:$0x1F460]  }
0xce: {  	v43 =	vld [tilespmem:$0x490]  }
0xcf: {  	v8 =	vadd.f32 v60, v8;
	v4 =	vadd.f32 v12, v4;
	v12 =	vld [tilespmem:$0x1F470]  }
0xd0: {  	[tilespmem:$0x1F9A0] =	vst v14;
	v14 =	vld [tilespmem:$0x1F4D0]  }
0xd1: {  	v8 =	vadd.f32 v10, v8;
	v10 =	vmul.f32 v15, v59;
	[tilespmem:$0x1F770] =	vst v63;
	v63 =	vld [tilespmem:$0x1CB0]  }
0xd2: {  	v31 =	vld [tilespmem:$0x790];
	v6 =	vadd.f32 v58, v6;
	v13 =	vmul.f32 v13, v15  }
0xd3: {  	v3 =	vadd.f32 v10, v3;
	v10 =	vld [tilespmem:$0x1F450]  }
0xd4: {  	v6 =	vadd.f32 v13, v6;
	v13 =	vld [tilespmem:$0x4B0]  }
0xd5: {  	v32 =	vld [tilespmem:$0xAA0];
	v12 =	vmul.f32 v12, v15  }
0xd6: {  	v14 =	vmul.f32 v14, v15;
	[tilespmem:$0x1F780] =	vst v63;
	v63 =	vld [tilespmem:$0x1FC0]  }
0xd7: {  	v1 =	vadd.f32 v12, v1;
	v12 =	vld [tilespmem:$0x1F4A0]  }
0xd8: {  	v10 =	vmul.f32 v10, v15;
	v2 =	vadd.f32 v14, v2;
	v14 =	vld [tilespmem:$0x1400]  }
0xd9: {  	[tilespmem:$0x1F980] =	vst v13;
	v13 =	vld [tilespmem:$0x1F4B0]  }
0xda: {  	v5 =	vadd.f32 v10, v5;
	v10 =	vld [tilespmem:$0x1F490]  }
0xdb: {  	[tilespmem:$0x1F790] =	vst v63;
	v63 =	vld [tilespmem:$0xC0]  }
0xdc: {  	v33 =	vld [tilespmem:$0x480]  }
0xdd: {  	[tilespmem:$0x1F9D0] =	vst v14;
	v14 =	vld [tilespmem:$0x1710]  }
0xde: {  	v36 =	vld [tilespmem:$0xDB0]  }
0xdf: {  	vm4 =	vgt.f32 v10, $5.000000000e-01;
	v10 =	vmul.f32 v12, v15;
	v12 =	vmul.f32 v13, v15;
	v13 =	vld [tilespmem:$0x1F4C0]  }
0xe0: {  	[tilespmem:$0x1F750] =	vst v63;
	v63 =	vld [tilespmem:$0x440]  }
0xe1: {  	v37 =	vld [tilespmem:$0x10C0]  }
0xe2: {  	[tilespmem:$0x1F9F0] =	vst v14;
	v14 =	vld [tilespmem:$0x1F530]  }
0xe3: {  	v40 =	vld [tilespmem:$0x13D0]  }
0xe4: {  	v9 =	vadd.f32 v12, v9;
	v12 =	vld [tilespmem:$0x10F0];
	v13 =	vmul.f32 v13, v15  }
0xe5: {  	[tilespmem:$0x1F7A0] =	vst v63;
	v63 =	vld [tilespmem:$0x750]  }
0xe6: {  	v15 =	vsel vm4, $0x3F800000, v51;
	v11 =	vadd.f32 v13, v11;
	v13 =	vld [tilespmem:$0x1F4F0]  }
0xe7: {  	v39 =	vld [tilespmem:$0x19F0];
	v14 =	vmul.f32 v14, v15  }
0xe8: {  	v8 =	vadd.f32 v10, v8;
	v10 =	vld [tilespmem:$0x1F4E0]  }
0xe9: {  	v7 =	vadd.f32 v14, v7;
	v14 =	vld [tilespmem:$0x2040]  }
0xea: {  	[tilespmem:$0x1F7B0] =	vst v63;
	v63 =	vld [tilespmem:$0xA60]  }
0xeb: {  	[tilespmem:$0x1F9C0] =	vst v12;
	v12 =	vmul.f32 v13, v15;
	v13 =	vld [tilespmem:$0x1F510]  }
0xec: {  	v48 =	vld [tilespmem:$0x110]  }
0xed: {  	v44 =	vld [tilespmem:$0xAB0]  }
0xee: {  	[tilespmem:$0x1FA20] =	vst v14;
	v14 =	vld [tilespmem:$0x140]  }
0xef: {  	v10 =	vmul.f32 v15, v10;
	[tilespmem:$0x1F7C0] =	vst v63;
	v63 =	vld [tilespmem:$0xD70]  }
0xf0: {  	v4 =	vadd.f32 v12, v4;
	v13 =	vmul.f32 v13, v15;
	v12 =	vld [tilespmem:$0x1F520]  }
0xf1: {  	v3 =	vadd.f32 v10, v3;
	v10 =	vld [tilespmem:$0x1F500]  }
0xf2: {  	v6 =	vadd.f32 v13, v6;
	v13 =	vld [tilespmem:$0x1D30]  }
0xf3: {  	[tilespmem:$0x1F9E0] =	vst v14;
	v14 =	vld [tilespmem:$0x1F580]  }
0xf4: {  	[tilespmem:$0x1F7D0] =	vst v63;
	v63 =	vld [tilespmem:$0x1080]  }
0xf5: {  	v35 =	vld [tilespmem:$0x16E0];
	v12 =	vmul.f32 v12, v15  }
0xf6: {  	v27 =	vld [tilespmem:$0x7A0]  }
0xf7: {  	v1 =	vadd.f32 v12, v1;
	v12 =	vld [tilespmem:$0x1F550]  }
0xf8: {  	v10 =	vmul.f32 v10, v15;
	[tilespmem:$0x1FA10] =	vst v13;
	v13 =	vld [tilespmem:$0x1F560]  }
0xf9: {  	v14 =	vmul.f32 v14, v15;
	[tilespmem:$0x1F7E0] =	vst v63;
	v63 =	vld [tilespmem:$0x1390]  }
0xfa: {  	v5 =	vadd.f32 v10, v5;
	v10 =	vld [tilespmem:$0x1F540]  }
0xfb: {  	v2 =	vadd.f32 v14, v2;
	v14 =	vld [tilespmem:$0xAE0]  }
0xfc: {  	v50 =	vld [tilespmem:$0x13E0]  }
0xfd: {  	v34 =	vld [tilespmem:$0x16F0]  }
0xfe: {  	[tilespmem:$0x1F7F0] =	vst v63;
	v63 =	vld [tilespmem:$0x16A0]  }
0xff: {  	vm5 =	vgt.f32 v10, $5.000000000e-01;
	v10 =	vmul.f32 v12, v15;
	v12 =	vmul.f32 v13, v15;
	v13 =	vld [tilespmem:$0x1F570]  }
0x100: {  	[tilespmem:$0x1FA50] =	vst v14;
	v14 =	vld [tilespmem:$0xDF0]  }
0x101: {  	v38 =	vld [tilespmem:$0x1A00]  }
0x102: {  	v0 =	vld [tilespmem:$0x130]  }
0x103: {  	[tilespmem:$0x1F810] =	vst v63;
	v63 =	vld [tilespmem:$0x19B0]  }
0x104: {  	v9 =	vadd.f32 v12, v9;
	v12 =	vld [tilespmem:$0x7D0];
	v13 =	vmul.f32 v13, v15  }
0x105: {  	[tilespmem:$0x1FA60] =	vst v14;
	v14 =	vld [tilespmem:$0x1F5E0]  }
0x106: {  	v11 =	vadd.f32 v13, v11;
	v13 =	vld [tilespmem:$0x1F5A0]  }
0x107: {  	v46 =	vld [tilespmem:$0xDC0]  }
0x108: {  	[tilespmem:$0x1F820] =	vst v63;
	v63 =	vld [tilespmem:$0x1CC0]  }
0x109: {  	v8 =	vadd.f32 v10, v8;
	v10 =	vld [tilespmem:$0x1F590];
	v15 =	vsel vm5, $0x3F800000, v51  }
0x10a: {  	v47 =	vld [tilespmem:$0x10D0];
	v14 =	vmul.f32 v14, v15  }
0x10b: {  	[tilespmem:$0x1FA40] =	vst v12;
	v12 =	vmul.f32 v13, v15;
	v13 =	vld [tilespmem:$0x1F5C0]  }
0x10c: {  	v7 =	vadd.f32 v14, v7;
	v14 =	vld [tilespmem:$0x1720]  }
0x10d: {  	[tilespmem:$0x1F830] =	vst v63;
	v63 =	vld [tilespmem:$0x1FD0]  }
0x10e: {  	v10 =	vmul.f32 v15, v10;
	v4 =	vadd.f32 v12, v4;
	v12 =	vld [tilespmem:$0x1F5D0]  }
0x10f: {  	v49 =	vld [tilespmem:$0x1D10]  }
0x110: {  	v3 =	vadd.f32 v10, v3;
	v10 =	vld [tilespmem:$0x1F5B0]  }
0x111: {  	v13 =	vmul.f32 v13, v15;
	[tilespmem:$0x1FAA0] =	vst v14;
	v14 =	vld [tilespmem:$0x1A30]  }
0x112: {  	[tilespmem:$0x1F840] =	vst v63;
	v63 =	vld [tilespmem:$0xD0]  }
0x113: {  	v6 =	vadd.f32 v13, v6;
	v13 =	vld [tilespmem:$0x1410];
	v12 =	vmul.f32 v12, v15  }
0x114: {  	v52 =	vld [tilespmem:$0x2020]  }
0x115: {  	v1 =	vadd.f32 v12, v1;
	v12 =	vld [tilespmem:$0x1F600]  }
0x116: {  	[tilespmem:$0x1FAB0] =	vst v14;
	v14 =	vld [tilespmem:$0x1F630]  }
0x117: {  	v10 =	vmul.f32 v10, v15;
	[tilespmem:$0x1F800] =	vst v63;
	v63 =	vld [tilespmem:$0x450]  }
0x118: {  	[tilespmem:$0x1FA80] =	vst v13;
	v13 =	vld [tilespmem:$0x1F610]  }
0x119: {  	v5 =	vadd.f32 v10, v5;
	v10 =	vld [tilespmem:$0x1F5F0]  }
0x11a: {  	v53 =	vld [tilespmem:$0x4A0]  }
0x11b: {  	[tilespmem:$0x1F960] =	vst v0;
	v0 =	vld [tilespmem:$0xDE0];
	v14 =	vmul.f32 v14, v15  }
0x11c: {  	[tilespmem:$0x1F850] =	vst v63;
	v63 =	vld [tilespmem:$0x760]  }
0x11d: {  	v2 =	vadd.f32 v14, v2;
	v14 =	vld [tilespmem:$0x150]  }
0x11e: {  	vm6 =	vgt.f32 v10, $5.000000000e-01;
	v10 =	vmul.f32 v12, v15;
	v12 =	vmul.f32 v13, v15;
	v13 =	vld [tilespmem:$0x1F620]  }
0x11f: {  	v54 =	vld [tilespmem:$0x7B0]  }
0x120: {  	v60 =	vld [tilespmem:$0x120]  }
0x121: {  	[tilespmem:$0x1F860] =	vst v63;
	v63 =	vld [tilespmem:$0xA70]  }
0x122: {  	[tilespmem:$0x1F9B0] =	vst v0;
	v0 =	vld [tilespmem:$0x1A20]  }
0x123: {  	[tilespmem:$0x1FA90] =	vst v14;
	v14 =	vld [tilespmem:$0x4D0];
	v13 =	vmul.f32 v13, v15  }
0x124: {  	v9 =	vadd.f32 v12, v9;
	v12 =	vld [tilespmem:$0x2050]  }
0x125: {  	v11 =	vadd.f32 v13, v11;
	v13 =	vld [tilespmem:$0x1F650]  }
0x126: {  	[tilespmem:$0x1F870] =	vst v63;
	v63 =	vld [tilespmem:$0xD80]  }
0x127: {  	v8 =	vadd.f32 v10, v8;
	v10 =	vld [tilespmem:$0x1F640]  }
0x128: {  	[tilespmem:$0x1FAE0] =	vst v14;
	v14 =	vld [tilespmem:$0x1F690]  }
0x129: {  	v55 =	vld [tilespmem:$0xAC0];
	v15 =	vsel vm6, $0x3F800000, v51  }
0x12a: {  	[tilespmem:$0x1FAD0] =	vst v12;
	v12 =	vmul.f32 v13, v15;
	v13 =	vld [tilespmem:$0x1F670]  }
0x12b: {  	[tilespmem:$0x1F880] =	vst v63;
	v63 =	vld [tilespmem:$0x1090]  }
0x12c: {  	v10 =	vmul.f32 v15, v10;
	v4 =	vadd.f32 v12, v4;
	v12 =	vld [tilespmem:$0x1F680]  }
0x12d: {  	[tilespmem:$0x1FA00] =	vst v0;
	v0 =	vld [tilespmem:$0x4C0];
	v14 =	vmul.f32 v14, v15  }
0x12e: {  	v3 =	vadd.f32 v10, v3;
	v10 =	vld [tilespmem:$0x1F660]  }
0x12f: {  	v13 =	vmul.f32 v13, v15;
	v7 =	vadd.f32 v14, v7;
	v14 =	vld [tilespmem:$0xE00]  }
0x130: {  	[tilespmem:$0x1F890] =	vst v63;
	v63 =	vld [tilespmem:$0x13A0]  }
0x131: {  	v6 =	vadd.f32 v13, v6;
	v13 =	vld [tilespmem:$0xAF0];
	v12 =	vmul.f32 v12, v15  }
0x132: {  	[tilespmem:$0x1FA30] =	vst v0;
	v0 =	vld [tilespmem:$0x1100]  }
0x133: {  	v1 =	vadd.f32 v12, v1;
	v12 =	vld [tilespmem:$0x1F6B0]  }
0x134: {  	[tilespmem:$0x1FB10] =	vst v14;
	v14 =	vld [tilespmem:$0x1110]  }
0x135: {  	v10 =	vmul.f32 v10, v15;
	[tilespmem:$0x1F8A0] =	vst v63;
	v63 =	vld [tilespmem:$0x16B0]  }
0x136: {  	[tilespmem:$0x1FB00] =	vst v13;
	v13 =	vld [tilespmem:$0x1F6C0]  }
0x137: {  	v5 =	vadd.f32 v10, v5;
	v10 =	vld [tilespmem:$0x1F6A0]  }
0x138: {  	[tilespmem:$0x1FA70] =	vst v0;
	v0 =	vld [tilespmem:$0x1D40]  }
0x139: {  	[tilespmem:$0x1FB20] =	vst v14;
	v14 =	vld [tilespmem:$0x1F6E0]  }
0x13a: {  	[tilespmem:$0x1F8C0] =	vst v63;
	v63 =	vld [tilespmem:$0x19C0]  }
0x13b: {  	v57 =	vld [tilespmem:$0xDD0]  }
0x13c: {  	vm7 =	vgt.f32 v10, $5.000000000e-01;
	v10 =	vmul.f32 v12, v15;
	v12 =	vmul.f32 v13, v15;
	v13 =	vld [tilespmem:$0x1F6D0]  }
0x13d: {  	v58 =	vld [tilespmem:$0x10E0]  }
0x13e: {  	[tilespmem:$0x1FAC0] =	vst v0;
	v0 =	vld [tilespmem:$0x7E0];
	v14 =	vmul.f32 v14, v15  }
0x13f: {  	[tilespmem:$0x1F8D0] =	vst v63;
	v63 =	vld [tilespmem:$0x1CD0]  }
0x140: {  	v2 =	vadd.f32 v14, v2;
	v14 =	vld [tilespmem:$0x1A40]  }
0x141: {  	v8 =	vadd.f32 v10, v8;
	v10 =	vld [tilespmem:$0x1F6F0];
	v13 =	vmul.f32 v13, v15  }
0x142: {  	v9 =	vadd.f32 v12, v9;
	v12 =	vld [tilespmem:$0x1730]  }
0x143: {  	v11 =	vadd.f32 v13, v11;
	v13 =	vld [tilespmem:$0x1F700]  }
0x144: {  	[tilespmem:$0x1F8E0] =	vst v63;
	v63 =	vld [tilespmem:$0x1FE0]  }
0x145: {  	[tilespmem:$0x1FAF0] =	vst v0;
	v0 =	vld [tilespmem:$0x1420]  }
0x146: {  	v61 =	vld [tilespmem:$0x13F0]  }
0x147: {  	[tilespmem:$0x1FB60] =	vst v14;
	v14 =	vld [tilespmem:$0x1D50];
	v15 =	vsel vm7, $0x3F800000, v51  }
0x148: {  	[tilespmem:$0x1FB50] =	vst v12;
	v12 =	vmul.f32 v13, v15;
	v13 =	vld [tilespmem:$0x1F720]  }
0x149: {  	v10 =	vmul.f32 v15, v10;
	[tilespmem:$0x1F8F0] =	vst v63;
	v63 =	vld [tilespmem:$0xE0]  }
0x14a: {  	[tilespmem:$0x1FB30] =	vst v0;
	v0 =	vld [tilespmem:$0x2060]  }
0x14b: {  	v3 =	vadd.f32 v10, v3;
	v10 =	vld [tilespmem:$0x1F710]  }
0x14c: {  	v56 =	vld [tilespmem:$0x1700]  }
0x14d: {  	[tilespmem:$0x1FB70] =	vst v14;
	v13 =	vmul.f32 v13, v15;
	v14 =	vld [tilespmem:$0x1F740]  }
0x14e: {  	[tilespmem:$0x1F8B0] =	vst v63;
	v63 =	vld [tilespmem:$0x460]  }
0x14f: {  	v6 =	vadd.f32 v13, v6;
	v13 =	vld [tilespmem:$0x4E0]  }
0x150: {  	v59 =	vld [tilespmem:$0x1A10];
	v10 =	vmul.f32 v10, v15  }
0x151: {  	v4 =	vadd.f32 v12, v4;
	v12 =	vld [tilespmem:$0x1F730]  }
0x152: {  	v5 =	vadd.f32 v10, v5;
	v10 =	vld [tilespmem:$0x160]  }
0x153: {  	v14 =	vmul.f32 v14, v15;
	[tilespmem:$0x1F900] =	vst v63;
	v63 =	vld [tilespmem:$0x770]  }
0x154: {  	[tilespmem:$0x1FB90] =	vst v13;
	v13 =	vld [tilespmem:$0x7F0]  }
0x155: {  	v7 =	vadd.f32 v14, v7;
	v14 =	vld [tilespmem:$0x1F750]  }
0x156: {  	[tilespmem:$0x1FB80] =	vst v0;
	v62 =	vld [tilespmem:$0x1D20];
	v12 =	vmul.f32 v12, v15  }
0x157: {  	[tilespmem:$0x1FB40] =	vst v10;
	v10 =	vld [tilespmem:$0x1F760]  }
0x158: {  	v1 =	vadd.f32 v12, v1;
	v12 =	vld [tilespmem:$0x1F770];
	[tilespmem:$0x1F910] =	vst v63  }
0x159: {  	v63 =	vld [tilespmem:$0xA80];
	[tilespmem:$0x1FBA0] =	vst v13  }
0x15a: {  	vm8 =	vgt.f32 v14, $5.000000000e-01;
	v14 =	vld [tilespmem:$0x1F790];
	_ =	sdelay $0x4  }
0x15b: {  	v14 =	vmul.f32 v14, v15;
	_ =	sdelay $0x1  }
0x15c: {  	v2 =	vadd.f32 v14, v2;
	v14 =	vld [tilespmem:$0x1120];
	_ =	sdelay $0x1  }
0x15d: {  	v0 =	vld [tilespmem:$0x1F780];
	_ =	sdelay $0x2  }
0x15e: {  	v10 =	vmul.f32 v10, v15;
	[tilespmem:$0x1FBD0] =	vst v14;
	v14 =	vld [tilespmem:$0x1430]  }
0x15f: {  	v12 =	vmul.f32 v12, v15  }
0x160: {  	v8 =	vadd.f32 v10, v8;
	v10 =	vld [tilespmem:$0x1F7A0];
	v13 =	vmul.f32 v0, v15  }
0x161: {  	v9 =	vadd.f32 v12, v9;
	v12 =	vld [tilespmem:$0xE10]  }
0x162: {  	v11 =	vadd.f32 v13, v11;
	v13 =	vld [tilespmem:$0x1F7B0]  }
0x163: {  	[tilespmem:$0x1FBE0] =	vst v14;
	v14 =	vld [tilespmem:$0x1F7F0];
	_ =	sdelay $0x2  }
0x164: {  	v15 =	vsel vm8, $0x3F800000, v51  }
0x165: {  	[tilespmem:$0x1FBC0] =	vst v12;
	v10 =	vmul.f32 v15, v10;
	v12 =	vmul.f32 v13, v15;
	v13 =	vld [tilespmem:$0x1F7D0]  }
0x166: {  	v14 =	vmul.f32 v14, v15  }
0x167: {  	v3 =	vadd.f32 v10, v3;
	v10 =	vld [tilespmem:$0x1F7C0]  }
0x168: {  	v7 =	vadd.f32 v14, v7;
	v14 =	vld [tilespmem:$0x1D60]  }
0x169: {  	v4 =	vadd.f32 v12, v4;
	v12 =	vld [tilespmem:$0x1F7E0]  }
0x16a: {  	v13 =	vmul.f32 v13, v15;
	_ =	sdelay $0x1  }
0x16b: {  	v6 =	vadd.f32 v13, v6;
	v13 =	vld [tilespmem:$0x1A50]  }
0x16c: {  	v10 =	vmul.f32 v10, v15;
	[tilespmem:$0x1FC20] =	vst v14;
	v14 =	vld [tilespmem:$0x2070]  }
0x16d: {  	v12 =	vmul.f32 v12, v15  }
0x16e: {  	v5 =	vadd.f32 v10, v5;
	v10 =	vld [tilespmem:$0x1F800]  }
0x16f: {  	v1 =	vadd.f32 v12, v1;
	v12 =	vld [tilespmem:$0x1F810]  }
0x170: {  	[tilespmem:$0x1FC10] =	vst v13;
	v13 =	vld [tilespmem:$0x1F820]  }
0x171: {  	[tilespmem:$0x1FC30] =	vst v14;
	v14 =	vld [tilespmem:$0x1F840];
	_ =	sdelay $0x3  }
0x172: {  	vm9 =	vgt.f32 v10, $5.000000000e-01;
	v10 =	vmul.f32 v12, v15;
	v12 =	vmul.f32 v13, v15;
	v13 =	vld [tilespmem:$0x1F830]  }
0x173: {  	v14 =	vmul.f32 v14, v15;
	_ =	sdelay $0x1  }
0x174: {  	v2 =	vadd.f32 v14, v2;
	v14 =	vld [tilespmem:$0x800];
	_ =	sdelay $0x1  }
0x175: {  	v8 =	vadd.f32 v10, v8;
	v10 =	vld [tilespmem:$0x1F850];
	v13 =	vmul.f32 v13, v15  }
0x176: {  	v9 =	vadd.f32 v12, v9;
	v12 =	vld [tilespmem:$0x4F0]  }
0x177: {  	v11 =	vadd.f32 v13, v11;
	v13 =	vld [tilespmem:$0x1F860]  }
0x178: {  	[tilespmem:$0x1FC50] =	vst v14;
	v14 =	vld [tilespmem:$0xB10];
	_ =	sdelay $0x2  }
0x179: {  	v15 =	vsel vm9, $0x3F800000, v51  }
0x17a: {  	[tilespmem:$0x1FC40] =	vst v12;
	v12 =	vmul.f32 v13, v15;
	v13 =	vld [tilespmem:$0x1F880]  }
0x17b: {  	v10 =	vmul.f32 v15, v10;
	[tilespmem:$0x1FC60] =	vst v14;
	v14 =	vld [tilespmem:$0x1F8A0];
	_ =	sdelay $0x1  }
0x17c: {  	v3 =	vadd.f32 v10, v3;
	v10 =	vld [tilespmem:$0x1F870]  }
0x17d: {  	v4 =	vadd.f32 v12, v4;
	v12 =	vld [tilespmem:$0x1F890]  }
0x17e: {  	v13 =	vmul.f32 v13, v15  }
0x17f: {  	v14 =	vmul.f32 v14, v15  }
0x180: {  	v6 =	vadd.f32 v13, v6;
	v13 =	vld [tilespmem:$0x1130]  }
0x181: {  	v10 =	vmul.f32 v10, v15;
	v7 =	vadd.f32 v14, v7;
	v14 =	vld [tilespmem:$0x1440]  }
0x182: {  	v0 =	vld [tilespmem:$0xB00];
	v12 =	vmul.f32 v12, v15  }
0x183: {  	v5 =	vadd.f32 v10, v5;
	v10 =	vld [tilespmem:$0x1F8B0]  }
0x184: {  	v1 =	vadd.f32 v12, v1;
	v12 =	vld [tilespmem:$0x1F8C0]  }
0x185: {  	[tilespmem:$0x1FC80] =	vst v13;
	v13 =	vld [tilespmem:$0x1F8D0]  }
0x186: {  	[tilespmem:$0x1FC90] =	vst v14;
	v14 =	vld [tilespmem:$0x1750];
	_ =	sdelay $0x2  }
0x187: {  	[tilespmem:$0x1FBB0] =	vst v0;
	v0 =	vld [tilespmem:$0x1740]  }
0x188: {  	vm10 =	vgt.f32 v10, $5.000000000e-01;
	v10 =	vmul.f32 v12, v15;
	v12 =	vmul.f32 v13, v15;
	v13 =	vld [tilespmem:$0x1F8E0]  }
0x189: {  	[tilespmem:$0x1FCB0] =	vst v14;
	v14 =	vld [tilespmem:$0x1F8F0];
	_ =	sdelay $0x2  }
0x18a: {  	[tilespmem:$0x1FC00] =	vst v0;
	v0 =	vld [tilespmem:$0x170]  }
0x18b: {  	v8 =	vadd.f32 v10, v8;
	v10 =	vld [tilespmem:$0x1F900];
	v13 =	vmul.f32 v13, v15  }
0x18c: {  	v9 =	vadd.f32 v12, v9;
	v12 =	vld [tilespmem:$0x1D70];
	v14 =	vmul.f32 v14, v15  }
0x18d: {  	v11 =	vadd.f32 v13, v11;
	v13 =	vld [tilespmem:$0x2080]  }
0x18e: {  	v2 =	vadd.f32 v14, v2;
	v14 =	vld [tilespmem:$0x1F920]  }
0x18f: {  	v15 =	vsel vm10, $0x3F800000, v51  }
0x190: {  	[tilespmem:$0x1FBF0] =	vst v0;
	v0 =	vld [tilespmem:$0xE20];
	v10 =	vmul.f32 v15, v10  }
0x191: {  	[tilespmem:$0x1FCD0] =	vst v12;
	v12 =	vld [tilespmem:$0x1F910]  }
0x192: {  	v3 =	vadd.f32 v10, v3;
	v10 =	vmul.f32 v63, v15;
	v63 =	vld [tilespmem:$0x180]  }
0x193: {  	[tilespmem:$0x1FCE0] =	vst v13;
	v13 =	vmul.f32 v14, v15;
	v14 =	vld [tilespmem:$0x1F940]  }
0x194: {  	vm12 =	vgt.f32 v45, $5.000000000e-01;
	v45 =	vld [tilespmem:$0x510]  }
0x195: {  	vm14 =	vgt.f32 v60, $5.000000000e-01;
	v60 =	vld [tilespmem:$0xB50]  }
0x196: {  	[tilespmem:$0x1FC70] =	vst v0;
	v0 =	vld [tilespmem:$0x1A60];
	v12 =	vmul.f32 v12, v15  }
0x197: {  	[tilespmem:$0x1FCA0] =	vst v63;
	v63 =	vld [tilespmem:$0x500]  }
0x198: {  	v4 =	vadd.f32 v12, v4;
	v12 =	vld [tilespmem:$0x1F930];
	v14 =	vmul.f32 v14, v15  }
0x199: {  	v5 =	vadd.f32 v10, v5;
	v10 =	vld [tilespmem:$0x810]  }
0x19a: {  	v7 =	vadd.f32 v14, v7;
	v14 =	vld [tilespmem:$0x1F950]  }
0x19b: {  	v6 =	vadd.f32 v13, v6;
	v13 =	vld [tilespmem:$0xB20]  }
0x19c: {  	[tilespmem:$0x1FCF0] =	vst v63;
	v63 =	vld [tilespmem:$0xE30]  }
0x19d: {  	[tilespmem:$0x1FE30] =	vst v60;
	v60 =	vld [tilespmem:$0x1FA30];
	v12 =	vmul.f32 v12, v15  }
0x19e: {  	[tilespmem:$0x1FCC0] =	vst v0;
	v0 =	vmul.f32 v19, v15;
	v19 =	vld [tilespmem:$0x1A70]  }
0x19f: {  	[tilespmem:$0x1FD00] =	vst v10;
	v1 =	vadd.f32 v12, v1;
	v10 =	vmul.f32 v16, v15;
	v16 =	vld [tilespmem:$0x1760];
	vm11 =	vgt.f32 v14, $5.000000000e-01  }
0x1a0: {  	v12 =	vmul.f32 v17, v15;
	[tilespmem:$0x1FD10] =	vst v13;
	v13 =	vmul.f32 v18, v15;
	v18 =	vld [tilespmem:$0x1140];
	v15 =	vsel vm11, $0x3F800000, v51  }
0x1a1: {  	[tilespmem:$0x1FD20] =	vst v63;
	v63 =	vmul.f32 v15, v20;
	v20 =	vld [tilespmem:$0x1450];
	v21 =	vmul.f32 v21, v15  }
0x1a2: {  	v8 =	vadd.f32 v10, v8;
	v10 =	vmul.f32 v22, v15;
	v22 =	vld [tilespmem:$0xB30]  }
0x1a3: {  	v2 =	vadd.f32 v0, v2;
	v0 =	vmul.f32 v25, v15;
	v4 =	vadd.f32 v21, v4;
	v21 =	vld [tilespmem:$0x1D80]  }
0x1a4: {  	v25 =	vmul.f32 v23, v15;
	v3 =	vadd.f32 v63, v3;
	v63 =	vmul.f32 v24, v15;
	v24 =	vld [tilespmem:$0x2090]  }
0x1a5: {  	v11 =	vadd.f32 v13, v11;
	v29 =	vmul.f32 v29, v15;
	v1 =	vadd.f32 v0, v1;
	v0 =	vld [tilespmem:$0x190]  }
0x1a6: {  	v17 =	vmul.f32 v28, v15;
	v28 =	vmul.f32 v26, v15;
	v8 =	vadd.f32 v25, v8;
	v25 =	vld [tilespmem:$0xE40]  }
0x1a7: {  	v30 =	vmul.f32 v30, v15;
	v15 =	vsel vm12, $0x3F800000, v51;
	v11 =	vadd.f32 v29, v11;
	v29 =	vld [tilespmem:$0x1150]  }
0x1a8: {  	v9 =	vadd.f32 v12, v9;
	v26 =	vmul.f32 v32, v15;
	v32 =	vld [tilespmem:$0x1460]  }
0x1a9: {  	v7 =	vadd.f32 v17, v7;
	v17 =	vmul.f32 v15, v33;
	v33 =	vld [tilespmem:$0x1770]  }
0x1aa: {  	v9 =	vadd.f32 v28, v9;
	v28 =	vmul.f32 v36, v15;
	v36 =	vld [tilespmem:$0x1A80]  }
0x1ab: {  	v23 =	vmul.f32 v31, v15;
	v31 =	vmul.f32 v40, v15;
	v40 =	vld [tilespmem:$0x1D90]  }
0x1ac: {  	v2 =	vadd.f32 v30, v2;
	v30 =	vmul.f32 v37, v15;
	v37 =	vmul.f32 v35, v15;
	v35 =	vld [tilespmem:$0xE50]  }
0x1ad: {  	vm13 =	vgt.f32 v48, $5.000000000e-01;
	v48 =	vmul.f32 v42, v15;
	v6 =	vadd.f32 v63, v6;
	v63 =	vld [tilespmem:$0x820]  }
0x1ae: {  	v3 =	vadd.f32 v17, v3;
	v17 =	vld [tilespmem:$0x1A0]  }
0x1af: {  	v2 =	vadd.f32 v48, v2;
	v48 =	vld [tilespmem:$0x1DA0]  }
0x1b0: {  	[tilespmem:$0x1FD40] =	vst v22;
	v22 =	vld [tilespmem:$0x1FA40]  }
0x1b1: {  	v4 =	vadd.f32 v23, v4;
	v23 =	vld [tilespmem:$0x1FA50]  }
0x1b2: {  	v6 =	vadd.f32 v28, v6;
	v28 =	vld [tilespmem:$0x520];
	[tilespmem:$0x1FD50] =	vst v25  }
0x1b3: {  	v25 =	vld [tilespmem:$0x20A0];
	[tilespmem:$0x1FD80] =	vst v33  }
0x1b4: {  	[tilespmem:$0x1FD90] =	vst v36;
	v33 =	vld [tilespmem:$0xB40]  }
0x1b5: {  	[tilespmem:$0x1FDA0] =	vst v40;
	v36 =	vld [tilespmem:$0x1160]  }
0x1b6: {  	[tilespmem:$0x1FDE0] =	vst v35;
	v40 =	vld [tilespmem:$0x1470]  }
0x1b7: {  	v35 =	vld [tilespmem:$0x1F9A0];
	[tilespmem:$0x1FD30] =	vst v63;
	v63 =	vsel vm13, $0x3F800000, v51  }
0x1b8: {  	v39 =	vmul.f32 v39, v15;
	v1 =	vadd.f32 v30, v1;
	v30 =	vmul.f32 v46, v63;
	v46 =	vld [tilespmem:$0x830]  }
0x1b9: {  	v5 =	vadd.f32 v10, v5;
	v8 =	vadd.f32 v37, v8;
	v37 =	vmul.f32 v34, v63;
	v34 =	vld [tilespmem:$0x1780]  }
0x1ba: {  	v41 =	vmul.f32 v41, v15;
	v9 =	vadd.f32 v39, v9;
	v39 =	vmul.f32 v38, v63;
	v38 =	vld [tilespmem:$0x1A90]  }
0x1bb: {  	v5 =	vadd.f32 v26, v5;
	v26 =	vmul.f32 v63, v43;
	v27 =	vmul.f32 v27, v63;
	[tilespmem:$0x1FE10] =	vst v48;
	v48 =	vld [tilespmem:$0x1FA10]  }
0x1bc: {  	[tilespmem:$0x1FD60] =	vst v29;
	v29 =	vmul.f32 v44, v63;
	v43 =	vsel vm14, $0x3F800000, v51;
	vm10 =	vgt.f32 v17, $5.000000000e-01;
	v17 =	vld [tilespmem:$0x1FD80]  }
0x1bd: {  	v11 =	vadd.f32 v41, v11;
	v41 =	vmul.f32 v49, v63;
	v49 =	vmul.f32 v55, v43;
	v55 =	vld [tilespmem:$0x20B0]  }
0x1be: {  	v7 =	vadd.f32 v31, v7;
	v31 =	vmul.f32 v47, v63;
	v47 =	vmul.f32 v54, v43;
	v54 =	vld [tilespmem:$0x530]  }
0x1bf: {  	v44 =	vmul.f32 v43, v53;
	v53 =	vmul.f32 v61, v43;
	v61 =	vld [tilespmem:$0x840]  }
0x1c0: {  	[tilespmem:$0x1FD70] =	vst v32;
	v32 =	vmul.f32 v50, v63;
	v50 =	vmul.f32 v57, v43;
	v57 =	vld [tilespmem:$0x1F960]  }
0x1c1: {  	v42 =	vmul.f32 v52, v63;
	v63 =	vmul.f32 v62, v43;
	v62 =	vld [tilespmem:$0x1790]  }
0x1c2: {  	[tilespmem:$0x1FDC0] =	vst v28;
	v28 =	vld [tilespmem:$0x1FA80]  }
0x1c3: {  	v52 =	vmul.f32 v58, v43;
	v58 =	vmul.f32 v56, v43;
	v56 =	vld [tilespmem:$0x20D0]  }
0x1c4: {  	v4 =	vadd.f32 v27, v4;
	v27 =	vld [tilespmem:$0x1B0]  }
0x1c5: {  	[tilespmem:$0x1FDB0] =	vst v25;
	v25 =	vld [tilespmem:$0x1F970]  }
0x1c6: {  	v6 =	vadd.f32 v30, v6;
	v30 =	vld [tilespmem:$0xE60]  }
0x1c7: {  	v1 =	vadd.f32 v31, v1;
	v31 =	vld [tilespmem:$0x1F980]  }
0x1c8: {  	v7 =	vadd.f32 v32, v7;
	v32 =	vld [tilespmem:$0x1170]  }
0x1c9: {  	v8 =	vadd.f32 v37, v8;
	v37 =	vld [tilespmem:$0x1F9C0]  }
0x1ca: {  	v9 =	vadd.f32 v39, v9;
	v39 =	vld [tilespmem:$0x1F9D0]  }
0x1cb: {  	v11 =	vadd.f32 v41, v11;
	v41 =	vld [tilespmem:$0x1DB0]  }
0x1cc: {  	v2 =	vadd.f32 v42, v2;
	v42 =	vld [tilespmem:$0x20C0]  }
0x1cd: {  	v5 =	vadd.f32 v29, v5;
	v29 =	vld [tilespmem:$0x17A0]  }
0x1ce: {  	[tilespmem:$0x1FDD0] =	vst v33;
	v33 =	vld [tilespmem:$0x1F990]  }
0x1cf: {  	[tilespmem:$0x1FDF0] =	vst v36;
	v36 =	vld [tilespmem:$0x1F9B0]  }
0x1d0: {  	v3 =	vadd.f32 v26, v3;
	[tilespmem:$0x1FE00] =	vst v40;
	v40 =	vld [tilespmem:$0x1AA0]  }
0x1d1: {  	v8 =	vadd.f32 v58, v8;
	v58 =	vld [tilespmem:$0x1480]  }
0x1d2: {  	v3 =	vadd.f32 v44, v3;
	v44 =	vld [tilespmem:$0x1F9F0]  }
0x1d3: {  	v59 =	vmul.f32 v59, v43;
	v4 =	vadd.f32 v47, v4;
	v47 =	vld [tilespmem:$0x1FA00]  }
0x1d4: {  	v5 =	vadd.f32 v49, v5;
	v49 =	vld [tilespmem:$0x1FA20]  }
0x1d5: {  	v9 =	vadd.f32 v59, v9;
	v59 =	vld [tilespmem:$0x540]  }
0x1d6: {  	v11 =	vadd.f32 v63, v11;
	v63 =	vld [tilespmem:$0x850]  }
0x1d7: {  	v7 =	vadd.f32 v53, v7;
	v53 =	vld [tilespmem:$0x550]  }
0x1d8: {  	v1 =	vadd.f32 v52, v1;
	v52 =	vld [tilespmem:$0xB70]  }
0x1d9: {  	vm15 =	vgt.f32 v57, $5.000000000e-01;
	v57 =	vld [tilespmem:$0x1180]  }
0x1da: {  	[tilespmem:$0x1FE20] =	vst v54;
	v54 =	vld [tilespmem:$0x1490]  }
0x1db: {  	v14 =	vmul.f32 v25, v43;
	v43 =	vld [tilespmem:$0x1F9E0]  }
0x1dc: {  	v25 =	vld [tilespmem:$0x1FA60]  }
0x1dd: {  	[tilespmem:$0x1FE40] =	vst v30;
	v30 =	vld [tilespmem:$0x1FA90]  }
0x1de: {  	[tilespmem:$0x1FE50] =	vst v32;
	v32 =	vld [tilespmem:$0x1FAA0]  }
0x1df: {  	[tilespmem:$0x1FEB0] =	vst v29;
	v29 =	vld [tilespmem:$0x1FB30]  }
0x1e0: {  	[tilespmem:$0x1FE70] =	vst v41;
	v41 =	vld [tilespmem:$0x1FBA0]  }
0x1e1: {  	[tilespmem:$0x1FE80] =	vst v42;
	v42 =	vld [tilespmem:$0x1AC0]  }
0x1e2: {  	v26 =	vsel vm15, $0x3F800000, v51;
	vm11 =	vgt.f32 v27, $5.000000000e-01;
	v27 =	vld [tilespmem:$0x590]  }
0x1e3: {  	v10 =	vmul.f32 v26, v31;
	v31 =	vld [tilespmem:$0x1C0]  }
0x1e4: {  	v12 =	vmul.f32 v33, v26;
	v33 =	vld [tilespmem:$0x1FAB0]  }
0x1e5: {  	v13 =	vmul.f32 v36, v26;
	v36 =	vld [tilespmem:$0x1FAC0]  }
0x1e6: {  	[tilespmem:$0x1FE60] =	vst v40;
	v40 =	vld [tilespmem:$0x17B0]  }
0x1e7: {  	[tilespmem:$0x1FEA0] =	vst v63;
	v63 =	vld [tilespmem:$0xB60]  }
0x1e8: {  	v6 =	vadd.f32 v50, v6;
	[tilespmem:$0x1FE90] =	vst v59;
	v59 =	vld [tilespmem:$0xE70]  }
0x1e9: {  	v2 =	vadd.f32 v14, v2;
	v3 =	vadd.f32 v10, v3;
	v10 =	vmul.f32 v35, v26;
	v35 =	vld [tilespmem:$0x1AB0]  }
0x1ea: {  	v14 =	vmul.f32 v39, v26;
	v4 =	vadd.f32 v12, v4;
	v12 =	vmul.f32 v37, v26;
	v37 =	vld [tilespmem:$0x1FAD0]  }
0x1eb: {  	v6 =	vadd.f32 v13, v6;
	v13 =	vmul.f32 v48, v26;
	v48 =	vld [tilespmem:$0xE80]  }
0x1ec: {  	v7 =	vadd.f32 v14, v7;
	v14 =	vmul.f32 v49, v26;
	v49 =	vld [tilespmem:$0x1FBB0];
	v5 =	vadd.f32 v10, v5  }
0x1ed: {  	v1 =	vadd.f32 v12, v1;
	v10 =	vmul.f32 v44, v26;
	v12 =	vmul.f32 v47, v26;
	v26 =	vld [tilespmem:$0x1FA70]  }
0x1ee: {  	vm4 =	vgt.f32 v43, $5.000000000e-01;
	v43 =	vld [tilespmem:$0x1D0]  }
0x1ef: {  	vm5 =	vgt.f32 v30, $5.000000000e-01;
	v30 =	vld [tilespmem:$0x1FB40]  }
0x1f0: {  	v47 =	vld [tilespmem:$0x1190]  }
0x1f1: {  	v44 =	vld [tilespmem:$0x14A0]  }
0x1f2: {  	[tilespmem:$0x1FEF0] =	vst v42;
	v42 =	vld [tilespmem:$0x20E0]  }
0x1f3: {  	v50 =	vsel vm4, $0x3F800000, v51;
	[tilespmem:$0x1FEE0] =	vst v40;
	v40 =	vld [tilespmem:$0x870]  }
0x1f4: {  	v8 =	vadd.f32 v10, v8;
	v10 =	vmul.f32 v50, v60;
	v60 =	vld [tilespmem:$0x1DC0]  }
0x1f5: {  	v9 =	vadd.f32 v12, v9;
	v12 =	vmul.f32 v22, v50;
	v22 =	vld [tilespmem:$0x1FAE0]  }
0x1f6: {  	v11 =	vadd.f32 v13, v11;
	v13 =	vmul.f32 v25, v50;
	v25 =	vld [tilespmem:$0x1FB00]  }
0x1f7: {  	v2 =	vadd.f32 v14, v2;
	v14 =	vmul.f32 v28, v50;
	v28 =	vld [tilespmem:$0x1FB20]  }
0x1f8: {  	[tilespmem:$0x1FEC0] =	vst v35;
	v35 =	vld [tilespmem:$0x1FB70]  }
0x1f9: {  	v3 =	vadd.f32 v10, v3;
	v10 =	vmul.f32 v23, v50;
	v23 =	vld [tilespmem:$0x1FAF0]  }
0x1fa: {  	v6 =	vadd.f32 v13, v6;
	v13 =	vmul.f32 v36, v50;
	v36 =	vld [tilespmem:$0x1FB80]  }
0x1fb: {  	v4 =	vadd.f32 v12, v4;
	v12 =	vmul.f32 v26, v50;
	v26 =	vld [tilespmem:$0x1FB10]  }
0x1fc: {  	vm6 =	vgt.f32 v30, $5.000000000e-01;
	v30 =	vld [tilespmem:$0x1FC20]  }
0x1fd: {  	v7 =	vadd.f32 v14, v7;
	v14 =	vmul.f32 v37, v50;
	vm13 =	vgt.f32 v43, $5.000000000e-01;
	v43 =	vld [tilespmem:$0x1FEC0]  }
0x1fe: {  	v39 =	vsel vm5, $0x3F800000, v51;
	v5 =	vadd.f32 v10, v5;
	v10 =	vmul.f32 v32, v50;
	v32 =	vld [tilespmem:$0x1FB50]  }
0x1ff: {  	v2 =	vadd.f32 v14, v2;
	v14 =	vmul.f32 v29, v39;
	v29 =	vld [tilespmem:$0x1FC10]  }
0x200: {  	v1 =	vadd.f32 v12, v1;
	v12 =	vmul.f32 v33, v50;
	v50 =	vld [tilespmem:$0x860]  }
0x201: {  	v33 =	vld [tilespmem:$0x1FB60]  }
0x202: {  	[tilespmem:$0x1FED0] =	vst v60;
	v60 =	vld [tilespmem:$0x1FBC0]  }
0x203: {  	v8 =	vadd.f32 v10, v8;
	v10 =	vmul.f32 v39, v22;
	v22 =	vld [tilespmem:$0x1DD0]  }
0x204: {  	v9 =	vadd.f32 v12, v9;
	v12 =	vmul.f32 v23, v39;
	v23 =	vld [tilespmem:$0x1FBD0]  }
0x205: {  	v7 =	vadd.f32 v14, v7;
	v14 =	vmul.f32 v36, v39;
	v36 =	vld [tilespmem:$0x1FC50]  }
0x206: {  	v3 =	vadd.f32 v10, v3;
	v10 =	vmul.f32 v25, v39;
	v25 =	vld [tilespmem:$0x1FBE0]  }
0x207: {  	v11 =	vadd.f32 v13, v11;
	v13 =	vmul.f32 v26, v39;
	v26 =	vld [tilespmem:$0x1FBF0]  }
0x208: {  	v4 =	vadd.f32 v12, v4;
	v12 =	vmul.f32 v28, v39;
	v28 =	vld [tilespmem:$0x1FC00]  }
0x209: {  	v5 =	vadd.f32 v10, v5;
	v10 =	vmul.f32 v32, v39;
	v32 =	vld [tilespmem:$0x1FC30]  }
0x20a: {  	v6 =	vadd.f32 v13, v6;
	v13 =	vmul.f32 v35, v39;
	v35 =	vld [tilespmem:$0x1FC40]  }
0x20b: {  	v1 =	vadd.f32 v12, v1;
	v12 =	vmul.f32 v33, v39;
	v39 =	vld [tilespmem:$0x1FB90]  }
0x20c: {  	v33 =	vld [tilespmem:$0x1E0]  }
0x20d: {  	v37 =	vsel vm6, $0x3F800000, v51;
	[tilespmem:$0x1FF00] =	vst v22;
	v22 =	vld [tilespmem:$0x1FC80]  }
0x20e: {  	v11 =	vadd.f32 v13, v11;
	v13 =	vmul.f32 v60, v37;
	v60 =	vld [tilespmem:$0x1FC70]  }
0x20f: {  	v9 =	vadd.f32 v12, v9;
	v12 =	vmul.f32 v41, v37;
	v41 =	vld [tilespmem:$0x560]  }
0x210: {  	v2 =	vadd.f32 v14, v2;
	v14 =	vmul.f32 v25, v37;
	v25 =	vld [tilespmem:$0x17C0]  }
0x211: {  	vm7 =	vgt.f32 v26, $5.000000000e-01;
	v26 =	vld [tilespmem:$0x1DE0]  }
0x212: {  	v6 =	vadd.f32 v13, v6;
	v13 =	vmul.f32 v30, v37;
	v30 =	vld [tilespmem:$0x1FCC0]  }
0x213: {  	v7 =	vadd.f32 v14, v7;
	v14 =	vmul.f32 v32, v37;
	v32 =	vld [tilespmem:$0x14B0]  }
0x214: {  	v4 =	vadd.f32 v12, v4;
	v12 =	vmul.f32 v23, v37;
	v23 =	vld [tilespmem:$0x1FC90]  }
0x215: {  	v8 =	vadd.f32 v10, v8;
	v10 =	vmul.f32 v37, v39;
	v39 =	vld [tilespmem:$0xB80]  }
0x216: {  	vm14 =	vgt.f32 v33, $5.000000000e-01;
	v33 =	vld [tilespmem:$0xBD0]  }
0x217: {  	v15 =	vsel vm7, $0x3F800000, v51;
	v1 =	vadd.f32 v12, v1;
	v12 =	vmul.f32 v29, v37;
	v29 =	vld [tilespmem:$0x1FCB0]  }
0x218: {  	v11 =	vadd.f32 v13, v11;
	v13 =	vmul.f32 v60, v15;
	v60 =	vld [tilespmem:$0x1FCD0]  }
0x219: {  	v3 =	vadd.f32 v10, v3;
	v10 =	vmul.f32 v49, v37;
	v49 =	vld [tilespmem:$0x1FC60]  }
0x21a: {  	[tilespmem:$0x1FF10] =	vst v25;
	v25 =	vld [tilespmem:$0x1FD00]  }
0x21b: {  	[tilespmem:$0x1FF20] =	vst v26;
	v26 =	vld [tilespmem:$0x1FD10]  }
0x21c: {  	v9 =	vadd.f32 v12, v9;
	v12 =	vmul.f32 v36, v15;
	v36 =	vld [tilespmem:$0x1AD0]  }
0x21d: {  	v5 =	vadd.f32 v10, v5;
	v10 =	vmul.f32 v28, v37;
	v37 =	vld [tilespmem:$0xE90]  }
0x21e: {  	v28 =	vld [tilespmem:$0x1FCA0]  }
0x21f: {  	v2 =	vadd.f32 v14, v2;
	v14 =	vmul.f32 v23, v15;
	v23 =	vld [tilespmem:$0x1FCF0]  }
0x220: {  	v4 =	vadd.f32 v12, v4;
	v12 =	vmul.f32 v22, v15;
	v22 =	vld [tilespmem:$0x1FCE0]  }
0x221: {  	v8 =	vadd.f32 v10, v8;
	v10 =	vmul.f32 v15, v35;
	v35 =	vld [tilespmem:$0x11A0]  }
0x222: {  	v1 =	vadd.f32 v12, v1;
	v12 =	vmul.f32 v30, v15;
	v30 =	vld [tilespmem:$0x880]  }
0x223: {  	v3 =	vadd.f32 v10, v3;
	v10 =	vmul.f32 v49, v15;
	v49 =	vld [tilespmem:$0x20F0]  }
0x224: {  	v6 =	vadd.f32 v13, v6;
	vm8 =	vgt.f32 v28, $5.000000000e-01;
	v28 =	vld [tilespmem:$0x1FD20]  }
0x225: {  	v7 =	vadd.f32 v14, v7;
	v13 =	vmul.f32 v60, v15;
	v14 =	vmul.f32 v22, v15;
	v22 =	vld [tilespmem:$0x1F0]  }
0x226: {  	v5 =	vadd.f32 v10, v5;
	v10 =	vmul.f32 v29, v15;
	v15 =	vsel vm8, $0x3F800000, v51;
	v29 =	vld [tilespmem:$0x570]  }
0x227: {  	v9 =	vadd.f32 v12, v9;
	v12 =	vmul.f32 v25, v15;
	v25 =	vld [tilespmem:$0xEA0]  }
0x228: {  	v60 =	vmul.f32 v20, v15;
	v20 =	vld [tilespmem:$0x17D0]  }
0x229: {  	v11 =	vadd.f32 v13, v11;
	v8 =	vadd.f32 v10, v8;
	v10 =	vmul.f32 v15, v23;
	v23 =	vld [tilespmem:$0x14C0]  }
0x22a: {  	v19 =	vmul.f32 v19, v15;
	v21 =	vmul.f32 v21, v15;
	v4 =	vadd.f32 v12, v4;
	v12 =	vld [tilespmem:$0x1DF0]  }
0x22b: {  	[tilespmem:$0x1FF30] =	vst v49;
	v49 =	vmul.f32 v18, v15;
	v18 =	vmul.f32 v16, v15;
	v16 =	vld [tilespmem:$0x1FD30]  }
0x22c: {  	v11 =	vadd.f32 v21, v11;
	v21 =	vld [tilespmem:$0x2100]  }
0x22d: {  	v9 =	vadd.f32 v19, v9;
	v19 =	vld [tilespmem:$0x1FD40]  }
0x22e: {  	v24 =	vmul.f32 v24, v15;
	v2 =	vadd.f32 v14, v2;
	v1 =	vadd.f32 v49, v1;
	v49 =	vld [tilespmem:$0x1AE0]  }
0x22f: {  	vm9 =	vgt.f32 v0, $5.000000000e-01;
	v13 =	vmul.f32 v28, v15;
	v28 =	vld [tilespmem:$0xB90]  }
0x230: {  	v3 =	vadd.f32 v10, v3;
	v10 =	vmul.f32 v26, v15;
	v2 =	vadd.f32 v24, v2;
	v24 =	vld [tilespmem:$0x1FD60]  }
0x231: {  	v26 =	vld [tilespmem:$0x11B0];
	v15 =	vsel vm9, $0x3F800000, v51  }
0x232: {  	v5 =	vadd.f32 v10, v5;
	v10 =	vmul.f32 v19, v15;
	v19 =	vld [tilespmem:$0x1FD90]  }
0x233: {  	[tilespmem:$0x1FF50] =	vst v49;
	v49 =	vld [tilespmem:$0x1FD70]  }
0x234: {  	vm15 =	vgt.f32 v22, $5.000000000e-01;
	v22 =	vld [tilespmem:$0x5C0]  }
0x235: {  	v7 =	vadd.f32 v60, v7;
	v60 =	vmul.f32 v15, v45;
	[tilespmem:$0x1FF40] =	vst v20;
	v20 =	vld [tilespmem:$0x1FD50];
	v45 =	vmul.f32 v24, v15  }
0x236: {  	v8 =	vadd.f32 v18, v8;
	v6 =	vadd.f32 v13, v6;
	v13 =	vld [tilespmem:$0x200]  }
0x237: {  	v18 =	vmul.f32 v16, v15;
	v16 =	vld [tilespmem:$0x1FDB0];
	v1 =	vadd.f32 v45, v1;
	v45 =	vmul.f32 v19, v15  }
0x238: {  	v3 =	vadd.f32 v60, v3;
	v60 =	vmul.f32 v49, v15;
	v49 =	vld [tilespmem:$0x1FDA0]  }
0x239: {  	v9 =	vadd.f32 v45, v9;
	v45 =	vld [tilespmem:$0x1FDC0]  }
0x23a: {  	v24 =	vld [tilespmem:$0x890]  }
0x23b: {  	v4 =	vadd.f32 v18, v4;
	v18 =	vld [tilespmem:$0x580];
	v5 =	vadd.f32 v10, v5;
	v10 =	vmul.f32 v17, v15  }
0x23c: {  	v17 =	vld [tilespmem:$0x1FDD0]  }
0x23d: {  	v0 =	vsel vm10, $0x3F800000, v51;
	v14 =	vmul.f32 v20, v15;
	v20 =	vld [tilespmem:$0xBA0];
	v8 =	vadd.f32 v10, v8  }
0x23e: {  	v7 =	vadd.f32 v60, v7;
	v60 =	vmul.f32 v49, v15;
	v10 =	vmul.f32 v0, v45;
	v45 =	vld [tilespmem:$0x1FDE0]  }
0x23f: {  	v49 =	vmul.f32 v46, v0;
	v46 =	vld [tilespmem:$0x1FDF0]  }
0x240: {  	v11 =	vadd.f32 v60, v11;
	v60 =	vld [tilespmem:$0x17E0]  }
0x241: {  	v3 =	vadd.f32 v10, v3;
	v10 =	vmul.f32 v17, v0;
	v4 =	vadd.f32 v49, v4;
	v49 =	vld [tilespmem:$0x1FE00]  }
0x242: {  	v17 =	vld [tilespmem:$0x2110]  }
0x243: {  	v10 =	vadd.f32 v10, v5;
	v5 =	vmul.f32 v34, v0;
	v34 =	vld [tilespmem:$0x1FE10]  }
0x244: {  	vm4 =	vgt.f32 v13, $5.000000000e-01;
	v13 =	vld [tilespmem:$0x1B30]  }
0x245: {  	[tilespmem:$0x1FF60] =	vst v12;
	v19 =	vld [tilespmem:$0xEB0]  }
0x246: {  	v12 =	vmul.f32 v46, v0;
	v46 =	vld [tilespmem:$0x1E00];
	[tilespmem:$0x1FF70] =	vst v60;
	v60 =	vmul.f32 v45, v0  }
0x247: {  	v45 =	vmul.f32 v49, v0;
	[tilespmem:$0x1FF90] =	vst v17;
	v49 =	vmul.f32 v38, v0;
	v17 =	vld [tilespmem:$0x1FE20]  }
0x248: {  	v38 =	vmul.f32 v34, v0;
	v34 =	vld [tilespmem:$0x1FE30]  }
0x249: {  	v49 =	vadd.f32 v49, v9;
	v9 =	vld [tilespmem:$0x1FE50]  }
0x24a: {  	v6 =	vadd.f32 v14, v6;
	v15 =	vmul.f32 v16, v15;
	v11 =	vadd.f32 v38, v11;
	v38 =	vld [tilespmem:$0x1FE40]  }
0x24b: {  	v14 =	vld [tilespmem:$0x14D0];
	v1 =	vadd.f32 v12, v1;
	v12 =	vadd.f32 v45, v7;
	v45 =	vsel vm11, $0x3F800000, v51  }
0x24c: {  	[tilespmem:$0x1FFA0] =	vst v27;
	v16 =	vld [tilespmem:$0x11C0];
	v2 =	vadd.f32 v15, v2;
	v0 =	vmul.f32 v55, v0;
	v27 =	vmul.f32 v61, v45  }
0x24d: {  	v15 =	vld [tilespmem:$0x1AF0];
	v8 =	vadd.f32 v5, v8;
	v6 =	vadd.f32 v60, v6;
	v5 =	vmul.f32 v45, v17  }
0x24e: {  	v60 =	vld [tilespmem:$0x8A0];
	[tilespmem:$0x1FF80] =	vst v46;
	v2 =	vadd.f32 v0, v2;
	v46 =	vadd.f32 v27, v4;
	v27 =	vmul.f32 v9, v45  }
0x24f: {  	v0 =	vadd.f32 v5, v3;
	v3 =	vmul.f32 v34, v45;
	v34 =	vld [tilespmem:$0x1FE60];
	v55 =	vmul.f32 v38, v45  }
0x250: {  	v61 =	vadd.f32 v27, v1;
	v1 =	vmul.f32 v62, v45;
	v62 =	vld [tilespmem:$0x1FE80]  }
0x251: {  	v6 =	vadd.f32 v55, v6;
	v55 =	vld [tilespmem:$0x1FE70]  }
0x252: {  	v7 =	vld [tilespmem:$0x210]  }
0x253: {  	v58 =	vmul.f32 v58, v45;
	v17 =	vld [tilespmem:$0xEC0]  }
0x254: {  	v4 =	vld [tilespmem:$0x14E0]  }
0x255: {  	v58 =	vadd.f32 v58, v12;
	v12 =	vld [tilespmem:$0x1B00];
	v10 =	vadd.f32 v3, v10;
	v3 =	vmul.f32 v34, v45  }
0x256: {  	[tilespmem:$0x1FFB0] =	vst v60;
	v60 =	vld [tilespmem:$0xBB0];
	v27 =	vmul.f32 v62, v45;
	v34 =	vmul.f32 v55, v45  }
0x257: {  	v55 =	vld [tilespmem:$0x1FE90]  }
0x258: {  	v11 =	vadd.f32 v34, v11;
	v34 =	vadd.f32 v27, v2;
	v27 =	vld [tilespmem:$0x1FEA0]  }
0x259: {  	v5 =	vld [tilespmem:$0x11D0]  }
0x25a: {  	vm12 =	vgt.f32 v31, $5.000000000e-01;
	v8 =	vadd.f32 v1, v8;
	v1 =	vld [tilespmem:$0x220]  }
0x25b: {  	v31 =	vsel vm12, $0x3F800000, v51;
	v9 =	vld [tilespmem:$0x1E10]  }
0x25c: {  	v38 =	vld [tilespmem:$0x17F0];
	v62 =	vmul.f32 v57, v31  }
0x25d: {  	v3 =	vadd.f32 v3, v49;
	v45 =	vld [tilespmem:$0x2120];
	v49 =	vmul.f32 v31, v55;
	v55 =	vmul.f32 v27, v31  }
0x25e: {  	v61 =	vadd.f32 v62, v61;
	v62 =	vld [tilespmem:$0x1FEB0]  }
0x25f: {  	vm6 =	vgt.f32 v1, $5.000000000e-01;
	v46 =	vadd.f32 v55, v46;
	v55 =	vld [tilespmem:$0x1FED0]  }
0x260: {  	v1 =	vld [tilespmem:$0x8F0];
	v0 =	vadd.f32 v49, v0;
	v49 =	vmul.f32 v63, v31;
	v63 =	vmul.f32 v59, v31  }
0x261: {  	v2 =	vld [tilespmem:$0x5A0];
	v27 =	vmul.f32 v54, v31  }
0x262: {  	v59 =	vld [tilespmem:$0x8B0];
	v10 =	vadd.f32 v49, v10;
	v49 =	vadd.f32 v63, v6  }
0x263: {  	v54 =	vld [tilespmem:$0xBC0];
	v57 =	vadd.f32 v27, v58;
	v58 =	vmul.f32 v62, v31;
	v62 =	vmul.f32 v43, v31  }
0x264: {  	v6 =	vld [tilespmem:$0xED0];
	v27 =	vmul.f32 v55, v31;
	v31 =	vmul.f32 v56, v31;
	v55 =	vsel vm13, $0x3F800000, v51  }
0x265: {  	v63 =	vld [tilespmem:$0x11E0];
	v8 =	vadd.f32 v58, v8;
	v3 =	vadd.f32 v62, v3;
	v62 =	vmul.f32 v50, v55  }
0x266: {  	v43 =	vld [tilespmem:$0x14F0];
	v58 =	vmul.f32 v55, v53;
	v11 =	vadd.f32 v27, v11;
	v27 =	vadd.f32 v31, v34  }
0x267: {  	v56 =	vld [tilespmem:$0x1800];
	v34 =	vmul.f32 v52, v55;
	v31 =	vadd.f32 v62, v46;
	v62 =	vmul.f32 v47, v55  }
0x268: {  	v53 =	vld [tilespmem:$0x1B10];
	v44 =	vmul.f32 v44, v55;
	v0 =	vadd.f32 v58, v0;
	v58 =	vmul.f32 v48, v55  }
0x269: {  	v10 =	vadd.f32 v34, v10;
	v46 =	vadd.f32 v62, v61;
	v61 =	vld [tilespmem:$0x1FF00]  }
0x26a: {  	v34 =	vadd.f32 v58, v49;
	v49 =	vadd.f32 v44, v57;
	v57 =	vld [tilespmem:$0x1FEE0]  }
0x26b: {  	v52 =	vld [tilespmem:$0x230]  }
0x26c: {  	v58 =	vld [tilespmem:$0x1FEF0]  }
0x26d: {  	v50 =	vld [tilespmem:$0x1E20]  }
0x26e: {  	v48 =	vld [tilespmem:$0x2130];
	v62 =	vsel vm14, $0x3F800000, v51;
	v61 =	vmul.f32 v61, v55  }
0x26f: {  	v47 =	vld [tilespmem:$0x5B0];
	v39 =	vmul.f32 v39, v62;
	v57 =	vmul.f32 v57, v55  }
0x270: {  	v44 =	vld [tilespmem:$0x8C0];
	vm7 =	vgt.f32 v52, $5.000000000e-01;
	v11 =	vadd.f32 v61, v11;
	v61 =	vmul.f32 v40, v62  }
0x271: {  	v52 =	vld [tilespmem:$0x2170];
	v58 =	vmul.f32 v58, v55;
	v8 =	vadd.f32 v57, v8;
	v57 =	vmul.f32 v62, v41  }
0x272: {  	v10 =	vadd.f32 v39, v10;
	v39 =	vld [tilespmem:$0x2140];
	v31 =	vadd.f32 v61, v31;
	v61 =	vmul.f32 v32, v62  }
0x273: {  	v3 =	vadd.f32 v58, v3;
	v58 =	vld [tilespmem:$0x1FF20];
	v0 =	vadd.f32 v57, v0;
	v57 =	vmul.f32 v37, v62  }
0x274: {  	v49 =	vadd.f32 v61, v49;
	v61 =	vld [tilespmem:$0x1FF30]  }
0x275: {  	v55 =	vmul.f32 v42, v55;
	v34 =	vadd.f32 v57, v34;
	v57 =	vld [tilespmem:$0x1FF10]  }
0x276: {  	v42 =	vld [tilespmem:$0xEE0]  }
0x277: {  	v41 =	vld [tilespmem:$0x11F0];
	v27 =	vadd.f32 v55, v27;
	v55 =	vmul.f32 v35, v62  }
0x278: {  	v40 =	vld [tilespmem:$0x1500]  }
0x279: {  	v35 =	vld [tilespmem:$0x1E30];
	v46 =	vadd.f32 v55, v46;
	v58 =	vmul.f32 v58, v62;
	v61 =	vmul.f32 v61, v62  }
0x27a: {  	v37 =	vld [tilespmem:$0x1810];
	v55 =	vmul.f32 v57, v62;
	v57 =	vmul.f32 v36, v62;
	v62 =	vsel vm15, $0x3F800000, v51  }
0x27b: {  	v32 =	vld [tilespmem:$0x1B20];
	v27 =	vadd.f32 v61, v27;
	v61 =	vmul.f32 v30, v62  }
0x27c: {  	v11 =	vadd.f32 v58, v11;
	v58 =	vld [tilespmem:$0x1FF50]  }
0x27d: {  	v36 =	vld [tilespmem:$0x240];
	v31 =	vadd.f32 v61, v31;
	v61 =	vmul.f32 v26, v62  }
0x27e: {  	v3 =	vadd.f32 v57, v3;
	v57 =	vld [tilespmem:$0x1FF40]  }
0x27f: {  	v8 =	vadd.f32 v55, v8;
	v55 =	vmul.f32 v62, v29;
	v46 =	vadd.f32 v61, v46;
	v61 =	vld [tilespmem:$0x1FF60]  }
0x280: {  	v28 =	vmul.f32 v28, v62;
	v23 =	vmul.f32 v23, v62;
	v29 =	vld [tilespmem:$0x8D0]  }
0x281: {  	v30 =	vld [tilespmem:$0xBE0];
	v0 =	vadd.f32 v55, v0;
	v55 =	vmul.f32 v25, v62  }
0x282: {  	v10 =	vadd.f32 v28, v10;
	v28 =	vld [tilespmem:$0x1510];
	v49 =	vadd.f32 v23, v49  }
0x283: {  	v23 =	vld [tilespmem:$0x1820];
	v34 =	vadd.f32 v55, v34;
	v55 =	vmul.f32 v57, v62;
	v57 =	vmul.f32 v58, v62  }
0x284: {  	v25 =	vld [tilespmem:$0xEF0];
	v58 =	vmul.f32 v61, v62;
	v61 =	vmul.f32 v21, v62;
	v62 =	vsel vm4, $0x3F800000, v51  }
0x285: {  	v26 =	vld [tilespmem:$0x1200];
	vm8 =	vgt.f32 v36, $5.000000000e-01;
	v8 =	vadd.f32 v55, v8;
	v55 =	vmul.f32 v62, v18  }
0x286: {  	v36 =	vld [tilespmem:$0x1850];
	v3 =	vadd.f32 v57, v3;
	v57 =	vadd.f32 v58, v11;
	v58 =	vmul.f32 v14, v62  }
0x287: {  	v21 =	vld [tilespmem:$0x1E40];
	v0 =	vadd.f32 v55, v0;
	v55 =	vmul.f32 v19, v62  }
0x288: {  	v11 =	vmul.f32 v16, v62;
	v49 =	vadd.f32 v58, v49;
	v58 =	vld [tilespmem:$0x1FF80]  }
0x289: {  	v34 =	vadd.f32 v55, v34;
	v55 =	vld [tilespmem:$0x1FF70]  }
0x28a: {  	v46 =	vadd.f32 v11, v46;
	v11 =	vld [tilespmem:$0x1FF90]  }
0x28b: {  	v18 =	vld [tilespmem:$0x2150];
	v27 =	vadd.f32 v61, v27;
	v61 =	vmul.f32 v24, v62  }
0x28c: {  	v20 =	vmul.f32 v20, v62;
	v24 =	vld [tilespmem:$0x250]  }
0x28d: {  	v14 =	vld [tilespmem:$0x8E0];
	v31 =	vadd.f32 v61, v31  }
0x28e: {  	v16 =	vld [tilespmem:$0xBF0];
	v61 =	vadd.f32 v20, v10;
	v10 =	vmul.f32 v55, v62;
	v55 =	vmul.f32 v15, v62  }
0x28f: {  	vm5 =	vgt.f32 v7, $5.000000000e-01;
	v19 =	vld [tilespmem:$0x5D0];
	v58 =	vmul.f32 v58, v62;
	v62 =	vmul.f32 v11, v62  }
0x290: {  	v7 =	vsel vm5, $0x3F800000, v51;
	v10 =	vadd.f32 v10, v8;
	v8 =	vadd.f32 v55, v3;
	v55 =	vld [tilespmem:$0x1FFA0]  }
0x291: {  	v5 =	vmul.f32 v5, v7;
	v57 =	vadd.f32 v58, v57;
	v58 =	vadd.f32 v62, v27;
	v62 =	vld [tilespmem:$0x1FFB0]  }
0x292: {  	v20 =	vld [tilespmem:$0xF00]  }
0x293: {  	v46 =	vadd.f32 v5, v46;
	v5 =	vld [tilespmem:$0x5E0]  }
0x294: {  	v9 =	vmul.f32 v9, v7;
	vm9 =	vgt.f32 v24, $5.000000000e-01;
	v24 =	vld [tilespmem:$0xF30]  }
0x295: {  	v12 =	vmul.f32 v12, v7;
	v15 =	vld [tilespmem:$0x1210];
	v3 =	vmul.f32 v7, v55  }
0x296: {  	v11 =	vld [tilespmem:$0x1520];
	v9 =	vadd.f32 v9, v57;
	v62 =	vmul.f32 v62, v7  }
0x297: {  	v38 =	vmul.f32 v38, v7;
	v27 =	vld [tilespmem:$0x1B40];
	v8 =	vadd.f32 v12, v8;
	v0 =	vadd.f32 v3, v0  }
0x298: {  	v57 =	vld [tilespmem:$0x1220];
	v3 =	vmul.f32 v60, v7;
	v60 =	vmul.f32 v17, v7;
	v31 =	vadd.f32 v62, v31  }
0x299: {  	v12 =	vld [tilespmem:$0xF10];
	v62 =	vmul.f32 v4, v7;
	v7 =	vmul.f32 v45, v7;
	v45 =	vsel vm6, $0x3F800000, v51  }
0x29a: {  	v10 =	vadd.f32 v38, v10;
	v55 =	vld [tilespmem:$0x1830];
	v2 =	vmul.f32 v45, v2;
	v38 =	vmul.f32 v59, v45  }
0x29b: {  	v17 =	vld [tilespmem:$0x1E50];
	v6 =	vmul.f32 v6, v45;
	v63 =	vmul.f32 v63, v45  }
0x29c: {  	v4 =	vld [tilespmem:$0x2160];
	v43 =	vmul.f32 v43, v45;
	v53 =	vmul.f32 v53, v45;
	v61 =	vadd.f32 v3, v61  }
0x29d: {  	v50 =	vmul.f32 v50, v45;
	v34 =	vadd.f32 v60, v34;
	v60 =	vld [tilespmem:$0x260];
	v49 =	vadd.f32 v62, v49  }
0x29e: {  	v3 =	vld [tilespmem:$0xC00];
	v7 =	vadd.f32 v7, v58;
	v62 =	vmul.f32 v54, v45;
	v0 =	vadd.f32 v2, v0  }
0x29f: {  	v54 =	vld [tilespmem:$0x1530];
	v31 =	vadd.f32 v38, v31;
	v38 =	vadd.f32 v63, v46;
	v63 =	vsel vm7, $0x3F800000, v51  }
0x2a0: {  	v58 =	vld [tilespmem:$0x1840];
	v2 =	vadd.f32 v62, v61;
	v62 =	vmul.f32 v56, v45;
	v45 =	vmul.f32 v48, v45  }
0x2a1: {  	v46 =	vld [tilespmem:$0x1E60];
	v9 =	vadd.f32 v50, v9;
	v47 =	vmul.f32 v63, v47;
	v44 =	vmul.f32 v44, v63  }
0x2a2: {  	v6 =	vadd.f32 v6, v34;
	v34 =	vld [tilespmem:$0x1B50];
	v33 =	vmul.f32 v33, v63;
	v42 =	vmul.f32 v42, v63  }
0x2a3: {  	v43 =	vadd.f32 v43, v49;
	v56 =	vld [tilespmem:$0x270];
	v41 =	vmul.f32 v41, v63;
	v40 =	vmul.f32 v40, v63  }
0x2a4: {  	v49 =	vld [tilespmem:$0x5F0];
	v37 =	vmul.f32 v37, v63;
	v32 =	vmul.f32 v32, v63;
	v48 =	vsel vm8, $0x3F800000, v51  }
0x2a5: {  	v35 =	vmul.f32 v35, v63;
	v61 =	vsel vm9, $0x3F800000, v51;
	v50 =	vmul.f32 v30, v48;
	v30 =	vld [tilespmem:$0x280]  }
0x2a6: {  	v39 =	vmul.f32 v39, v63;
	v63 =	vmul.f32 v16, v61;
	v16 =	vld [tilespmem:$0x290]  }
0x2a7: {  	v7 =	vadd.f32 v45, v7;
	v45 =	vld [tilespmem:$0x900]  }
0x2a8: {  	v0 =	vadd.f32 v47, v0;
	v47 =	vld [tilespmem:$0xC10]  }
0x2a9: {  	v31 =	vadd.f32 v44, v31;
	v44 =	vld [tilespmem:$0xF20]  }
0x2aa: {  	v2 =	vadd.f32 v33, v2;
	v33 =	vld [tilespmem:$0x1230]  }
0x2ab: {  	v8 =	vadd.f32 v53, v8;
	v38 =	vadd.f32 v41, v38;
	v41 =	vld [tilespmem:$0x1540]  }
0x2ac: {  	v40 =	vadd.f32 v40, v43;
	v43 =	vld [tilespmem:$0x1B60]  }
0x2ad: {  	v8 =	vadd.f32 v32, v8;
	v32 =	vld [tilespmem:$0x1E70]  }
0x2ae: {  	v29 =	vmul.f32 v29, v48;
	v9 =	vadd.f32 v35, v9;
	v35 =	vld [tilespmem:$0x2180]  }
0x2af: {  	v22 =	vmul.f32 v48, v22;
	v10 =	vadd.f32 v62, v10;
	v62 =	vmul.f32 v61, v19;
	v19 =	vld [tilespmem:$0x1550]  }
0x2b0: {  	v28 =	vmul.f32 v28, v48;
	v29 =	vadd.f32 v29, v31;
	v31 =	vld [tilespmem:$0x600]  }
0x2b1: {  	v26 =	vmul.f32 v26, v48;
	v0 =	vadd.f32 v22, v0;
	v22 =	vld [tilespmem:$0x910]  }
0x2b2: {  	v59 =	vadd.f32 v28, v40;
	v28 =	vld [tilespmem:$0xC20]  }
0x2b3: {  	v25 =	vmul.f32 v25, v48;
	v21 =	vmul.f32 v21, v48;
	v53 =	vadd.f32 v26, v38;
	v38 =	vld [tilespmem:$0x1240]  }
0x2b4: {  	v13 =	vmul.f32 v13, v48;
	v7 =	vadd.f32 v39, v7;
	v39 =	vmul.f32 v20, v61;
	v20 =	vld [tilespmem:$0x1B70]  }
0x2b5: {  	v23 =	vmul.f32 v23, v48;
	v18 =	vmul.f32 v18, v48;
	v9 =	vadd.f32 v21, v9;
	v21 =	vld [tilespmem:$0x1E80]  }
0x2b6: {  	v14 =	vmul.f32 v14, v61;
	v6 =	vadd.f32 v42, v6;
	v8 =	vadd.f32 v13, v8;
	v13 =	vld [tilespmem:$0x2190]  }
0x2b7: {  	v15 =	vmul.f32 v15, v61;
	v11 =	vmul.f32 v11, v61;
	v26 =	vld [tilespmem:$0x610]  }
0x2b8: {  	v17 =	vmul.f32 v17, v61;
	vm10 =	vgt.f32 v60, $5.000000000e-01;
	v6 =	vadd.f32 v25, v6;
	v25 =	vld [tilespmem:$0x1560]  }
0x2b9: {  	v4 =	vmul.f32 v4, v61;
	v10 =	vadd.f32 v37, v10;
	v48 =	vsel vm10, $0x3F800000, v51;
	v37 =	vld [tilespmem:$0x620]  }
0x2ba: {  	v42 =	vmul.f32 v27, v61;
	v2 =	vadd.f32 v50, v2;
	v50 =	vmul.f32 v12, v48;
	v12 =	vld [tilespmem:$0x1250]  }
0x2bb: {  	v40 =	vmul.f32 v55, v61;
	v61 =	vmul.f32 v34, v48;
	v34 =	vld [tilespmem:$0x1E90]  }
0x2bc: {  	v55 =	vmul.f32 v54, v48;
	v54 =	vld [tilespmem:$0xC40]  }
0x2bd: {  	v60 =	vmul.f32 v58, v48;
	v58 =	vld [tilespmem:$0x1570]  }
0x2be: {  	v7 =	vadd.f32 v18, v7;
	v18 =	vld [tilespmem:$0x1860]  }
0x2bf: {  	v14 =	vadd.f32 v14, v29;
	v29 =	vld [tilespmem:$0x920]  }
0x2c0: {  	v10 =	vadd.f32 v23, v10;
	v23 =	vld [tilespmem:$0xC30]  }
0x2c1: {  	v5 =	vmul.f32 v48, v5;
	v1 =	vmul.f32 v1, v48;
	v9 =	vadd.f32 v17, v9;
	v17 =	vld [tilespmem:$0x2A0]  }
0x2c2: {  	vm11 =	vgt.f32 v56, $5.000000000e-01;
	v27 =	vmul.f32 v52, v48;
	vm13 =	vgt.f32 v16, $5.000000000e-01;
	v16 =	vld [tilespmem:$0xC50]  }
0x2c3: {  	v2 =	vadd.f32 v63, v2;
	v8 =	vadd.f32 v42, v8;
	v63 =	vsel vm11, $0x3F800000, v51;
	v42 =	vld [tilespmem:$0xC70]  }
0x2c4: {  	v0 =	vadd.f32 v62, v0;
	v6 =	vadd.f32 v39, v6;
	v52 =	vmul.f32 v33, v63;
	v33 =	vld [tilespmem:$0x1B90]  }
0x2c5: {  	v3 =	vmul.f32 v3, v48;
	v15 =	vadd.f32 v15, v53;
	v4 =	vadd.f32 v4, v7;
	v7 =	vld [tilespmem:$0xF40]  }
0x2c6: {  	v11 =	vadd.f32 v11, v59;
	v53 =	vmul.f32 v57, v48;
	v0 =	vadd.f32 v5, v0;
	v5 =	vld [tilespmem:$0x1870]  }
0x2c7: {  	v62 =	vmul.f32 v46, v48;
	vm12 =	vgt.f32 v30, $5.000000000e-01;
	v1 =	vadd.f32 v1, v14;
	v14 =	vld [tilespmem:$0x1B80]  }
0x2c8: {  	v46 =	vmul.f32 v63, v49;
	v48 =	vmul.f32 v45, v63;
	v10 =	vadd.f32 v40, v10;
	v40 =	vld [tilespmem:$0x21A0]  }
0x2c9: {  	v49 =	vmul.f32 v47, v63;
	v57 =	vadd.f32 v50, v6;
	v50 =	vmul.f32 v44, v63;
	v44 =	vld [tilespmem:$0x930]  }
0x2ca: {  	v56 =	vmul.f32 v36, v63;
	v2 =	vadd.f32 v3, v2;
	v11 =	vadd.f32 v55, v11;
	v55 =	vld [tilespmem:$0xF50]  }
0x2cb: {  	v32 =	vmul.f32 v32, v63;
	v59 =	vadd.f32 v53, v15;
	v9 =	vadd.f32 v62, v9;
	v62 =	vld [tilespmem:$0x2B0]  }
0x2cc: {  	v8 =	vadd.f32 v61, v8;
	v53 =	vmul.f32 v41, v63;
	v41 =	vld [tilespmem:$0x960];
	v10 =	vadd.f32 v60, v10  }
0x2cd: {  	v35 =	vmul.f32 v35, v63;
	v4 =	vadd.f32 v27, v4;
	v3 =	vadd.f32 v50, v57;
	v27 =	vld [tilespmem:$0x1260]  }
0x2ce: {  	v6 =	vadd.f32 v52, v59;
	v57 =	vmul.f32 v43, v63;
	v59 =	vsel vm12, $0x3F800000, v51;
	v60 =	vld [tilespmem:$0x1880]  }
0x2cf: {  	v9 =	vadd.f32 v32, v9;
	v32 =	vld [tilespmem:$0x1EA0];
	v31 =	vmul.f32 v59, v31;
	v22 =	vmul.f32 v22, v59  }
0x2d0: {  	v2 =	vadd.f32 v49, v2;
	v49 =	vld [tilespmem:$0x640];
	v28 =	vmul.f32 v28, v59;
	v24 =	vmul.f32 v24, v59  }
0x2d1: {  	v63 =	vsel vm13, $0x3F800000, v51;
	v52 =	vld [tilespmem:$0x950];
	v61 =	vmul.f32 v38, v59;
	v19 =	vmul.f32 v19, v59  }
0x2d2: {  	v18 =	vmul.f32 v18, v59;
	v39 =	vmul.f32 v23, v63;
	v23 =	vld [tilespmem:$0x1890]  }
0x2d3: {  	v20 =	vmul.f32 v20, v59;
	v43 =	vmul.f32 v25, v63;
	v25 =	vld [tilespmem:$0x1BA0]  }
0x2d4: {  	v21 =	vmul.f32 v21, v59;
	v13 =	vmul.f32 v13, v59;
	v59 =	vld [tilespmem:$0x1590]  }
0x2d5: {  	v0 =	vadd.f32 v46, v0;
	v46 =	vmul.f32 v34, v63;
	v34 =	vld [tilespmem:$0x1EC0]  }
0x2d6: {  	v36 =	vmul.f32 v63, v26;
	v26 =	vld [tilespmem:$0x18D0]  }
0x2d7: {  	v1 =	vadd.f32 v48, v1;
	v38 =	vmul.f32 v29, v63;
	v29 =	vld [tilespmem:$0x990]  }
0x2d8: {  	v11 =	vadd.f32 v53, v11;
	v12 =	vmul.f32 v12, v63;
	v4 =	vadd.f32 v35, v4;
	v35 =	vld [tilespmem:$0x21D0]  }
0x2d9: {  	vm14 =	vgt.f32 v17, $5.000000000e-01;
	v10 =	vadd.f32 v56, v10;
	v0 =	vadd.f32 v31, v0;
	v31 =	vld [tilespmem:$0x21B0]  }
0x2da: {  	v8 =	vadd.f32 v57, v8;
	v48 =	vsel vm14, $0x3F800000, v51;
	v3 =	vadd.f32 v24, v3;
	v24 =	vld [tilespmem:$0x630]  }
0x2db: {  	v1 =	vadd.f32 v22, v1;
	v11 =	vadd.f32 v19, v11;
	v19 =	vld [tilespmem:$0x940];
	v7 =	vmul.f32 v7, v63  }
0x2dc: {  	v2 =	vadd.f32 v28, v2;
	v28 =	vld [tilespmem:$0xF60];
	v5 =	vmul.f32 v5, v63;
	v45 =	vmul.f32 v14, v63  }
0x2dd: {  	v9 =	vadd.f32 v21, v9;
	v21 =	vld [tilespmem:$0x1580];
	v47 =	vmul.f32 v40, v63;
	v50 =	vmul.f32 v48, v37  }
0x2de: {  	v6 =	vadd.f32 v61, v6;
	v14 =	vld [tilespmem:$0x2C0];
	v53 =	vmul.f32 v44, v48;
	v54 =	vmul.f32 v54, v48  }
0x2df: {  	v15 =	vmul.f32 v55, v48;
	v55 =	vld [tilespmem:$0xF70];
	v10 =	vadd.f32 v18, v10;
	v8 =	vadd.f32 v20, v8  }
0x2e0: {  	v57 =	vmul.f32 v58, v48;
	v58 =	vld [tilespmem:$0x1280];
	v4 =	vadd.f32 v13, v4;
	v0 =	vadd.f32 v36, v0  }
0x2e1: {  	v61 =	vmul.f32 v33, v48;
	v33 =	vld [tilespmem:$0x1BB0];
	v1 =	vadd.f32 v38, v1;
	v2 =	vadd.f32 v39, v2  }
0x2e2: {  	vm15 =	vgt.f32 v62, $5.000000000e-01;
	v20 =	vld [tilespmem:$0x1270];
	v3 =	vadd.f32 v7, v3;
	v6 =	vadd.f32 v12, v6  }
0x2e3: {  	v18 =	vld [tilespmem:$0xC60];
	v62 =	vsel vm15, $0x3F800000, v51;
	v11 =	vadd.f32 v43, v11;
	v9 =	vadd.f32 v46, v9  }
0x2e4: {  	v7 =	vld [tilespmem:$0x1EB0];
	v56 =	vmul.f32 v27, v48;
	v60 =	vmul.f32 v60, v48;
	v5 =	vadd.f32 v5, v10  }
0x2e5: {  	v12 =	vld [tilespmem:$0x21C0];
	v32 =	vmul.f32 v32, v48;
	v8 =	vadd.f32 v45, v8;
	v4 =	vadd.f32 v47, v4  }
0x2e6: {  	v36 =	vld [tilespmem:$0x2D0];
	v16 =	vmul.f32 v16, v62;
	v0 =	vadd.f32 v50, v0;
	v1 =	vadd.f32 v53, v1  }
0x2e7: {  	v38 =	vld [tilespmem:$0x650];
	v44 =	vmul.f32 v23, v62;
	v2 =	vadd.f32 v54, v2;
	v3 =	vadd.f32 v15, v3  }
0x2e8: {  	v43 =	vld [tilespmem:$0xF80];
	v45 =	vmul.f32 v25, v62;
	v6 =	vadd.f32 v56, v6;
	v11 =	vadd.f32 v57, v11  }
0x2e9: {  	v46 =	vld [tilespmem:$0x1290];
	v9 =	vadd.f32 v32, v9;
	v22 =	vmul.f32 v31, v48;
	v5 =	vadd.f32 v60, v5  }
0x2ea: {  	v27 =	vld [tilespmem:$0x1BE0];
	v8 =	vadd.f32 v61, v8;
	v63 =	vmul.f32 v62, v24;
	v19 =	vmul.f32 v19, v62  }
0x2eb: {  	v15 =	vld [tilespmem:$0x18A0];
	v37 =	vmul.f32 v28, v62;
	v40 =	vmul.f32 v21, v62;
	vm4 =	vgt.f32 v14, $5.000000000e-01  }
0x2ec: {  	v50 =	vld [tilespmem:$0x18B0];
	v39 =	vmul.f32 v20, v62;
	v2 =	vadd.f32 v16, v2;
	v4 =	vadd.f32 v22, v4  }
0x2ed: {  	v53 =	vld [tilespmem:$0x1BC0];
	v47 =	vsel vm4, $0x3F800000, v51;
	v0 =	vadd.f32 v63, v0;
	v1 =	vadd.f32 v19, v1  }
0x2ee: {  	v56 =	vld [tilespmem:$0x1ED0];
	v3 =	vadd.f32 v37, v3;
	v7 =	vmul.f32 v7, v62;
	v12 =	vmul.f32 v12, v62  }
0x2ef: {  	v32 =	vld [tilespmem:$0x970];
	v11 =	vadd.f32 v40, v11;
	v49 =	vmul.f32 v47, v49;
	v52 =	vmul.f32 v52, v47  }
0x2f0: {  	v48 =	vld [tilespmem:$0x15A0];
	v5 =	vadd.f32 v44, v5;
	v54 =	vmul.f32 v18, v47;
	v55 =	vmul.f32 v55, v47  }
0x2f1: {  	v61 =	vld [tilespmem:$0x660];
	v8 =	vadd.f32 v45, v8;
	v57 =	vmul.f32 v58, v47;
	v10 =	vmul.f32 v59, v47  }
0x2f2: {  	v24 =	vld [tilespmem:$0x680];
	v63 =	vmul.f32 v33, v47;
	vm5 =	vgt.f32 v36, $5.000000000e-01;
	v33 =	vmul.f32 v34, v47  }
0x2f3: {  	v20 =	vld [tilespmem:$0x2210];
	v23 =	vmul.f32 v35, v47;
	v6 =	vadd.f32 v39, v6;
	v7 =	vadd.f32 v7, v9  }
0x2f4: {  	v58 =	vld [tilespmem:$0x21E0];
	v34 =	vsel vm5, $0x3F800000, v51;
	v4 =	vadd.f32 v12, v4;
	v0 =	vadd.f32 v49, v0  }
0x2f5: {  	v59 =	vld [tilespmem:$0x2E0];
	v1 =	vadd.f32 v52, v1;
	v2 =	vadd.f32 v54, v2;
	v62 =	vmul.f32 v15, v47  }
0x2f6: {  	v35 =	vld [tilespmem:$0xC80];
	v3 =	vadd.f32 v55, v3;
	v36 =	vmul.f32 v34, v38;
	v21 =	vmul.f32 v41, v34  }
0x2f7: {  	v37 =	vld [tilespmem:$0xF90];
	v60 =	vadd.f32 v10, v11;
	v39 =	vmul.f32 v42, v34;
	v40 =	vmul.f32 v43, v34  }
0x2f8: {  	v44 =	vld [tilespmem:$0x1BD0];
	v8 =	vadd.f32 v63, v8;
	v14 =	vmul.f32 v46, v34;
	v46 =	vmul.f32 v50, v34  }
0x2f9: {  	v45 =	vld [tilespmem:$0x1EE0];
	v12 =	vmul.f32 v53, v34;
	v6 =	vadd.f32 v57, v6;
	v5 =	vadd.f32 v62, v5  }
0x2fa: {  	v38 =	vld [tilespmem:$0x12A0];
	v19 =	vmul.f32 v56, v34;
	v7 =	vadd.f32 v33, v7;
	v4 =	vadd.f32 v23, v4  }
0x2fb: {  	v41 =	vld [tilespmem:$0x15B0];
	v42 =	vmul.f32 v48, v34;
	v0 =	vadd.f32 v36, v0;
	v1 =	vadd.f32 v21, v1  }
0x2fc: {  	v43 =	vld [tilespmem:$0x18C0];
	v2 =	vadd.f32 v39, v2;
	v3 =	vadd.f32 v40, v3;
	vm6 =	vgt.f32 v59, $5.000000000e-01  }
0x2fd: {  	v50 =	vld [tilespmem:$0x2F0];
	v8 =	vadd.f32 v12, v8;
	v6 =	vadd.f32 v14, v6;
	v49 =	vsel vm6, $0x3F800000, v51  }
0x2fe: {  	v47 =	vld [tilespmem:$0x21F0];
	v9 =	vadd.f32 v42, v60;
	v48 =	vmul.f32 v58, v34;
	v10 =	vmul.f32 v49, v61  }
0x2ff: {  	v52 =	vld [tilespmem:$0x670];
	v5 =	vadd.f32 v46, v5;
	v53 =	vmul.f32 v32, v49;
	v55 =	vmul.f32 v35, v49  }
0x300: {  	v54 =	vld [tilespmem:$0x980];
	v7 =	vadd.f32 v19, v7;
	v15 =	vmul.f32 v37, v49;
	v57 =	vmul.f32 v38, v49  }
0x301: {  	v56 =	vld [tilespmem:$0xC90];
	v4 =	vadd.f32 v48, v4;
	v17 =	vmul.f32 v41, v49;
	v61 =	vmul.f32 v43, v49  }
0x302: {  	v62 =	vld [tilespmem:$0x15C0];
	v11 =	vmul.f32 v44, v49;
	vm7 =	vgt.f32 v50, $5.000000000e-01;
	v0 =	vadd.f32 v10, v0  }
0x303: {  	v58 =	vld [tilespmem:$0xFA0];
	v14 =	vmul.f32 v45, v49;
	v1 =	vadd.f32 v53, v1;
	v2 =	vadd.f32 v55, v2  }
0x304: {  	v60 =	vld [tilespmem:$0x300];
	v13 =	vmul.f32 v47, v49;
	v3 =	vadd.f32 v15, v3;
	v6 =	vadd.f32 v57, v6  }
0x305: {  	v59 =	vld [tilespmem:$0x12B0];
	v63 =	vsel vm7, $0x3F800000, v51;
	v9 =	vadd.f32 v17, v9;
	v5 =	vadd.f32 v61, v5  }
0x306: {  	v39 =	vld [tilespmem:$0xFB0];
	v8 =	vadd.f32 v11, v8;
	v25 =	vmul.f32 v63, v52;
	v28 =	vmul.f32 v54, v63  }
0x307: {  	v32 =	vld [tilespmem:$0x1EF0];
	v7 =	vadd.f32 v14, v7;
	v30 =	vmul.f32 v56, v63;
	v36 =	vmul.f32 v62, v63  }
0x308: {  	v35 =	vld [tilespmem:$0xCA0];
	v4 =	vadd.f32 v13, v4;
	v38 =	vmul.f32 v26, v63;
	v40 =	vmul.f32 v27, v63  }
0x309: {  	v37 =	vld [tilespmem:$0x2200];
	vm8 =	vgt.f32 v60, $5.000000000e-01;
	v31 =	vmul.f32 v58, v63;
	v0 =	vadd.f32 v25, v0  }
0x30a: {  	v42 =	vld [tilespmem:$0x12C0];
	v10 =	vmul.f32 v59, v63;
	v1 =	vadd.f32 v28, v1;
	v2 =	vadd.f32 v30, v2  }
0x30b: {  	v46 =	vld [tilespmem:$0x15D0];
	v33 =	vsel vm8, $0x3F800000, v51;
	v9 =	vadd.f32 v36, v9;
	v5 =	vadd.f32 v38, v5  }
0x30c: {  	v48 =	vld [tilespmem:$0x18E0];
	v8 =	vadd.f32 v40, v8;
	v34 =	vmul.f32 v33, v24;
	v41 =	vmul.f32 v29, v33  }
0x30d: {  	v54 =	vld [tilespmem:$0x1BF0];
	v3 =	vadd.f32 v31, v3;
	v43 =	vmul.f32 v32, v63;
	v45 =	vmul.f32 v35, v33  }
0x30e: {  	v57 =	vld [tilespmem:$0x1F00];
	v6 =	vadd.f32 v10, v6;
	v47 =	vmul.f32 v37, v63;
	v11 =	vmul.f32 v39, v33  }
0x30f: {  	v17 =	vld [tilespmem:$0x1FFC0];
	v50 =	vmul.f32 v42, v33;
	v0 =	vadd.f32 v34, v0;
	v1 =	vadd.f32 v41, v1  }
0x310: {  	v56 =	vmul.f32 v46, v33;
	v7 =	vadd.f32 v43, v7;
	v2 =	vadd.f32 v45, v2  }
0x311: {  	v58 =	vmul.f32 v48, v33;
	v4 =	vadd.f32 v47, v4;
	v3 =	vadd.f32 v11, v3  }
0x312: {  	v10 =	vmul.f32 v20, v33;
	v6 =	vadd.f32 v50, v6;
	v9 =	vadd.f32 v56, v9  }
0x313: {  	v52 =	vld [tilespmem:$0x1FFD0];
	v5 =	vadd.f32 v58, v5;
	v11 =	vmul.f32 v54, v33;
	v21 =	vmul.f32 v57, v33  }
0x314: {  	v47 =	vimm.s32 $0x0;
	v44 =	vperm.xlane v0, v17;
	v49 =	vperm.xlane v1, v17  }
0x315: {  	v55 =	vperm.xlane v2, v17;
	v62 =	vperm.xlane v3, v17;
	v8 =	vadd.f32 v11, v8  }
0x316: {  	v7 =	vadd.f32 v21, v7;
	v27 =	vperm.xlane v6, v17;
	v0 =	vadd.f32 v44, v0  }
0x317: {  	v60 =	vld [tilespmem:$0x1FFE0];
	v30 =	vperm.xlane v9, v17;
	v4 =	vadd.f32 v10, v4;
	v1 =	vadd.f32 v49, v1  }
0x318: {  	v2 =	vadd.f32 v55, v2;
	v3 =	vadd.f32 v62, v3;
	v53 =	vperm.xlane v0, v52  }
0x319: {  	v34 =	vperm.xlane v5, v17;
	v6 =	vadd.f32 v27, v6;
	v9 =	vadd.f32 v30, v9  }
0x31a: {  	v37 =	vperm.xlane v8, v17;
	v59 =	vperm.xlane v1, v52;
	v0 =	vadd.f32 v53, v0  }
0x31b: {  	v23 =	vld [tilespmem:$0x1FFF0];
	v5 =	vadd.f32 v34, v5;
	v41 =	vperm.xlane v7, v17;
	v44 =	vperm.xlane v4, v17  }
0x31c: {  	v63 =	vperm.xlane v2, v52;
	v1 =	vadd.f32 v59, v1;
	v61 =	vperm.xlane v0, v60  }
0x31d: {  	v25 =	vperm.xlane v3, v52;
	v31 =	vperm.xlane v6, v52;
	v8 =	vadd.f32 v37, v8  }
0x31e: {  	v2 =	vadd.f32 v63, v2;
	v22 =	vperm.xlane v1, v60;
	v0 =	vadd.f32 v61, v0  }
0x31f: {  	v33 =	vperm.xlane v9, v52;
	v43 =	vadd.f32 v41, v7;
	v4 =	vadd.f32 v44, v4  }
0x320: {  	v26 =	vperm.xlane v2, v60;
	v1 =	vadd.f32 v22, v1;
	v24 =	vperm.xlane v0, v23  }
0x321: {  	v39 =	vperm.xlane v5, v52;
	v3 =	vadd.f32 v25, v3;
	v6 =	vadd.f32 v31, v6  }
0x322: {  	v2 =	vadd.f32 v26, v2;
	v13 =	vperm.xlane v1, v23;
	v0 =	vadd.f32 v24, v0  }
0x323: {  	v36 =	vadd.f32 v33, v9;
	v5 =	vadd.f32 v39, v5;
	v28 =	vperm.xlane v3, v60  }
0x324: {  	v29 =	vperm.xlane v2, v23;
	v1 =	vadd.f32 v13, v1;
	vm9 =	vgt.f32 v0, $-1.000000000e+00  }
0x325: {  	v42 =	vperm.xlane v8, v52;
	v3 =	vadd.f32 v28, v3;
	v0 =	vnsel vm9, $0xBF800000, v0  }
0x326: {  	v50 =	vperm.xlane v4, v52;
	v2 =	vadd.f32 v29, v2;
	vm2 =	vgt.f32 v1, v0  }
0x327: {  	v35 =	vperm.xlane v6, v60;
	v32 =	vperm.xlane v3, v23;
	v0 =	vsel vm2, v1, v0  }
0x328: {  	v38 =	vperm.xlane v36, v60;
	v46 =	vperm.xlane v5, v60;
	vm10 =	vgt.f32 v2, v0  }
0x329: {  	v1 =	vadd.f32 v32, v3;
	v0 =	vsel vm10, v2, v0;
	v2 =	vadd.f32 v35, v6  }
0x32a: {  	v48 =	vperm.xlane v43, v52;
	v3 =	vadd.f32 v38, v36;
	v6 =	vadd.f32 v42, v8  }
0x32b: {  	v4 =	vadd.f32 v50, v4;
	v5 =	vadd.f32 v46, v5;
	v40 =	vperm.xlane v2, v23  }
0x32c: {  	v45 =	vperm.xlane v3, v23;
	vm1 =	vgt.f32 v1, v0;
	v49 =	vperm.xlane v6, v60  }
0x32d: {  	v0 =	vsel vm1, v1, v0;
	v1 =	vadd.f32 v40, v2;
	v2 =	vadd.f32 v48, v43  }
0x32e: {  	v56 =	vperm.xlane v4, v60;
	v52 =	vperm.xlane v5, v23;
	v6 =	vadd.f32 v49, v6  }
0x32f: {  	v3 =	vadd.f32 v45, v3;
	vm11 =	vgt.f32 v1, v0;
	v53 =	vperm.xlane v2, v60  }
0x330: {  	v10 =	vsel vm2, $0x1, v47;
	v55 =	vperm.xlane v6, v23;
	v0 =	vsel vm11, v1, v0  }
0x331: {  	v1 =	vadd.f32 v52, v5;
	vm3 =	vgt.f32 v3, v0;
	v2 =	vadd.f32 v53, v2  }
0x332: {  	v4 =	vadd.f32 v56, v4;
	v54 =	vsel vm10, $0x2, v10;
	v0 =	vsel vm3, v3, v0  }
0x333: {  	v3 =	vadd.f32 v55, v6;
	vm12 =	vgt.f32 v1, v0;
	v58 =	vperm.xlane v2, v23  }
0x334: {  	v61 =	vperm.xlane v4, v23;
	v57 =	vsel vm1, $0x3, v54;
	v0 =	vsel vm12, v1, v0  }
0x335: {  	v59 =	vsel vm11, $0x4, v57;
	vm13 =	vgt.f32 v3, v0;
	v60 =	vadd.f32 v58, v2  }
0x336: {  	v5 =	vsel vm3, $0x5, v59;
	v0 =	vsel vm13, v3, v0  }
0x337: {  	v62 =	vsel vm12, $0x6, v5;
	v2 =	vadd.f32 v61, v4;
	vm14 =	vgt.f32 v60, v0  }
0x338: {  	v3 =	vsel vm13, $0x7, v62;
	v0 =	vsel vm14, v60, v0  }
0x339: {  	v63 =	vsel vm14, $0x8, v3;
	vm15 =	vgt.f32 v2, v0  }
0x33a: {  	p0 =	sne.s32 s5, $0x1;
	v0 =	vsel vm15, $0x9, v63  }
.Ltmp1:
0x33b: {  	[tilespmem:$0x2280] =	vst v0;
	(pc) =	sbr.rel @p0 .LBB2_2-.Ltmp1, $4  }
0x33c: {  	[hbm4b:s3+s6] =	stream.linear.scatter [tilespmem:s9], [sflag:$0x1], $0x80, $0x38;
	[tilespmem:$0x2300] =	vst v63  }
0x33d: {  	_ =	swait.ge [sflag:s7], $0x80  }
0x33e: {  	[sflag:s7] =	ssyncset.done $0x0  }
0x33f: {  	s5 =	sadd.s32 $0xFFFFFFFF, s5;
	[sflag:s7] =	ssyncadd.s32 $0xFFFFFF80  }
.LBB2_3:
0x340: {  	_ =	sfence.sel $0x180000  }
0x341: {  	[bflag:$0x0] =	sbarrier.arrive $0xFFFF  }
0x342: {  	p0 =	sne.s32 s0, $0x0;
	_ =	strace $0x90000047  }
0x343: {  	s0 =	sadd.s32 @!p0 $0x100000, s2;
	[bflag:$0x2] =	sbarrier.arrive $0xFFFF  }
0x344: {  	[sflag:s0] =	ssyncadd.tile.s32 @!p0 $0x1;
	_ =	shalt  }
.Lfunc_end2:
_tile_overlayer_lowered:
.L_overlay_start_2:
0x345: {  	(tag) =	ssettag $0x2  }
0x346: {  	s0 =	rddreg [dreg:$0x0];
	s2 =	stileid.u32  }
0x347: {  	s1 =	rddreg [dreg:$0x1];
	p0 =	sne.s32 s2, $0x0  }
0x348: {  	s3 =	rddreg [dreg:$0x2];
	[bflag:$0x3] =	sbarrier.arrive $0xFFFF;
	s2 =	simm.s32 @!p0 $0x1C01  }
0x349: {  	[timem:s3], [sflag:s2] =	dma.local @!p0 [hbm:s0], s1  }
0x34a: {  	s0 =	simm.s32 @!p0 $0x1  }
0x34b: {  	_ =	swait.ge @!p0 [sflag:s0], s1  }
0x34c: {  	s1 =	ssub.s32 @!p0 $0x0, s1;
	[sflag:s0] =	ssyncset.done @!p0 $0x0  }
0x34d: {  	[sflag:s0] =	ssyncadd.s32 @!p0 s1  }
0x34e: {  	[bflag:$0x3] =	sbarrier.arrive $0xFFFF  }
0x34f: {  	_ =	shalt  }

</sc_bundles>
